<compile_context>
chip_gen: v7x
topology: tpu7x:2x2x1
jax: 0.10.2.dev20260603
libtpu: 0.0.44.dev20260713+nightly
codegen_flags: <defaults>
</compile_context>

<pallas_src>
import jax
import jax.numpy as jnp
from jax import lax
from jax.experimental import pallas as pl
from jax.experimental.pallas import tpu as pltpu
from jax.experimental.pallas import tpu_sc as plsc

N = 8192
D = 128
C = 100
CP = 112
NC = 2
NS = 16
NW = NC * NS
ROWS_ACC = N // NS
ROWS_OUT = N // NW
CLS_PER_TILE = CP // NS
LPR = 128


def _rsqrt_nr(x):
  bits = lax.bitcast_convert_type(x, jnp.int32)
  y = lax.bitcast_convert_type(
      jnp.int32(0x5F3759DF) - (bits >> 1), jnp.float32)
  for _ in range(3):
    t = x * y
    u = t * y
    y = y * (1.5 - 0.5 * u)
  return y


def _body(feat_hbm, lab_hbm, out_hbm,
          fva, fvb, sqa, sqb, lab_v, ones_v, srow, qrow, ctmp, stdv,
          sem_a, sem_b, sem_c, sem_g, sem_s, sem_q,
          acc_s, acc_q, acc_c, std_s):
  s = lax.axis_index("s")
  c = lax.axis_index("c")
  gw = c * NS + s

  zeros16 = jnp.zeros((16,), jnp.float32)
  ones16 = jnp.full((16,), 1.0, jnp.float32)

  dg = pltpu.async_copy(lab_hbm.at[pl.ds(gw * 2, 2)],
                        lab_v.at[pl.ds(4, 2)], sem_g)
  pltpu.sync_copy(lab_hbm.at[pl.ds(s * 4, 4)], lab_v.at[pl.ds(0, 4)])

  @pl.when(s == 0)
  def _init():
    def zf(i, cy):
      for k in range(D // 16):
        sqa[i, pl.ds(k * 16, 16)] = zeros16
      return cy
    lax.fori_loop(0, CP, zf, 0)
    pltpu.sync_copy(sqa.at[pl.ds(0, CP)], acc_s)
    pltpu.sync_copy(sqa.at[pl.ds(0, CP)], acc_q)
    pltpu.sync_copy(sqa.at[pl.ds(0, CP)], acc_c)

  def fill_ones(i, cy):
    for k in range(D // 16):
      ones_v[i, pl.ds(k * 16, 16)] = ones16
    return cy
  lax.fori_loop(0, LPR, fill_ones, 0)

  fbuf = (fva, fvb)
  qbuf = (sqa, sqb)
  lsem = (sem_a, sem_b)
  loads = [None] * 4
  loads[0] = pltpu.async_copy(feat_hbm.at[pl.ds(s * ROWS_ACC, LPR)],
                              fva, sem_a)
  loads[1] = pltpu.async_copy(feat_hbm.at[pl.ds(s * ROWS_ACC + LPR, LPR)],
                              fvb, sem_b)

  plsc.subcore_barrier()

  cns = [pltpu.async_copy(ones_v, acc_c.at[lab_v.at[j]], sem_c, add=True)
         for j in range(4)]

  def sqr(src, dst):
    def go(i, cy):
      for k in range(D // 16):
        v = src[i, pl.ds(k * 16, 16)]
        dst[i, pl.ds(k * 16, 16)] = v * v
      return cy
    lax.fori_loop(0, LPR, go, 0)

  ssc = [None] * 4
  qsc = [None] * 4
  for t in range(4):
    b = t % 2
    loads[t].wait()
    ssc[t] = pltpu.async_copy(fbuf[b], acc_s.at[lab_v.at[t]], sem_s,
                              add=True)
    if t >= 2:
      qsc[t - 2].wait()
    sqr(fbuf[b], qbuf[b])
    qsc[t] = pltpu.async_copy(qbuf[b], acc_q.at[lab_v.at[t]], sem_q,
                              add=True)
    if t < 2:
      ssc[t].wait()
      loads[t + 2] = pltpu.async_copy(
          feat_hbm.at[pl.ds(s * ROWS_ACC + (t + 2) * LPR, LPR)],
          fbuf[b], lsem[b])
    else:
      ssc[t].wait()

  for d in qsc[2:] + cns:
    d.wait()

  plsc.subcore_barrier()

  cls0 = s * CLS_PER_TILE
  f0 = pltpu.async_copy(acc_s.at[pl.ds(cls0, CLS_PER_TILE)], srow, sem_a)
  f1 = pltpu.async_copy(acc_q.at[pl.ds(cls0, CLS_PER_TILE)], qrow, sem_b)
  f2 = pltpu.async_copy(acc_c.at[pl.ds(cls0, CLS_PER_TILE)], ctmp, sem_c)
  f0.wait(); f1.wait(); f2.wait()

  for r in range(CLS_PER_TILE):
    cnt = ctmp[r, pl.ds(0, 16)]
    inv = 1.0 / jnp.maximum(cnt, 1.0)
    for k in range(D // 16):
      sv = srow[r, pl.ds(k * 16, 16)]
      qv = qrow[r, pl.ds(k * 16, 16)]
      mean = sv * inv
      var = qv * inv - mean * mean
      var = jnp.maximum(var, 1e-30)
      stdv[r, pl.ds(k * 16, 16)] = var * _rsqrt_nr(var)

  pltpu.sync_copy(stdv, std_s.at[pl.ds(cls0, CLS_PER_TILE)])

  plsc.subcore_barrier()

  dg.wait()
  g0 = pltpu.async_copy(std_s.at[lab_v.at[4]], fva, sem_a)
  g1 = pltpu.async_copy(std_s.at[lab_v.at[5]], fvb, sem_b)
  g0.wait()
  w0 = pltpu.async_copy(fva, out_hbm.at[pl.ds(gw * ROWS_OUT, LPR)], sem_s)
  g1.wait()
  w1 = pltpu.async_copy(fvb, out_hbm.at[pl.ds(gw * ROWS_OUT + LPR, LPR)],
                        sem_q)
  w0.wait()
  w1.wait()


_sc_call = pl.kernel(
    _body,
    out_type=jax.ShapeDtypeStruct((N, D), jnp.float32),
    mesh=plsc.VectorSubcoreMesh(
        core_axis_name="c", subcore_axis_name="s",
        num_cores=NC, num_subcores=NS),
    scratch_types=[
        pltpu.VMEM((LPR, D), jnp.float32),
        pltpu.VMEM((LPR, D), jnp.float32),
        pltpu.VMEM((LPR, D), jnp.float32),
        pltpu.VMEM((LPR, D), jnp.float32),
        pltpu.VMEM((6, LPR), jnp.int32),
        pltpu.VMEM((LPR, D), jnp.float32),
        pltpu.VMEM((CLS_PER_TILE, D), jnp.float32),
        pltpu.VMEM((CLS_PER_TILE, D), jnp.float32),
        pltpu.VMEM((CLS_PER_TILE, D), jnp.float32),
        pltpu.VMEM((CLS_PER_TILE, D), jnp.float32),
        pltpu.SemaphoreType.DMA,
        pltpu.SemaphoreType.DMA,
        pltpu.SemaphoreType.DMA,
        pltpu.SemaphoreType.DMA,
        pltpu.SemaphoreType.DMA,
        pltpu.SemaphoreType.DMA,
        pltpu.VMEM_SHARED((CP, D), jnp.float32),
        pltpu.VMEM_SHARED((CP, D), jnp.float32),
        pltpu.VMEM_SHARED((CP, D), jnp.float32),
        pltpu.VMEM_SHARED((CP, D), jnp.float32),
    ],
)


@jax.jit
def kernel(features, labels):
  lab2 = labels.astype(jnp.int32).reshape(N // LPR, LPR)
  return _sc_call(features, lab2)

# --- scband reference (transcript-rebuilt; emitter-appended) ---
"""Pipeline reference for scband-estimator-cv-31885837205658 (READ-ONLY COPY).

The authoritative reference and input builder live on the scoring server;
editing this copy changes nothing except your own understanding.
"""

import jax, jax.numpy as jnp
import numpy as np

C = 100
D = 128
N = 8192

def setup_inputs(seed: int = 0) -> dict:
    key = jax.random.key(seed)
    k1, k2 = jax.random.split(key)
    features = jax.random.normal(k1, (N, D), dtype=jnp.float32)
    labels = jax.random.randint(k2, (N,), 0, C)
    return {"features": features, "labels": labels}

def reference(features, labels):
    # Faithful translation of EstimatorCV.forward.
    # torch builds onehot [N,C], expands to [N,C,D] and mask-reduces; here we use
    # mathematically identical scatter-add (segment sum) over class labels.
    counts = jnp.zeros((C,), dtype=features.dtype).at[labels].add(1.0)
    # amount_class_dim[amount_class_dim == 0] = 1  (same count replicated over D)
    amount = jnp.where(counts == 0, 1.0, counts)[:, None]  # [C, 1] broadcasts over D
    # sum of features per class == (onehot-masked expand).sum(0)
    sums = jnp.zeros((C, D), dtype=features.dtype).at[labels].add(features)
    ave_class_dim = sums / amount  # [C, D]
    # onehot * (features - ave) is nonzero only on the row's own class
    diff = features - ave_class_dim[labels]  # [N, D]
    var_class_dim = jnp.zeros((C, D), dtype=features.dtype).at[labels].add(diff * diff) / amount
    std_class_dim = jnp.sqrt(var_class_dim)[labels]  # [N, D]
    return std_class_dim

if __name__ == "__main__":
    import jax
    _d = setup_inputs()
    print(jax.jit(kernel)(*tuple(_d.values())))

</pallas_src>

<mosaic_0001>
#map = affine_map<(d0, d1) -> (0, 0)>
module attributes {stable_mosaic.version = 14 : i64} {
  func.func @_body(%arg0: i32, %arg1: i32, %arg2: memref<8192x128xf32, #tpu.memory_space<hbm>>, %arg3: memref<64x128xi32, #tpu.memory_space<hbm>>, %arg4: memref<8192x128xf32, #tpu.memory_space<hbm>>, %arg5: memref<128x128xf32, #tpu.memory_space<vmem>>, %arg6: memref<128x128xf32, #tpu.memory_space<vmem>>, %arg7: memref<128x128xf32, #tpu.memory_space<vmem>>, %arg8: memref<128x128xf32, #tpu.memory_space<vmem>>, %arg9: memref<6x128xi32, #tpu.memory_space<vmem>>, %arg10: memref<128x128xf32, #tpu.memory_space<vmem>>, %arg11: memref<7x128xf32, #tpu.memory_space<vmem>>, %arg12: memref<7x128xf32, #tpu.memory_space<vmem>>, %arg13: memref<7x128xf32, #tpu.memory_space<vmem>>, %arg14: memref<7x128xf32, #tpu.memory_space<vmem>>, %arg15: memref<!tpu.dma_semaphore, #tpu.memory_space<semaphore_mem>>, %arg16: memref<!tpu.dma_semaphore, #tpu.memory_space<semaphore_mem>>, %arg17: memref<!tpu.dma_semaphore, #tpu.memory_space<semaphore_mem>>, %arg18: memref<!tpu.dma_semaphore, #tpu.memory_space<semaphore_mem>>, %arg19: memref<!tpu.dma_semaphore, #tpu.memory_space<semaphore_mem>>, %arg20: memref<!tpu.dma_semaphore, #tpu.memory_space<semaphore_mem>>, %arg21: memref<112x128xf32, #tpu.memory_space<vmem_shared>>, %arg22: memref<112x128xf32, #tpu.memory_space<vmem_shared>>, %arg23: memref<112x128xf32, #tpu.memory_space<vmem_shared>>, %arg24: memref<112x128xf32, #tpu.memory_space<vmem_shared>>) attributes {dimension_semantics = [#tpu.dimension_semantics<core_parallel>, #tpu.dimension_semantics<subcore_parallel>], iteration_bounds = array<i64: 2, 16>, scalar_prefetch = 0 : i64, scratch_operands = 20 : i64, tpu.core_type = #tpu.core_type<sc_vector_subcore>, window_params = [{transform_indices = #map}, {transform_indices = #map}, {transform_indices = #map}]} {
    %mul3A = arith.constant 16 : i32
    %mul3A_0 = arith.muli %arg0, %mul3A : i32
    %add3A = arith.addi %mul3A_0, %arg1 : i32
    %broadcast_in_dim3A = arith.constant 0.000000e+00 : f32
    %broadcast_in_dim3A_1 = vector.broadcast %broadcast_in_dim3A : f32 to vector<16xf32>
    %broadcast_in_dim3A_2 = arith.constant 1.000000e+00 : f32
    %broadcast_in_dim3A_3 = vector.broadcast %broadcast_in_dim3A_2 : f32 to vector<16xf32>
    %mul3A_4 = arith.constant 2 : i32
    %mul3A_5 = arith.muli %add3A, %mul3A_4 : i32
    %dma_start3A = arith.constant 4 : i32
    %dma_start3A_6 = arith.constant 0 : i32
    %dma_start3A_7 = tpu.memref_slice %arg9[%dma_start3A, %dma_start3A_6] : memref<6x128xi32, #tpu.memory_space<vmem>> -> memref<2x128xi32, #tpu.memory_space<vmem>>
    %dma_start3A_8 = arith.constant 0 : i32
    %dma_start3A_9 = tpu.memref_slice %arg3[%mul3A_5, %dma_start3A_8] : memref<64x128xi32, #tpu.memory_space<hbm>> -> memref<2x128xi32, #tpu.memory_space<hbm>>
    %dma_start3A_10 = arith.constant 4 : i32
    %dma_start3A_11 = arith.constant 0 : i32
    %dma_start3A_12 = tpu.memref_slice %arg9[%dma_start3A_10, %dma_start3A_11] : memref<6x128xi32, #tpu.memory_space<vmem>> -> memref<2x128xi32, #tpu.memory_space<vmem>>
    %dma_start3A_13 = arith.constant 0 : i32
    %dma_start3A_14 = tpu.memref_slice %arg3[%mul3A_5, %dma_start3A_13] : memref<64x128xi32, #tpu.memory_space<hbm>> -> memref<2x128xi32, #tpu.memory_space<hbm>>
    tpu.enqueue_dma source(%dma_start3A_14 : memref<2x128xi32, #tpu.memory_space<hbm>>) target(%dma_start3A_12 : memref<2x128xi32, #tpu.memory_space<vmem>>) target_semaphore(%arg18 : memref<!tpu.dma_semaphore, #tpu.memory_space<semaphore_mem>>)
    %mul3A_15 = arith.constant 4 : i32
    %mul3A_16 = arith.muli %arg1, %mul3A_15 : i32
    "tpu.region"() ({
      %run_scoped3A = tpu.sem_alloc : memref<!tpu.dma_semaphore, #tpu.memory_space<semaphore_mem>>
      %dma_start3A_3723 = arith.constant 0 : i32
      %dma_start3A_3724 = arith.constant 0 : i32
      %dma_start3A_3725 = tpu.memref_slice %arg9[%dma_start3A_3723, %dma_start3A_3724] : memref<6x128xi32, #tpu.memory_space<vmem>> -> memref<4x128xi32, #tpu.memory_space<vmem>>
      %dma_start3A_3726 = arith.constant 0 : i32
      %dma_start3A_3727 = tpu.memref_slice %arg3[%mul3A_16, %dma_start3A_3726] : memref<64x128xi32, #tpu.memory_space<hbm>> -> memref<4x128xi32, #tpu.memory_space<hbm>>
      %dma_start3A_3728 = arith.constant 0 : i32
      %dma_start3A_3729 = arith.constant 0 : i32
      %dma_start3A_3730 = tpu.memref_slice %arg9[%dma_start3A_3728, %dma_start3A_3729] : memref<6x128xi32, #tpu.memory_space<vmem>> -> memref<4x128xi32, #tpu.memory_space<vmem>>
      %dma_start3A_3731 = arith.constant 0 : i32
      %dma_start3A_3732 = tpu.memref_slice %arg3[%mul3A_16, %dma_start3A_3731] : memref<64x128xi32, #tpu.memory_space<hbm>> -> memref<4x128xi32, #tpu.memory_space<hbm>>
      tpu.enqueue_dma source(%dma_start3A_3732 : memref<4x128xi32, #tpu.memory_space<hbm>>) target(%dma_start3A_3730 : memref<4x128xi32, #tpu.memory_space<vmem>>) target_semaphore(%run_scoped3A : memref<!tpu.dma_semaphore, #tpu.memory_space<semaphore_mem>>)
      %dma_wait3A_3733 = arith.constant 0 : i32
      %dma_wait3A_3734 = arith.constant 0 : i32
      %dma_wait3A_3735 = tpu.memref_slice %arg9[%dma_wait3A_3733, %dma_wait3A_3734] : memref<6x128xi32, #tpu.memory_space<vmem>> -> memref<4x128xi32, #tpu.memory_space<vmem>>
      %dma_wait3A_3736 = arith.constant 0 : i32
      %dma_wait3A_3737 = tpu.memref_slice %arg3[%mul3A_16, %dma_wait3A_3736] : memref<64x128xi32, #tpu.memory_space<hbm>> -> memref<4x128xi32, #tpu.memory_space<hbm>>
      %dma_wait3A_3738 = arith.constant 0 : i32
      %dma_wait3A_3739 = arith.constant 0 : i32
      %dma_wait3A_3740 = tpu.memref_slice %arg9[%dma_wait3A_3738, %dma_wait3A_3739] : memref<6x128xi32, #tpu.memory_space<vmem>> -> memref<4x128xi32, #tpu.memory_space<vmem>>
      %dma_wait3A_3741 = arith.constant 0 : i32
      %dma_wait3A_3742 = tpu.memref_slice %arg3[%mul3A_16, %dma_wait3A_3741] : memref<64x128xi32, #tpu.memory_space<hbm>> -> memref<4x128xi32, #tpu.memory_space<hbm>>
      tpu.wait_dma2 semaphore(%run_scoped3A : memref<!tpu.dma_semaphore, #tpu.memory_space<semaphore_mem>>) src(%dma_wait3A_3742 : memref<4x128xi32, #tpu.memory_space<hbm>>) dst(%dma_wait3A_3740 : memref<4x128xi32, #tpu.memory_space<vmem>>)
      tpu.yield
    }) : () -> ()
    %eq3A = arith.constant 0 : i32
    %eq3A_17 = arith.cmpi eq, %arg1, %eq3A : i32
    %convert_element_type3A = arith.extui %eq3A_17 : i1 to i32
    %cond3A = arith.constant 0 : i32
    %cond3A_18 = arith.cmpi ne, %convert_element_type3A, %cond3A : i32
    scf.if %cond3A_18 {
      %scan3A_3723 = arith.constant 0 : i32
      %scan3A_3724 = arith.constant 0 : i32
      %scan3A_3725 = arith.constant 112 : i32
      %scan3A_3726 = arith.addi %scan3A_3724, %scan3A_3725 : i32
      %scan3A_3727 = arith.constant 1 : i32
      scf.for %scan3A_3729 = %scan3A_3724 to %scan3A_3726 step %scan3A_3727  : i32 {
        %swap3A_3730 = arith.index_cast %scan3A_3729 : i32 to index
        %swap3A_3731 = arith.constant 0 : index
        %swap3A_3732 = tpu.vector_load %arg7[%swap3A_3730, %swap3A_3731] {strides = array<i32>} : memref<128x128xf32, #tpu.memory_space<vmem>>, vector<1x16xf32>,
        %swap3A_3733 = vector.shape_cast %swap3A_3732 : vector<1x16xf32> to vector<16xf32>
        %swap3A_3734 = vector.shape_cast %broadcast_in_dim3A_1 : vector<16xf32> to vector<1x16xf32>
        tpu.vector_store %arg7[%swap3A_3730, %swap3A_3731], %swap3A_3734 {strides = array<i32>} : memref<128x128xf32, #tpu.memory_space<vmem>>, vector<1x16xf32>,
        %swap3A_3735 = arith.index_cast %scan3A_3729 : i32 to index
        %swap3A_3736 = arith.constant 16 : index
        %swap3A_3737 = tpu.vector_load %arg7[%swap3A_3735, %swap3A_3736] {strides = array<i32>} : memref<128x128xf32, #tpu.memory_space<vmem>>, vector<1x16xf32>,
        %swap3A_3738 = vector.shape_cast %swap3A_3737 : vector<1x16xf32> to vector<16xf32>
        %swap3A_3739 = vector.shape_cast %broadcast_in_dim3A_1 : vector<16xf32> to vector<1x16xf32>
        tpu.vector_store %arg7[%swap3A_3735, %swap3A_3736], %swap3A_3739 {strides = array<i32>} : memref<128x128xf32, #tpu.memory_space<vmem>>, vector<1x16xf32>,
        %swap3A_3740 = arith.index_cast %scan3A_3729 : i32 to index
        %swap3A_3741 = arith.constant 32 : index
        %swap3A_3742 = tpu.vector_load %arg7[%swap3A_3740, %swap3A_3741] {strides = array<i32>} : memref<128x128xf32, #tpu.memory_space<vmem>>, vector<1x16xf32>,
        %swap3A_3743 = vector.shape_cast %swap3A_3742 : vector<1x16xf32> to vector<16xf32>
        %swap3A_3744 = vector.shape_cast %broadcast_in_dim3A_1 : vector<16xf32> to vector<1x16xf32>
        tpu.vector_store %arg7[%swap3A_3740, %swap3A_3741], %swap3A_3744 {strides = array<i32>} : memref<128x128xf32, #tpu.memory_space<vmem>>, vector<1x16xf32>,
        %swap3A_3745 = arith.index_cast %scan3A_3729 : i32 to index
        %swap3A_3746 = arith.constant 48 : index
        %swap3A_3747 = tpu.vector_load %arg7[%swap3A_3745, %swap3A_3746] {strides = array<i32>} : memref<128x128xf32, #tpu.memory_space<vmem>>, vector<1x16xf32>,
        %swap3A_3748 = vector.shape_cast %swap3A_3747 : vector<1x16xf32> to vector<16xf32>
        %swap3A_3749 = vector.shape_cast %broadcast_in_dim3A_1 : vector<16xf32> to vector<1x16xf32>
        tpu.vector_store %arg7[%swap3A_3745, %swap3A_3746], %swap3A_3749 {strides = array<i32>} : memref<128x128xf32, #tpu.memory_space<vmem>>, vector<1x16xf32>,
        %swap3A_3750 = arith.index_cast %scan3A_3729 : i32 to index
        %swap3A_3751 = arith.constant 64 : index
        %swap3A_3752 = tpu.vector_load %arg7[%swap3A_3750, %swap3A_3751] {strides = array<i32>} : memref<128x128xf32, #tpu.memory_space<vmem>>, vector<1x16xf32>,
        %swap3A_3753 = vector.shape_cast %swap3A_3752 : vector<1x16xf32> to vector<16xf32>
        %swap3A_3754 = vector.shape_cast %broadcast_in_dim3A_1 : vector<16xf32> to vector<1x16xf32>
        tpu.vector_store %arg7[%swap3A_3750, %swap3A_3751], %swap3A_3754 {strides = array<i32>} : memref<128x128xf32, #tpu.memory_space<vmem>>, vector<1x16xf32>,
        %swap3A_3755 = arith.index_cast %scan3A_3729 : i32 to index
        %swap3A_3756 = arith.constant 80 : index
        %swap3A_3757 = tpu.vector_load %arg7[%swap3A_3755, %swap3A_3756] {strides = array<i32>} : memref<128x128xf32, #tpu.memory_space<vmem>>, vector<1x16xf32>,
        %swap3A_3758 = vector.shape_cast %swap3A_3757 : vector<1x16xf32> to vector<16xf32>
        %swap3A_3759 = vector.shape_cast %broadcast_in_dim3A_1 : vector<16xf32> to vector<1x16xf32>
        tpu.vector_store %arg7[%swap3A_3755, %swap3A_3756], %swap3A_3759 {strides = array<i32>} : memref<128x128xf32, #tpu.memory_space<vmem>>, vector<1x16xf32>,
        %swap3A_3760 = arith.index_cast %scan3A_3729 : i32 to index
        %swap3A_3761 = arith.constant 96 : index
        %swap3A_3762 = tpu.vector_load %arg7[%swap3A_3760, %swap3A_3761] {strides = array<i32>} : memref<128x128xf32, #tpu.memory_space<vmem>>, vector<1x16xf32>,
        %swap3A_3763 = vector.shape_cast %swap3A_3762 : vector<1x16xf32> to vector<16xf32>
        %swap3A_3764 = vector.shape_cast %broadcast_in_dim3A_1 : vector<16xf32> to vector<1x16xf32>
        tpu.vector_store %arg7[%swap3A_3760, %swap3A_3761], %swap3A_3764 {strides = array<i32>} : memref<128x128xf32, #tpu.memory_space<vmem>>, vector<1x16xf32>,
        %swap3A_3765 = arith.index_cast %scan3A_3729 : i32 to index
        %swap3A_3766 = arith.constant 112 : index
        %swap3A_3767 = tpu.vector_load %arg7[%swap3A_3765, %swap3A_3766] {strides = array<i32>} : memref<128x128xf32, #tpu.memory_space<vmem>>, vector<1x16xf32>,
        %swap3A_3768 = vector.shape_cast %swap3A_3767 : vector<1x16xf32> to vector<16xf32>
        %swap3A_3769 = vector.shape_cast %broadcast_in_dim3A_1 : vector<16xf32> to vector<1x16xf32>
        tpu.vector_store %arg7[%swap3A_3765, %swap3A_3766], %swap3A_3769 {strides = array<i32>} : memref<128x128xf32, #tpu.memory_space<vmem>>, vector<1x16xf32>,
      }
      %scan3A_3728 = arith.constant 112 : i32
      "tpu.region"() ({
        %run_scoped3A = tpu.sem_alloc : memref<!tpu.dma_semaphore, #tpu.memory_space<semaphore_mem>>
        %dma_start3A_3729 = arith.constant 0 : i32
        %dma_start3A_3730 = arith.constant 0 : i32
        %dma_start3A_3731 = tpu.memref_slice %arg7[%dma_start3A_3729, %dma_start3A_3730] : memref<128x128xf32, #tpu.memory_space<vmem>> -> memref<112x128xf32, #tpu.memory_space<vmem>>
        %dma_start3A_3732 = arith.constant 0 : i32
        %dma_start3A_3733 = arith.constant 0 : i32
        %dma_start3A_3734 = tpu.memref_slice %arg7[%dma_start3A_3732, %dma_start3A_3733] : memref<128x128xf32, #tpu.memory_space<vmem>> -> memref<112x128xf32, #tpu.memory_space<vmem>>
        tpu.enqueue_dma source(%dma_start3A_3734 : memref<112x128xf32, #tpu.memory_space<vmem>>) target(%arg21 : memref<112x128xf32, #tpu.memory_space<vmem_shared>>) target_semaphore(%run_scoped3A : memref<!tpu.dma_semaphore, #tpu.memory_space<semaphore_mem>>)
        %dma_wait3A_3735 = arith.constant 0 : i32
        %dma_wait3A_3736 = arith.constant 0 : i32
        %dma_wait3A_3737 = tpu.memref_slice %arg7[%dma_wait3A_3735, %dma_wait3A_3736] : memref<128x128xf32, #tpu.memory_space<vmem>> -> memref<112x128xf32, #tpu.memory_space<vmem>>
        %dma_wait3A_3738 = arith.constant 0 : i32
        %dma_wait3A_3739 = arith.constant 0 : i32
        %dma_wait3A_3740 = tpu.memref_slice %arg7[%dma_wait3A_3738, %dma_wait3A_3739] : memref<128x128xf32, #tpu.memory_space<vmem>> -> memref<112x128xf32, #tpu.memory_space<vmem>>
        tpu.wait_dma2 semaphore(%run_scoped3A : memref<!tpu.dma_semaphore, #tpu.memory_space<semaphore_mem>>) src(%dma_wait3A_3740 : memref<112x128xf32, #tpu.memory_space<vmem>>) dst(%arg21 : memref<112x128xf32, #tpu.memory_space<vmem_shared>>)
        tpu.yield
      }) : () -> ()
      "tpu.region"() ({
        %run_scoped3A = tpu.sem_alloc : memref<!tpu.dma_semaphore, #tpu.memory_space<semaphore_mem>>
        %dma_start3A_3729 = arith.constant 0 : i32
        %dma_start3A_3730 = arith.constant 0 : i32
        %dma_start3A_3731 = tpu.memref_slice %arg7[%dma_start3A_3729, %dma_start3A_3730] : memref<128x128xf32, #tpu.memory_space<vmem>> -> memref<112x128xf32, #tpu.memory_space<vmem>>
        %dma_start3A_3732 = arith.constant 0 : i32
        %dma_start3A_3733 = arith.constant 0 : i32
        %dma_start3A_3734 = tpu.memref_slice %arg7[%dma_start3A_3732, %dma_start3A_3733] : memref<128x128xf32, #tpu.memory_space<vmem>> -> memref<112x128xf32, #tpu.memory_space<vmem>>
        tpu.enqueue_dma source(%dma_start3A_3734 : memref<112x128xf32, #tpu.memory_space<vmem>>) target(%arg22 : memref<112x128xf32, #tpu.memory_space<vmem_shared>>) target_semaphore(%run_scoped3A : memref<!tpu.dma_semaphore, #tpu.memory_space<semaphore_mem>>)
        %dma_wait3A_3735 = arith.constant 0 : i32
        %dma_wait3A_3736 = arith.constant 0 : i32
        %dma_wait3A_3737 = tpu.memref_slice %arg7[%dma_wait3A_3735, %dma_wait3A_3736] : memref<128x128xf32, #tpu.memory_space<vmem>> -> memref<112x128xf32, #tpu.memory_space<vmem>>
        %dma_wait3A_3738 = arith.constant 0 : i32
        %dma_wait3A_3739 = arith.constant 0 : i32
        %dma_wait3A_3740 = tpu.memref_slice %arg7[%dma_wait3A_3738, %dma_wait3A_3739] : memref<128x128xf32, #tpu.memory_space<vmem>> -> memref<112x128xf32, #tpu.memory_space<vmem>>
        tpu.wait_dma2 semaphore(%run_scoped3A : memref<!tpu.dma_semaphore, #tpu.memory_space<semaphore_mem>>) src(%dma_wait3A_3740 : memref<112x128xf32, #tpu.memory_space<vmem>>) dst(%arg22 : memref<112x128xf32, #tpu.memory_space<vmem_shared>>)
        tpu.yield
      }) : () -> ()
      "tpu.region"() ({
        %run_scoped3A = tpu.sem_alloc : memref<!tpu.dma_semaphore, #tpu.memory_space<semaphore_mem>>
        %dma_start3A_3729 = arith.constant 0 : i32
        %dma_start3A_3730 = arith.constant 0 : i32
        %dma_start3A_3731 = tpu.memref_slice %arg7[%dma_start3A_3729, %dma_start3A_3730] : memref<128x128xf32, #tpu.memory_space<vmem>> -> memref<112x128xf32, #tpu.memory_space<vmem>>
        %dma_start3A_3732 = arith.constant 0 : i32
        %dma_start3A_3733 = arith.constant 0 : i32
        %dma_start3A_3734 = tpu.memref_slice %arg7[%dma_start3A_3732, %dma_start3A_3733] : memref<128x128xf32, #tpu.memory_space<vmem>> -> memref<112x128xf32, #tpu.memory_space<vmem>>
        tpu.enqueue_dma source(%dma_start3A_3734 : memref<112x128xf32, #tpu.memory_space<vmem>>) target(%arg23 : memref<112x128xf32, #tpu.memory_space<vmem_shared>>) target_semaphore(%run_scoped3A : memref<!tpu.dma_semaphore, #tpu.memory_space<semaphore_mem>>)
        %dma_wait3A_3735 = arith.constant 0 : i32
        %dma_wait3A_3736 = arith.constant 0 : i32
        %dma_wait3A_3737 = tpu.memref_slice %arg7[%dma_wait3A_3735, %dma_wait3A_3736] : memref<128x128xf32, #tpu.memory_space<vmem>> -> memref<112x128xf32, #tpu.memory_space<vmem>>
        %dma_wait3A_3738 = arith.constant 0 : i32
        %dma_wait3A_3739 = arith.constant 0 : i32
        %dma_wait3A_3740 = tpu.memref_slice %arg7[%dma_wait3A_3738, %dma_wait3A_3739] : memref<128x128xf32, #tpu.memory_space<vmem>> -> memref<112x128xf32, #tpu.memory_space<vmem>>
        tpu.wait_dma2 semaphore(%run_scoped3A : memref<!tpu.dma_semaphore, #tpu.memory_space<semaphore_mem>>) src(%dma_wait3A_3740 : memref<112x128xf32, #tpu.memory_space<vmem>>) dst(%arg23 : memref<112x128xf32, #tpu.memory_space<vmem_shared>>)
        tpu.yield
      }) : () -> ()
    } else {
    }
    %scan3A = arith.constant 0 : i32
    %scan3A_19 = arith.constant 0 : i32
    %scan3A_20 = arith.constant 128 : i32
    %scan3A_21 = arith.addi %scan3A_19, %scan3A_20 : i32
    %scan3A_22 = arith.constant 1 : i32
    scf.for %scan3A_3723 = %scan3A_19 to %scan3A_21 step %scan3A_22  : i32 {
      %swap3A_3724 = arith.index_cast %scan3A_3723 : i32 to index
      %swap3A_3725 = arith.constant 0 : index
      %swap3A_3726 = tpu.vector_load %arg10[%swap3A_3724, %swap3A_3725] {strides = array<i32>} : memref<128x128xf32, #tpu.memory_space<vmem>>, vector<1x16xf32>,
      %swap3A_3727 = vector.shape_cast %swap3A_3726 : vector<1x16xf32> to vector<16xf32>
      %swap3A_3728 = vector.shape_cast %broadcast_in_dim3A_3 : vector<16xf32> to vector<1x16xf32>
      tpu.vector_store %arg10[%swap3A_3724, %swap3A_3725], %swap3A_3728 {strides = array<i32>} : memref<128x128xf32, #tpu.memory_space<vmem>>, vector<1x16xf32>,
      %swap3A_3729 = arith.index_cast %scan3A_3723 : i32 to index
      %swap3A_3730 = arith.constant 16 : index
      %swap3A_3731 = tpu.vector_load %arg10[%swap3A_3729, %swap3A_3730] {strides = array<i32>} : memref<128x128xf32, #tpu.memory_space<vmem>>, vector<1x16xf32>,
      %swap3A_3732 = vector.shape_cast %swap3A_3731 : vector<1x16xf32> to vector<16xf32>
      %swap3A_3733 = vector.shape_cast %broadcast_in_dim3A_3 : vector<16xf32> to vector<1x16xf32>
      tpu.vector_store %arg10[%swap3A_3729, %swap3A_3730], %swap3A_3733 {strides = array<i32>} : memref<128x128xf32, #tpu.memory_space<vmem>>, vector<1x16xf32>,
      %swap3A_3734 = arith.index_cast %scan3A_3723 : i32 to index
      %swap3A_3735 = arith.constant 32 : index
      %swap3A_3736 = tpu.vector_load %arg10[%swap3A_3734, %swap3A_3735] {strides = array<i32>} : memref<128x128xf32, #tpu.memory_space<vmem>>, vector<1x16xf32>,
      %swap3A_3737 = vector.shape_cast %swap3A_3736 : vector<1x16xf32> to vector<16xf32>
      %swap3A_3738 = vector.shape_cast %broadcast_in_dim3A_3 : vector<16xf32> to vector<1x16xf32>
      tpu.vector_store %arg10[%swap3A_3734, %swap3A_3735], %swap3A_3738 {strides = array<i32>} : memref<128x128xf32, #tpu.memory_space<vmem>>, vector<1x16xf32>,
      %swap3A_3739 = arith.index_cast %scan3A_3723 : i32 to index
      %swap3A_3740 = arith.constant 48 : index
      %swap3A_3741 = tpu.vector_load %arg10[%swap3A_3739, %swap3A_3740] {strides = array<i32>} : memref<128x128xf32, #tpu.memory_space<vmem>>, vector<1x16xf32>,
      %swap3A_3742 = vector.shape_cast %swap3A_3741 : vector<1x16xf32> to vector<16xf32>
      %swap3A_3743 = vector.shape_cast %broadcast_in_dim3A_3 : vector<16xf32> to vector<1x16xf32>
      tpu.vector_store %arg10[%swap3A_3739, %swap3A_3740], %swap3A_3743 {strides = array<i32>} : memref<128x128xf32, #tpu.memory_space<vmem>>, vector<1x16xf32>,
      %swap3A_3744 = arith.index_cast %scan3A_3723 : i32 to index
      %swap3A_3745 = arith.constant 64 : index
      %swap3A_3746 = tpu.vector_load %arg10[%swap3A_3744, %swap3A_3745] {strides = array<i32>} : memref<128x128xf32, #tpu.memory_space<vmem>>, vector<1x16xf32>,
      %swap3A_3747 = vector.shape_cast %swap3A_3746 : vector<1x16xf32> to vector<16xf32>
      %swap3A_3748 = vector.shape_cast %broadcast_in_dim3A_3 : vector<16xf32> to vector<1x16xf32>
      tpu.vector_store %arg10[%swap3A_3744, %swap3A_3745], %swap3A_3748 {strides = array<i32>} : memref<128x128xf32, #tpu.memory_space<vmem>>, vector<1x16xf32>,
      %swap3A_3749 = arith.index_cast %scan3A_3723 : i32 to index
      %swap3A_3750 = arith.constant 80 : index
      %swap3A_3751 = tpu.vector_load %arg10[%swap3A_3749, %swap3A_3750] {strides = array<i32>} : memref<128x128xf32, #tpu.memory_space<vmem>>, vector<1x16xf32>,
      %swap3A_3752 = vector.shape_cast %swap3A_3751 : vector<1x16xf32> to vector<16xf32>
      %swap3A_3753 = vector.shape_cast %broadcast_in_dim3A_3 : vector<16xf32> to vector<1x16xf32>
      tpu.vector_store %arg10[%swap3A_3749, %swap3A_3750], %swap3A_3753 {strides = array<i32>} : memref<128x128xf32, #tpu.memory_space<vmem>>, vector<1x16xf32>,
      %swap3A_3754 = arith.index_cast %scan3A_3723 : i32 to index
      %swap3A_3755 = arith.constant 96 : index
      %swap3A_3756 = tpu.vector_load %arg10[%swap3A_3754, %swap3A_3755] {strides = array<i32>} : memref<128x128xf32, #tpu.memory_space<vmem>>, vector<1x16xf32>,
      %swap3A_3757 = vector.shape_cast %swap3A_3756 : vector<1x16xf32> to vector<16xf32>
      %swap3A_3758 = vector.shape_cast %broadcast_in_dim3A_3 : vector<16xf32> to vector<1x16xf32>
      tpu.vector_store %arg10[%swap3A_3754, %swap3A_3755], %swap3A_3758 {strides = array<i32>} : memref<128x128xf32, #tpu.memory_space<vmem>>, vector<1x16xf32>,
      %swap3A_3759 = arith.index_cast %scan3A_3723 : i32 to index
      %swap3A_3760 = arith.constant 112 : index
      %swap3A_3761 = tpu.vector_load %arg10[%swap3A_3759, %swap3A_3760] {strides = array<i32>} : memref<128x128xf32, #tpu.memory_space<vmem>>, vector<1x16xf32>,
      %swap3A_3762 = vector.shape_cast %swap3A_3761 : vector<1x16xf32> to vector<16xf32>
      %swap3A_3763 = vector.shape_cast %broadcast_in_dim3A_3 : vector<16xf32> to vector<1x16xf32>
      tpu.vector_store %arg10[%swap3A_3759, %swap3A_3760], %swap3A_3763 {strides = array<i32>} : memref<128x128xf32, #tpu.memory_space<vmem>>, vector<1x16xf32>,
    }
    %scan3A_23 = arith.constant 128 : i32
    %mul3A_24 = arith.constant 512 : i32
    %mul3A_25 = arith.muli %arg1, %mul3A_24 : i32
    %dma_start3A_26 = arith.constant 0 : i32
    %dma_start3A_27 = tpu.memref_slice %arg2[%mul3A_25, %dma_start3A_26] : memref<8192x128xf32, #tpu.memory_space<hbm>> -> memref<128x128xf32, #tpu.memory_space<hbm>>
    %dma_start3A_28 = arith.constant 0 : i32
    %dma_start3A_29 = tpu.memref_slice %arg2[%mul3A_25, %dma_start3A_28] : memref<8192x128xf32, #tpu.memory_space<hbm>> -> memref<128x128xf32, #tpu.memory_space<hbm>>
    tpu.enqueue_dma source(%dma_start3A_29 : memref<128x128xf32, #tpu.memory_space<hbm>>) target(%arg5 : memref<128x128xf32, #tpu.memory_space<vmem>>) target_semaphore(%arg15 : memref<!tpu.dma_semaphore, #tpu.memory_space<semaphore_mem>>)
    %mul3A_30 = arith.constant 512 : i32
    %mul3A_31 = arith.muli %arg1, %mul3A_30 : i32
    %add3A_32 = arith.constant 128 : i32
    %add3A_33 = arith.addi %mul3A_31, %add3A_32 : i32
    %dma_start3A_34 = arith.constant 0 : i32
    %dma_start3A_35 = tpu.memref_slice %arg2[%add3A_33, %dma_start3A_34] : memref<8192x128xf32, #tpu.memory_space<hbm>> -> memref<128x128xf32, #tpu.memory_space<hbm>>
    %dma_start3A_36 = arith.constant 0 : i32
    %dma_start3A_37 = tpu.memref_slice %arg2[%add3A_33, %dma_start3A_36] : memref<8192x128xf32, #tpu.memory_space<hbm>> -> memref<128x128xf32, #tpu.memory_space<hbm>>
    tpu.enqueue_dma source(%dma_start3A_37 : memref<128x128xf32, #tpu.memory_space<hbm>>) target(%arg6 : memref<128x128xf32, #tpu.memory_space<vmem>>) target_semaphore(%arg16 : memref<!tpu.dma_semaphore, #tpu.memory_space<semaphore_mem>>)
    %barrier3A = arith.constant 0 : index
    tpu.barrier barrier_id(%barrier3A)
    %dma_start3A_38 = arith.constant 0 : i32
    %dma_start3A_39 = arith.constant 0 : i32
    %dma_start3A_40 = tpu.memref_slice %arg9[%dma_start3A_38, %dma_start3A_39] : memref<6x128xi32, #tpu.memory_space<vmem>> -> memref<1x128xi32, #tpu.memory_space<vmem>>
    %dma_start3A_41 = tpu.memref_squeeze %dma_start3A_40 : memref<1x128xi32, #tpu.memory_space<vmem>> -> memref<128xi32, #tpu.memory_space<vmem>>
    %dma_start3A_42 = arith.constant 0 : i32
    %dma_start3A_43 = arith.constant 0 : i32
    %dma_start3A_44 = tpu.memref_slice %arg23[%dma_start3A_42, %dma_start3A_43] : memref<112x128xf32, #tpu.memory_space<vmem_shared>> -> memref<112x128xf32, #tpu.memory_space<vmem_shared>>
    tpu.enqueue_indirect_dma source(%arg10 : memref<128x128xf32, #tpu.memory_space<vmem>>) target(%dma_start3A_44 : memref<112x128xf32, #tpu.memory_space<vmem_shared>>) offsets(%dma_start3A_41 : memref<128xi32, #tpu.memory_space<vmem>>) semaphore(%arg17 : memref<!tpu.dma_semaphore, #tpu.memory_space<semaphore_mem>>) {add = true}
    %dma_start3A_45 = arith.constant 1 : i32
    %dma_start3A_46 = arith.constant 0 : i32
    %dma_start3A_47 = tpu.memref_slice %arg9[%dma_start3A_45, %dma_start3A_46] : memref<6x128xi32, #tpu.memory_space<vmem>> -> memref<1x128xi32, #tpu.memory_space<vmem>>
    %dma_start3A_48 = tpu.memref_squeeze %dma_start3A_47 : memref<1x128xi32, #tpu.memory_space<vmem>> -> memref<128xi32, #tpu.memory_space<vmem>>
    %dma_start3A_49 = arith.constant 0 : i32
    %dma_start3A_50 = arith.constant 0 : i32
    %dma_start3A_51 = tpu.memref_slice %arg23[%dma_start3A_49, %dma_start3A_50] : memref<112x128xf32, #tpu.memory_space<vmem_shared>> -> memref<112x128xf32, #tpu.memory_space<vmem_shared>>
    tpu.enqueue_indirect_dma source(%arg10 : memref<128x128xf32, #tpu.memory_space<vmem>>) target(%dma_start3A_51 : memref<112x128xf32, #tpu.memory_space<vmem_shared>>) offsets(%dma_start3A_48 : memref<128xi32, #tpu.memory_space<vmem>>) semaphore(%arg17 : memref<!tpu.dma_semaphore, #tpu.memory_space<semaphore_mem>>) {add = true}
    %dma_start3A_52 = arith.constant 2 : i32
    %dma_start3A_53 = arith.constant 0 : i32
    %dma_start3A_54 = tpu.memref_slice %arg9[%dma_start3A_52, %dma_start3A_53] : memref<6x128xi32, #tpu.memory_space<vmem>> -> memref<1x128xi32, #tpu.memory_space<vmem>>
    %dma_start3A_55 = tpu.memref_squeeze %dma_start3A_54 : memref<1x128xi32, #tpu.memory_space<vmem>> -> memref<128xi32, #tpu.memory_space<vmem>>
    %dma_start3A_56 = arith.constant 0 : i32
    %dma_start3A_57 = arith.constant 0 : i32
    %dma_start3A_58 = tpu.memref_slice %arg23[%dma_start3A_56, %dma_start3A_57] : memref<112x128xf32, #tpu.memory_space<vmem_shared>> -> memref<112x128xf32, #tpu.memory_space<vmem_shared>>
    tpu.enqueue_indirect_dma source(%arg10 : memref<128x128xf32, #tpu.memory_space<vmem>>) target(%dma_start3A_58 : memref<112x128xf32, #tpu.memory_space<vmem_shared>>) offsets(%dma_start3A_55 : memref<128xi32, #tpu.memory_space<vmem>>) semaphore(%arg17 : memref<!tpu.dma_semaphore, #tpu.memory_space<semaphore_mem>>) {add = true}
    %dma_start3A_59 = arith.constant 3 : i32
    %dma_start3A_60 = arith.constant 0 : i32
    %dma_start3A_61 = tpu.memref_slice %arg9[%dma_start3A_59, %dma_start3A_60] : memref<6x128xi32, #tpu.memory_space<vmem>> -> memref<1x128xi32, #tpu.memory_space<vmem>>
    %dma_start3A_62 = tpu.memref_squeeze %dma_start3A_61 : memref<1x128xi32, #tpu.memory_space<vmem>> -> memref<128xi32, #tpu.memory_space<vmem>>
    %dma_start3A_63 = arith.constant 0 : i32
    %dma_start3A_64 = arith.constant 0 : i32
    %dma_start3A_65 = tpu.memref_slice %arg23[%dma_start3A_63, %dma_start3A_64] : memref<112x128xf32, #tpu.memory_space<vmem_shared>> -> memref<112x128xf32, #tpu.memory_space<vmem_shared>>
    tpu.enqueue_indirect_dma source(%arg10 : memref<128x128xf32, #tpu.memory_space<vmem>>) target(%dma_start3A_65 : memref<112x128xf32, #tpu.memory_space<vmem_shared>>) offsets(%dma_start3A_62 : memref<128xi32, #tpu.memory_space<vmem>>) semaphore(%arg17 : memref<!tpu.dma_semaphore, #tpu.memory_space<semaphore_mem>>) {add = true}
    %dma_wait3A = arith.constant 0 : i32
    %dma_wait3A_66 = tpu.memref_slice %arg2[%mul3A_25, %dma_wait3A] : memref<8192x128xf32, #tpu.memory_space<hbm>> -> memref<128x128xf32, #tpu.memory_space<hbm>>
    %dma_wait3A_67 = arith.constant 0 : i32
    %dma_wait3A_68 = tpu.memref_slice %arg2[%mul3A_25, %dma_wait3A_67] : memref<8192x128xf32, #tpu.memory_space<hbm>> -> memref<128x128xf32, #tpu.memory_space<hbm>>
    tpu.wait_dma2 semaphore(%arg15 : memref<!tpu.dma_semaphore, #tpu.memory_space<semaphore_mem>>) src(%dma_wait3A_68 : memref<128x128xf32, #tpu.memory_space<hbm>>) dst(%arg5 : memref<128x128xf32, #tpu.memory_space<vmem>>)
    %dma_start3A_69 = arith.constant 0 : i32
    %dma_start3A_70 = arith.constant 0 : i32
    %dma_start3A_71 = tpu.memref_slice %arg9[%dma_start3A_69, %dma_start3A_70] : memref<6x128xi32, #tpu.memory_space<vmem>> -> memref<1x128xi32, #tpu.memory_space<vmem>>
    %dma_start3A_72 = tpu.memref_squeeze %dma_start3A_71 : memref<1x128xi32, #tpu.memory_space<vmem>> -> memref<128xi32, #tpu.memory_space<vmem>>
    %dma_start3A_73 = arith.constant 0 : i32
    %dma_start3A_74 = arith.constant 0 : i32
    %dma_start3A_75 = tpu.memref_slice %arg21[%dma_start3A_73, %dma_start3A_74] : memref<112x128xf32, #tpu.memory_space<vmem_shared>> -> memref<112x128xf32, #tpu.memory_space<vmem_shared>>
    tpu.enqueue_indirect_dma source(%arg5 : memref<128x128xf32, #tpu.memory_space<vmem>>) target(%dma_start3A_75 : memref<112x128xf32, #tpu.memory_space<vmem_shared>>) offsets(%dma_start3A_72 : memref<128xi32, #tpu.memory_space<vmem>>) semaphore(%arg19 : memref<!tpu.dma_semaphore, #tpu.memory_space<semaphore_mem>>) {add = true}
    %scan3A_76 = arith.constant 0 : i32
    %scan3A_77 = arith.constant 0 : i32
    %scan3A_78 = arith.constant 128 : i32
    %scan3A_79 = arith.addi %scan3A_77, %scan3A_78 : i32
    %scan3A_80 = arith.constant 1 : i32
    scf.for %scan3A_3723 = %scan3A_77 to %scan3A_79 step %scan3A_80  : i32 {
      %get3A_3724 = arith.index_cast %scan3A_3723 : i32 to index
      %get3A_3725 = arith.constant 0 : index
      %get3A_3726 = tpu.vector_load %arg5[%get3A_3724, %get3A_3725] {strides = array<i32>} : memref<128x128xf32, #tpu.memory_space<vmem>>, vector<1x16xf32>,
      %get3A_3727 = vector.shape_cast %get3A_3726 : vector<1x16xf32> to vector<16xf32>
      %mul3A_3728 = arith.mulf %get3A_3727, %get3A_3727 : vector<16xf32>
      %swap3A_3729 = arith.index_cast %scan3A_3723 : i32 to index
      %swap3A_3730 = arith.constant 0 : index
      %swap3A_3731 = tpu.vector_load %arg7[%swap3A_3729, %swap3A_3730] {strides = array<i32>} : memref<128x128xf32, #tpu.memory_space<vmem>>, vector<1x16xf32>,
      %swap3A_3732 = vector.shape_cast %swap3A_3731 : vector<1x16xf32> to vector<16xf32>
      %swap3A_3733 = vector.shape_cast %mul3A_3728 : vector<16xf32> to vector<1x16xf32>
      tpu.vector_store %arg7[%swap3A_3729, %swap3A_3730], %swap3A_3733 {strides = array<i32>} : memref<128x128xf32, #tpu.memory_space<vmem>>, vector<1x16xf32>,
      %get3A_3734 = arith.index_cast %scan3A_3723 : i32 to index
      %get3A_3735 = arith.constant 16 : index
      %get3A_3736 = tpu.vector_load %arg5[%get3A_3734, %get3A_3735] {strides = array<i32>} : memref<128x128xf32, #tpu.memory_space<vmem>>, vector<1x16xf32>,
      %get3A_3737 = vector.shape_cast %get3A_3736 : vector<1x16xf32> to vector<16xf32>
      %mul3A_3738 = arith.mulf %get3A_3737, %get3A_3737 : vector<16xf32>
      %swap3A_3739 = arith.index_cast %scan3A_3723 : i32 to index
      %swap3A_3740 = arith.constant 16 : index
      %swap3A_3741 = tpu.vector_load %arg7[%swap3A_3739, %swap3A_3740] {strides = array<i32>} : memref<128x128xf32, #tpu.memory_space<vmem>>, vector<1x16xf32>,
      %swap3A_3742 = vector.shape_cast %swap3A_3741 : vector<1x16xf32> to vector<16xf32>
      %swap3A_3743 = vector.shape_cast %mul3A_3738 : vector<16xf32> to vector<1x16xf32>
      tpu.vector_store %arg7[%swap3A_3739, %swap3A_3740], %swap3A_3743 {strides = array<i32>} : memref<128x128xf32, #tpu.memory_space<vmem>>, vector<1x16xf32>,
      %get3A_3744 = arith.index_cast %scan3A_3723 : i32 to index
      %get3A_3745 = arith.constant 32 : index
      %get3A_3746 = tpu.vector_load %arg5[%get3A_3744, %get3A_3745] {strides = array<i32>} : memref<128x128xf32, #tpu.memory_space<vmem>>, vector<1x16xf32>,
      %get3A_3747 = vector.shape_cast %get3A_3746 : vector<1x16xf32> to vector<16xf32>
      %mul3A_3748 = arith.mulf %get3A_3747, %get3A_3747 : vector<16xf32>
      %swap3A_3749 = arith.index_cast %scan3A_3723 : i32 to index
      %swap3A_3750 = arith.constant 32 : index
      %swap3A_3751 = tpu.vector_load %arg7[%swap3A_3749, %swap3A_3750] {strides = array<i32>} : memref<128x128xf32, #tpu.memory_space<vmem>>, vector<1x16xf32>,
      %swap3A_3752 = vector.shape_cast %swap3A_3751 : vector<1x16xf32> to vector<16xf32>
      %swap3A_3753 = vector.shape_cast %mul3A_3748 : vector<16xf32> to vector<1x16xf32>
      tpu.vector_store %arg7[%swap3A_3749, %swap3A_3750], %swap3A_3753 {strides = array<i32>} : memref<128x128xf32, #tpu.memory_space<vmem>>, vector<1x16xf32>,
      %get3A_3754 = arith.index_cast %scan3A_3723 : i32 to index
      %get3A_3755 = arith.constant 48 : index
      %get3A_3756 = tpu.vector_load %arg5[%get3A_3754, %get3A_3755] {strides = array<i32>} : memref<128x128xf32, #tpu.memory_space<vmem>>, vector<1x16xf32>,
      %get3A_3757 = vector.shape_cast %get3A_3756 : vector<1x16xf32> to vector<16xf32>
      %mul3A_3758 = arith.mulf %get3A_3757, %get3A_3757 : vector<16xf32>
      %swap3A_3759 = arith.index_cast %scan3A_3723 : i32 to index
      %swap3A_3760 = arith.constant 48 : index
      %swap3A_3761 = tpu.vector_load %arg7[%swap3A_3759, %swap3A_3760] {strides = array<i32>} : memref<128x128xf32, #tpu.memory_space<vmem>>, vector<1x16xf32>,
      %swap3A_3762 = vector.shape_cast %swap3A_3761 : vector<1x16xf32> to vector<16xf32>
      %swap3A_3763 = vector.shape_cast %mul3A_3758 : vector<16xf32> to vector<1x16xf32>
      tpu.vector_store %arg7[%swap3A_3759, %swap3A_3760], %swap3A_3763 {strides = array<i32>} : memref<128x128xf32, #tpu.memory_space<vmem>>, vector<1x16xf32>,
      %get3A_3764 = arith.index_cast %scan3A_3723 : i32 to index
      %get3A_3765 = arith.constant 64 : index
      %get3A_3766 = tpu.vector_load %arg5[%get3A_3764, %get3A_3765] {strides = array<i32>} : memref<128x128xf32, #tpu.memory_space<vmem>>, vector<1x16xf32>,
      %get3A_3767 = vector.shape_cast %get3A_3766 : vector<1x16xf32> to vector<16xf32>
      %mul3A_3768 = arith.mulf %get3A_3767, %get3A_3767 : vector<16xf32>
      %swap3A_3769 = arith.index_cast %scan3A_3723 : i32 to index
      %swap3A_3770 = arith.constant 64 : index
      %swap3A_3771 = tpu.vector_load %arg7[%swap3A_3769, %swap3A_3770] {strides = array<i32>} : memref<128x128xf32, #tpu.memory_space<vmem>>, vector<1x16xf32>,
      %swap3A_3772 = vector.shape_cast %swap3A_3771 : vector<1x16xf32> to vector<16xf32>
      %swap3A_3773 = vector.shape_cast %mul3A_3768 : vector<16xf32> to vector<1x16xf32>
      tpu.vector_store %arg7[%swap3A_3769, %swap3A_3770], %swap3A_3773 {strides = array<i32>} : memref<128x128xf32, #tpu.memory_space<vmem>>, vector<1x16xf32>,
      %get3A_3774 = arith.index_cast %scan3A_3723 : i32 to index
      %get3A_3775 = arith.constant 80 : index
      %get3A_3776 = tpu.vector_load %arg5[%get3A_3774, %get3A_3775] {strides = array<i32>} : memref<128x128xf32, #tpu.memory_space<vmem>>, vector<1x16xf32>,
      %get3A_3777 = vector.shape_cast %get3A_3776 : vector<1x16xf32> to vector<16xf32>
      %mul3A_3778 = arith.mulf %get3A_3777, %get3A_3777 : vector<16xf32>
      %swap3A_3779 = arith.index_cast %scan3A_3723 : i32 to index
      %swap3A_3780 = arith.constant 80 : index
      %swap3A_3781 = tpu.vector_load %arg7[%swap3A_3779, %swap3A_3780] {strides = array<i32>} : memref<128x128xf32, #tpu.memory_space<vmem>>, vector<1x16xf32>,
      %swap3A_3782 = vector.shape_cast %swap3A_3781 : vector<1x16xf32> to vector<16xf32>
      %swap3A_3783 = vector.shape_cast %mul3A_3778 : vector<16xf32> to vector<1x16xf32>
      tpu.vector_store %arg7[%swap3A_3779, %swap3A_3780], %swap3A_3783 {strides = array<i32>} : memref<128x128xf32, #tpu.memory_space<vmem>>, vector<1x16xf32>,
      %get3A_3784 = arith.index_cast %scan3A_3723 : i32 to index
      %get3A_3785 = arith.constant 96 : index
      %get3A_3786 = tpu.vector_load %arg5[%get3A_3784, %get3A_3785] {strides = array<i32>} : memref<128x128xf32, #tpu.memory_space<vmem>>, vector<1x16xf32>,
      %get3A_3787 = vector.shape_cast %get3A_3786 : vector<1x16xf32> to vector<16xf32>
      %mul3A_3788 = arith.mulf %get3A_3787, %get3A_3787 : vector<16xf32>
      %swap3A_3789 = arith.index_cast %scan3A_3723 : i32 to index
      %swap3A_3790 = arith.constant 96 : index
      %swap3A_3791 = tpu.vector_load %arg7[%swap3A_3789, %swap3A_3790] {strides = array<i32>} : memref<128x128xf32, #tpu.memory_space<vmem>>, vector<1x16xf32>,
      %swap3A_3792 = vector.shape_cast %swap3A_3791 : vector<1x16xf32> to vector<16xf32>
      %swap3A_3793 = vector.shape_cast %mul3A_3788 : vector<16xf32> to vector<1x16xf32>
      tpu.vector_store %arg7[%swap3A_3789, %swap3A_3790], %swap3A_3793 {strides = array<i32>} : memref<128x128xf32, #tpu.memory_space<vmem>>, vector<1x16xf32>,
      %get3A_3794 = arith.index_cast %scan3A_3723 : i32 to index
      %get3A_3795 = arith.constant 112 : index
      %get3A_3796 = tpu.vector_load %arg5[%get3A_3794, %get3A_3795] {strides = array<i32>} : memref<128x128xf32, #tpu.memory_space<vmem>>, vector<1x16xf32>,
      %get3A_3797 = vector.shape_cast %get3A_3796 : vector<1x16xf32> to vector<16xf32>
      %mul3A_3798 = arith.mulf %get3A_3797, %get3A_3797 : vector<16xf32>
      %swap3A_3799 = arith.index_cast %scan3A_3723 : i32 to index
      %swap3A_3800 = arith.constant 112 : index
      %swap3A_3801 = tpu.vector_load %arg7[%swap3A_3799, %swap3A_3800] {strides = array<i32>} : memref<128x128xf32, #tpu.memory_space<vmem>>, vector<1x16xf32>,
      %swap3A_3802 = vector.shape_cast %swap3A_3801 : vector<1x16xf32> to vector<16xf32>
      %swap3A_3803 = vector.shape_cast %mul3A_3798 : vector<16xf32> to vector<1x16xf32>
      tpu.vector_store %arg7[%swap3A_3799, %swap3A_3800], %swap3A_3803 {strides = array<i32>} : memref<128x128xf32, #tpu.memory_space<vmem>>, vector<1x16xf32>,
    }
    %scan3A_81 = arith.constant 128 : i32
    %dma_start3A_82 = arith.constant 0 : i32
    %dma_start3A_83 = arith.constant 0 : i32
    %dma_start3A_84 = tpu.memref_slice %arg9[%dma_start3A_82, %dma_start3A_83] : memref<6x128xi32, #tpu.memory_space<vmem>> -> memref<1x128xi32, #tpu.memory_space<vmem>>
    %dma_start3A_85 = tpu.memref_squeeze %dma_start3A_84 : memref<1x128xi32, #tpu.memory_space<vmem>> -> memref<128xi32, #tpu.memory_space<vmem>>
    %dma_start3A_86 = arith.constant 0 : i32
    %dma_start3A_87 = arith.constant 0 : i32
    %dma_start3A_88 = tpu.memref_slice %arg22[%dma_start3A_86, %dma_start3A_87] : memref<112x128xf32, #tpu.memory_space<vmem_shared>> -> memref<112x128xf32, #tpu.memory_space<vmem_shared>>
    tpu.enqueue_indirect_dma source(%arg7 : memref<128x128xf32, #tpu.memory_space<vmem>>) target(%dma_start3A_88 : memref<112x128xf32, #tpu.memory_space<vmem_shared>>) offsets(%dma_start3A_85 : memref<128xi32, #tpu.memory_space<vmem>>) semaphore(%arg20 : memref<!tpu.dma_semaphore, #tpu.memory_space<semaphore_mem>>) {add = true}
    %dma_wait3A_89 = arith.constant 0 : i32
    %dma_wait3A_90 = arith.constant 0 : i32
    %dma_wait3A_91 = tpu.memref_slice %arg9[%dma_wait3A_89, %dma_wait3A_90] : memref<6x128xi32, #tpu.memory_space<vmem>> -> memref<1x128xi32, #tpu.memory_space<vmem>>
    %dma_wait3A_92 = tpu.memref_squeeze %dma_wait3A_91 : memref<1x128xi32, #tpu.memory_space<vmem>> -> memref<128xi32, #tpu.memory_space<vmem>>
    %dma_wait3A_93 = arith.constant 0 : i32
    %dma_wait3A_94 = arith.constant 0 : i32
    %dma_wait3A_95 = tpu.memref_slice %arg21[%dma_wait3A_93, %dma_wait3A_94] : memref<112x128xf32, #tpu.memory_space<vmem_shared>> -> memref<112x128xf32, #tpu.memory_space<vmem_shared>>
    tpu.wait_indirect_dma semaphore(%arg19 : memref<!tpu.dma_semaphore, #tpu.memory_space<semaphore_mem>>) src(%arg5 : memref<128x128xf32, #tpu.memory_space<vmem>>) dst(%dma_wait3A_95 : memref<112x128xf32, #tpu.memory_space<vmem_shared>>)
    %mul3A_96 = arith.constant 512 : i32
    %mul3A_97 = arith.muli %arg1, %mul3A_96 : i32
    %add3A_98 = arith.constant 256 : i32
    %add3A_99 = arith.addi %mul3A_97, %add3A_98 : i32
    %dma_start3A_100 = arith.constant 0 : i32
    %dma_start3A_101 = tpu.memref_slice %arg2[%add3A_99, %dma_start3A_100] : memref<8192x128xf32, #tpu.memory_space<hbm>> -> memref<128x128xf32, #tpu.memory_space<hbm>>
    %dma_start3A_102 = arith.constant 0 : i32
    %dma_start3A_103 = tpu.memref_slice %arg2[%add3A_99, %dma_start3A_102] : memref<8192x128xf32, #tpu.memory_space<hbm>> -> memref<128x128xf32, #tpu.memory_space<hbm>>
    tpu.enqueue_dma source(%dma_start3A_103 : memref<128x128xf32, #tpu.memory_space<hbm>>) target(%arg5 : memref<128x128xf32, #tpu.memory_space<vmem>>) target_semaphore(%arg15 : memref<!tpu.dma_semaphore, #tpu.memory_space<semaphore_mem>>)
    %dma_wait3A_104 = arith.constant 0 : i32
    %dma_wait3A_105 = tpu.memref_slice %arg2[%add3A_33, %dma_wait3A_104] : memref<8192x128xf32, #tpu.memory_space<hbm>> -> memref<128x128xf32, #tpu.memory_space<hbm>>
    %dma_wait3A_106 = arith.constant 0 : i32
    %dma_wait3A_107 = tpu.memref_slice %arg2[%add3A_33, %dma_wait3A_106] : memref<8192x128xf32, #tpu.memory_space<hbm>> -> memref<128x128xf32, #tpu.memory_space<hbm>>
    tpu.wait_dma2 semaphore(%arg16 : memref<!tpu.dma_semaphore, #tpu.memory_space<semaphore_mem>>) src(%dma_wait3A_107 : memref<128x128xf32, #tpu.memory_space<hbm>>) dst(%arg6 : memref<128x128xf32, #tpu.memory_space<vmem>>)
    %dma_start3A_108 = arith.constant 1 : i32
    %dma_start3A_109 = arith.constant 0 : i32
    %dma_start3A_110 = tpu.memref_slice %arg9[%dma_start3A_108, %dma_start3A_109] : memref<6x128xi32, #tpu.memory_space<vmem>> -> memref<1x128xi32, #tpu.memory_space<vmem>>
    %dma_start3A_111 = tpu.memref_squeeze %dma_start3A_110 : memref<1x128xi32, #tpu.memory_space<vmem>> -> memref<128xi32, #tpu.memory_space<vmem>>
    %dma_start3A_112 = arith.constant 0 : i32
    %dma_start3A_113 = arith.constant 0 : i32
    %dma_start3A_114 = tpu.memref_slice %arg21[%dma_start3A_112, %dma_start3A_113] : memref<112x128xf32, #tpu.memory_space<vmem_shared>> -> memref<112x128xf32, #tpu.memory_space<vmem_shared>>
    tpu.enqueue_indirect_dma source(%arg6 : memref<128x128xf32, #tpu.memory_space<vmem>>) target(%dma_start3A_114 : memref<112x128xf32, #tpu.memory_space<vmem_shared>>) offsets(%dma_start3A_111 : memref<128xi32, #tpu.memory_space<vmem>>) semaphore(%arg19 : memref<!tpu.dma_semaphore, #tpu.memory_space<semaphore_mem>>) {add = true}
    %scan3A_115 = arith.constant 0 : i32
    %scan3A_116 = arith.constant 0 : i32
    %scan3A_117 = arith.constant 128 : i32
    %scan3A_118 = arith.addi %scan3A_116, %scan3A_117 : i32
    %scan3A_119 = arith.constant 1 : i32
    scf.for %scan3A_3723 = %scan3A_116 to %scan3A_118 step %scan3A_119  : i32 {
      %get3A_3724 = arith.index_cast %scan3A_3723 : i32 to index
      %get3A_3725 = arith.constant 0 : index
      %get3A_3726 = tpu.vector_load %arg6[%get3A_3724, %get3A_3725] {strides = array<i32>} : memref<128x128xf32, #tpu.memory_space<vmem>>, vector<1x16xf32>,
      %get3A_3727 = vector.shape_cast %get3A_3726 : vector<1x16xf32> to vector<16xf32>
      %mul3A_3728 = arith.mulf %get3A_3727, %get3A_3727 : vector<16xf32>
      %swap3A_3729 = arith.index_cast %scan3A_3723 : i32 to index
      %swap3A_3730 = arith.constant 0 : index
      %swap3A_3731 = tpu.vector_load %arg8[%swap3A_3729, %swap3A_3730] {strides = array<i32>} : memref<128x128xf32, #tpu.memory_space<vmem>>, vector<1x16xf32>,
      %swap3A_3732 = vector.shape_cast %swap3A_3731 : vector<1x16xf32> to vector<16xf32>
      %swap3A_3733 = vector.shape_cast %mul3A_3728 : vector<16xf32> to vector<1x16xf32>
      tpu.vector_store %arg8[%swap3A_3729, %swap3A_3730], %swap3A_3733 {strides = array<i32>} : memref<128x128xf32, #tpu.memory_space<vmem>>, vector<1x16xf32>,
      %get3A_3734 = arith.index_cast %scan3A_3723 : i32 to index
      %get3A_3735 = arith.constant 16 : index
      %get3A_3736 = tpu.vector_load %arg6[%get3A_3734, %get3A_3735] {strides = array<i32>} : memref<128x128xf32, #tpu.memory_space<vmem>>, vector<1x16xf32>,
      %get3A_3737 = vector.shape_cast %get3A_3736 : vector<1x16xf32> to vector<16xf32>
      %mul3A_3738 = arith.mulf %get3A_3737, %get3A_3737 : vector<16xf32>
      %swap3A_3739 = arith.index_cast %scan3A_3723 : i32 to index
      %swap3A_3740 = arith.constant 16 : index
      %swap3A_3741 = tpu.vector_load %arg8[%swap3A_3739, %swap3A_3740] {strides = array<i32>} : memref<128x128xf32, #tpu.memory_space<vmem>>, vector<1x16xf32>,
      %swap3A_3742 = vector.shape_cast %swap3A_3741 : vector<1x16xf32> to vector<16xf32>
      %swap3A_3743 = vector.shape_cast %mul3A_3738 : vector<16xf32> to vector<1x16xf32>
      tpu.vector_store %arg8[%swap3A_3739, %swap3A_3740], %swap3A_3743 {strides = array<i32>} : memref<128x128xf32, #tpu.memory_space<vmem>>, vector<1x16xf32>,
      %get3A_3744 = arith.index_cast %scan3A_3723 : i32 to index
      %get3A_3745 = arith.constant 32 : index
      %get3A_3746 = tpu.vector_load %arg6[%get3A_3744, %get3A_3745] {strides = array<i32>} : memref<128x128xf32, #tpu.memory_space<vmem>>, vector<1x16xf32>,
      %get3A_3747 = vector.shape_cast %get3A_3746 : vector<1x16xf32> to vector<16xf32>
      %mul3A_3748 = arith.mulf %get3A_3747, %get3A_3747 : vector<16xf32>
      %swap3A_3749 = arith.index_cast %scan3A_3723 : i32 to index
      %swap3A_3750 = arith.constant 32 : index
      %swap3A_3751 = tpu.vector_load %arg8[%swap3A_3749, %swap3A_3750] {strides = array<i32>} : memref<128x128xf32, #tpu.memory_space<vmem>>, vector<1x16xf32>,
      %swap3A_3752 = vector.shape_cast %swap3A_3751 : vector<1x16xf32> to vector<16xf32>
      %swap3A_3753 = vector.shape_cast %mul3A_3748 : vector<16xf32> to vector<1x16xf32>
      tpu.vector_store %arg8[%swap3A_3749, %swap3A_3750], %swap3A_3753 {strides = array<i32>} : memref<128x128xf32, #tpu.memory_space<vmem>>, vector<1x16xf32>,
      %get3A_3754 = arith.index_cast %scan3A_3723 : i32 to index
      %get3A_3755 = arith.constant 48 : index
      %get3A_3756 = tpu.vector_load %arg6[%get3A_3754, %get3A_3755] {strides = array<i32>} : memref<128x128xf32, #tpu.memory_space<vmem>>, vector<1x16xf32>,
      %get3A_3757 = vector.shape_cast %get3A_3756 : vector<1x16xf32> to vector<16xf32>
      %mul3A_3758 = arith.mulf %get3A_3757, %get3A_3757 : vector<16xf32>
      %swap3A_3759 = arith.index_cast %scan3A_3723 : i32 to index
      %swap3A_3760 = arith.constant 48 : index
      %swap3A_3761 = tpu.vector_load %arg8[%swap3A_3759, %swap3A_3760] {strides = array<i32>} : memref<128x128xf32, #tpu.memory_space<vmem>>, vector<1x16xf32>,
      %swap3A_3762 = vector.shape_cast %swap3A_3761 : vector<1x16xf32> to vector<16xf32>
      %swap3A_3763 = vector.shape_cast %mul3A_3758 : vector<16xf32> to vector<1x16xf32>
      tpu.vector_store %arg8[%swap3A_3759, %swap3A_3760], %swap3A_3763 {strides = array<i32>} : memref<128x128xf32, #tpu.memory_space<vmem>>, vector<1x16xf32>,
      %get3A_3764 = arith.index_cast %scan3A_3723 : i32 to index
      %get3A_3765 = arith.constant 64 : index
      %get3A_3766 = tpu.vector_load %arg6[%get3A_3764, %get3A_3765] {strides = array<i32>} : memref<128x128xf32, #tpu.memory_space<vmem>>, vector<1x16xf32>,
      %get3A_3767 = vector.shape_cast %get3A_3766 : vector<1x16xf32> to vector<16xf32>
      %mul3A_3768 = arith.mulf %get3A_3767, %get3A_3767 : vector<16xf32>
      %swap3A_3769 = arith.index_cast %scan3A_3723 : i32 to index
      %swap3A_3770 = arith.constant 64 : index
      %swap3A_3771 = tpu.vector_load %arg8[%swap3A_3769, %swap3A_3770] {strides = array<i32>} : memref<128x128xf32, #tpu.memory_space<vmem>>, vector<1x16xf32>,
      %swap3A_3772 = vector.shape_cast %swap3A_3771 : vector<1x16xf32> to vector<16xf32>
      %swap3A_3773 = vector.shape_cast %mul3A_3768 : vector<16xf32> to vector<1x16xf32>
      tpu.vector_store %arg8[%swap3A_3769, %swap3A_3770], %swap3A_3773 {strides = array<i32>} : memref<128x128xf32, #tpu.memory_space<vmem>>, vector<1x16xf32>,
      %get3A_3774 = arith.index_cast %scan3A_3723 : i32 to index
      %get3A_3775 = arith.constant 80 : index
      %get3A_3776 = tpu.vector_load %arg6[%get3A_3774, %get3A_3775] {strides = array<i32>} : memref<128x128xf32, #tpu.memory_space<vmem>>, vector<1x16xf32>,
      %get3A_3777 = vector.shape_cast %get3A_3776 : vector<1x16xf32> to vector<16xf32>
      %mul3A_3778 = arith.mulf %get3A_3777, %get3A_3777 : vector<16xf32>
      %swap3A_3779 = arith.index_cast %scan3A_3723 : i32 to index
      %swap3A_3780 = arith.constant 80 : index
      %swap3A_3781 = tpu.vector_load %arg8[%swap3A_3779, %swap3A_3780] {strides = array<i32>} : memref<128x128xf32, #tpu.memory_space<vmem>>, vector<1x16xf32>,
      %swap3A_3782 = vector.shape_cast %swap3A_3781 : vector<1x16xf32> to vector<16xf32>
      %swap3A_3783 = vector.shape_cast %mul3A_3778 : vector<16xf32> to vector<1x16xf32>
      tpu.vector_store %arg8[%swap3A_3779, %swap3A_3780], %swap3A_3783 {strides = array<i32>} : memref<128x128xf32, #tpu.memory_space<vmem>>, vector<1x16xf32>,
      %get3A_3784 = arith.index_cast %scan3A_3723 : i32 to index
      %get3A_3785 = arith.constant 96 : index
      %get3A_3786 = tpu.vector_load %arg6[%get3A_3784, %get3A_3785] {strides = array<i32>} : memref<128x128xf32, #tpu.memory_space<vmem>>, vector<1x16xf32>,
      %get3A_3787 = vector.shape_cast %get3A_3786 : vector<1x16xf32> to vector<16xf32>
      %mul3A_3788 = arith.mulf %get3A_3787, %get3A_3787 : vector<16xf32>
      %swap3A_3789 = arith.index_cast %scan3A_3723 : i32 to index
      %swap3A_3790 = arith.constant 96 : index
      %swap3A_3791 = tpu.vector_load %arg8[%swap3A_3789, %swap3A_3790] {strides = array<i32>} : memref<128x128xf32, #tpu.memory_space<vmem>>, vector<1x16xf32>,
      %swap3A_3792 = vector.shape_cast %swap3A_3791 : vector<1x16xf32> to vector<16xf32>
      %swap3A_3793 = vector.shape_cast %mul3A_3788 : vector<16xf32> to vector<1x16xf32>
      tpu.vector_store %arg8[%swap3A_3789, %swap3A_3790], %swap3A_3793 {strides = array<i32>} : memref<128x128xf32, #tpu.memory_space<vmem>>, vector<1x16xf32>,
      %get3A_3794 = arith.index_cast %scan3A_3723 : i32 to index
      %get3A_3795 = arith.constant 112 : index
      %get3A_3796 = tpu.vector_load %arg6[%get3A_3794, %get3A_3795] {strides = array<i32>} : memref<128x128xf32, #tpu.memory_space<vmem>>, vector<1x16xf32>,
      %get3A_3797 = vector.shape_cast %get3A_3796 : vector<1x16xf32> to vector<16xf32>
      %mul3A_3798 = arith.mulf %get3A_3797, %get3A_3797 : vector<16xf32>
      %swap3A_3799 = arith.index_cast %scan3A_3723 : i32 to index
      %swap3A_3800 = arith.constant 112 : index
      %swap3A_3801 = tpu.vector_load %arg8[%swap3A_3799, %swap3A_3800] {strides = array<i32>} : memref<128x128xf32, #tpu.memory_space<vmem>>, vector<1x16xf32>,
      %swap3A_3802 = vector.shape_cast %swap3A_3801 : vector<1x16xf32> to vector<16xf32>
      %swap3A_3803 = vector.shape_cast %mul3A_3798 : vector<16xf32> to vector<1x16xf32>
      tpu.vector_store %arg8[%swap3A_3799, %swap3A_3800], %swap3A_3803 {strides = array<i32>} : memref<128x128xf32, #tpu.memory_space<vmem>>, vector<1x16xf32>,
    }
    %scan3A_120 = arith.constant 128 : i32
    %dma_start3A_121 = arith.constant 1 : i32
    %dma_start3A_122 = arith.constant 0 : i32
    %dma_start3A_123 = tpu.memref_slice %arg9[%dma_start3A_121, %dma_start3A_122] : memref<6x128xi32, #tpu.memory_space<vmem>> -> memref<1x128xi32, #tpu.memory_space<vmem>>
    %dma_start3A_124 = tpu.memref_squeeze %dma_start3A_123 : memref<1x128xi32, #tpu.memory_space<vmem>> -> memref<128xi32, #tpu.memory_space<vmem>>
    %dma_start3A_125 = arith.constant 0 : i32
    %dma_start3A_126 = arith.constant 0 : i32
    %dma_start3A_127 = tpu.memref_slice %arg22[%dma_start3A_125, %dma_start3A_126] : memref<112x128xf32, #tpu.memory_space<vmem_shared>> -> memref<112x128xf32, #tpu.memory_space<vmem_shared>>
    tpu.enqueue_indirect_dma source(%arg8 : memref<128x128xf32, #tpu.memory_space<vmem>>) target(%dma_start3A_127 : memref<112x128xf32, #tpu.memory_space<vmem_shared>>) offsets(%dma_start3A_124 : memref<128xi32, #tpu.memory_space<vmem>>) semaphore(%arg20 : memref<!tpu.dma_semaphore, #tpu.memory_space<semaphore_mem>>) {add = true}
    %dma_wait3A_128 = arith.constant 1 : i32
    %dma_wait3A_129 = arith.constant 0 : i32
    %dma_wait3A_130 = tpu.memref_slice %arg9[%dma_wait3A_128, %dma_wait3A_129] : memref<6x128xi32, #tpu.memory_space<vmem>> -> memref<1x128xi32, #tpu.memory_space<vmem>>
    %dma_wait3A_131 = tpu.memref_squeeze %dma_wait3A_130 : memref<1x128xi32, #tpu.memory_space<vmem>> -> memref<128xi32, #tpu.memory_space<vmem>>
    %dma_wait3A_132 = arith.constant 0 : i32
    %dma_wait3A_133 = arith.constant 0 : i32
    %dma_wait3A_134 = tpu.memref_slice %arg21[%dma_wait3A_132, %dma_wait3A_133] : memref<112x128xf32, #tpu.memory_space<vmem_shared>> -> memref<112x128xf32, #tpu.memory_space<vmem_shared>>
    tpu.wait_indirect_dma semaphore(%arg19 : memref<!tpu.dma_semaphore, #tpu.memory_space<semaphore_mem>>) src(%arg6 : memref<128x128xf32, #tpu.memory_space<vmem>>) dst(%dma_wait3A_134 : memref<112x128xf32, #tpu.memory_space<vmem_shared>>)
    %mul3A_135 = arith.constant 512 : i32
    %mul3A_136 = arith.muli %arg1, %mul3A_135 : i32
    %add3A_137 = arith.constant 384 : i32
    %add3A_138 = arith.addi %mul3A_136, %add3A_137 : i32
    %dma_start3A_139 = arith.constant 0 : i32
    %dma_start3A_140 = tpu.memref_slice %arg2[%add3A_138, %dma_start3A_139] : memref<8192x128xf32, #tpu.memory_space<hbm>> -> memref<128x128xf32, #tpu.memory_space<hbm>>
    %dma_start3A_141 = arith.constant 0 : i32
    %dma_start3A_142 = tpu.memref_slice %arg2[%add3A_138, %dma_start3A_141] : memref<8192x128xf32, #tpu.memory_space<hbm>> -> memref<128x128xf32, #tpu.memory_space<hbm>>
    tpu.enqueue_dma source(%dma_start3A_142 : memref<128x128xf32, #tpu.memory_space<hbm>>) target(%arg6 : memref<128x128xf32, #tpu.memory_space<vmem>>) target_semaphore(%arg16 : memref<!tpu.dma_semaphore, #tpu.memory_space<semaphore_mem>>)
    %dma_wait3A_143 = arith.constant 0 : i32
    %dma_wait3A_144 = tpu.memref_slice %arg2[%add3A_99, %dma_wait3A_143] : memref<8192x128xf32, #tpu.memory_space<hbm>> -> memref<128x128xf32, #tpu.memory_space<hbm>>
    %dma_wait3A_145 = arith.constant 0 : i32
    %dma_wait3A_146 = tpu.memref_slice %arg2[%add3A_99, %dma_wait3A_145] : memref<8192x128xf32, #tpu.memory_space<hbm>> -> memref<128x128xf32, #tpu.memory_space<hbm>>
    tpu.wait_dma2 semaphore(%arg15 : memref<!tpu.dma_semaphore, #tpu.memory_space<semaphore_mem>>) src(%dma_wait3A_146 : memref<128x128xf32, #tpu.memory_space<hbm>>) dst(%arg5 : memref<128x128xf32, #tpu.memory_space<vmem>>)
    %dma_start3A_147 = arith.constant 2 : i32
    %dma_start3A_148 = arith.constant 0 : i32
    %dma_start3A_149 = tpu.memref_slice %arg9[%dma_start3A_147, %dma_start3A_148] : memref<6x128xi32, #tpu.memory_space<vmem>> -> memref<1x128xi32, #tpu.memory_space<vmem>>
    %dma_start3A_150 = tpu.memref_squeeze %dma_start3A_149 : memref<1x128xi32, #tpu.memory_space<vmem>> -> memref<128xi32, #tpu.memory_space<vmem>>
    %dma_start3A_151 = arith.constant 0 : i32
    %dma_start3A_152 = arith.constant 0 : i32
    %dma_start3A_153 = tpu.memref_slice %arg21[%dma_start3A_151, %dma_start3A_152] : memref<112x128xf32, #tpu.memory_space<vmem_shared>> -> memref<112x128xf32, #tpu.memory_space<vmem_shared>>
    tpu.enqueue_indirect_dma source(%arg5 : memref<128x128xf32, #tpu.memory_space<vmem>>) target(%dma_start3A_153 : memref<112x128xf32, #tpu.memory_space<vmem_shared>>) offsets(%dma_start3A_150 : memref<128xi32, #tpu.memory_space<vmem>>) semaphore(%arg19 : memref<!tpu.dma_semaphore, #tpu.memory_space<semaphore_mem>>) {add = true}
    %dma_wait3A_154 = arith.constant 0 : i32
    %dma_wait3A_155 = arith.constant 0 : i32
    %dma_wait3A_156 = tpu.memref_slice %arg9[%dma_wait3A_154, %dma_wait3A_155] : memref<6x128xi32, #tpu.memory_space<vmem>> -> memref<1x128xi32, #tpu.memory_space<vmem>>
    %dma_wait3A_157 = tpu.memref_squeeze %dma_wait3A_156 : memref<1x128xi32, #tpu.memory_space<vmem>> -> memref<128xi32, #tpu.memory_space<vmem>>
    %dma_wait3A_158 = arith.constant 0 : i32
    %dma_wait3A_159 = arith.constant 0 : i32
    %dma_wait3A_160 = tpu.memref_slice %arg22[%dma_wait3A_158, %dma_wait3A_159] : memref<112x128xf32, #tpu.memory_space<vmem_shared>> -> memref<112x128xf32, #tpu.memory_space<vmem_shared>>
    tpu.wait_indirect_dma semaphore(%arg20 : memref<!tpu.dma_semaphore, #tpu.memory_space<semaphore_mem>>) src(%arg7 : memref<128x128xf32, #tpu.memory_space<vmem>>) dst(%dma_wait3A_160 : memref<112x128xf32, #tpu.memory_space<vmem_shared>>)
    %scan3A_161 = arith.constant 0 : i32
    %scan3A_162 = arith.constant 0 : i32
    %scan3A_163 = arith.constant 128 : i32
    %scan3A_164 = arith.addi %scan3A_162, %scan3A_163 : i32
    %scan3A_165 = arith.constant 1 : i32
    scf.for %scan3A_3723 = %scan3A_162 to %scan3A_164 step %scan3A_165  : i32 {
      %get3A_3724 = arith.index_cast %scan3A_3723 : i32 to index
      %get3A_3725 = arith.constant 0 : index
      %get3A_3726 = tpu.vector_load %arg5[%get3A_3724, %get3A_3725] {strides = array<i32>} : memref<128x128xf32, #tpu.memory_space<vmem>>, vector<1x16xf32>,
      %get3A_3727 = vector.shape_cast %get3A_3726 : vector<1x16xf32> to vector<16xf32>
      %mul3A_3728 = arith.mulf %get3A_3727, %get3A_3727 : vector<16xf32>
      %swap3A_3729 = arith.index_cast %scan3A_3723 : i32 to index
      %swap3A_3730 = arith.constant 0 : index
      %swap3A_3731 = tpu.vector_load %arg7[%swap3A_3729, %swap3A_3730] {strides = array<i32>} : memref<128x128xf32, #tpu.memory_space<vmem>>, vector<1x16xf32>,
      %swap3A_3732 = vector.shape_cast %swap3A_3731 : vector<1x16xf32> to vector<16xf32>
      %swap3A_3733 = vector.shape_cast %mul3A_3728 : vector<16xf32> to vector<1x16xf32>
      tpu.vector_store %arg7[%swap3A_3729, %swap3A_3730], %swap3A_3733 {strides = array<i32>} : memref<128x128xf32, #tpu.memory_space<vmem>>, vector<1x16xf32>,
      %get3A_3734 = arith.index_cast %scan3A_3723 : i32 to index
      %get3A_3735 = arith.constant 16 : index
      %get3A_3736 = tpu.vector_load %arg5[%get3A_3734, %get3A_3735] {strides = array<i32>} : memref<128x128xf32, #tpu.memory_space<vmem>>, vector<1x16xf32>,
      %get3A_3737 = vector.shape_cast %get3A_3736 : vector<1x16xf32> to vector<16xf32>
      %mul3A_3738 = arith.mulf %get3A_3737, %get3A_3737 : vector<16xf32>
      %swap3A_3739 = arith.index_cast %scan3A_3723 : i32 to index
      %swap3A_3740 = arith.constant 16 : index
      %swap3A_3741 = tpu.vector_load %arg7[%swap3A_3739, %swap3A_3740] {strides = array<i32>} : memref<128x128xf32, #tpu.memory_space<vmem>>, vector<1x16xf32>,
      %swap3A_3742 = vector.shape_cast %swap3A_3741 : vector<1x16xf32> to vector<16xf32>
      %swap3A_3743 = vector.shape_cast %mul3A_3738 : vector<16xf32> to vector<1x16xf32>
      tpu.vector_store %arg7[%swap3A_3739, %swap3A_3740], %swap3A_3743 {strides = array<i32>} : memref<128x128xf32, #tpu.memory_space<vmem>>, vector<1x16xf32>,
      %get3A_3744 = arith.index_cast %scan3A_3723 : i32 to index
      %get3A_3745 = arith.constant 32 : index
      %get3A_3746 = tpu.vector_load %arg5[%get3A_3744, %get3A_3745] {strides = array<i32>} : memref<128x128xf32, #tpu.memory_space<vmem>>, vector<1x16xf32>,
      %get3A_3747 = vector.shape_cast %get3A_3746 : vector<1x16xf32> to vector<16xf32>
      %mul3A_3748 = arith.mulf %get3A_3747, %get3A_3747 : vector<16xf32>
      %swap3A_3749 = arith.index_cast %scan3A_3723 : i32 to index
      %swap3A_3750 = arith.constant 32 : index
      %swap3A_3751 = tpu.vector_load %arg7[%swap3A_3749, %swap3A_3750] {strides = array<i32>} : memref<128x128xf32, #tpu.memory_space<vmem>>, vector<1x16xf32>,
      %swap3A_3752 = vector.shape_cast %swap3A_3751 : vector<1x16xf32> to vector<16xf32>
      %swap3A_3753 = vector.shape_cast %mul3A_3748 : vector<16xf32> to vector<1x16xf32>
      tpu.vector_store %arg7[%swap3A_3749, %swap3A_3750], %swap3A_3753 {strides = array<i32>} : memref<128x128xf32, #tpu.memory_space<vmem>>, vector<1x16xf32>,
      %get3A_3754 = arith.index_cast %scan3A_3723 : i32 to index
      %get3A_3755 = arith.constant 48 : index
      %get3A_3756 = tpu.vector_load %arg5[%get3A_3754, %get3A_3755] {strides = array<i32>} : memref<128x128xf32, #tpu.memory_space<vmem>>, vector<1x16xf32>,
      %get3A_3757 = vector.shape_cast %get3A_3756 : vector<1x16xf32> to vector<16xf32>
      %mul3A_3758 = arith.mulf %get3A_3757, %get3A_3757 : vector<16xf32>
      %swap3A_3759 = arith.index_cast %scan3A_3723 : i32 to index
      %swap3A_3760 = arith.constant 48 : index
      %swap3A_3761 = tpu.vector_load %arg7[%swap3A_3759, %swap3A_3760] {strides = array<i32>} : memref<128x128xf32, #tpu.memory_space<vmem>>, vector<1x16xf32>,
      %swap3A_3762 = vector.shape_cast %swap3A_3761 : vector<1x16xf32> to vector<16xf32>
      %swap3A_3763 = vector.shape_cast %mul3A_3758 : vector<16xf32> to vector<1x16xf32>
      tpu.vector_store %arg7[%swap3A_3759, %swap3A_3760], %swap3A_3763 {strides = array<i32>} : memref<128x128xf32, #tpu.memory_space<vmem>>, vector<1x16xf32>,
      %get3A_3764 = arith.index_cast %scan3A_3723 : i32 to index
      %get3A_3765 = arith.constant 64 : index
      %get3A_3766 = tpu.vector_load %arg5[%get3A_3764, %get3A_3765] {strides = array<i32>} : memref<128x128xf32, #tpu.memory_space<vmem>>, vector<1x16xf32>,
      %get3A_3767 = vector.shape_cast %get3A_3766 : vector<1x16xf32> to vector<16xf32>
      %mul3A_3768 = arith.mulf %get3A_3767, %get3A_3767 : vector<16xf32>
      %swap3A_3769 = arith.index_cast %scan3A_3723 : i32 to index
      %swap3A_3770 = arith.constant 64 : index
      %swap3A_3771 = tpu.vector_load %arg7[%swap3A_3769, %swap3A_3770] {strides = array<i32>} : memref<128x128xf32, #tpu.memory_space<vmem>>, vector<1x16xf32>,
      %swap3A_3772 = vector.shape_cast %swap3A_3771 : vector<1x16xf32> to vector<16xf32>
      %swap3A_3773 = vector.shape_cast %mul3A_3768 : vector<16xf32> to vector<1x16xf32>
      tpu.vector_store %arg7[%swap3A_3769, %swap3A_3770], %swap3A_3773 {strides = array<i32>} : memref<128x128xf32, #tpu.memory_space<vmem>>, vector<1x16xf32>,
      %get3A_3774 = arith.index_cast %scan3A_3723 : i32 to index
      %get3A_3775 = arith.constant 80 : index
      %get3A_3776 = tpu.vector_load %arg5[%get3A_3774, %get3A_3775] {strides = array<i32>} : memref<128x128xf32, #tpu.memory_space<vmem>>, vector<1x16xf32>,
      %get3A_3777 = vector.shape_cast %get3A_3776 : vector<1x16xf32> to vector<16xf32>
      %mul3A_3778 = arith.mulf %get3A_3777, %get3A_3777 : vector<16xf32>
      %swap3A_3779 = arith.index_cast %scan3A_3723 : i32 to index
      %swap3A_3780 = arith.constant 80 : index
      %swap3A_3781 = tpu.vector_load %arg7[%swap3A_3779, %swap3A_3780] {strides = array<i32>} : memref<128x128xf32, #tpu.memory_space<vmem>>, vector<1x16xf32>,
      %swap3A_3782 = vector.shape_cast %swap3A_3781 : vector<1x16xf32> to vector<16xf32>
      %swap3A_3783 = vector.shape_cast %mul3A_3778 : vector<16xf32> to vector<1x16xf32>
      tpu.vector_store %arg7[%swap3A_3779, %swap3A_3780], %swap3A_3783 {strides = array<i32>} : memref<128x128xf32, #tpu.memory_space<vmem>>, vector<1x16xf32>,
      %get3A_3784 = arith.index_cast %scan3A_3723 : i32 to index
      %get3A_3785 = arith.constant 96 : index
      %get3A_3786 = tpu.vector_load %arg5[%get3A_3784, %get3A_3785] {strides = array<i32>} : memref<128x128xf32, #tpu.memory_space<vmem>>, vector<1x16xf32>,
      %get3A_3787 = vector.shape_cast %get3A_3786 : vector<1x16xf32> to vector<16xf32>
      %mul3A_3788 = arith.mulf %get3A_3787, %get3A_3787 : vector<16xf32>
      %swap3A_3789 = arith.index_cast %scan3A_3723 : i32 to index
      %swap3A_3790 = arith.constant 96 : index
      %swap3A_3791 = tpu.vector_load %arg7[%swap3A_3789, %swap3A_3790] {strides = array<i32>} : memref<128x128xf32, #tpu.memory_space<vmem>>, vector<1x16xf32>,
      %swap3A_3792 = vector.shape_cast %swap3A_3791 : vector<1x16xf32> to vector<16xf32>
      %swap3A_3793 = vector.shape_cast %mul3A_3788 : vector<16xf32> to vector<1x16xf32>
      tpu.vector_store %arg7[%swap3A_3789, %swap3A_3790], %swap3A_3793 {strides = array<i32>} : memref<128x128xf32, #tpu.memory_space<vmem>>, vector<1x16xf32>,
      %get3A_3794 = arith.index_cast %scan3A_3723 : i32 to index
      %get3A_3795 = arith.constant 112 : index
      %get3A_3796 = tpu.vector_load %arg5[%get3A_3794, %get3A_3795] {strides = array<i32>} : memref<128x128xf32, #tpu.memory_space<vmem>>, vector<1x16xf32>,
      %get3A_3797 = vector.shape_cast %get3A_3796 : vector<1x16xf32> to vector<16xf32>
      %mul3A_3798 = arith.mulf %get3A_3797, %get3A_3797 : vector<16xf32>
      %swap3A_3799 = arith.index_cast %scan3A_3723 : i32 to index
      %swap3A_3800 = arith.constant 112 : index
      %swap3A_3801 = tpu.vector_load %arg7[%swap3A_3799, %swap3A_3800] {strides = array<i32>} : memref<128x128xf32, #tpu.memory_space<vmem>>, vector<1x16xf32>,
      %swap3A_3802 = vector.shape_cast %swap3A_3801 : vector<1x16xf32> to vector<16xf32>
      %swap3A_3803 = vector.shape_cast %mul3A_3798 : vector<16xf32> to vector<1x16xf32>
      tpu.vector_store %arg7[%swap3A_3799, %swap3A_3800], %swap3A_3803 {strides = array<i32>} : memref<128x128xf32, #tpu.memory_space<vmem>>, vector<1x16xf32>,
    }
    %scan3A_166 = arith.constant 128 : i32
    %dma_start3A_167 = arith.constant 2 : i32
    %dma_start3A_168 = arith.constant 0 : i32
    %dma_start3A_169 = tpu.memref_slice %arg9[%dma_start3A_167, %dma_start3A_168] : memref<6x128xi32, #tpu.memory_space<vmem>> -> memref<1x128xi32, #tpu.memory_space<vmem>>
    %dma_start3A_170 = tpu.memref_squeeze %dma_start3A_169 : memref<1x128xi32, #tpu.memory_space<vmem>> -> memref<128xi32, #tpu.memory_space<vmem>>
    %dma_start3A_171 = arith.constant 0 : i32
    %dma_start3A_172 = arith.constant 0 : i32
    %dma_start3A_173 = tpu.memref_slice %arg22[%dma_start3A_171, %dma_start3A_172] : memref<112x128xf32, #tpu.memory_space<vmem_shared>> -> memref<112x128xf32, #tpu.memory_space<vmem_shared>>
    tpu.enqueue_indirect_dma source(%arg7 : memref<128x128xf32, #tpu.memory_space<vmem>>) target(%dma_start3A_173 : memref<112x128xf32, #tpu.memory_space<vmem_shared>>) offsets(%dma_start3A_170 : memref<128xi32, #tpu.memory_space<vmem>>) semaphore(%arg20 : memref<!tpu.dma_semaphore, #tpu.memory_space<semaphore_mem>>) {add = true}
    %dma_wait3A_174 = arith.constant 2 : i32
    %dma_wait3A_175 = arith.constant 0 : i32
    %dma_wait3A_176 = tpu.memref_slice %arg9[%dma_wait3A_174, %dma_wait3A_175] : memref<6x128xi32, #tpu.memory_space<vmem>> -> memref<1x128xi32, #tpu.memory_space<vmem>>
    %dma_wait3A_177 = tpu.memref_squeeze %dma_wait3A_176 : memref<1x128xi32, #tpu.memory_space<vmem>> -> memref<128xi32, #tpu.memory_space<vmem>>
    %dma_wait3A_178 = arith.constant 0 : i32
    %dma_wait3A_179 = arith.constant 0 : i32
    %dma_wait3A_180 = tpu.memref_slice %arg21[%dma_wait3A_178, %dma_wait3A_179] : memref<112x128xf32, #tpu.memory_space<vmem_shared>> -> memref<112x128xf32, #tpu.memory_space<vmem_shared>>
    tpu.wait_indirect_dma semaphore(%arg19 : memref<!tpu.dma_semaphore, #tpu.memory_space<semaphore_mem>>) src(%arg5 : memref<128x128xf32, #tpu.memory_space<vmem>>) dst(%dma_wait3A_180 : memref<112x128xf32, #tpu.memory_space<vmem_shared>>)
    %dma_wait3A_181 = arith.constant 0 : i32
    %dma_wait3A_182 = tpu.memref_slice %arg2[%add3A_138, %dma_wait3A_181] : memref<8192x128xf32, #tpu.memory_space<hbm>> -> memref<128x128xf32, #tpu.memory_space<hbm>>
    %dma_wait3A_183 = arith.constant 0 : i32
    %dma_wait3A_184 = tpu.memref_slice %arg2[%add3A_138, %dma_wait3A_183] : memref<8192x128xf32, #tpu.memory_space<hbm>> -> memref<128x128xf32, #tpu.memory_space<hbm>>
    tpu.wait_dma2 semaphore(%arg16 : memref<!tpu.dma_semaphore, #tpu.memory_space<semaphore_mem>>) src(%dma_wait3A_184 : memref<128x128xf32, #tpu.memory_space<hbm>>) dst(%arg6 : memref<128x128xf32, #tpu.memory_space<vmem>>)
    %dma_start3A_185 = arith.constant 3 : i32
    %dma_start3A_186 = arith.constant 0 : i32
    %dma_start3A_187 = tpu.memref_slice %arg9[%dma_start3A_185, %dma_start3A_186] : memref<6x128xi32, #tpu.memory_space<vmem>> -> memref<1x128xi32, #tpu.memory_space<vmem>>
    %dma_start3A_188 = tpu.memref_squeeze %dma_start3A_187 : memref<1x128xi32, #tpu.memory_space<vmem>> -> memref<128xi32, #tpu.memory_space<vmem>>
    %dma_start3A_189 = arith.constant 0 : i32
    %dma_start3A_190 = arith.constant 0 : i32
    %dma_start3A_191 = tpu.memref_slice %arg21[%dma_start3A_189, %dma_start3A_190] : memref<112x128xf32, #tpu.memory_space<vmem_shared>> -> memref<112x128xf32, #tpu.memory_space<vmem_shared>>
    tpu.enqueue_indirect_dma source(%arg6 : memref<128x128xf32, #tpu.memory_space<vmem>>) target(%dma_start3A_191 : memref<112x128xf32, #tpu.memory_space<vmem_shared>>) offsets(%dma_start3A_188 : memref<128xi32, #tpu.memory_space<vmem>>) semaphore(%arg19 : memref<!tpu.dma_semaphore, #tpu.memory_space<semaphore_mem>>) {add = true}
    %dma_wait3A_192 = arith.constant 1 : i32
    %dma_wait3A_193 = arith.constant 0 : i32
    %dma_wait3A_194 = tpu.memref_slice %arg9[%dma_wait3A_192, %dma_wait3A_193] : memref<6x128xi32, #tpu.memory_space<vmem>> -> memref<1x128xi32, #tpu.memory_space<vmem>>
    %dma_wait3A_195 = tpu.memref_squeeze %dma_wait3A_194 : memref<1x128xi32, #tpu.memory_space<vmem>> -> memref<128xi32, #tpu.memory_space<vmem>>
    %dma_wait3A_196 = arith.constant 0 : i32
    %dma_wait3A_197 = arith.constant 0 : i32
    %dma_wait3A_198 = tpu.memref_slice %arg22[%dma_wait3A_196, %dma_wait3A_197] : memref<112x128xf32, #tpu.memory_space<vmem_shared>> -> memref<112x128xf32, #tpu.memory_space<vmem_shared>>
    tpu.wait_indirect_dma semaphore(%arg20 : memref<!tpu.dma_semaphore, #tpu.memory_space<semaphore_mem>>) src(%arg8 : memref<128x128xf32, #tpu.memory_space<vmem>>) dst(%dma_wait3A_198 : memref<112x128xf32, #tpu.memory_space<vmem_shared>>)
    %scan3A_199 = arith.constant 0 : i32
    %scan3A_200 = arith.constant 0 : i32
    %scan3A_201 = arith.constant 128 : i32
    %scan3A_202 = arith.addi %scan3A_200, %scan3A_201 : i32
    %scan3A_203 = arith.constant 1 : i32
    scf.for %scan3A_3723 = %scan3A_200 to %scan3A_202 step %scan3A_203  : i32 {
      %get3A_3724 = arith.index_cast %scan3A_3723 : i32 to index
      %get3A_3725 = arith.constant 0 : index
      %get3A_3726 = tpu.vector_load %arg6[%get3A_3724, %get3A_3725] {strides = array<i32>} : memref<128x128xf32, #tpu.memory_space<vmem>>, vector<1x16xf32>,
      %get3A_3727 = vector.shape_cast %get3A_3726 : vector<1x16xf32> to vector<16xf32>
      %mul3A_3728 = arith.mulf %get3A_3727, %get3A_3727 : vector<16xf32>
      %swap3A_3729 = arith.index_cast %scan3A_3723 : i32 to index
      %swap3A_3730 = arith.constant 0 : index
      %swap3A_3731 = tpu.vector_load %arg8[%swap3A_3729, %swap3A_3730] {strides = array<i32>} : memref<128x128xf32, #tpu.memory_space<vmem>>, vector<1x16xf32>,
      %swap3A_3732 = vector.shape_cast %swap3A_3731 : vector<1x16xf32> to vector<16xf32>
      %swap3A_3733 = vector.shape_cast %mul3A_3728 : vector<16xf32> to vector<1x16xf32>
      tpu.vector_store %arg8[%swap3A_3729, %swap3A_3730], %swap3A_3733 {strides = array<i32>} : memref<128x128xf32, #tpu.memory_space<vmem>>, vector<1x16xf32>,
      %get3A_3734 = arith.index_cast %scan3A_3723 : i32 to index
      %get3A_3735 = arith.constant 16 : index
      %get3A_3736 = tpu.vector_load %arg6[%get3A_3734, %get3A_3735] {strides = array<i32>} : memref<128x128xf32, #tpu.memory_space<vmem>>, vector<1x16xf32>,
      %get3A_3737 = vector.shape_cast %get3A_3736 : vector<1x16xf32> to vector<16xf32>
      %mul3A_3738 = arith.mulf %get3A_3737, %get3A_3737 : vector<16xf32>
      %swap3A_3739 = arith.index_cast %scan3A_3723 : i32 to index
      %swap3A_3740 = arith.constant 16 : index
      %swap3A_3741 = tpu.vector_load %arg8[%swap3A_3739, %swap3A_3740] {strides = array<i32>} : memref<128x128xf32, #tpu.memory_space<vmem>>, vector<1x16xf32>,
      %swap3A_3742 = vector.shape_cast %swap3A_3741 : vector<1x16xf32> to vector<16xf32>
      %swap3A_3743 = vector.shape_cast %mul3A_3738 : vector<16xf32> to vector<1x16xf32>
      tpu.vector_store %arg8[%swap3A_3739, %swap3A_3740], %swap3A_3743 {strides = array<i32>} : memref<128x128xf32, #tpu.memory_space<vmem>>, vector<1x16xf32>,
      %get3A_3744 = arith.index_cast %scan3A_3723 : i32 to index
      %get3A_3745 = arith.constant 32 : index
      %get3A_3746 = tpu.vector_load %arg6[%get3A_3744, %get3A_3745] {strides = array<i32>} : memref<128x128xf32, #tpu.memory_space<vmem>>, vector<1x16xf32>,
      %get3A_3747 = vector.shape_cast %get3A_3746 : vector<1x16xf32> to vector<16xf32>
      %mul3A_3748 = arith.mulf %get3A_3747, %get3A_3747 : vector<16xf32>
      %swap3A_3749 = arith.index_cast %scan3A_3723 : i32 to index
      %swap3A_3750 = arith.constant 32 : index
      %swap3A_3751 = tpu.vector_load %arg8[%swap3A_3749, %swap3A_3750] {strides = array<i32>} : memref<128x128xf32, #tpu.memory_space<vmem>>, vector<1x16xf32>,
      %swap3A_3752 = vector.shape_cast %swap3A_3751 : vector<1x16xf32> to vector<16xf32>
      %swap3A_3753 = vector.shape_cast %mul3A_3748 : vector<16xf32> to vector<1x16xf32>
      tpu.vector_store %arg8[%swap3A_3749, %swap3A_3750], %swap3A_3753 {strides = array<i32>} : memref<128x128xf32, #tpu.memory_space<vmem>>, vector<1x16xf32>,
      %get3A_3754 = arith.index_cast %scan3A_3723 : i32 to index
      %get3A_3755 = arith.constant 48 : index
      %get3A_3756 = tpu.vector_load %arg6[%get3A_3754, %get3A_3755] {strides = array<i32>} : memref<128x128xf32, #tpu.memory_space<vmem>>, vector<1x16xf32>,
      %get3A_3757 = vector.shape_cast %get3A_3756 : vector<1x16xf32> to vector<16xf32>
      %mul3A_3758 = arith.mulf %get3A_3757, %get3A_3757 : vector<16xf32>
      %swap3A_3759 = arith.index_cast %scan3A_3723 : i32 to index
      %swap3A_3760 = arith.constant 48 : index
      %swap3A_3761 = tpu.vector_load %arg8[%swap3A_3759, %swap3A_3760] {strides = array<i32>} : memref<128x128xf32, #tpu.memory_space<vmem>>, vector<1x16xf32>,
      %swap3A_3762 = vector.shape_cast %swap3A_3761 : vector<1x16xf32> to vector<16xf32>
      %swap3A_3763 = vector.shape_cast %mul3A_3758 : vector<16xf32> to vector<1x16xf32>
      tpu.vector_store %arg8[%swap3A_3759, %swap3A_3760], %swap3A_3763 {strides = array<i32>} : memref<128x128xf32, #tpu.memory_space<vmem>>, vector<1x16xf32>,
      %get3A_3764 = arith.index_cast %scan3A_3723 : i32 to index
      %get3A_3765 = arith.constant 64 : index
      %get3A_3766 = tpu.vector_load %arg6[%get3A_3764, %get3A_3765] {strides = array<i32>} : memref<128x128xf32, #tpu.memory_space<vmem>>, vector<1x16xf32>,
      %get3A_3767 = vector.shape_cast %get3A_3766 : vector<1x16xf32> to vector<16xf32>
      %mul3A_3768 = arith.mulf %get3A_3767, %get3A_3767 : vector<16xf32>
      %swap3A_3769 = arith.index_cast %scan3A_3723 : i32 to index
      %swap3A_3770 = arith.constant 64 : index
      %swap3A_3771 = tpu.vector_load %arg8[%swap3A_3769, %swap3A_3770] {strides = array<i32>} : memref<128x128xf32, #tpu.memory_space<vmem>>, vector<1x16xf32>,
      %swap3A_3772 = vector.shape_cast %swap3A_3771 : vector<1x16xf32> to vector<16xf32>
      %swap3A_3773 = vector.shape_cast %mul3A_3768 : vector<16xf32> to vector<1x16xf32>
      tpu.vector_store %arg8[%swap3A_3769, %swap3A_3770], %swap3A_3773 {strides = array<i32>} : memref<128x128xf32, #tpu.memory_space<vmem>>, vector<1x16xf32>,
      %get3A_3774 = arith.index_cast %scan3A_3723 : i32 to index
      %get3A_3775 = arith.constant 80 : index
      %get3A_3776 = tpu.vector_load %arg6[%get3A_3774, %get3A_3775] {strides = array<i32>} : memref<128x128xf32, #tpu.memory_space<vmem>>, vector<1x16xf32>,
      %get3A_3777 = vector.shape_cast %get3A_3776 : vector<1x16xf32> to vector<16xf32>
      %mul3A_3778 = arith.mulf %get3A_3777, %get3A_3777 : vector<16xf32>
      %swap3A_3779 = arith.index_cast %scan3A_3723 : i32 to index
      %swap3A_3780 = arith.constant 80 : index
      %swap3A_3781 = tpu.vector_load %arg8[%swap3A_3779, %swap3A_3780] {strides = array<i32>} : memref<128x128xf32, #tpu.memory_space<vmem>>, vector<1x16xf32>,
      %swap3A_3782 = vector.shape_cast %swap3A_3781 : vector<1x16xf32> to vector<16xf32>
      %swap3A_3783 = vector.shape_cast %mul3A_3778 : vector<16xf32> to vector<1x16xf32>
      tpu.vector_store %arg8[%swap3A_3779, %swap3A_3780], %swap3A_3783 {strides = array<i32>} : memref<128x128xf32, #tpu.memory_space<vmem>>, vector<1x16xf32>,
      %get3A_3784 = arith.index_cast %scan3A_3723 : i32 to index
      %get3A_3785 = arith.constant 96 : index
      %get3A_3786 = tpu.vector_load %arg6[%get3A_3784, %get3A_3785] {strides = array<i32>} : memref<128x128xf32, #tpu.memory_space<vmem>>, vector<1x16xf32>,
      %get3A_3787 = vector.shape_cast %get3A_3786 : vector<1x16xf32> to vector<16xf32>
      %mul3A_3788 = arith.mulf %get3A_3787, %get3A_3787 : vector<16xf32>
      %swap3A_3789 = arith.index_cast %scan3A_3723 : i32 to index
      %swap3A_3790 = arith.constant 96 : index
      %swap3A_3791 = tpu.vector_load %arg8[%swap3A_3789, %swap3A_3790] {strides = array<i32>} : memref<128x128xf32, #tpu.memory_space<vmem>>, vector<1x16xf32>,
      %swap3A_3792 = vector.shape_cast %swap3A_3791 : vector<1x16xf32> to vector<16xf32>
      %swap3A_3793 = vector.shape_cast %mul3A_3788 : vector<16xf32> to vector<1x16xf32>
      tpu.vector_store %arg8[%swap3A_3789, %swap3A_3790], %swap3A_3793 {strides = array<i32>} : memref<128x128xf32, #tpu.memory_space<vmem>>, vector<1x16xf32>,
      %get3A_3794 = arith.index_cast %scan3A_3723 : i32 to index
      %get3A_3795 = arith.constant 112 : index
      %get3A_3796 = tpu.vector_load %arg6[%get3A_3794, %get3A_3795] {strides = array<i32>} : memref<128x128xf32, #tpu.memory_space<vmem>>, vector<1x16xf32>,
      %get3A_3797 = vector.shape_cast %get3A_3796 : vector<1x16xf32> to vector<16xf32>
      %mul3A_3798 = arith.mulf %get3A_3797, %get3A_3797 : vector<16xf32>
      %swap3A_3799 = arith.index_cast %scan3A_3723 : i32 to index
      %swap3A_3800 = arith.constant 112 : index
      %swap3A_3801 = tpu.vector_load %arg8[%swap3A_3799, %swap3A_3800] {strides = array<i32>} : memref<128x128xf32, #tpu.memory_space<vmem>>, vector<1x16xf32>,
      %swap3A_3802 = vector.shape_cast %swap3A_3801 : vector<1x16xf32> to vector<16xf32>
      %swap3A_3803 = vector.shape_cast %mul3A_3798 : vector<16xf32> to vector<1x16xf32>
      tpu.vector_store %arg8[%swap3A_3799, %swap3A_3800], %swap3A_3803 {strides = array<i32>} : memref<128x128xf32, #tpu.memory_space<vmem>>, vector<1x16xf32>,
    }
    %scan3A_204 = arith.constant 128 : i32
    %dma_start3A_205 = arith.constant 3 : i32
    %dma_start3A_206 = arith.constant 0 : i32
    %dma_start3A_207 = tpu.memref_slice %arg9[%dma_start3A_205, %dma_start3A_206] : memref<6x128xi32, #tpu.memory_space<vmem>> -> memref<1x128xi32, #tpu.memory_space<vmem>>
    %dma_start3A_208 = tpu.memref_squeeze %dma_start3A_207 : memref<1x128xi32, #tpu.memory_space<vmem>> -> memref<128xi32, #tpu.memory_space<vmem>>
    %dma_start3A_209 = arith.constant 0 : i32
    %dma_start3A_210 = arith.constant 0 : i32
    %dma_start3A_211 = tpu.memref_slice %arg22[%dma_start3A_209, %dma_start3A_210] : memref<112x128xf32, #tpu.memory_space<vmem_shared>> -> memref<112x128xf32, #tpu.memory_space<vmem_shared>>
    tpu.enqueue_indirect_dma source(%arg8 : memref<128x128xf32, #tpu.memory_space<vmem>>) target(%dma_start3A_211 : memref<112x128xf32, #tpu.memory_space<vmem_shared>>) offsets(%dma_start3A_208 : memref<128xi32, #tpu.memory_space<vmem>>) semaphore(%arg20 : memref<!tpu.dma_semaphore, #tpu.memory_space<semaphore_mem>>) {add = true}
    %dma_wait3A_212 = arith.constant 3 : i32
    %dma_wait3A_213 = arith.constant 0 : i32
    %dma_wait3A_214 = tpu.memref_slice %arg9[%dma_wait3A_212, %dma_wait3A_213] : memref<6x128xi32, #tpu.memory_space<vmem>> -> memref<1x128xi32, #tpu.memory_space<vmem>>
    %dma_wait3A_215 = tpu.memref_squeeze %dma_wait3A_214 : memref<1x128xi32, #tpu.memory_space<vmem>> -> memref<128xi32, #tpu.memory_space<vmem>>
    %dma_wait3A_216 = arith.constant 0 : i32
    %dma_wait3A_217 = arith.constant 0 : i32
    %dma_wait3A_218 = tpu.memref_slice %arg21[%dma_wait3A_216, %dma_wait3A_217] : memref<112x128xf32, #tpu.memory_space<vmem_shared>> -> memref<112x128xf32, #tpu.memory_space<vmem_shared>>
    tpu.wait_indirect_dma semaphore(%arg19 : memref<!tpu.dma_semaphore, #tpu.memory_space<semaphore_mem>>) src(%arg6 : memref<128x128xf32, #tpu.memory_space<vmem>>) dst(%dma_wait3A_218 : memref<112x128xf32, #tpu.memory_space<vmem_shared>>)
    %dma_wait3A_219 = arith.constant 2 : i32
    %dma_wait3A_220 = arith.constant 0 : i32
    %dma_wait3A_221 = tpu.memref_slice %arg9[%dma_wait3A_219, %dma_wait3A_220] : memref<6x128xi32, #tpu.memory_space<vmem>> -> memref<1x128xi32, #tpu.memory_space<vmem>>
    %dma_wait3A_222 = tpu.memref_squeeze %dma_wait3A_221 : memref<1x128xi32, #tpu.memory_space<vmem>> -> memref<128xi32, #tpu.memory_space<vmem>>
    %dma_wait3A_223 = arith.constant 0 : i32
    %dma_wait3A_224 = arith.constant 0 : i32
    %dma_wait3A_225 = tpu.memref_slice %arg22[%dma_wait3A_223, %dma_wait3A_224] : memref<112x128xf32, #tpu.memory_space<vmem_shared>> -> memref<112x128xf32, #tpu.memory_space<vmem_shared>>
    tpu.wait_indirect_dma semaphore(%arg20 : memref<!tpu.dma_semaphore, #tpu.memory_space<semaphore_mem>>) src(%arg7 : memref<128x128xf32, #tpu.memory_space<vmem>>) dst(%dma_wait3A_225 : memref<112x128xf32, #tpu.memory_space<vmem_shared>>)
    %dma_wait3A_226 = arith.constant 3 : i32
    %dma_wait3A_227 = arith.constant 0 : i32
    %dma_wait3A_228 = tpu.memref_slice %arg9[%dma_wait3A_226, %dma_wait3A_227] : memref<6x128xi32, #tpu.memory_space<vmem>> -> memref<1x128xi32, #tpu.memory_space<vmem>>
    %dma_wait3A_229 = tpu.memref_squeeze %dma_wait3A_228 : memref<1x128xi32, #tpu.memory_space<vmem>> -> memref<128xi32, #tpu.memory_space<vmem>>
    %dma_wait3A_230 = arith.constant 0 : i32
    %dma_wait3A_231 = arith.constant 0 : i32
    %dma_wait3A_232 = tpu.memref_slice %arg22[%dma_wait3A_230, %dma_wait3A_231] : memref<112x128xf32, #tpu.memory_space<vmem_shared>> -> memref<112x128xf32, #tpu.memory_space<vmem_shared>>
    tpu.wait_indirect_dma semaphore(%arg20 : memref<!tpu.dma_semaphore, #tpu.memory_space<semaphore_mem>>) src(%arg8 : memref<128x128xf32, #tpu.memory_space<vmem>>) dst(%dma_wait3A_232 : memref<112x128xf32, #tpu.memory_space<vmem_shared>>)
    %dma_wait3A_233 = arith.constant 0 : i32
    %dma_wait3A_234 = arith.constant 0 : i32
    %dma_wait3A_235 = tpu.memref_slice %arg9[%dma_wait3A_233, %dma_wait3A_234] : memref<6x128xi32, #tpu.memory_space<vmem>> -> memref<1x128xi32, #tpu.memory_space<vmem>>
    %dma_wait3A_236 = tpu.memref_squeeze %dma_wait3A_235 : memref<1x128xi32, #tpu.memory_space<vmem>> -> memref<128xi32, #tpu.memory_space<vmem>>
    %dma_wait3A_237 = arith.constant 0 : i32
    %dma_wait3A_238 = arith.constant 0 : i32
    %dma_wait3A_239 = tpu.memref_slice %arg23[%dma_wait3A_237, %dma_wait3A_238] : memref<112x128xf32, #tpu.memory_space<vmem_shared>> -> memref<112x128xf32, #tpu.memory_space<vmem_shared>>
    tpu.wait_indirect_dma semaphore(%arg17 : memref<!tpu.dma_semaphore, #tpu.memory_space<semaphore_mem>>) src(%arg10 : memref<128x128xf32, #tpu.memory_space<vmem>>) dst(%dma_wait3A_239 : memref<112x128xf32, #tpu.memory_space<vmem_shared>>)
    %dma_wait3A_240 = arith.constant 1 : i32
    %dma_wait3A_241 = arith.constant 0 : i32
    %dma_wait3A_242 = tpu.memref_slice %arg9[%dma_wait3A_240, %dma_wait3A_241] : memref<6x128xi32, #tpu.memory_space<vmem>> -> memref<1x128xi32, #tpu.memory_space<vmem>>
    %dma_wait3A_243 = tpu.memref_squeeze %dma_wait3A_242 : memref<1x128xi32, #tpu.memory_space<vmem>> -> memref<128xi32, #tpu.memory_space<vmem>>
    %dma_wait3A_244 = arith.constant 0 : i32
    %dma_wait3A_245 = arith.constant 0 : i32
    %dma_wait3A_246 = tpu.memref_slice %arg23[%dma_wait3A_244, %dma_wait3A_245] : memref<112x128xf32, #tpu.memory_space<vmem_shared>> -> memref<112x128xf32, #tpu.memory_space<vmem_shared>>
    tpu.wait_indirect_dma semaphore(%arg17 : memref<!tpu.dma_semaphore, #tpu.memory_space<semaphore_mem>>) src(%arg10 : memref<128x128xf32, #tpu.memory_space<vmem>>) dst(%dma_wait3A_246 : memref<112x128xf32, #tpu.memory_space<vmem_shared>>)
    %dma_wait3A_247 = arith.constant 2 : i32
    %dma_wait3A_248 = arith.constant 0 : i32
    %dma_wait3A_249 = tpu.memref_slice %arg9[%dma_wait3A_247, %dma_wait3A_248] : memref<6x128xi32, #tpu.memory_space<vmem>> -> memref<1x128xi32, #tpu.memory_space<vmem>>
    %dma_wait3A_250 = tpu.memref_squeeze %dma_wait3A_249 : memref<1x128xi32, #tpu.memory_space<vmem>> -> memref<128xi32, #tpu.memory_space<vmem>>
    %dma_wait3A_251 = arith.constant 0 : i32
    %dma_wait3A_252 = arith.constant 0 : i32
    %dma_wait3A_253 = tpu.memref_slice %arg23[%dma_wait3A_251, %dma_wait3A_252] : memref<112x128xf32, #tpu.memory_space<vmem_shared>> -> memref<112x128xf32, #tpu.memory_space<vmem_shared>>
    tpu.wait_indirect_dma semaphore(%arg17 : memref<!tpu.dma_semaphore, #tpu.memory_space<semaphore_mem>>) src(%arg10 : memref<128x128xf32, #tpu.memory_space<vmem>>) dst(%dma_wait3A_253 : memref<112x128xf32, #tpu.memory_space<vmem_shared>>)
    %dma_wait3A_254 = arith.constant 3 : i32
    %dma_wait3A_255 = arith.constant 0 : i32
    %dma_wait3A_256 = tpu.memref_slice %arg9[%dma_wait3A_254, %dma_wait3A_255] : memref<6x128xi32, #tpu.memory_space<vmem>> -> memref<1x128xi32, #tpu.memory_space<vmem>>
    %dma_wait3A_257 = tpu.memref_squeeze %dma_wait3A_256 : memref<1x128xi32, #tpu.memory_space<vmem>> -> memref<128xi32, #tpu.memory_space<vmem>>
    %dma_wait3A_258 = arith.constant 0 : i32
    %dma_wait3A_259 = arith.constant 0 : i32
    %dma_wait3A_260 = tpu.memref_slice %arg23[%dma_wait3A_258, %dma_wait3A_259] : memref<112x128xf32, #tpu.memory_space<vmem_shared>> -> memref<112x128xf32, #tpu.memory_space<vmem_shared>>
    tpu.wait_indirect_dma semaphore(%arg17 : memref<!tpu.dma_semaphore, #tpu.memory_space<semaphore_mem>>) src(%arg10 : memref<128x128xf32, #tpu.memory_space<vmem>>) dst(%dma_wait3A_260 : memref<112x128xf32, #tpu.memory_space<vmem_shared>>)
    %barrier3A_261 = arith.constant 0 : index
    tpu.barrier barrier_id(%barrier3A_261)
    %mul3A_262 = arith.constant 7 : i32
    %mul3A_263 = arith.muli %arg1, %mul3A_262 : i32
    %dma_start3A_264 = arith.constant 0 : i32
    %dma_start3A_265 = tpu.memref_slice %arg21[%mul3A_263, %dma_start3A_264] : memref<112x128xf32, #tpu.memory_space<vmem_shared>> -> memref<7x128xf32, #tpu.memory_space<vmem_shared>>
    %dma_start3A_266 = arith.constant 0 : i32
    %dma_start3A_267 = tpu.memref_slice %arg21[%mul3A_263, %dma_start3A_266] : memref<112x128xf32, #tpu.memory_space<vmem_shared>> -> memref<7x128xf32, #tpu.memory_space<vmem_shared>>
    tpu.enqueue_dma source(%dma_start3A_267 : memref<7x128xf32, #tpu.memory_space<vmem_shared>>) target(%arg11 : memref<7x128xf32, #tpu.memory_space<vmem>>) target_semaphore(%arg15 : memref<!tpu.dma_semaphore, #tpu.memory_space<semaphore_mem>>)
    %dma_start3A_268 = arith.constant 0 : i32
    %dma_start3A_269 = tpu.memref_slice %arg22[%mul3A_263, %dma_start3A_268] : memref<112x128xf32, #tpu.memory_space<vmem_shared>> -> memref<7x128xf32, #tpu.memory_space<vmem_shared>>
    %dma_start3A_270 = arith.constant 0 : i32
    %dma_start3A_271 = tpu.memref_slice %arg22[%mul3A_263, %dma_start3A_270] : memref<112x128xf32, #tpu.memory_space<vmem_shared>> -> memref<7x128xf32, #tpu.memory_space<vmem_shared>>
    tpu.enqueue_dma source(%dma_start3A_271 : memref<7x128xf32, #tpu.memory_space<vmem_shared>>) target(%arg12 : memref<7x128xf32, #tpu.memory_space<vmem>>) target_semaphore(%arg16 : memref<!tpu.dma_semaphore, #tpu.memory_space<semaphore_mem>>)
    %dma_start3A_272 = arith.constant 0 : i32
    %dma_start3A_273 = tpu.memref_slice %arg23[%mul3A_263, %dma_start3A_272] : memref<112x128xf32, #tpu.memory_space<vmem_shared>> -> memref<7x128xf32, #tpu.memory_space<vmem_shared>>
    %dma_start3A_274 = arith.constant 0 : i32
    %dma_start3A_275 = tpu.memref_slice %arg23[%mul3A_263, %dma_start3A_274] : memref<112x128xf32, #tpu.memory_space<vmem_shared>> -> memref<7x128xf32, #tpu.memory_space<vmem_shared>>
    tpu.enqueue_dma source(%dma_start3A_275 : memref<7x128xf32, #tpu.memory_space<vmem_shared>>) target(%arg13 : memref<7x128xf32, #tpu.memory_space<vmem>>) target_semaphore(%arg17 : memref<!tpu.dma_semaphore, #tpu.memory_space<semaphore_mem>>)
    %dma_wait3A_276 = arith.constant 0 : i32
    %dma_wait3A_277 = tpu.memref_slice %arg21[%mul3A_263, %dma_wait3A_276] : memref<112x128xf32, #tpu.memory_space<vmem_shared>> -> memref<7x128xf32, #tpu.memory_space<vmem_shared>>
    %dma_wait3A_278 = arith.constant 0 : i32
    %dma_wait3A_279 = tpu.memref_slice %arg21[%mul3A_263, %dma_wait3A_278] : memref<112x128xf32, #tpu.memory_space<vmem_shared>> -> memref<7x128xf32, #tpu.memory_space<vmem_shared>>
    tpu.wait_dma2 semaphore(%arg15 : memref<!tpu.dma_semaphore, #tpu.memory_space<semaphore_mem>>) src(%dma_wait3A_279 : memref<7x128xf32, #tpu.memory_space<vmem_shared>>) dst(%arg11 : memref<7x128xf32, #tpu.memory_space<vmem>>)
    %dma_wait3A_280 = arith.constant 0 : i32
    %dma_wait3A_281 = tpu.memref_slice %arg22[%mul3A_263, %dma_wait3A_280] : memref<112x128xf32, #tpu.memory_space<vmem_shared>> -> memref<7x128xf32, #tpu.memory_space<vmem_shared>>
    %dma_wait3A_282 = arith.constant 0 : i32
    %dma_wait3A_283 = tpu.memref_slice %arg22[%mul3A_263, %dma_wait3A_282] : memref<112x128xf32, #tpu.memory_space<vmem_shared>> -> memref<7x128xf32, #tpu.memory_space<vmem_shared>>
    tpu.wait_dma2 semaphore(%arg16 : memref<!tpu.dma_semaphore, #tpu.memory_space<semaphore_mem>>) src(%dma_wait3A_283 : memref<7x128xf32, #tpu.memory_space<vmem_shared>>) dst(%arg12 : memref<7x128xf32, #tpu.memory_space<vmem>>)
    %dma_wait3A_284 = arith.constant 0 : i32
    %dma_wait3A_285 = tpu.memref_slice %arg23[%mul3A_263, %dma_wait3A_284] : memref<112x128xf32, #tpu.memory_space<vmem_shared>> -> memref<7x128xf32, #tpu.memory_space<vmem_shared>>
    %dma_wait3A_286 = arith.constant 0 : i32
    %dma_wait3A_287 = tpu.memref_slice %arg23[%mul3A_263, %dma_wait3A_286] : memref<112x128xf32, #tpu.memory_space<vmem_shared>> -> memref<7x128xf32, #tpu.memory_space<vmem_shared>>
    tpu.wait_dma2 semaphore(%arg17 : memref<!tpu.dma_semaphore, #tpu.memory_space<semaphore_mem>>) src(%dma_wait3A_287 : memref<7x128xf32, #tpu.memory_space<vmem_shared>>) dst(%arg13 : memref<7x128xf32, #tpu.memory_space<vmem>>)
    %get3A = arith.constant 0 : i32
    %get3A_288 = arith.index_cast %get3A : i32 to index
    %get3A_289 = arith.constant 0 : index
    %get3A_290 = tpu.vector_load %arg13[%get3A_288, %get3A_289] {strides = array<i32>} : memref<7x128xf32, #tpu.memory_space<vmem>>, vector<1x16xf32>,
    %get3A_291 = vector.shape_cast %get3A_290 : vector<1x16xf32> to vector<16xf32>
    %max3A = arith.constant 1.000000e+00 : f32
    %max3A_292 = vector.broadcast %max3A : f32 to vector<16xf32>
    %max3A_293 = arith.maximumf %get3A_291, %max3A_292 : vector<16xf32>
    %div3A = arith.constant 1.000000e+00 : f32
    %div3A_294 = vector.broadcast %div3A : f32 to vector<16xf32>
    %div3A_295 = arith.divf %div3A_294, %max3A_293 : vector<16xf32>
    %get3A_296 = arith.constant 0 : i32
    %get3A_297 = arith.index_cast %get3A_296 : i32 to index
    %get3A_298 = arith.constant 0 : index
    %get3A_299 = tpu.vector_load %arg11[%get3A_297, %get3A_298] {strides = array<i32>} : memref<7x128xf32, #tpu.memory_space<vmem>>, vector<1x16xf32>,
    %get3A_300 = vector.shape_cast %get3A_299 : vector<1x16xf32> to vector<16xf32>
    %get3A_301 = arith.constant 0 : i32
    %get3A_302 = arith.index_cast %get3A_301 : i32 to index
    %get3A_303 = arith.constant 0 : index
    %get3A_304 = tpu.vector_load %arg12[%get3A_302, %get3A_303] {strides = array<i32>} : memref<7x128xf32, #tpu.memory_space<vmem>>, vector<1x16xf32>,
    %get3A_305 = vector.shape_cast %get3A_304 : vector<1x16xf32> to vector<16xf32>
    %mul3A_306 = arith.mulf %get3A_300, %div3A_295 : vector<16xf32>
    %mul3A_307 = arith.mulf %get3A_305, %div3A_295 : vector<16xf32>
    %mul3A_308 = arith.mulf %mul3A_306, %mul3A_306 : vector<16xf32>
    %sub3A = arith.subf %mul3A_307, %mul3A_308 : vector<16xf32>
    %max3A_309 = arith.constant 1.000000e-30 : f32
    %max3A_310 = vector.broadcast %max3A_309 : f32 to vector<16xf32>
    %max3A_311 = arith.maximumf %sub3A, %max3A_310 : vector<16xf32>
    %bitcast_convert_type3A = tpu.bitcast %max3A_311 : vector<16xf32> -> vector<16xi32>
    %shift_right_arithmetic3A = arith.constant 1 : i32
    %shift_right_arithmetic3A_312 = vector.broadcast %shift_right_arithmetic3A : i32 to vector<16xi32>
    %shift_right_arithmetic3A_313 = arith.shrsi %bitcast_convert_type3A, %shift_right_arithmetic3A_312 : vector<16xi32>
    %sub3A_314 = arith.constant 1597463007 : i32
    %sub3A_315 = vector.broadcast %sub3A_314 : i32 to vector<16xi32>
    %sub3A_316 = arith.subi %sub3A_315, %shift_right_arithmetic3A_313 : vector<16xi32>
    %bitcast_convert_type3A_317 = tpu.bitcast %sub3A_316 : vector<16xi32> -> vector<16xf32>
    %mul3A_318 = arith.mulf %max3A_311, %bitcast_convert_type3A_317 : vector<16xf32>
    %mul3A_319 = arith.mulf %mul3A_318, %bitcast_convert_type3A_317 : vector<16xf32>
    %mul3A_320 = arith.constant 5.000000e-01 : f32
    %mul3A_321 = vector.broadcast %mul3A_320 : f32 to vector<16xf32>
    %mul3A_322 = arith.mulf %mul3A_321, %mul3A_319 : vector<16xf32>
    %sub3A_323 = arith.constant 1.500000e+00 : f32
    %sub3A_324 = vector.broadcast %sub3A_323 : f32 to vector<16xf32>
    %sub3A_325 = arith.subf %sub3A_324, %mul3A_322 : vector<16xf32>
    %mul3A_326 = arith.mulf %bitcast_convert_type3A_317, %sub3A_325 : vector<16xf32>
    %mul3A_327 = arith.mulf %max3A_311, %mul3A_326 : vector<16xf32>
    %mul3A_328 = arith.mulf %mul3A_327, %mul3A_326 : vector<16xf32>
    %mul3A_329 = arith.constant 5.000000e-01 : f32
    %mul3A_330 = vector.broadcast %mul3A_329 : f32 to vector<16xf32>
    %mul3A_331 = arith.mulf %mul3A_330, %mul3A_328 : vector<16xf32>
    %sub3A_332 = arith.constant 1.500000e+00 : f32
    %sub3A_333 = vector.broadcast %sub3A_332 : f32 to vector<16xf32>
    %sub3A_334 = arith.subf %sub3A_333, %mul3A_331 : vector<16xf32>
    %mul3A_335 = arith.mulf %mul3A_326, %sub3A_334 : vector<16xf32>
    %mul3A_336 = arith.mulf %max3A_311, %mul3A_335 : vector<16xf32>
    %mul3A_337 = arith.mulf %mul3A_336, %mul3A_335 : vector<16xf32>
    %mul3A_338 = arith.constant 5.000000e-01 : f32
    %mul3A_339 = vector.broadcast %mul3A_338 : f32 to vector<16xf32>
    %mul3A_340 = arith.mulf %mul3A_339, %mul3A_337 : vector<16xf32>
    %sub3A_341 = arith.constant 1.500000e+00 : f32
    %sub3A_342 = vector.broadcast %sub3A_341 : f32 to vector<16xf32>
    %sub3A_343 = arith.subf %sub3A_342, %mul3A_340 : vector<16xf32>
    %mul3A_344 = arith.mulf %mul3A_335, %sub3A_343 : vector<16xf32>
    %mul3A_345 = arith.mulf %max3A_311, %mul3A_344 : vector<16xf32>
    %swap3A = arith.constant 0 : i32
    %swap3A_346 = arith.index_cast %swap3A : i32 to index
    %swap3A_347 = arith.constant 0 : index
    %swap3A_348 = tpu.vector_load %arg14[%swap3A_346, %swap3A_347] {strides = array<i32>} : memref<7x128xf32, #tpu.memory_space<vmem>>, vector<1x16xf32>,
    %swap3A_349 = vector.shape_cast %swap3A_348 : vector<1x16xf32> to vector<16xf32>
    %swap3A_350 = vector.shape_cast %mul3A_345 : vector<16xf32> to vector<1x16xf32>
    tpu.vector_store %arg14[%swap3A_346, %swap3A_347], %swap3A_350 {strides = array<i32>} : memref<7x128xf32, #tpu.memory_space<vmem>>, vector<1x16xf32>,
    %get3A_351 = arith.constant 0 : i32
    %get3A_352 = arith.index_cast %get3A_351 : i32 to index
    %get3A_353 = arith.constant 16 : index
    %get3A_354 = tpu.vector_load %arg11[%get3A_352, %get3A_353] {strides = array<i32>} : memref<7x128xf32, #tpu.memory_space<vmem>>, vector<1x16xf32>,
    %get3A_355 = vector.shape_cast %get3A_354 : vector<1x16xf32> to vector<16xf32>
    %get3A_356 = arith.constant 0 : i32
    %get3A_357 = arith.index_cast %get3A_356 : i32 to index
    %get3A_358 = arith.constant 16 : index
    %get3A_359 = tpu.vector_load %arg12[%get3A_357, %get3A_358] {strides = array<i32>} : memref<7x128xf32, #tpu.memory_space<vmem>>, vector<1x16xf32>,
    %get3A_360 = vector.shape_cast %get3A_359 : vector<1x16xf32> to vector<16xf32>
    %mul3A_361 = arith.mulf %get3A_355, %div3A_295 : vector<16xf32>
    %mul3A_362 = arith.mulf %get3A_360, %div3A_295 : vector<16xf32>
    %mul3A_363 = arith.mulf %mul3A_361, %mul3A_361 : vector<16xf32>
    %sub3A_364 = arith.subf %mul3A_362, %mul3A_363 : vector<16xf32>
    %max3A_365 = arith.constant 1.000000e-30 : f32
    %max3A_366 = vector.broadcast %max3A_365 : f32 to vector<16xf32>
    %max3A_367 = arith.maximumf %sub3A_364, %max3A_366 : vector<16xf32>
    %bitcast_convert_type3A_368 = tpu.bitcast %max3A_367 : vector<16xf32> -> vector<16xi32>
    %shift_right_arithmetic3A_369 = arith.constant 1 : i32
    %shift_right_arithmetic3A_370 = vector.broadcast %shift_right_arithmetic3A_369 : i32 to vector<16xi32>
    %shift_right_arithmetic3A_371 = arith.shrsi %bitcast_convert_type3A_368, %shift_right_arithmetic3A_370 : vector<16xi32>
    %sub3A_372 = arith.constant 1597463007 : i32
    %sub3A_373 = vector.broadcast %sub3A_372 : i32 to vector<16xi32>
    %sub3A_374 = arith.subi %sub3A_373, %shift_right_arithmetic3A_371 : vector<16xi32>
    %bitcast_convert_type3A_375 = tpu.bitcast %sub3A_374 : vector<16xi32> -> vector<16xf32>
    %mul3A_376 = arith.mulf %max3A_367, %bitcast_convert_type3A_375 : vector<16xf32>
    %mul3A_377 = arith.mulf %mul3A_376, %bitcast_convert_type3A_375 : vector<16xf32>
    %mul3A_378 = arith.constant 5.000000e-01 : f32
    %mul3A_379 = vector.broadcast %mul3A_378 : f32 to vector<16xf32>
    %mul3A_380 = arith.mulf %mul3A_379, %mul3A_377 : vector<16xf32>
    %sub3A_381 = arith.constant 1.500000e+00 : f32
    %sub3A_382 = vector.broadcast %sub3A_381 : f32 to vector<16xf32>
    %sub3A_383 = arith.subf %sub3A_382, %mul3A_380 : vector<16xf32>
    %mul3A_384 = arith.mulf %bitcast_convert_type3A_375, %sub3A_383 : vector<16xf32>
    %mul3A_385 = arith.mulf %max3A_367, %mul3A_384 : vector<16xf32>
    %mul3A_386 = arith.mulf %mul3A_385, %mul3A_384 : vector<16xf32>
    %mul3A_387 = arith.constant 5.000000e-01 : f32
    %mul3A_388 = vector.broadcast %mul3A_387 : f32 to vector<16xf32>
    %mul3A_389 = arith.mulf %mul3A_388, %mul3A_386 : vector<16xf32>
    %sub3A_390 = arith.constant 1.500000e+00 : f32
    %sub3A_391 = vector.broadcast %sub3A_390 : f32 to vector<16xf32>
    %sub3A_392 = arith.subf %sub3A_391, %mul3A_389 : vector<16xf32>
    %mul3A_393 = arith.mulf %mul3A_384, %sub3A_392 : vector<16xf32>
    %mul3A_394 = arith.mulf %max3A_367, %mul3A_393 : vector<16xf32>
    %mul3A_395 = arith.mulf %mul3A_394, %mul3A_393 : vector<16xf32>
    %mul3A_396 = arith.constant 5.000000e-01 : f32
    %mul3A_397 = vector.broadcast %mul3A_396 : f32 to vector<16xf32>
    %mul3A_398 = arith.mulf %mul3A_397, %mul3A_395 : vector<16xf32>
    %sub3A_399 = arith.constant 1.500000e+00 : f32
    %sub3A_400 = vector.broadcast %sub3A_399 : f32 to vector<16xf32>
    %sub3A_401 = arith.subf %sub3A_400, %mul3A_398 : vector<16xf32>
    %mul3A_402 = arith.mulf %mul3A_393, %sub3A_401 : vector<16xf32>
    %mul3A_403 = arith.mulf %max3A_367, %mul3A_402 : vector<16xf32>
    %swap3A_404 = arith.constant 0 : i32
    %swap3A_405 = arith.index_cast %swap3A_404 : i32 to index
    %swap3A_406 = arith.constant 16 : index
    %swap3A_407 = tpu.vector_load %arg14[%swap3A_405, %swap3A_406] {strides = array<i32>} : memref<7x128xf32, #tpu.memory_space<vmem>>, vector<1x16xf32>,
    %swap3A_408 = vector.shape_cast %swap3A_407 : vector<1x16xf32> to vector<16xf32>
    %swap3A_409 = vector.shape_cast %mul3A_403 : vector<16xf32> to vector<1x16xf32>
    tpu.vector_store %arg14[%swap3A_405, %swap3A_406], %swap3A_409 {strides = array<i32>} : memref<7x128xf32, #tpu.memory_space<vmem>>, vector<1x16xf32>,
    %get3A_410 = arith.constant 0 : i32
    %get3A_411 = arith.index_cast %get3A_410 : i32 to index
    %get3A_412 = arith.constant 32 : index
    %get3A_413 = tpu.vector_load %arg11[%get3A_411, %get3A_412] {strides = array<i32>} : memref<7x128xf32, #tpu.memory_space<vmem>>, vector<1x16xf32>,
    %get3A_414 = vector.shape_cast %get3A_413 : vector<1x16xf32> to vector<16xf32>
    %get3A_415 = arith.constant 0 : i32
    %get3A_416 = arith.index_cast %get3A_415 : i32 to index
    %get3A_417 = arith.constant 32 : index
    %get3A_418 = tpu.vector_load %arg12[%get3A_416, %get3A_417] {strides = array<i32>} : memref<7x128xf32, #tpu.memory_space<vmem>>, vector<1x16xf32>,
    %get3A_419 = vector.shape_cast %get3A_418 : vector<1x16xf32> to vector<16xf32>
    %mul3A_420 = arith.mulf %get3A_414, %div3A_295 : vector<16xf32>
    %mul3A_421 = arith.mulf %get3A_419, %div3A_295 : vector<16xf32>
    %mul3A_422 = arith.mulf %mul3A_420, %mul3A_420 : vector<16xf32>
    %sub3A_423 = arith.subf %mul3A_421, %mul3A_422 : vector<16xf32>
    %max3A_424 = arith.constant 1.000000e-30 : f32
    %max3A_425 = vector.broadcast %max3A_424 : f32 to vector<16xf32>
    %max3A_426 = arith.maximumf %sub3A_423, %max3A_425 : vector<16xf32>
    %bitcast_convert_type3A_427 = tpu.bitcast %max3A_426 : vector<16xf32> -> vector<16xi32>
    %shift_right_arithmetic3A_428 = arith.constant 1 : i32
    %shift_right_arithmetic3A_429 = vector.broadcast %shift_right_arithmetic3A_428 : i32 to vector<16xi32>
    %shift_right_arithmetic3A_430 = arith.shrsi %bitcast_convert_type3A_427, %shift_right_arithmetic3A_429 : vector<16xi32>
    %sub3A_431 = arith.constant 1597463007 : i32
    %sub3A_432 = vector.broadcast %sub3A_431 : i32 to vector<16xi32>
    %sub3A_433 = arith.subi %sub3A_432, %shift_right_arithmetic3A_430 : vector<16xi32>
    %bitcast_convert_type3A_434 = tpu.bitcast %sub3A_433 : vector<16xi32> -> vector<16xf32>
    %mul3A_435 = arith.mulf %max3A_426, %bitcast_convert_type3A_434 : vector<16xf32>
    %mul3A_436 = arith.mulf %mul3A_435, %bitcast_convert_type3A_434 : vector<16xf32>
    %mul3A_437 = arith.constant 5.000000e-01 : f32
    %mul3A_438 = vector.broadcast %mul3A_437 : f32 to vector<16xf32>
    %mul3A_439 = arith.mulf %mul3A_438, %mul3A_436 : vector<16xf32>
    %sub3A_440 = arith.constant 1.500000e+00 : f32
    %sub3A_441 = vector.broadcast %sub3A_440 : f32 to vector<16xf32>
    %sub3A_442 = arith.subf %sub3A_441, %mul3A_439 : vector<16xf32>
    %mul3A_443 = arith.mulf %bitcast_convert_type3A_434, %sub3A_442 : vector<16xf32>
    %mul3A_444 = arith.mulf %max3A_426, %mul3A_443 : vector<16xf32>
    %mul3A_445 = arith.mulf %mul3A_444, %mul3A_443 : vector<16xf32>
    %mul3A_446 = arith.constant 5.000000e-01 : f32
    %mul3A_447 = vector.broadcast %mul3A_446 : f32 to vector<16xf32>
    %mul3A_448 = arith.mulf %mul3A_447, %mul3A_445 : vector<16xf32>
    %sub3A_449 = arith.constant 1.500000e+00 : f32
    %sub3A_450 = vector.broadcast %sub3A_449 : f32 to vector<16xf32>
    %sub3A_451 = arith.subf %sub3A_450, %mul3A_448 : vector<16xf32>
    %mul3A_452 = arith.mulf %mul3A_443, %sub3A_451 : vector<16xf32>
    %mul3A_453 = arith.mulf %max3A_426, %mul3A_452 : vector<16xf32>
    %mul3A_454 = arith.mulf %mul3A_453, %mul3A_452 : vector<16xf32>
    %mul3A_455 = arith.constant 5.000000e-01 : f32
    %mul3A_456 = vector.broadcast %mul3A_455 : f32 to vector<16xf32>
    %mul3A_457 = arith.mulf %mul3A_456, %mul3A_454 : vector<16xf32>
    %sub3A_458 = arith.constant 1.500000e+00 : f32
    %sub3A_459 = vector.broadcast %sub3A_458 : f32 to vector<16xf32>
    %sub3A_460 = arith.subf %sub3A_459, %mul3A_457 : vector<16xf32>
    %mul3A_461 = arith.mulf %mul3A_452, %sub3A_460 : vector<16xf32>
    %mul3A_462 = arith.mulf %max3A_426, %mul3A_461 : vector<16xf32>
    %swap3A_463 = arith.constant 0 : i32
    %swap3A_464 = arith.index_cast %swap3A_463 : i32 to index
    %swap3A_465 = arith.constant 32 : index
    %swap3A_466 = tpu.vector_load %arg14[%swap3A_464, %swap3A_465] {strides = array<i32>} : memref<7x128xf32, #tpu.memory_space<vmem>>, vector<1x16xf32>,
    %swap3A_467 = vector.shape_cast %swap3A_466 : vector<1x16xf32> to vector<16xf32>
    %swap3A_468 = vector.shape_cast %mul3A_462 : vector<16xf32> to vector<1x16xf32>
    tpu.vector_store %arg14[%swap3A_464, %swap3A_465], %swap3A_468 {strides = array<i32>} : memref<7x128xf32, #tpu.memory_space<vmem>>, vector<1x16xf32>,
    %get3A_469 = arith.constant 0 : i32
    %get3A_470 = arith.index_cast %get3A_469 : i32 to index
    %get3A_471 = arith.constant 48 : index
    %get3A_472 = tpu.vector_load %arg11[%get3A_470, %get3A_471] {strides = array<i32>} : memref<7x128xf32, #tpu.memory_space<vmem>>, vector<1x16xf32>,
    %get3A_473 = vector.shape_cast %get3A_472 : vector<1x16xf32> to vector<16xf32>
    %get3A_474 = arith.constant 0 : i32
    %get3A_475 = arith.index_cast %get3A_474 : i32 to index
    %get3A_476 = arith.constant 48 : index
    %get3A_477 = tpu.vector_load %arg12[%get3A_475, %get3A_476] {strides = array<i32>} : memref<7x128xf32, #tpu.memory_space<vmem>>, vector<1x16xf32>,
    %get3A_478 = vector.shape_cast %get3A_477 : vector<1x16xf32> to vector<16xf32>
    %mul3A_479 = arith.mulf %get3A_473, %div3A_295 : vector<16xf32>
    %mul3A_480 = arith.mulf %get3A_478, %div3A_295 : vector<16xf32>
    %mul3A_481 = arith.mulf %mul3A_479, %mul3A_479 : vector<16xf32>
    %sub3A_482 = arith.subf %mul3A_480, %mul3A_481 : vector<16xf32>
    %max3A_483 = arith.constant 1.000000e-30 : f32
    %max3A_484 = vector.broadcast %max3A_483 : f32 to vector<16xf32>
    %max3A_485 = arith.maximumf %sub3A_482, %max3A_484 : vector<16xf32>
    %bitcast_convert_type3A_486 = tpu.bitcast %max3A_485 : vector<16xf32> -> vector<16xi32>
    %shift_right_arithmetic3A_487 = arith.constant 1 : i32
    %shift_right_arithmetic3A_488 = vector.broadcast %shift_right_arithmetic3A_487 : i32 to vector<16xi32>
    %shift_right_arithmetic3A_489 = arith.shrsi %bitcast_convert_type3A_486, %shift_right_arithmetic3A_488 : vector<16xi32>
    %sub3A_490 = arith.constant 1597463007 : i32
    %sub3A_491 = vector.broadcast %sub3A_490 : i32 to vector<16xi32>
    %sub3A_492 = arith.subi %sub3A_491, %shift_right_arithmetic3A_489 : vector<16xi32>
    %bitcast_convert_type3A_493 = tpu.bitcast %sub3A_492 : vector<16xi32> -> vector<16xf32>
    %mul3A_494 = arith.mulf %max3A_485, %bitcast_convert_type3A_493 : vector<16xf32>
    %mul3A_495 = arith.mulf %mul3A_494, %bitcast_convert_type3A_493 : vector<16xf32>
    %mul3A_496 = arith.constant 5.000000e-01 : f32
    %mul3A_497 = vector.broadcast %mul3A_496 : f32 to vector<16xf32>
    %mul3A_498 = arith.mulf %mul3A_497, %mul3A_495 : vector<16xf32>
    %sub3A_499 = arith.constant 1.500000e+00 : f32
    %sub3A_500 = vector.broadcast %sub3A_499 : f32 to vector<16xf32>
    %sub3A_501 = arith.subf %sub3A_500, %mul3A_498 : vector<16xf32>
    %mul3A_502 = arith.mulf %bitcast_convert_type3A_493, %sub3A_501 : vector<16xf32>
    %mul3A_503 = arith.mulf %max3A_485, %mul3A_502 : vector<16xf32>
    %mul3A_504 = arith.mulf %mul3A_503, %mul3A_502 : vector<16xf32>
    %mul3A_505 = arith.constant 5.000000e-01 : f32
    %mul3A_506 = vector.broadcast %mul3A_505 : f32 to vector<16xf32>
    %mul3A_507 = arith.mulf %mul3A_506, %mul3A_504 : vector<16xf32>
    %sub3A_508 = arith.constant 1.500000e+00 : f32
    %sub3A_509 = vector.broadcast %sub3A_508 : f32 to vector<16xf32>
    %sub3A_510 = arith.subf %sub3A_509, %mul3A_507 : vector<16xf32>
    %mul3A_511 = arith.mulf %mul3A_502, %sub3A_510 : vector<16xf32>
    %mul3A_512 = arith.mulf %max3A_485, %mul3A_511 : vector<16xf32>
    %mul3A_513 = arith.mulf %mul3A_512, %mul3A_511 : vector<16xf32>
    %mul3A_514 = arith.constant 5.000000e-01 : f32
    %mul3A_515 = vector.broadcast %mul3A_514 : f32 to vector<16xf32>
    %mul3A_516 = arith.mulf %mul3A_515, %mul3A_513 : vector<16xf32>
    %sub3A_517 = arith.constant 1.500000e+00 : f32
    %sub3A_518 = vector.broadcast %sub3A_517 : f32 to vector<16xf32>
    %sub3A_519 = arith.subf %sub3A_518, %mul3A_516 : vector<16xf32>
    %mul3A_520 = arith.mulf %mul3A_511, %sub3A_519 : vector<16xf32>
    %mul3A_521 = arith.mulf %max3A_485, %mul3A_520 : vector<16xf32>
    %swap3A_522 = arith.constant 0 : i32
    %swap3A_523 = arith.index_cast %swap3A_522 : i32 to index
    %swap3A_524 = arith.constant 48 : index
    %swap3A_525 = tpu.vector_load %arg14[%swap3A_523, %swap3A_524] {strides = array<i32>} : memref<7x128xf32, #tpu.memory_space<vmem>>, vector<1x16xf32>,
    %swap3A_526 = vector.shape_cast %swap3A_525 : vector<1x16xf32> to vector<16xf32>
    %swap3A_527 = vector.shape_cast %mul3A_521 : vector<16xf32> to vector<1x16xf32>
    tpu.vector_store %arg14[%swap3A_523, %swap3A_524], %swap3A_527 {strides = array<i32>} : memref<7x128xf32, #tpu.memory_space<vmem>>, vector<1x16xf32>,
    %get3A_528 = arith.constant 0 : i32
    %get3A_529 = arith.index_cast %get3A_528 : i32 to index
    %get3A_530 = arith.constant 64 : index
    %get3A_531 = tpu.vector_load %arg11[%get3A_529, %get3A_530] {strides = array<i32>} : memref<7x128xf32, #tpu.memory_space<vmem>>, vector<1x16xf32>,
    %get3A_532 = vector.shape_cast %get3A_531 : vector<1x16xf32> to vector<16xf32>
    %get3A_533 = arith.constant 0 : i32
    %get3A_534 = arith.index_cast %get3A_533 : i32 to index
    %get3A_535 = arith.constant 64 : index
    %get3A_536 = tpu.vector_load %arg12[%get3A_534, %get3A_535] {strides = array<i32>} : memref<7x128xf32, #tpu.memory_space<vmem>>, vector<1x16xf32>,
    %get3A_537 = vector.shape_cast %get3A_536 : vector<1x16xf32> to vector<16xf32>
    %mul3A_538 = arith.mulf %get3A_532, %div3A_295 : vector<16xf32>
    %mul3A_539 = arith.mulf %get3A_537, %div3A_295 : vector<16xf32>
    %mul3A_540 = arith.mulf %mul3A_538, %mul3A_538 : vector<16xf32>
    %sub3A_541 = arith.subf %mul3A_539, %mul3A_540 : vector<16xf32>
    %max3A_542 = arith.constant 1.000000e-30 : f32
    %max3A_543 = vector.broadcast %max3A_542 : f32 to vector<16xf32>
    %max3A_544 = arith.maximumf %sub3A_541, %max3A_543 : vector<16xf32>
    %bitcast_convert_type3A_545 = tpu.bitcast %max3A_544 : vector<16xf32> -> vector<16xi32>
    %shift_right_arithmetic3A_546 = arith.constant 1 : i32
    %shift_right_arithmetic3A_547 = vector.broadcast %shift_right_arithmetic3A_546 : i32 to vector<16xi32>
    %shift_right_arithmetic3A_548 = arith.shrsi %bitcast_convert_type3A_545, %shift_right_arithmetic3A_547 : vector<16xi32>
    %sub3A_549 = arith.constant 1597463007 : i32
    %sub3A_550 = vector.broadcast %sub3A_549 : i32 to vector<16xi32>
    %sub3A_551 = arith.subi %sub3A_550, %shift_right_arithmetic3A_548 : vector<16xi32>
    %bitcast_convert_type3A_552 = tpu.bitcast %sub3A_551 : vector<16xi32> -> vector<16xf32>
    %mul3A_553 = arith.mulf %max3A_544, %bitcast_convert_type3A_552 : vector<16xf32>
    %mul3A_554 = arith.mulf %mul3A_553, %bitcast_convert_type3A_552 : vector<16xf32>
    %mul3A_555 = arith.constant 5.000000e-01 : f32
    %mul3A_556 = vector.broadcast %mul3A_555 : f32 to vector<16xf32>
    %mul3A_557 = arith.mulf %mul3A_556, %mul3A_554 : vector<16xf32>
    %sub3A_558 = arith.constant 1.500000e+00 : f32
    %sub3A_559 = vector.broadcast %sub3A_558 : f32 to vector<16xf32>
    %sub3A_560 = arith.subf %sub3A_559, %mul3A_557 : vector<16xf32>
    %mul3A_561 = arith.mulf %bitcast_convert_type3A_552, %sub3A_560 : vector<16xf32>
    %mul3A_562 = arith.mulf %max3A_544, %mul3A_561 : vector<16xf32>
    %mul3A_563 = arith.mulf %mul3A_562, %mul3A_561 : vector<16xf32>
    %mul3A_564 = arith.constant 5.000000e-01 : f32
    %mul3A_565 = vector.broadcast %mul3A_564 : f32 to vector<16xf32>
    %mul3A_566 = arith.mulf %mul3A_565, %mul3A_563 : vector<16xf32>
    %sub3A_567 = arith.constant 1.500000e+00 : f32
    %sub3A_568 = vector.broadcast %sub3A_567 : f32 to vector<16xf32>
    %sub3A_569 = arith.subf %sub3A_568, %mul3A_566 : vector<16xf32>
    %mul3A_570 = arith.mulf %mul3A_561, %sub3A_569 : vector<16xf32>
    %mul3A_571 = arith.mulf %max3A_544, %mul3A_570 : vector<16xf32>
    %mul3A_572 = arith.mulf %mul3A_571, %mul3A_570 : vector<16xf32>
    %mul3A_573 = arith.constant 5.000000e-01 : f32
    %mul3A_574 = vector.broadcast %mul3A_573 : f32 to vector<16xf32>
    %mul3A_575 = arith.mulf %mul3A_574, %mul3A_572 : vector<16xf32>
    %sub3A_576 = arith.constant 1.500000e+00 : f32
    %sub3A_577 = vector.broadcast %sub3A_576 : f32 to vector<16xf32>
    %sub3A_578 = arith.subf %sub3A_577, %mul3A_575 : vector<16xf32>
    %mul3A_579 = arith.mulf %mul3A_570, %sub3A_578 : vector<16xf32>
    %mul3A_580 = arith.mulf %max3A_544, %mul3A_579 : vector<16xf32>
    %swap3A_581 = arith.constant 0 : i32
    %swap3A_582 = arith.index_cast %swap3A_581 : i32 to index
    %swap3A_583 = arith.constant 64 : index
    %swap3A_584 = tpu.vector_load %arg14[%swap3A_582, %swap3A_583] {strides = array<i32>} : memref<7x128xf32, #tpu.memory_space<vmem>>, vector<1x16xf32>,
    %swap3A_585 = vector.shape_cast %swap3A_584 : vector<1x16xf32> to vector<16xf32>
    %swap3A_586 = vector.shape_cast %mul3A_580 : vector<16xf32> to vector<1x16xf32>
    tpu.vector_store %arg14[%swap3A_582, %swap3A_583], %swap3A_586 {strides = array<i32>} : memref<7x128xf32, #tpu.memory_space<vmem>>, vector<1x16xf32>,
    %get3A_587 = arith.constant 0 : i32
    %get3A_588 = arith.index_cast %get3A_587 : i32 to index
    %get3A_589 = arith.constant 80 : index
    %get3A_590 = tpu.vector_load %arg11[%get3A_588, %get3A_589] {strides = array<i32>} : memref<7x128xf32, #tpu.memory_space<vmem>>, vector<1x16xf32>,
    %get3A_591 = vector.shape_cast %get3A_590 : vector<1x16xf32> to vector<16xf32>
    %get3A_592 = arith.constant 0 : i32
    %get3A_593 = arith.index_cast %get3A_592 : i32 to index
    %get3A_594 = arith.constant 80 : index
    %get3A_595 = tpu.vector_load %arg12[%get3A_593, %get3A_594] {strides = array<i32>} : memref<7x128xf32, #tpu.memory_space<vmem>>, vector<1x16xf32>,
    %get3A_596 = vector.shape_cast %get3A_595 : vector<1x16xf32> to vector<16xf32>
    %mul3A_597 = arith.mulf %get3A_591, %div3A_295 : vector<16xf32>
    %mul3A_598 = arith.mulf %get3A_596, %div3A_295 : vector<16xf32>
    %mul3A_599 = arith.mulf %mul3A_597, %mul3A_597 : vector<16xf32>
    %sub3A_600 = arith.subf %mul3A_598, %mul3A_599 : vector<16xf32>
    %max3A_601 = arith.constant 1.000000e-30 : f32
    %max3A_602 = vector.broadcast %max3A_601 : f32 to vector<16xf32>
    %max3A_603 = arith.maximumf %sub3A_600, %max3A_602 : vector<16xf32>
    %bitcast_convert_type3A_604 = tpu.bitcast %max3A_603 : vector<16xf32> -> vector<16xi32>
    %shift_right_arithmetic3A_605 = arith.constant 1 : i32
    %shift_right_arithmetic3A_606 = vector.broadcast %shift_right_arithmetic3A_605 : i32 to vector<16xi32>
    %shift_right_arithmetic3A_607 = arith.shrsi %bitcast_convert_type3A_604, %shift_right_arithmetic3A_606 : vector<16xi32>
    %sub3A_608 = arith.constant 1597463007 : i32
    %sub3A_609 = vector.broadcast %sub3A_608 : i32 to vector<16xi32>
    %sub3A_610 = arith.subi %sub3A_609, %shift_right_arithmetic3A_607 : vector<16xi32>
    %bitcast_convert_type3A_611 = tpu.bitcast %sub3A_610 : vector<16xi32> -> vector<16xf32>
    %mul3A_612 = arith.mulf %max3A_603, %bitcast_convert_type3A_611 : vector<16xf32>
    %mul3A_613 = arith.mulf %mul3A_612, %bitcast_convert_type3A_611 : vector<16xf32>
    %mul3A_614 = arith.constant 5.000000e-01 : f32
    %mul3A_615 = vector.broadcast %mul3A_614 : f32 to vector<16xf32>
    %mul3A_616 = arith.mulf %mul3A_615, %mul3A_613 : vector<16xf32>
    %sub3A_617 = arith.constant 1.500000e+00 : f32
    %sub3A_618 = vector.broadcast %sub3A_617 : f32 to vector<16xf32>
    %sub3A_619 = arith.subf %sub3A_618, %mul3A_616 : vector<16xf32>
    %mul3A_620 = arith.mulf %bitcast_convert_type3A_611, %sub3A_619 : vector<16xf32>
    %mul3A_621 = arith.mulf %max3A_603, %mul3A_620 : vector<16xf32>
    %mul3A_622 = arith.mulf %mul3A_621, %mul3A_620 : vector<16xf32>
    %mul3A_623 = arith.constant 5.000000e-01 : f32
    %mul3A_624 = vector.broadcast %mul3A_623 : f32 to vector<16xf32>
    %mul3A_625 = arith.mulf %mul3A_624, %mul3A_622 : vector<16xf32>
    %sub3A_626 = arith.constant 1.500000e+00 : f32
    %sub3A_627 = vector.broadcast %sub3A_626 : f32 to vector<16xf32>
    %sub3A_628 = arith.subf %sub3A_627, %mul3A_625 : vector<16xf32>
    %mul3A_629 = arith.mulf %mul3A_620, %sub3A_628 : vector<16xf32>
    %mul3A_630 = arith.mulf %max3A_603, %mul3A_629 : vector<16xf32>
    %mul3A_631 = arith.mulf %mul3A_630, %mul3A_629 : vector<16xf32>
    %mul3A_632 = arith.constant 5.000000e-01 : f32
    %mul3A_633 = vector.broadcast %mul3A_632 : f32 to vector<16xf32>
    %mul3A_634 = arith.mulf %mul3A_633, %mul3A_631 : vector<16xf32>
    %sub3A_635 = arith.constant 1.500000e+00 : f32
    %sub3A_636 = vector.broadcast %sub3A_635 : f32 to vector<16xf32>
    %sub3A_637 = arith.subf %sub3A_636, %mul3A_634 : vector<16xf32>
    %mul3A_638 = arith.mulf %mul3A_629, %sub3A_637 : vector<16xf32>
    %mul3A_639 = arith.mulf %max3A_603, %mul3A_638 : vector<16xf32>
    %swap3A_640 = arith.constant 0 : i32
    %swap3A_641 = arith.index_cast %swap3A_640 : i32 to index
    %swap3A_642 = arith.constant 80 : index
    %swap3A_643 = tpu.vector_load %arg14[%swap3A_641, %swap3A_642] {strides = array<i32>} : memref<7x128xf32, #tpu.memory_space<vmem>>, vector<1x16xf32>,
    %swap3A_644 = vector.shape_cast %swap3A_643 : vector<1x16xf32> to vector<16xf32>
    %swap3A_645 = vector.shape_cast %mul3A_639 : vector<16xf32> to vector<1x16xf32>
    tpu.vector_store %arg14[%swap3A_641, %swap3A_642], %swap3A_645 {strides = array<i32>} : memref<7x128xf32, #tpu.memory_space<vmem>>, vector<1x16xf32>,
    %get3A_646 = arith.constant 0 : i32
    %get3A_647 = arith.index_cast %get3A_646 : i32 to index
    %get3A_648 = arith.constant 96 : index
    %get3A_649 = tpu.vector_load %arg11[%get3A_647, %get3A_648] {strides = array<i32>} : memref<7x128xf32, #tpu.memory_space<vmem>>, vector<1x16xf32>,
    %get3A_650 = vector.shape_cast %get3A_649 : vector<1x16xf32> to vector<16xf32>
    %get3A_651 = arith.constant 0 : i32
    %get3A_652 = arith.index_cast %get3A_651 : i32 to index
    %get3A_653 = arith.constant 96 : index
    %get3A_654 = tpu.vector_load %arg12[%get3A_652, %get3A_653] {strides = array<i32>} : memref<7x128xf32, #tpu.memory_space<vmem>>, vector<1x16xf32>,
    %get3A_655 = vector.shape_cast %get3A_654 : vector<1x16xf32> to vector<16xf32>
    %mul3A_656 = arith.mulf %get3A_650, %div3A_295 : vector<16xf32>
    %mul3A_657 = arith.mulf %get3A_655, %div3A_295 : vector<16xf32>
    %mul3A_658 = arith.mulf %mul3A_656, %mul3A_656 : vector<16xf32>
    %sub3A_659 = arith.subf %mul3A_657, %mul3A_658 : vector<16xf32>
    %max3A_660 = arith.constant 1.000000e-30 : f32
    %max3A_661 = vector.broadcast %max3A_660 : f32 to vector<16xf32>
    %max3A_662 = arith.maximumf %sub3A_659, %max3A_661 : vector<16xf32>
    %bitcast_convert_type3A_663 = tpu.bitcast %max3A_662 : vector<16xf32> -> vector<16xi32>
    %shift_right_arithmetic3A_664 = arith.constant 1 : i32
    %shift_right_arithmetic3A_665 = vector.broadcast %shift_right_arithmetic3A_664 : i32 to vector<16xi32>
    %shift_right_arithmetic3A_666 = arith.shrsi %bitcast_convert_type3A_663, %shift_right_arithmetic3A_665 : vector<16xi32>
    %sub3A_667 = arith.constant 1597463007 : i32
    %sub3A_668 = vector.broadcast %sub3A_667 : i32 to vector<16xi32>
    %sub3A_669 = arith.subi %sub3A_668, %shift_right_arithmetic3A_666 : vector<16xi32>
    %bitcast_convert_type3A_670 = tpu.bitcast %sub3A_669 : vector<16xi32> -> vector<16xf32>
    %mul3A_671 = arith.mulf %max3A_662, %bitcast_convert_type3A_670 : vector<16xf32>
    %mul3A_672 = arith.mulf %mul3A_671, %bitcast_convert_type3A_670 : vector<16xf32>
    %mul3A_673 = arith.constant 5.000000e-01 : f32
    %mul3A_674 = vector.broadcast %mul3A_673 : f32 to vector<16xf32>
    %mul3A_675 = arith.mulf %mul3A_674, %mul3A_672 : vector<16xf32>
    %sub3A_676 = arith.constant 1.500000e+00 : f32
    %sub3A_677 = vector.broadcast %sub3A_676 : f32 to vector<16xf32>
    %sub3A_678 = arith.subf %sub3A_677, %mul3A_675 : vector<16xf32>
    %mul3A_679 = arith.mulf %bitcast_convert_type3A_670, %sub3A_678 : vector<16xf32>
    %mul3A_680 = arith.mulf %max3A_662, %mul3A_679 : vector<16xf32>
    %mul3A_681 = arith.mulf %mul3A_680, %mul3A_679 : vector<16xf32>
    %mul3A_682 = arith.constant 5.000000e-01 : f32
    %mul3A_683 = vector.broadcast %mul3A_682 : f32 to vector<16xf32>
    %mul3A_684 = arith.mulf %mul3A_683, %mul3A_681 : vector<16xf32>
    %sub3A_685 = arith.constant 1.500000e+00 : f32
    %sub3A_686 = vector.broadcast %sub3A_685 : f32 to vector<16xf32>
    %sub3A_687 = arith.subf %sub3A_686, %mul3A_684 : vector<16xf32>
    %mul3A_688 = arith.mulf %mul3A_679, %sub3A_687 : vector<16xf32>
    %mul3A_689 = arith.mulf %max3A_662, %mul3A_688 : vector<16xf32>
    %mul3A_690 = arith.mulf %mul3A_689, %mul3A_688 : vector<16xf32>
    %mul3A_691 = arith.constant 5.000000e-01 : f32
    %mul3A_692 = vector.broadcast %mul3A_691 : f32 to vector<16xf32>
    %mul3A_693 = arith.mulf %mul3A_692, %mul3A_690 : vector<16xf32>
    %sub3A_694 = arith.constant 1.500000e+00 : f32
    %sub3A_695 = vector.broadcast %sub3A_694 : f32 to vector<16xf32>
    %sub3A_696 = arith.subf %sub3A_695, %mul3A_693 : vector<16xf32>
    %mul3A_697 = arith.mulf %mul3A_688, %sub3A_696 : vector<16xf32>
    %mul3A_698 = arith.mulf %max3A_662, %mul3A_697 : vector<16xf32>
    %swap3A_699 = arith.constant 0 : i32
    %swap3A_700 = arith.index_cast %swap3A_699 : i32 to index
    %swap3A_701 = arith.constant 96 : index
    %swap3A_702 = tpu.vector_load %arg14[%swap3A_700, %swap3A_701] {strides = array<i32>} : memref<7x128xf32, #tpu.memory_space<vmem>>, vector<1x16xf32>,
    %swap3A_703 = vector.shape_cast %swap3A_702 : vector<1x16xf32> to vector<16xf32>
    %swap3A_704 = vector.shape_cast %mul3A_698 : vector<16xf32> to vector<1x16xf32>
    tpu.vector_store %arg14[%swap3A_700, %swap3A_701], %swap3A_704 {strides = array<i32>} : memref<7x128xf32, #tpu.memory_space<vmem>>, vector<1x16xf32>,
    %get3A_705 = arith.constant 0 : i32
    %get3A_706 = arith.index_cast %get3A_705 : i32 to index
    %get3A_707 = arith.constant 112 : index
    %get3A_708 = tpu.vector_load %arg11[%get3A_706, %get3A_707] {strides = array<i32>} : memref<7x128xf32, #tpu.memory_space<vmem>>, vector<1x16xf32>,
    %get3A_709 = vector.shape_cast %get3A_708 : vector<1x16xf32> to vector<16xf32>
    %get3A_710 = arith.constant 0 : i32
    %get3A_711 = arith.index_cast %get3A_710 : i32 to index
    %get3A_712 = arith.constant 112 : index
    %get3A_713 = tpu.vector_load %arg12[%get3A_711, %get3A_712] {strides = array<i32>} : memref<7x128xf32, #tpu.memory_space<vmem>>, vector<1x16xf32>,
    %get3A_714 = vector.shape_cast %get3A_713 : vector<1x16xf32> to vector<16xf32>
    %mul3A_715 = arith.mulf %get3A_709, %div3A_295 : vector<16xf32>
    %mul3A_716 = arith.mulf %get3A_714, %div3A_295 : vector<16xf32>
    %mul3A_717 = arith.mulf %mul3A_715, %mul3A_715 : vector<16xf32>
    %sub3A_718 = arith.subf %mul3A_716, %mul3A_717 : vector<16xf32>
    %max3A_719 = arith.constant 1.000000e-30 : f32
    %max3A_720 = vector.broadcast %max3A_719 : f32 to vector<16xf32>
    %max3A_721 = arith.maximumf %sub3A_718, %max3A_720 : vector<16xf32>
    %bitcast_convert_type3A_722 = tpu.bitcast %max3A_721 : vector<16xf32> -> vector<16xi32>
    %shift_right_arithmetic3A_723 = arith.constant 1 : i32
    %shift_right_arithmetic3A_724 = vector.broadcast %shift_right_arithmetic3A_723 : i32 to vector<16xi32>
    %shift_right_arithmetic3A_725 = arith.shrsi %bitcast_convert_type3A_722, %shift_right_arithmetic3A_724 : vector<16xi32>
    %sub3A_726 = arith.constant 1597463007 : i32
    %sub3A_727 = vector.broadcast %sub3A_726 : i32 to vector<16xi32>
    %sub3A_728 = arith.subi %sub3A_727, %shift_right_arithmetic3A_725 : vector<16xi32>
    %bitcast_convert_type3A_729 = tpu.bitcast %sub3A_728 : vector<16xi32> -> vector<16xf32>
    %mul3A_730 = arith.mulf %max3A_721, %bitcast_convert_type3A_729 : vector<16xf32>
    %mul3A_731 = arith.mulf %mul3A_730, %bitcast_convert_type3A_729 : vector<16xf32>
    %mul3A_732 = arith.constant 5.000000e-01 : f32
    %mul3A_733 = vector.broadcast %mul3A_732 : f32 to vector<16xf32>
    %mul3A_734 = arith.mulf %mul3A_733, %mul3A_731 : vector<16xf32>
    %sub3A_735 = arith.constant 1.500000e+00 : f32
    %sub3A_736 = vector.broadcast %sub3A_735 : f32 to vector<16xf32>
    %sub3A_737 = arith.subf %sub3A_736, %mul3A_734 : vector<16xf32>
    %mul3A_738 = arith.mulf %bitcast_convert_type3A_729, %sub3A_737 : vector<16xf32>
    %mul3A_739 = arith.mulf %max3A_721, %mul3A_738 : vector<16xf32>
    %mul3A_740 = arith.mulf %mul3A_739, %mul3A_738 : vector<16xf32>
    %mul3A_741 = arith.constant 5.000000e-01 : f32
    %mul3A_742 = vector.broadcast %mul3A_741 : f32 to vector<16xf32>
    %mul3A_743 = arith.mulf %mul3A_742, %mul3A_740 : vector<16xf32>
    %sub3A_744 = arith.constant 1.500000e+00 : f32
    %sub3A_745 = vector.broadcast %sub3A_744 : f32 to vector<16xf32>
    %sub3A_746 = arith.subf %sub3A_745, %mul3A_743 : vector<16xf32>
    %mul3A_747 = arith.mulf %mul3A_738, %sub3A_746 : vector<16xf32>
    %mul3A_748 = arith.mulf %max3A_721, %mul3A_747 : vector<16xf32>
    %mul3A_749 = arith.mulf %mul3A_748, %mul3A_747 : vector<16xf32>
    %mul3A_750 = arith.constant 5.000000e-01 : f32
    %mul3A_751 = vector.broadcast %mul3A_750 : f32 to vector<16xf32>
    %mul3A_752 = arith.mulf %mul3A_751, %mul3A_749 : vector<16xf32>
    %sub3A_753 = arith.constant 1.500000e+00 : f32
    %sub3A_754 = vector.broadcast %sub3A_753 : f32 to vector<16xf32>
    %sub3A_755 = arith.subf %sub3A_754, %mul3A_752 : vector<16xf32>
    %mul3A_756 = arith.mulf %mul3A_747, %sub3A_755 : vector<16xf32>
    %mul3A_757 = arith.mulf %max3A_721, %mul3A_756 : vector<16xf32>
    %swap3A_758 = arith.constant 0 : i32
    %swap3A_759 = arith.index_cast %swap3A_758 : i32 to index
    %swap3A_760 = arith.constant 112 : index
    %swap3A_761 = tpu.vector_load %arg14[%swap3A_759, %swap3A_760] {strides = array<i32>} : memref<7x128xf32, #tpu.memory_space<vmem>>, vector<1x16xf32>,
    %swap3A_762 = vector.shape_cast %swap3A_761 : vector<1x16xf32> to vector<16xf32>
    %swap3A_763 = vector.shape_cast %mul3A_757 : vector<16xf32> to vector<1x16xf32>
    tpu.vector_store %arg14[%swap3A_759, %swap3A_760], %swap3A_763 {strides = array<i32>} : memref<7x128xf32, #tpu.memory_space<vmem>>, vector<1x16xf32>,
    %get3A_764 = arith.constant 1 : i32
    %get3A_765 = arith.index_cast %get3A_764 : i32 to index
    %get3A_766 = arith.constant 0 : index
    %get3A_767 = tpu.vector_load %arg13[%get3A_765, %get3A_766] {strides = array<i32>} : memref<7x128xf32, #tpu.memory_space<vmem>>, vector<1x16xf32>,
    %get3A_768 = vector.shape_cast %get3A_767 : vector<1x16xf32> to vector<16xf32>
    %max3A_769 = arith.constant 1.000000e+00 : f32
    %max3A_770 = vector.broadcast %max3A_769 : f32 to vector<16xf32>
    %max3A_771 = arith.maximumf %get3A_768, %max3A_770 : vector<16xf32>
    %div3A_772 = arith.constant 1.000000e+00 : f32
    %div3A_773 = vector.broadcast %div3A_772 : f32 to vector<16xf32>
    %div3A_774 = arith.divf %div3A_773, %max3A_771 : vector<16xf32>
    %get3A_775 = arith.constant 1 : i32
    %get3A_776 = arith.index_cast %get3A_775 : i32 to index
    %get3A_777 = arith.constant 0 : index
    %get3A_778 = tpu.vector_load %arg11[%get3A_776, %get3A_777] {strides = array<i32>} : memref<7x128xf32, #tpu.memory_space<vmem>>, vector<1x16xf32>,
    %get3A_779 = vector.shape_cast %get3A_778 : vector<1x16xf32> to vector<16xf32>
    %get3A_780 = arith.constant 1 : i32
    %get3A_781 = arith.index_cast %get3A_780 : i32 to index
    %get3A_782 = arith.constant 0 : index
    %get3A_783 = tpu.vector_load %arg12[%get3A_781, %get3A_782] {strides = array<i32>} : memref<7x128xf32, #tpu.memory_space<vmem>>, vector<1x16xf32>,
    %get3A_784 = vector.shape_cast %get3A_783 : vector<1x16xf32> to vector<16xf32>
    %mul3A_785 = arith.mulf %get3A_779, %div3A_774 : vector<16xf32>
    %mul3A_786 = arith.mulf %get3A_784, %div3A_774 : vector<16xf32>
    %mul3A_787 = arith.mulf %mul3A_785, %mul3A_785 : vector<16xf32>
    %sub3A_788 = arith.subf %mul3A_786, %mul3A_787 : vector<16xf32>
    %max3A_789 = arith.constant 1.000000e-30 : f32
    %max3A_790 = vector.broadcast %max3A_789 : f32 to vector<16xf32>
    %max3A_791 = arith.maximumf %sub3A_788, %max3A_790 : vector<16xf32>
    %bitcast_convert_type3A_792 = tpu.bitcast %max3A_791 : vector<16xf32> -> vector<16xi32>
    %shift_right_arithmetic3A_793 = arith.constant 1 : i32
    %shift_right_arithmetic3A_794 = vector.broadcast %shift_right_arithmetic3A_793 : i32 to vector<16xi32>
    %shift_right_arithmetic3A_795 = arith.shrsi %bitcast_convert_type3A_792, %shift_right_arithmetic3A_794 : vector<16xi32>
    %sub3A_796 = arith.constant 1597463007 : i32
    %sub3A_797 = vector.broadcast %sub3A_796 : i32 to vector<16xi32>
    %sub3A_798 = arith.subi %sub3A_797, %shift_right_arithmetic3A_795 : vector<16xi32>
    %bitcast_convert_type3A_799 = tpu.bitcast %sub3A_798 : vector<16xi32> -> vector<16xf32>
    %mul3A_800 = arith.mulf %max3A_791, %bitcast_convert_type3A_799 : vector<16xf32>
    %mul3A_801 = arith.mulf %mul3A_800, %bitcast_convert_type3A_799 : vector<16xf32>
    %mul3A_802 = arith.constant 5.000000e-01 : f32
    %mul3A_803 = vector.broadcast %mul3A_802 : f32 to vector<16xf32>
    %mul3A_804 = arith.mulf %mul3A_803, %mul3A_801 : vector<16xf32>
    %sub3A_805 = arith.constant 1.500000e+00 : f32
    %sub3A_806 = vector.broadcast %sub3A_805 : f32 to vector<16xf32>
    %sub3A_807 = arith.subf %sub3A_806, %mul3A_804 : vector<16xf32>
    %mul3A_808 = arith.mulf %bitcast_convert_type3A_799, %sub3A_807 : vector<16xf32>
    %mul3A_809 = arith.mulf %max3A_791, %mul3A_808 : vector<16xf32>
    %mul3A_810 = arith.mulf %mul3A_809, %mul3A_808 : vector<16xf32>
    %mul3A_811 = arith.constant 5.000000e-01 : f32
    %mul3A_812 = vector.broadcast %mul3A_811 : f32 to vector<16xf32>
    %mul3A_813 = arith.mulf %mul3A_812, %mul3A_810 : vector<16xf32>
    %sub3A_814 = arith.constant 1.500000e+00 : f32
    %sub3A_815 = vector.broadcast %sub3A_814 : f32 to vector<16xf32>
    %sub3A_816 = arith.subf %sub3A_815, %mul3A_813 : vector<16xf32>
    %mul3A_817 = arith.mulf %mul3A_808, %sub3A_816 : vector<16xf32>
    %mul3A_818 = arith.mulf %max3A_791, %mul3A_817 : vector<16xf32>
    %mul3A_819 = arith.mulf %mul3A_818, %mul3A_817 : vector<16xf32>
    %mul3A_820 = arith.constant 5.000000e-01 : f32
    %mul3A_821 = vector.broadcast %mul3A_820 : f32 to vector<16xf32>
    %mul3A_822 = arith.mulf %mul3A_821, %mul3A_819 : vector<16xf32>
    %sub3A_823 = arith.constant 1.500000e+00 : f32
    %sub3A_824 = vector.broadcast %sub3A_823 : f32 to vector<16xf32>
    %sub3A_825 = arith.subf %sub3A_824, %mul3A_822 : vector<16xf32>
    %mul3A_826 = arith.mulf %mul3A_817, %sub3A_825 : vector<16xf32>
    %mul3A_827 = arith.mulf %max3A_791, %mul3A_826 : vector<16xf32>
    %swap3A_828 = arith.constant 1 : i32
    %swap3A_829 = arith.index_cast %swap3A_828 : i32 to index
    %swap3A_830 = arith.constant 0 : index
    %swap3A_831 = tpu.vector_load %arg14[%swap3A_829, %swap3A_830] {strides = array<i32>} : memref<7x128xf32, #tpu.memory_space<vmem>>, vector<1x16xf32>,
    %swap3A_832 = vector.shape_cast %swap3A_831 : vector<1x16xf32> to vector<16xf32>
    %swap3A_833 = vector.shape_cast %mul3A_827 : vector<16xf32> to vector<1x16xf32>
    tpu.vector_store %arg14[%swap3A_829, %swap3A_830], %swap3A_833 {strides = array<i32>} : memref<7x128xf32, #tpu.memory_space<vmem>>, vector<1x16xf32>,
    %get3A_834 = arith.constant 1 : i32
    %get3A_835 = arith.index_cast %get3A_834 : i32 to index
    %get3A_836 = arith.constant 16 : index
    %get3A_837 = tpu.vector_load %arg11[%get3A_835, %get3A_836] {strides = array<i32>} : memref<7x128xf32, #tpu.memory_space<vmem>>, vector<1x16xf32>,
    %get3A_838 = vector.shape_cast %get3A_837 : vector<1x16xf32> to vector<16xf32>
    %get3A_839 = arith.constant 1 : i32
    %get3A_840 = arith.index_cast %get3A_839 : i32 to index
    %get3A_841 = arith.constant 16 : index
    %get3A_842 = tpu.vector_load %arg12[%get3A_840, %get3A_841] {strides = array<i32>} : memref<7x128xf32, #tpu.memory_space<vmem>>, vector<1x16xf32>,
    %get3A_843 = vector.shape_cast %get3A_842 : vector<1x16xf32> to vector<16xf32>
    %mul3A_844 = arith.mulf %get3A_838, %div3A_774 : vector<16xf32>
    %mul3A_845 = arith.mulf %get3A_843, %div3A_774 : vector<16xf32>
    %mul3A_846 = arith.mulf %mul3A_844, %mul3A_844 : vector<16xf32>
    %sub3A_847 = arith.subf %mul3A_845, %mul3A_846 : vector<16xf32>
    %max3A_848 = arith.constant 1.000000e-30 : f32
    %max3A_849 = vector.broadcast %max3A_848 : f32 to vector<16xf32>
    %max3A_850 = arith.maximumf %sub3A_847, %max3A_849 : vector<16xf32>
    %bitcast_convert_type3A_851 = tpu.bitcast %max3A_850 : vector<16xf32> -> vector<16xi32>
    %shift_right_arithmetic3A_852 = arith.constant 1 : i32
    %shift_right_arithmetic3A_853 = vector.broadcast %shift_right_arithmetic3A_852 : i32 to vector<16xi32>
    %shift_right_arithmetic3A_854 = arith.shrsi %bitcast_convert_type3A_851, %shift_right_arithmetic3A_853 : vector<16xi32>
    %sub3A_855 = arith.constant 1597463007 : i32
    %sub3A_856 = vector.broadcast %sub3A_855 : i32 to vector<16xi32>
    %sub3A_857 = arith.subi %sub3A_856, %shift_right_arithmetic3A_854 : vector<16xi32>
    %bitcast_convert_type3A_858 = tpu.bitcast %sub3A_857 : vector<16xi32> -> vector<16xf32>
    %mul3A_859 = arith.mulf %max3A_850, %bitcast_convert_type3A_858 : vector<16xf32>
    %mul3A_860 = arith.mulf %mul3A_859, %bitcast_convert_type3A_858 : vector<16xf32>
    %mul3A_861 = arith.constant 5.000000e-01 : f32
    %mul3A_862 = vector.broadcast %mul3A_861 : f32 to vector<16xf32>
    %mul3A_863 = arith.mulf %mul3A_862, %mul3A_860 : vector<16xf32>
    %sub3A_864 = arith.constant 1.500000e+00 : f32
    %sub3A_865 = vector.broadcast %sub3A_864 : f32 to vector<16xf32>
    %sub3A_866 = arith.subf %sub3A_865, %mul3A_863 : vector<16xf32>
    %mul3A_867 = arith.mulf %bitcast_convert_type3A_858, %sub3A_866 : vector<16xf32>
    %mul3A_868 = arith.mulf %max3A_850, %mul3A_867 : vector<16xf32>
    %mul3A_869 = arith.mulf %mul3A_868, %mul3A_867 : vector<16xf32>
    %mul3A_870 = arith.constant 5.000000e-01 : f32
    %mul3A_871 = vector.broadcast %mul3A_870 : f32 to vector<16xf32>
    %mul3A_872 = arith.mulf %mul3A_871, %mul3A_869 : vector<16xf32>
    %sub3A_873 = arith.constant 1.500000e+00 : f32
    %sub3A_874 = vector.broadcast %sub3A_873 : f32 to vector<16xf32>
    %sub3A_875 = arith.subf %sub3A_874, %mul3A_872 : vector<16xf32>
    %mul3A_876 = arith.mulf %mul3A_867, %sub3A_875 : vector<16xf32>
    %mul3A_877 = arith.mulf %max3A_850, %mul3A_876 : vector<16xf32>
    %mul3A_878 = arith.mulf %mul3A_877, %mul3A_876 : vector<16xf32>
    %mul3A_879 = arith.constant 5.000000e-01 : f32
    %mul3A_880 = vector.broadcast %mul3A_879 : f32 to vector<16xf32>
    %mul3A_881 = arith.mulf %mul3A_880, %mul3A_878 : vector<16xf32>
    %sub3A_882 = arith.constant 1.500000e+00 : f32
    %sub3A_883 = vector.broadcast %sub3A_882 : f32 to vector<16xf32>
    %sub3A_884 = arith.subf %sub3A_883, %mul3A_881 : vector<16xf32>
    %mul3A_885 = arith.mulf %mul3A_876, %sub3A_884 : vector<16xf32>
    %mul3A_886 = arith.mulf %max3A_850, %mul3A_885 : vector<16xf32>
    %swap3A_887 = arith.constant 1 : i32
    %swap3A_888 = arith.index_cast %swap3A_887 : i32 to index
    %swap3A_889 = arith.constant 16 : index
    %swap3A_890 = tpu.vector_load %arg14[%swap3A_888, %swap3A_889] {strides = array<i32>} : memref<7x128xf32, #tpu.memory_space<vmem>>, vector<1x16xf32>,
    %swap3A_891 = vector.shape_cast %swap3A_890 : vector<1x16xf32> to vector<16xf32>
    %swap3A_892 = vector.shape_cast %mul3A_886 : vector<16xf32> to vector<1x16xf32>
    tpu.vector_store %arg14[%swap3A_888, %swap3A_889], %swap3A_892 {strides = array<i32>} : memref<7x128xf32, #tpu.memory_space<vmem>>, vector<1x16xf32>,
    %get3A_893 = arith.constant 1 : i32
    %get3A_894 = arith.index_cast %get3A_893 : i32 to index
    %get3A_895 = arith.constant 32 : index
    %get3A_896 = tpu.vector_load %arg11[%get3A_894, %get3A_895] {strides = array<i32>} : memref<7x128xf32, #tpu.memory_space<vmem>>, vector<1x16xf32>,
    %get3A_897 = vector.shape_cast %get3A_896 : vector<1x16xf32> to vector<16xf32>
    %get3A_898 = arith.constant 1 : i32
    %get3A_899 = arith.index_cast %get3A_898 : i32 to index
    %get3A_900 = arith.constant 32 : index
    %get3A_901 = tpu.vector_load %arg12[%get3A_899, %get3A_900] {strides = array<i32>} : memref<7x128xf32, #tpu.memory_space<vmem>>, vector<1x16xf32>,
    %get3A_902 = vector.shape_cast %get3A_901 : vector<1x16xf32> to vector<16xf32>
    %mul3A_903 = arith.mulf %get3A_897, %div3A_774 : vector<16xf32>
    %mul3A_904 = arith.mulf %get3A_902, %div3A_774 : vector<16xf32>
    %mul3A_905 = arith.mulf %mul3A_903, %mul3A_903 : vector<16xf32>
    %sub3A_906 = arith.subf %mul3A_904, %mul3A_905 : vector<16xf32>
    %max3A_907 = arith.constant 1.000000e-30 : f32
    %max3A_908 = vector.broadcast %max3A_907 : f32 to vector<16xf32>
    %max3A_909 = arith.maximumf %sub3A_906, %max3A_908 : vector<16xf32>
    %bitcast_convert_type3A_910 = tpu.bitcast %max3A_909 : vector<16xf32> -> vector<16xi32>
    %shift_right_arithmetic3A_911 = arith.constant 1 : i32
    %shift_right_arithmetic3A_912 = vector.broadcast %shift_right_arithmetic3A_911 : i32 to vector<16xi32>
    %shift_right_arithmetic3A_913 = arith.shrsi %bitcast_convert_type3A_910, %shift_right_arithmetic3A_912 : vector<16xi32>
    %sub3A_914 = arith.constant 1597463007 : i32
    %sub3A_915 = vector.broadcast %sub3A_914 : i32 to vector<16xi32>
    %sub3A_916 = arith.subi %sub3A_915, %shift_right_arithmetic3A_913 : vector<16xi32>
    %bitcast_convert_type3A_917 = tpu.bitcast %sub3A_916 : vector<16xi32> -> vector<16xf32>
    %mul3A_918 = arith.mulf %max3A_909, %bitcast_convert_type3A_917 : vector<16xf32>
    %mul3A_919 = arith.mulf %mul3A_918, %bitcast_convert_type3A_917 : vector<16xf32>
    %mul3A_920 = arith.constant 5.000000e-01 : f32
    %mul3A_921 = vector.broadcast %mul3A_920 : f32 to vector<16xf32>
    %mul3A_922 = arith.mulf %mul3A_921, %mul3A_919 : vector<16xf32>
    %sub3A_923 = arith.constant 1.500000e+00 : f32
    %sub3A_924 = vector.broadcast %sub3A_923 : f32 to vector<16xf32>
    %sub3A_925 = arith.subf %sub3A_924, %mul3A_922 : vector<16xf32>
    %mul3A_926 = arith.mulf %bitcast_convert_type3A_917, %sub3A_925 : vector<16xf32>
    %mul3A_927 = arith.mulf %max3A_909, %mul3A_926 : vector<16xf32>
    %mul3A_928 = arith.mulf %mul3A_927, %mul3A_926 : vector<16xf32>
    %mul3A_929 = arith.constant 5.000000e-01 : f32
    %mul3A_930 = vector.broadcast %mul3A_929 : f32 to vector<16xf32>
    %mul3A_931 = arith.mulf %mul3A_930, %mul3A_928 : vector<16xf32>
    %sub3A_932 = arith.constant 1.500000e+00 : f32
    %sub3A_933 = vector.broadcast %sub3A_932 : f32 to vector<16xf32>
    %sub3A_934 = arith.subf %sub3A_933, %mul3A_931 : vector<16xf32>
    %mul3A_935 = arith.mulf %mul3A_926, %sub3A_934 : vector<16xf32>
    %mul3A_936 = arith.mulf %max3A_909, %mul3A_935 : vector<16xf32>
    %mul3A_937 = arith.mulf %mul3A_936, %mul3A_935 : vector<16xf32>
    %mul3A_938 = arith.constant 5.000000e-01 : f32
    %mul3A_939 = vector.broadcast %mul3A_938 : f32 to vector<16xf32>
    %mul3A_940 = arith.mulf %mul3A_939, %mul3A_937 : vector<16xf32>
    %sub3A_941 = arith.constant 1.500000e+00 : f32
    %sub3A_942 = vector.broadcast %sub3A_941 : f32 to vector<16xf32>
    %sub3A_943 = arith.subf %sub3A_942, %mul3A_940 : vector<16xf32>
    %mul3A_944 = arith.mulf %mul3A_935, %sub3A_943 : vector<16xf32>
    %mul3A_945 = arith.mulf %max3A_909, %mul3A_944 : vector<16xf32>
    %swap3A_946 = arith.constant 1 : i32
    %swap3A_947 = arith.index_cast %swap3A_946 : i32 to index
    %swap3A_948 = arith.constant 32 : index
    %swap3A_949 = tpu.vector_load %arg14[%swap3A_947, %swap3A_948] {strides = array<i32>} : memref<7x128xf32, #tpu.memory_space<vmem>>, vector<1x16xf32>,
    %swap3A_950 = vector.shape_cast %swap3A_949 : vector<1x16xf32> to vector<16xf32>
    %swap3A_951 = vector.shape_cast %mul3A_945 : vector<16xf32> to vector<1x16xf32>
    tpu.vector_store %arg14[%swap3A_947, %swap3A_948], %swap3A_951 {strides = array<i32>} : memref<7x128xf32, #tpu.memory_space<vmem>>, vector<1x16xf32>,
    %get3A_952 = arith.constant 1 : i32
    %get3A_953 = arith.index_cast %get3A_952 : i32 to index
    %get3A_954 = arith.constant 48 : index
    %get3A_955 = tpu.vector_load %arg11[%get3A_953, %get3A_954] {strides = array<i32>} : memref<7x128xf32, #tpu.memory_space<vmem>>, vector<1x16xf32>,
    %get3A_956 = vector.shape_cast %get3A_955 : vector<1x16xf32> to vector<16xf32>
    %get3A_957 = arith.constant 1 : i32
    %get3A_958 = arith.index_cast %get3A_957 : i32 to index
    %get3A_959 = arith.constant 48 : index
    %get3A_960 = tpu.vector_load %arg12[%get3A_958, %get3A_959] {strides = array<i32>} : memref<7x128xf32, #tpu.memory_space<vmem>>, vector<1x16xf32>,
    %get3A_961 = vector.shape_cast %get3A_960 : vector<1x16xf32> to vector<16xf32>
    %mul3A_962 = arith.mulf %get3A_956, %div3A_774 : vector<16xf32>
    %mul3A_963 = arith.mulf %get3A_961, %div3A_774 : vector<16xf32>
    %mul3A_964 = arith.mulf %mul3A_962, %mul3A_962 : vector<16xf32>
    %sub3A_965 = arith.subf %mul3A_963, %mul3A_964 : vector<16xf32>
    %max3A_966 = arith.constant 1.000000e-30 : f32
    %max3A_967 = vector.broadcast %max3A_966 : f32 to vector<16xf32>
    %max3A_968 = arith.maximumf %sub3A_965, %max3A_967 : vector<16xf32>
    %bitcast_convert_type3A_969 = tpu.bitcast %max3A_968 : vector<16xf32> -> vector<16xi32>
    %shift_right_arithmetic3A_970 = arith.constant 1 : i32
    %shift_right_arithmetic3A_971 = vector.broadcast %shift_right_arithmetic3A_970 : i32 to vector<16xi32>
    %shift_right_arithmetic3A_972 = arith.shrsi %bitcast_convert_type3A_969, %shift_right_arithmetic3A_971 : vector<16xi32>
    %sub3A_973 = arith.constant 1597463007 : i32
    %sub3A_974 = vector.broadcast %sub3A_973 : i32 to vector<16xi32>
    %sub3A_975 = arith.subi %sub3A_974, %shift_right_arithmetic3A_972 : vector<16xi32>
    %bitcast_convert_type3A_976 = tpu.bitcast %sub3A_975 : vector<16xi32> -> vector<16xf32>
    %mul3A_977 = arith.mulf %max3A_968, %bitcast_convert_type3A_976 : vector<16xf32>
    %mul3A_978 = arith.mulf %mul3A_977, %bitcast_convert_type3A_976 : vector<16xf32>
    %mul3A_979 = arith.constant 5.000000e-01 : f32
    %mul3A_980 = vector.broadcast %mul3A_979 : f32 to vector<16xf32>
    %mul3A_981 = arith.mulf %mul3A_980, %mul3A_978 : vector<16xf32>
    %sub3A_982 = arith.constant 1.500000e+00 : f32
    %sub3A_983 = vector.broadcast %sub3A_982 : f32 to vector<16xf32>
    %sub3A_984 = arith.subf %sub3A_983, %mul3A_981 : vector<16xf32>
    %mul3A_985 = arith.mulf %bitcast_convert_type3A_976, %sub3A_984 : vector<16xf32>
    %mul3A_986 = arith.mulf %max3A_968, %mul3A_985 : vector<16xf32>
    %mul3A_987 = arith.mulf %mul3A_986, %mul3A_985 : vector<16xf32>
    %mul3A_988 = arith.constant 5.000000e-01 : f32
    %mul3A_989 = vector.broadcast %mul3A_988 : f32 to vector<16xf32>
    %mul3A_990 = arith.mulf %mul3A_989, %mul3A_987 : vector<16xf32>
    %sub3A_991 = arith.constant 1.500000e+00 : f32
    %sub3A_992 = vector.broadcast %sub3A_991 : f32 to vector<16xf32>
    %sub3A_993 = arith.subf %sub3A_992, %mul3A_990 : vector<16xf32>
    %mul3A_994 = arith.mulf %mul3A_985, %sub3A_993 : vector<16xf32>
    %mul3A_995 = arith.mulf %max3A_968, %mul3A_994 : vector<16xf32>
    %mul3A_996 = arith.mulf %mul3A_995, %mul3A_994 : vector<16xf32>
    %mul3A_997 = arith.constant 5.000000e-01 : f32
    %mul3A_998 = vector.broadcast %mul3A_997 : f32 to vector<16xf32>
    %mul3A_999 = arith.mulf %mul3A_998, %mul3A_996 : vector<16xf32>
    %sub3A_1000 = arith.constant 1.500000e+00 : f32
    %sub3A_1001 = vector.broadcast %sub3A_1000 : f32 to vector<16xf32>
    %sub3A_1002 = arith.subf %sub3A_1001, %mul3A_999 : vector<16xf32>
    %mul3A_1003 = arith.mulf %mul3A_994, %sub3A_1002 : vector<16xf32>
    %mul3A_1004 = arith.mulf %max3A_968, %mul3A_1003 : vector<16xf32>
    %swap3A_1005 = arith.constant 1 : i32
    %swap3A_1006 = arith.index_cast %swap3A_1005 : i32 to index
    %swap3A_1007 = arith.constant 48 : index
    %swap3A_1008 = tpu.vector_load %arg14[%swap3A_1006, %swap3A_1007] {strides = array<i32>} : memref<7x128xf32, #tpu.memory_space<vmem>>, vector<1x16xf32>,
    %swap3A_1009 = vector.shape_cast %swap3A_1008 : vector<1x16xf32> to vector<16xf32>
    %swap3A_1010 = vector.shape_cast %mul3A_1004 : vector<16xf32> to vector<1x16xf32>
    tpu.vector_store %arg14[%swap3A_1006, %swap3A_1007], %swap3A_1010 {strides = array<i32>} : memref<7x128xf32, #tpu.memory_space<vmem>>, vector<1x16xf32>,
    %get3A_1011 = arith.constant 1 : i32
    %get3A_1012 = arith.index_cast %get3A_1011 : i32 to index
    %get3A_1013 = arith.constant 64 : index
    %get3A_1014 = tpu.vector_load %arg11[%get3A_1012, %get3A_1013] {strides = array<i32>} : memref<7x128xf32, #tpu.memory_space<vmem>>, vector<1x16xf32>,
    %get3A_1015 = vector.shape_cast %get3A_1014 : vector<1x16xf32> to vector<16xf32>
    %get3A_1016 = arith.constant 1 : i32
    %get3A_1017 = arith.index_cast %get3A_1016 : i32 to index
    %get3A_1018 = arith.constant 64 : index
    %get3A_1019 = tpu.vector_load %arg12[%get3A_1017, %get3A_1018] {strides = array<i32>} : memref<7x128xf32, #tpu.memory_space<vmem>>, vector<1x16xf32>,
    %get3A_1020 = vector.shape_cast %get3A_1019 : vector<1x16xf32> to vector<16xf32>
    %mul3A_1021 = arith.mulf %get3A_1015, %div3A_774 : vector<16xf32>
    %mul3A_1022 = arith.mulf %get3A_1020, %div3A_774 : vector<16xf32>
    %mul3A_1023 = arith.mulf %mul3A_1021, %mul3A_1021 : vector<16xf32>
    %sub3A_1024 = arith.subf %mul3A_1022, %mul3A_1023 : vector<16xf32>
    %max3A_1025 = arith.constant 1.000000e-30 : f32
    %max3A_1026 = vector.broadcast %max3A_1025 : f32 to vector<16xf32>
    %max3A_1027 = arith.maximumf %sub3A_1024, %max3A_1026 : vector<16xf32>
    %bitcast_convert_type3A_1028 = tpu.bitcast %max3A_1027 : vector<16xf32> -> vector<16xi32>
    %shift_right_arithmetic3A_1029 = arith.constant 1 : i32
    %shift_right_arithmetic3A_1030 = vector.broadcast %shift_right_arithmetic3A_1029 : i32 to vector<16xi32>
    %shift_right_arithmetic3A_1031 = arith.shrsi %bitcast_convert_type3A_1028, %shift_right_arithmetic3A_1030 : vector<16xi32>
    %sub3A_1032 = arith.constant 1597463007 : i32
    %sub3A_1033 = vector.broadcast %sub3A_1032 : i32 to vector<16xi32>
    %sub3A_1034 = arith.subi %sub3A_1033, %shift_right_arithmetic3A_1031 : vector<16xi32>
    %bitcast_convert_type3A_1035 = tpu.bitcast %sub3A_1034 : vector<16xi32> -> vector<16xf32>
    %mul3A_1036 = arith.mulf %max3A_1027, %bitcast_convert_type3A_1035 : vector<16xf32>
    %mul3A_1037 = arith.mulf %mul3A_1036, %bitcast_convert_type3A_1035 : vector<16xf32>
    %mul3A_1038 = arith.constant 5.000000e-01 : f32
    %mul3A_1039 = vector.broadcast %mul3A_1038 : f32 to vector<16xf32>
    %mul3A_1040 = arith.mulf %mul3A_1039, %mul3A_1037 : vector<16xf32>
    %sub3A_1041 = arith.constant 1.500000e+00 : f32
    %sub3A_1042 = vector.broadcast %sub3A_1041 : f32 to vector<16xf32>
    %sub3A_1043 = arith.subf %sub3A_1042, %mul3A_1040 : vector<16xf32>
    %mul3A_1044 = arith.mulf %bitcast_convert_type3A_1035, %sub3A_1043 : vector<16xf32>
    %mul3A_1045 = arith.mulf %max3A_1027, %mul3A_1044 : vector<16xf32>
    %mul3A_1046 = arith.mulf %mul3A_1045, %mul3A_1044 : vector<16xf32>
    %mul3A_1047 = arith.constant 5.000000e-01 : f32
    %mul3A_1048 = vector.broadcast %mul3A_1047 : f32 to vector<16xf32>
    %mul3A_1049 = arith.mulf %mul3A_1048, %mul3A_1046 : vector<16xf32>
    %sub3A_1050 = arith.constant 1.500000e+00 : f32
    %sub3A_1051 = vector.broadcast %sub3A_1050 : f32 to vector<16xf32>
    %sub3A_1052 = arith.subf %sub3A_1051, %mul3A_1049 : vector<16xf32>
    %mul3A_1053 = arith.mulf %mul3A_1044, %sub3A_1052 : vector<16xf32>
    %mul3A_1054 = arith.mulf %max3A_1027, %mul3A_1053 : vector<16xf32>
    %mul3A_1055 = arith.mulf %mul3A_1054, %mul3A_1053 : vector<16xf32>
    %mul3A_1056 = arith.constant 5.000000e-01 : f32
    %mul3A_1057 = vector.broadcast %mul3A_1056 : f32 to vector<16xf32>
    %mul3A_1058 = arith.mulf %mul3A_1057, %mul3A_1055 : vector<16xf32>
    %sub3A_1059 = arith.constant 1.500000e+00 : f32
    %sub3A_1060 = vector.broadcast %sub3A_1059 : f32 to vector<16xf32>
    %sub3A_1061 = arith.subf %sub3A_1060, %mul3A_1058 : vector<16xf32>
    %mul3A_1062 = arith.mulf %mul3A_1053, %sub3A_1061 : vector<16xf32>
    %mul3A_1063 = arith.mulf %max3A_1027, %mul3A_1062 : vector<16xf32>
    %swap3A_1064 = arith.constant 1 : i32
    %swap3A_1065 = arith.index_cast %swap3A_1064 : i32 to index
    %swap3A_1066 = arith.constant 64 : index
    %swap3A_1067 = tpu.vector_load %arg14[%swap3A_1065, %swap3A_1066] {strides = array<i32>} : memref<7x128xf32, #tpu.memory_space<vmem>>, vector<1x16xf32>,
    %swap3A_1068 = vector.shape_cast %swap3A_1067 : vector<1x16xf32> to vector<16xf32>
    %swap3A_1069 = vector.shape_cast %mul3A_1063 : vector<16xf32> to vector<1x16xf32>
    tpu.vector_store %arg14[%swap3A_1065, %swap3A_1066], %swap3A_1069 {strides = array<i32>} : memref<7x128xf32, #tpu.memory_space<vmem>>, vector<1x16xf32>,
    %get3A_1070 = arith.constant 1 : i32
    %get3A_1071 = arith.index_cast %get3A_1070 : i32 to index
    %get3A_1072 = arith.constant 80 : index
    %get3A_1073 = tpu.vector_load %arg11[%get3A_1071, %get3A_1072] {strides = array<i32>} : memref<7x128xf32, #tpu.memory_space<vmem>>, vector<1x16xf32>,
    %get3A_1074 = vector.shape_cast %get3A_1073 : vector<1x16xf32> to vector<16xf32>
    %get3A_1075 = arith.constant 1 : i32
    %get3A_1076 = arith.index_cast %get3A_1075 : i32 to index
    %get3A_1077 = arith.constant 80 : index
    %get3A_1078 = tpu.vector_load %arg12[%get3A_1076, %get3A_1077] {strides = array<i32>} : memref<7x128xf32, #tpu.memory_space<vmem>>, vector<1x16xf32>,
    %get3A_1079 = vector.shape_cast %get3A_1078 : vector<1x16xf32> to vector<16xf32>
    %mul3A_1080 = arith.mulf %get3A_1074, %div3A_774 : vector<16xf32>
    %mul3A_1081 = arith.mulf %get3A_1079, %div3A_774 : vector<16xf32>
    %mul3A_1082 = arith.mulf %mul3A_1080, %mul3A_1080 : vector<16xf32>
    %sub3A_1083 = arith.subf %mul3A_1081, %mul3A_1082 : vector<16xf32>
    %max3A_1084 = arith.constant 1.000000e-30 : f32
    %max3A_1085 = vector.broadcast %max3A_1084 : f32 to vector<16xf32>
    %max3A_1086 = arith.maximumf %sub3A_1083, %max3A_1085 : vector<16xf32>
    %bitcast_convert_type3A_1087 = tpu.bitcast %max3A_1086 : vector<16xf32> -> vector<16xi32>
    %shift_right_arithmetic3A_1088 = arith.constant 1 : i32
    %shift_right_arithmetic3A_1089 = vector.broadcast %shift_right_arithmetic3A_1088 : i32 to vector<16xi32>
    %shift_right_arithmetic3A_1090 = arith.shrsi %bitcast_convert_type3A_1087, %shift_right_arithmetic3A_1089 : vector<16xi32>
    %sub3A_1091 = arith.constant 1597463007 : i32
    %sub3A_1092 = vector.broadcast %sub3A_1091 : i32 to vector<16xi32>
    %sub3A_1093 = arith.subi %sub3A_1092, %shift_right_arithmetic3A_1090 : vector<16xi32>
    %bitcast_convert_type3A_1094 = tpu.bitcast %sub3A_1093 : vector<16xi32> -> vector<16xf32>
    %mul3A_1095 = arith.mulf %max3A_1086, %bitcast_convert_type3A_1094 : vector<16xf32>
    %mul3A_1096 = arith.mulf %mul3A_1095, %bitcast_convert_type3A_1094 : vector<16xf32>
    %mul3A_1097 = arith.constant 5.000000e-01 : f32
    %mul3A_1098 = vector.broadcast %mul3A_1097 : f32 to vector<16xf32>
    %mul3A_1099 = arith.mulf %mul3A_1098, %mul3A_1096 : vector<16xf32>
    %sub3A_1100 = arith.constant 1.500000e+00 : f32
    %sub3A_1101 = vector.broadcast %sub3A_1100 : f32 to vector<16xf32>
    %sub3A_1102 = arith.subf %sub3A_1101, %mul3A_1099 : vector<16xf32>
    %mul3A_1103 = arith.mulf %bitcast_convert_type3A_1094, %sub3A_1102 : vector<16xf32>
    %mul3A_1104 = arith.mulf %max3A_1086, %mul3A_1103 : vector<16xf32>
    %mul3A_1105 = arith.mulf %mul3A_1104, %mul3A_1103 : vector<16xf32>
    %mul3A_1106 = arith.constant 5.000000e-01 : f32
    %mul3A_1107 = vector.broadcast %mul3A_1106 : f32 to vector<16xf32>
    %mul3A_1108 = arith.mulf %mul3A_1107, %mul3A_1105 : vector<16xf32>
    %sub3A_1109 = arith.constant 1.500000e+00 : f32
    %sub3A_1110 = vector.broadcast %sub3A_1109 : f32 to vector<16xf32>
    %sub3A_1111 = arith.subf %sub3A_1110, %mul3A_1108 : vector<16xf32>
    %mul3A_1112 = arith.mulf %mul3A_1103, %sub3A_1111 : vector<16xf32>
    %mul3A_1113 = arith.mulf %max3A_1086, %mul3A_1112 : vector<16xf32>
    %mul3A_1114 = arith.mulf %mul3A_1113, %mul3A_1112 : vector<16xf32>
    %mul3A_1115 = arith.constant 5.000000e-01 : f32
    %mul3A_1116 = vector.broadcast %mul3A_1115 : f32 to vector<16xf32>
    %mul3A_1117 = arith.mulf %mul3A_1116, %mul3A_1114 : vector<16xf32>
    %sub3A_1118 = arith.constant 1.500000e+00 : f32
    %sub3A_1119 = vector.broadcast %sub3A_1118 : f32 to vector<16xf32>
    %sub3A_1120 = arith.subf %sub3A_1119, %mul3A_1117 : vector<16xf32>
    %mul3A_1121 = arith.mulf %mul3A_1112, %sub3A_1120 : vector<16xf32>
    %mul3A_1122 = arith.mulf %max3A_1086, %mul3A_1121 : vector<16xf32>
    %swap3A_1123 = arith.constant 1 : i32
    %swap3A_1124 = arith.index_cast %swap3A_1123 : i32 to index
    %swap3A_1125 = arith.constant 80 : index
    %swap3A_1126 = tpu.vector_load %arg14[%swap3A_1124, %swap3A_1125] {strides = array<i32>} : memref<7x128xf32, #tpu.memory_space<vmem>>, vector<1x16xf32>,
    %swap3A_1127 = vector.shape_cast %swap3A_1126 : vector<1x16xf32> to vector<16xf32>
    %swap3A_1128 = vector.shape_cast %mul3A_1122 : vector<16xf32> to vector<1x16xf32>
    tpu.vector_store %arg14[%swap3A_1124, %swap3A_1125], %swap3A_1128 {strides = array<i32>} : memref<7x128xf32, #tpu.memory_space<vmem>>, vector<1x16xf32>,
    %get3A_1129 = arith.constant 1 : i32
    %get3A_1130 = arith.index_cast %get3A_1129 : i32 to index
    %get3A_1131 = arith.constant 96 : index
    %get3A_1132 = tpu.vector_load %arg11[%get3A_1130, %get3A_1131] {strides = array<i32>} : memref<7x128xf32, #tpu.memory_space<vmem>>, vector<1x16xf32>,
    %get3A_1133 = vector.shape_cast %get3A_1132 : vector<1x16xf32> to vector<16xf32>
    %get3A_1134 = arith.constant 1 : i32
    %get3A_1135 = arith.index_cast %get3A_1134 : i32 to index
    %get3A_1136 = arith.constant 96 : index
    %get3A_1137 = tpu.vector_load %arg12[%get3A_1135, %get3A_1136] {strides = array<i32>} : memref<7x128xf32, #tpu.memory_space<vmem>>, vector<1x16xf32>,
    %get3A_1138 = vector.shape_cast %get3A_1137 : vector<1x16xf32> to vector<16xf32>
    %mul3A_1139 = arith.mulf %get3A_1133, %div3A_774 : vector<16xf32>
    %mul3A_1140 = arith.mulf %get3A_1138, %div3A_774 : vector<16xf32>
    %mul3A_1141 = arith.mulf %mul3A_1139, %mul3A_1139 : vector<16xf32>
    %sub3A_1142 = arith.subf %mul3A_1140, %mul3A_1141 : vector<16xf32>
    %max3A_1143 = arith.constant 1.000000e-30 : f32
    %max3A_1144 = vector.broadcast %max3A_1143 : f32 to vector<16xf32>
    %max3A_1145 = arith.maximumf %sub3A_1142, %max3A_1144 : vector<16xf32>
    %bitcast_convert_type3A_1146 = tpu.bitcast %max3A_1145 : vector<16xf32> -> vector<16xi32>
    %shift_right_arithmetic3A_1147 = arith.constant 1 : i32
    %shift_right_arithmetic3A_1148 = vector.broadcast %shift_right_arithmetic3A_1147 : i32 to vector<16xi32>
    %shift_right_arithmetic3A_1149 = arith.shrsi %bitcast_convert_type3A_1146, %shift_right_arithmetic3A_1148 : vector<16xi32>
    %sub3A_1150 = arith.constant 1597463007 : i32
    %sub3A_1151 = vector.broadcast %sub3A_1150 : i32 to vector<16xi32>
    %sub3A_1152 = arith.subi %sub3A_1151, %shift_right_arithmetic3A_1149 : vector<16xi32>
    %bitcast_convert_type3A_1153 = tpu.bitcast %sub3A_1152 : vector<16xi32> -> vector<16xf32>
    %mul3A_1154 = arith.mulf %max3A_1145, %bitcast_convert_type3A_1153 : vector<16xf32>
    %mul3A_1155 = arith.mulf %mul3A_1154, %bitcast_convert_type3A_1153 : vector<16xf32>
    %mul3A_1156 = arith.constant 5.000000e-01 : f32
    %mul3A_1157 = vector.broadcast %mul3A_1156 : f32 to vector<16xf32>
    %mul3A_1158 = arith.mulf %mul3A_1157, %mul3A_1155 : vector<16xf32>
    %sub3A_1159 = arith.constant 1.500000e+00 : f32
    %sub3A_1160 = vector.broadcast %sub3A_1159 : f32 to vector<16xf32>
    %sub3A_1161 = arith.subf %sub3A_1160, %mul3A_1158 : vector<16xf32>
    %mul3A_1162 = arith.mulf %bitcast_convert_type3A_1153, %sub3A_1161 : vector<16xf32>
    %mul3A_1163 = arith.mulf %max3A_1145, %mul3A_1162 : vector<16xf32>
    %mul3A_1164 = arith.mulf %mul3A_1163, %mul3A_1162 : vector<16xf32>
    %mul3A_1165 = arith.constant 5.000000e-01 : f32
    %mul3A_1166 = vector.broadcast %mul3A_1165 : f32 to vector<16xf32>
    %mul3A_1167 = arith.mulf %mul3A_1166, %mul3A_1164 : vector<16xf32>
    %sub3A_1168 = arith.constant 1.500000e+00 : f32
    %sub3A_1169 = vector.broadcast %sub3A_1168 : f32 to vector<16xf32>
    %sub3A_1170 = arith.subf %sub3A_1169, %mul3A_1167 : vector<16xf32>
    %mul3A_1171 = arith.mulf %mul3A_1162, %sub3A_1170 : vector<16xf32>
    %mul3A_1172 = arith.mulf %max3A_1145, %mul3A_1171 : vector<16xf32>
    %mul3A_1173 = arith.mulf %mul3A_1172, %mul3A_1171 : vector<16xf32>
    %mul3A_1174 = arith.constant 5.000000e-01 : f32
    %mul3A_1175 = vector.broadcast %mul3A_1174 : f32 to vector<16xf32>
    %mul3A_1176 = arith.mulf %mul3A_1175, %mul3A_1173 : vector<16xf32>
    %sub3A_1177 = arith.constant 1.500000e+00 : f32
    %sub3A_1178 = vector.broadcast %sub3A_1177 : f32 to vector<16xf32>
    %sub3A_1179 = arith.subf %sub3A_1178, %mul3A_1176 : vector<16xf32>
    %mul3A_1180 = arith.mulf %mul3A_1171, %sub3A_1179 : vector<16xf32>
    %mul3A_1181 = arith.mulf %max3A_1145, %mul3A_1180 : vector<16xf32>
    %swap3A_1182 = arith.constant 1 : i32
    %swap3A_1183 = arith.index_cast %swap3A_1182 : i32 to index
    %swap3A_1184 = arith.constant 96 : index
    %swap3A_1185 = tpu.vector_load %arg14[%swap3A_1183, %swap3A_1184] {strides = array<i32>} : memref<7x128xf32, #tpu.memory_space<vmem>>, vector<1x16xf32>,
    %swap3A_1186 = vector.shape_cast %swap3A_1185 : vector<1x16xf32> to vector<16xf32>
    %swap3A_1187 = vector.shape_cast %mul3A_1181 : vector<16xf32> to vector<1x16xf32>
    tpu.vector_store %arg14[%swap3A_1183, %swap3A_1184], %swap3A_1187 {strides = array<i32>} : memref<7x128xf32, #tpu.memory_space<vmem>>, vector<1x16xf32>,
    %get3A_1188 = arith.constant 1 : i32
    %get3A_1189 = arith.index_cast %get3A_1188 : i32 to index
    %get3A_1190 = arith.constant 112 : index
    %get3A_1191 = tpu.vector_load %arg11[%get3A_1189, %get3A_1190] {strides = array<i32>} : memref<7x128xf32, #tpu.memory_space<vmem>>, vector<1x16xf32>,
    %get3A_1192 = vector.shape_cast %get3A_1191 : vector<1x16xf32> to vector<16xf32>
    %get3A_1193 = arith.constant 1 : i32
    %get3A_1194 = arith.index_cast %get3A_1193 : i32 to index
    %get3A_1195 = arith.constant 112 : index
    %get3A_1196 = tpu.vector_load %arg12[%get3A_1194, %get3A_1195] {strides = array<i32>} : memref<7x128xf32, #tpu.memory_space<vmem>>, vector<1x16xf32>,
    %get3A_1197 = vector.shape_cast %get3A_1196 : vector<1x16xf32> to vector<16xf32>
    %mul3A_1198 = arith.mulf %get3A_1192, %div3A_774 : vector<16xf32>
    %mul3A_1199 = arith.mulf %get3A_1197, %div3A_774 : vector<16xf32>
    %mul3A_1200 = arith.mulf %mul3A_1198, %mul3A_1198 : vector<16xf32>
    %sub3A_1201 = arith.subf %mul3A_1199, %mul3A_1200 : vector<16xf32>
    %max3A_1202 = arith.constant 1.000000e-30 : f32
    %max3A_1203 = vector.broadcast %max3A_1202 : f32 to vector<16xf32>
    %max3A_1204 = arith.maximumf %sub3A_1201, %max3A_1203 : vector<16xf32>
    %bitcast_convert_type3A_1205 = tpu.bitcast %max3A_1204 : vector<16xf32> -> vector<16xi32>
    %shift_right_arithmetic3A_1206 = arith.constant 1 : i32
    %shift_right_arithmetic3A_1207 = vector.broadcast %shift_right_arithmetic3A_1206 : i32 to vector<16xi32>
    %shift_right_arithmetic3A_1208 = arith.shrsi %bitcast_convert_type3A_1205, %shift_right_arithmetic3A_1207 : vector<16xi32>
    %sub3A_1209 = arith.constant 1597463007 : i32
    %sub3A_1210 = vector.broadcast %sub3A_1209 : i32 to vector<16xi32>
    %sub3A_1211 = arith.subi %sub3A_1210, %shift_right_arithmetic3A_1208 : vector<16xi32>
    %bitcast_convert_type3A_1212 = tpu.bitcast %sub3A_1211 : vector<16xi32> -> vector<16xf32>
    %mul3A_1213 = arith.mulf %max3A_1204, %bitcast_convert_type3A_1212 : vector<16xf32>
    %mul3A_1214 = arith.mulf %mul3A_1213, %bitcast_convert_type3A_1212 : vector<16xf32>
    %mul3A_1215 = arith.constant 5.000000e-01 : f32
    %mul3A_1216 = vector.broadcast %mul3A_1215 : f32 to vector<16xf32>
    %mul3A_1217 = arith.mulf %mul3A_1216, %mul3A_1214 : vector<16xf32>
    %sub3A_1218 = arith.constant 1.500000e+00 : f32
    %sub3A_1219 = vector.broadcast %sub3A_1218 : f32 to vector<16xf32>
    %sub3A_1220 = arith.subf %sub3A_1219, %mul3A_1217 : vector<16xf32>
    %mul3A_1221 = arith.mulf %bitcast_convert_type3A_1212, %sub3A_1220 : vector<16xf32>
    %mul3A_1222 = arith.mulf %max3A_1204, %mul3A_1221 : vector<16xf32>
    %mul3A_1223 = arith.mulf %mul3A_1222, %mul3A_1221 : vector<16xf32>
    %mul3A_1224 = arith.constant 5.000000e-01 : f32
    %mul3A_1225 = vector.broadcast %mul3A_1224 : f32 to vector<16xf32>
    %mul3A_1226 = arith.mulf %mul3A_1225, %mul3A_1223 : vector<16xf32>
    %sub3A_1227 = arith.constant 1.500000e+00 : f32
    %sub3A_1228 = vector.broadcast %sub3A_1227 : f32 to vector<16xf32>
    %sub3A_1229 = arith.subf %sub3A_1228, %mul3A_1226 : vector<16xf32>
    %mul3A_1230 = arith.mulf %mul3A_1221, %sub3A_1229 : vector<16xf32>
    %mul3A_1231 = arith.mulf %max3A_1204, %mul3A_1230 : vector<16xf32>
    %mul3A_1232 = arith.mulf %mul3A_1231, %mul3A_1230 : vector<16xf32>
    %mul3A_1233 = arith.constant 5.000000e-01 : f32
    %mul3A_1234 = vector.broadcast %mul3A_1233 : f32 to vector<16xf32>
    %mul3A_1235 = arith.mulf %mul3A_1234, %mul3A_1232 : vector<16xf32>
    %sub3A_1236 = arith.constant 1.500000e+00 : f32
    %sub3A_1237 = vector.broadcast %sub3A_1236 : f32 to vector<16xf32>
    %sub3A_1238 = arith.subf %sub3A_1237, %mul3A_1235 : vector<16xf32>
    %mul3A_1239 = arith.mulf %mul3A_1230, %sub3A_1238 : vector<16xf32>
    %mul3A_1240 = arith.mulf %max3A_1204, %mul3A_1239 : vector<16xf32>
    %swap3A_1241 = arith.constant 1 : i32
    %swap3A_1242 = arith.index_cast %swap3A_1241 : i32 to index
    %swap3A_1243 = arith.constant 112 : index
    %swap3A_1244 = tpu.vector_load %arg14[%swap3A_1242, %swap3A_1243] {strides = array<i32>} : memref<7x128xf32, #tpu.memory_space<vmem>>, vector<1x16xf32>,
    %swap3A_1245 = vector.shape_cast %swap3A_1244 : vector<1x16xf32> to vector<16xf32>
    %swap3A_1246 = vector.shape_cast %mul3A_1240 : vector<16xf32> to vector<1x16xf32>
    tpu.vector_store %arg14[%swap3A_1242, %swap3A_1243], %swap3A_1246 {strides = array<i32>} : memref<7x128xf32, #tpu.memory_space<vmem>>, vector<1x16xf32>,
    %get3A_1247 = arith.constant 2 : i32
    %get3A_1248 = arith.index_cast %get3A_1247 : i32 to index
    %get3A_1249 = arith.constant 0 : index
    %get3A_1250 = tpu.vector_load %arg13[%get3A_1248, %get3A_1249] {strides = array<i32>} : memref<7x128xf32, #tpu.memory_space<vmem>>, vector<1x16xf32>,
    %get3A_1251 = vector.shape_cast %get3A_1250 : vector<1x16xf32> to vector<16xf32>
    %max3A_1252 = arith.constant 1.000000e+00 : f32
    %max3A_1253 = vector.broadcast %max3A_1252 : f32 to vector<16xf32>
    %max3A_1254 = arith.maximumf %get3A_1251, %max3A_1253 : vector<16xf32>
    %div3A_1255 = arith.constant 1.000000e+00 : f32
    %div3A_1256 = vector.broadcast %div3A_1255 : f32 to vector<16xf32>
    %div3A_1257 = arith.divf %div3A_1256, %max3A_1254 : vector<16xf32>
    %get3A_1258 = arith.constant 2 : i32
    %get3A_1259 = arith.index_cast %get3A_1258 : i32 to index
    %get3A_1260 = arith.constant 0 : index
    %get3A_1261 = tpu.vector_load %arg11[%get3A_1259, %get3A_1260] {strides = array<i32>} : memref<7x128xf32, #tpu.memory_space<vmem>>, vector<1x16xf32>,
    %get3A_1262 = vector.shape_cast %get3A_1261 : vector<1x16xf32> to vector<16xf32>
    %get3A_1263 = arith.constant 2 : i32
    %get3A_1264 = arith.index_cast %get3A_1263 : i32 to index
    %get3A_1265 = arith.constant 0 : index
    %get3A_1266 = tpu.vector_load %arg12[%get3A_1264, %get3A_1265] {strides = array<i32>} : memref<7x128xf32, #tpu.memory_space<vmem>>, vector<1x16xf32>,
    %get3A_1267 = vector.shape_cast %get3A_1266 : vector<1x16xf32> to vector<16xf32>
    %mul3A_1268 = arith.mulf %get3A_1262, %div3A_1257 : vector<16xf32>
    %mul3A_1269 = arith.mulf %get3A_1267, %div3A_1257 : vector<16xf32>
    %mul3A_1270 = arith.mulf %mul3A_1268, %mul3A_1268 : vector<16xf32>
    %sub3A_1271 = arith.subf %mul3A_1269, %mul3A_1270 : vector<16xf32>
    %max3A_1272 = arith.constant 1.000000e-30 : f32
    %max3A_1273 = vector.broadcast %max3A_1272 : f32 to vector<16xf32>
    %max3A_1274 = arith.maximumf %sub3A_1271, %max3A_1273 : vector<16xf32>
    %bitcast_convert_type3A_1275 = tpu.bitcast %max3A_1274 : vector<16xf32> -> vector<16xi32>
    %shift_right_arithmetic3A_1276 = arith.constant 1 : i32
    %shift_right_arithmetic3A_1277 = vector.broadcast %shift_right_arithmetic3A_1276 : i32 to vector<16xi32>
    %shift_right_arithmetic3A_1278 = arith.shrsi %bitcast_convert_type3A_1275, %shift_right_arithmetic3A_1277 : vector<16xi32>
    %sub3A_1279 = arith.constant 1597463007 : i32
    %sub3A_1280 = vector.broadcast %sub3A_1279 : i32 to vector<16xi32>
    %sub3A_1281 = arith.subi %sub3A_1280, %shift_right_arithmetic3A_1278 : vector<16xi32>
    %bitcast_convert_type3A_1282 = tpu.bitcast %sub3A_1281 : vector<16xi32> -> vector<16xf32>
    %mul3A_1283 = arith.mulf %max3A_1274, %bitcast_convert_type3A_1282 : vector<16xf32>
    %mul3A_1284 = arith.mulf %mul3A_1283, %bitcast_convert_type3A_1282 : vector<16xf32>
    %mul3A_1285 = arith.constant 5.000000e-01 : f32
    %mul3A_1286 = vector.broadcast %mul3A_1285 : f32 to vector<16xf32>
    %mul3A_1287 = arith.mulf %mul3A_1286, %mul3A_1284 : vector<16xf32>
    %sub3A_1288 = arith.constant 1.500000e+00 : f32
    %sub3A_1289 = vector.broadcast %sub3A_1288 : f32 to vector<16xf32>
    %sub3A_1290 = arith.subf %sub3A_1289, %mul3A_1287 : vector<16xf32>
    %mul3A_1291 = arith.mulf %bitcast_convert_type3A_1282, %sub3A_1290 : vector<16xf32>
    %mul3A_1292 = arith.mulf %max3A_1274, %mul3A_1291 : vector<16xf32>
    %mul3A_1293 = arith.mulf %mul3A_1292, %mul3A_1291 : vector<16xf32>
    %mul3A_1294 = arith.constant 5.000000e-01 : f32
    %mul3A_1295 = vector.broadcast %mul3A_1294 : f32 to vector<16xf32>
    %mul3A_1296 = arith.mulf %mul3A_1295, %mul3A_1293 : vector<16xf32>
    %sub3A_1297 = arith.constant 1.500000e+00 : f32
    %sub3A_1298 = vector.broadcast %sub3A_1297 : f32 to vector<16xf32>
    %sub3A_1299 = arith.subf %sub3A_1298, %mul3A_1296 : vector<16xf32>
    %mul3A_1300 = arith.mulf %mul3A_1291, %sub3A_1299 : vector<16xf32>
    %mul3A_1301 = arith.mulf %max3A_1274, %mul3A_1300 : vector<16xf32>
    %mul3A_1302 = arith.mulf %mul3A_1301, %mul3A_1300 : vector<16xf32>
    %mul3A_1303 = arith.constant 5.000000e-01 : f32
    %mul3A_1304 = vector.broadcast %mul3A_1303 : f32 to vector<16xf32>
    %mul3A_1305 = arith.mulf %mul3A_1304, %mul3A_1302 : vector<16xf32>
    %sub3A_1306 = arith.constant 1.500000e+00 : f32
    %sub3A_1307 = vector.broadcast %sub3A_1306 : f32 to vector<16xf32>
    %sub3A_1308 = arith.subf %sub3A_1307, %mul3A_1305 : vector<16xf32>
    %mul3A_1309 = arith.mulf %mul3A_1300, %sub3A_1308 : vector<16xf32>
    %mul3A_1310 = arith.mulf %max3A_1274, %mul3A_1309 : vector<16xf32>
    %swap3A_1311 = arith.constant 2 : i32
    %swap3A_1312 = arith.index_cast %swap3A_1311 : i32 to index
    %swap3A_1313 = arith.constant 0 : index
    %swap3A_1314 = tpu.vector_load %arg14[%swap3A_1312, %swap3A_1313] {strides = array<i32>} : memref<7x128xf32, #tpu.memory_space<vmem>>, vector<1x16xf32>,
    %swap3A_1315 = vector.shape_cast %swap3A_1314 : vector<1x16xf32> to vector<16xf32>
    %swap3A_1316 = vector.shape_cast %mul3A_1310 : vector<16xf32> to vector<1x16xf32>
    tpu.vector_store %arg14[%swap3A_1312, %swap3A_1313], %swap3A_1316 {strides = array<i32>} : memref<7x128xf32, #tpu.memory_space<vmem>>, vector<1x16xf32>,
    %get3A_1317 = arith.constant 2 : i32
    %get3A_1318 = arith.index_cast %get3A_1317 : i32 to index
    %get3A_1319 = arith.constant 16 : index
    %get3A_1320 = tpu.vector_load %arg11[%get3A_1318, %get3A_1319] {strides = array<i32>} : memref<7x128xf32, #tpu.memory_space<vmem>>, vector<1x16xf32>,
    %get3A_1321 = vector.shape_cast %get3A_1320 : vector<1x16xf32> to vector<16xf32>
    %get3A_1322 = arith.constant 2 : i32
    %get3A_1323 = arith.index_cast %get3A_1322 : i32 to index
    %get3A_1324 = arith.constant 16 : index
    %get3A_1325 = tpu.vector_load %arg12[%get3A_1323, %get3A_1324] {strides = array<i32>} : memref<7x128xf32, #tpu.memory_space<vmem>>, vector<1x16xf32>,
    %get3A_1326 = vector.shape_cast %get3A_1325 : vector<1x16xf32> to vector<16xf32>
    %mul3A_1327 = arith.mulf %get3A_1321, %div3A_1257 : vector<16xf32>
    %mul3A_1328 = arith.mulf %get3A_1326, %div3A_1257 : vector<16xf32>
    %mul3A_1329 = arith.mulf %mul3A_1327, %mul3A_1327 : vector<16xf32>
    %sub3A_1330 = arith.subf %mul3A_1328, %mul3A_1329 : vector<16xf32>
    %max3A_1331 = arith.constant 1.000000e-30 : f32
    %max3A_1332 = vector.broadcast %max3A_1331 : f32 to vector<16xf32>
    %max3A_1333 = arith.maximumf %sub3A_1330, %max3A_1332 : vector<16xf32>
    %bitcast_convert_type3A_1334 = tpu.bitcast %max3A_1333 : vector<16xf32> -> vector<16xi32>
    %shift_right_arithmetic3A_1335 = arith.constant 1 : i32
    %shift_right_arithmetic3A_1336 = vector.broadcast %shift_right_arithmetic3A_1335 : i32 to vector<16xi32>
    %shift_right_arithmetic3A_1337 = arith.shrsi %bitcast_convert_type3A_1334, %shift_right_arithmetic3A_1336 : vector<16xi32>
    %sub3A_1338 = arith.constant 1597463007 : i32
    %sub3A_1339 = vector.broadcast %sub3A_1338 : i32 to vector<16xi32>
    %sub3A_1340 = arith.subi %sub3A_1339, %shift_right_arithmetic3A_1337 : vector<16xi32>
    %bitcast_convert_type3A_1341 = tpu.bitcast %sub3A_1340 : vector<16xi32> -> vector<16xf32>
    %mul3A_1342 = arith.mulf %max3A_1333, %bitcast_convert_type3A_1341 : vector<16xf32>
    %mul3A_1343 = arith.mulf %mul3A_1342, %bitcast_convert_type3A_1341 : vector<16xf32>
    %mul3A_1344 = arith.constant 5.000000e-01 : f32
    %mul3A_1345 = vector.broadcast %mul3A_1344 : f32 to vector<16xf32>
    %mul3A_1346 = arith.mulf %mul3A_1345, %mul3A_1343 : vector<16xf32>
    %sub3A_1347 = arith.constant 1.500000e+00 : f32
    %sub3A_1348 = vector.broadcast %sub3A_1347 : f32 to vector<16xf32>
    %sub3A_1349 = arith.subf %sub3A_1348, %mul3A_1346 : vector<16xf32>
    %mul3A_1350 = arith.mulf %bitcast_convert_type3A_1341, %sub3A_1349 : vector<16xf32>
    %mul3A_1351 = arith.mulf %max3A_1333, %mul3A_1350 : vector<16xf32>
    %mul3A_1352 = arith.mulf %mul3A_1351, %mul3A_1350 : vector<16xf32>
    %mul3A_1353 = arith.constant 5.000000e-01 : f32
    %mul3A_1354 = vector.broadcast %mul3A_1353 : f32 to vector<16xf32>
    %mul3A_1355 = arith.mulf %mul3A_1354, %mul3A_1352 : vector<16xf32>
    %sub3A_1356 = arith.constant 1.500000e+00 : f32
    %sub3A_1357 = vector.broadcast %sub3A_1356 : f32 to vector<16xf32>
    %sub3A_1358 = arith.subf %sub3A_1357, %mul3A_1355 : vector<16xf32>
    %mul3A_1359 = arith.mulf %mul3A_1350, %sub3A_1358 : vector<16xf32>
    %mul3A_1360 = arith.mulf %max3A_1333, %mul3A_1359 : vector<16xf32>
    %mul3A_1361 = arith.mulf %mul3A_1360, %mul3A_1359 : vector<16xf32>
    %mul3A_1362 = arith.constant 5.000000e-01 : f32
    %mul3A_1363 = vector.broadcast %mul3A_1362 : f32 to vector<16xf32>
    %mul3A_1364 = arith.mulf %mul3A_1363, %mul3A_1361 : vector<16xf32>
    %sub3A_1365 = arith.constant 1.500000e+00 : f32
    %sub3A_1366 = vector.broadcast %sub3A_1365 : f32 to vector<16xf32>
    %sub3A_1367 = arith.subf %sub3A_1366, %mul3A_1364 : vector<16xf32>
    %mul3A_1368 = arith.mulf %mul3A_1359, %sub3A_1367 : vector<16xf32>
    %mul3A_1369 = arith.mulf %max3A_1333, %mul3A_1368 : vector<16xf32>
    %swap3A_1370 = arith.constant 2 : i32
    %swap3A_1371 = arith.index_cast %swap3A_1370 : i32 to index
    %swap3A_1372 = arith.constant 16 : index
    %swap3A_1373 = tpu.vector_load %arg14[%swap3A_1371, %swap3A_1372] {strides = array<i32>} : memref<7x128xf32, #tpu.memory_space<vmem>>, vector<1x16xf32>,
    %swap3A_1374 = vector.shape_cast %swap3A_1373 : vector<1x16xf32> to vector<16xf32>
    %swap3A_1375 = vector.shape_cast %mul3A_1369 : vector<16xf32> to vector<1x16xf32>
    tpu.vector_store %arg14[%swap3A_1371, %swap3A_1372], %swap3A_1375 {strides = array<i32>} : memref<7x128xf32, #tpu.memory_space<vmem>>, vector<1x16xf32>,
    %get3A_1376 = arith.constant 2 : i32
    %get3A_1377 = arith.index_cast %get3A_1376 : i32 to index
    %get3A_1378 = arith.constant 32 : index
    %get3A_1379 = tpu.vector_load %arg11[%get3A_1377, %get3A_1378] {strides = array<i32>} : memref<7x128xf32, #tpu.memory_space<vmem>>, vector<1x16xf32>,
    %get3A_1380 = vector.shape_cast %get3A_1379 : vector<1x16xf32> to vector<16xf32>
    %get3A_1381 = arith.constant 2 : i32
    %get3A_1382 = arith.index_cast %get3A_1381 : i32 to index
    %get3A_1383 = arith.constant 32 : index
    %get3A_1384 = tpu.vector_load %arg12[%get3A_1382, %get3A_1383] {strides = array<i32>} : memref<7x128xf32, #tpu.memory_space<vmem>>, vector<1x16xf32>,
    %get3A_1385 = vector.shape_cast %get3A_1384 : vector<1x16xf32> to vector<16xf32>
    %mul3A_1386 = arith.mulf %get3A_1380, %div3A_1257 : vector<16xf32>
    %mul3A_1387 = arith.mulf %get3A_1385, %div3A_1257 : vector<16xf32>
    %mul3A_1388 = arith.mulf %mul3A_1386, %mul3A_1386 : vector<16xf32>
    %sub3A_1389 = arith.subf %mul3A_1387, %mul3A_1388 : vector<16xf32>
    %max3A_1390 = arith.constant 1.000000e-30 : f32
    %max3A_1391 = vector.broadcast %max3A_1390 : f32 to vector<16xf32>
    %max3A_1392 = arith.maximumf %sub3A_1389, %max3A_1391 : vector<16xf32>
    %bitcast_convert_type3A_1393 = tpu.bitcast %max3A_1392 : vector<16xf32> -> vector<16xi32>
    %shift_right_arithmetic3A_1394 = arith.constant 1 : i32
    %shift_right_arithmetic3A_1395 = vector.broadcast %shift_right_arithmetic3A_1394 : i32 to vector<16xi32>
    %shift_right_arithmetic3A_1396 = arith.shrsi %bitcast_convert_type3A_1393, %shift_right_arithmetic3A_1395 : vector<16xi32>
    %sub3A_1397 = arith.constant 1597463007 : i32
    %sub3A_1398 = vector.broadcast %sub3A_1397 : i32 to vector<16xi32>
    %sub3A_1399 = arith.subi %sub3A_1398, %shift_right_arithmetic3A_1396 : vector<16xi32>
    %bitcast_convert_type3A_1400 = tpu.bitcast %sub3A_1399 : vector<16xi32> -> vector<16xf32>
    %mul3A_1401 = arith.mulf %max3A_1392, %bitcast_convert_type3A_1400 : vector<16xf32>
    %mul3A_1402 = arith.mulf %mul3A_1401, %bitcast_convert_type3A_1400 : vector<16xf32>
    %mul3A_1403 = arith.constant 5.000000e-01 : f32
    %mul3A_1404 = vector.broadcast %mul3A_1403 : f32 to vector<16xf32>
    %mul3A_1405 = arith.mulf %mul3A_1404, %mul3A_1402 : vector<16xf32>
    %sub3A_1406 = arith.constant 1.500000e+00 : f32
    %sub3A_1407 = vector.broadcast %sub3A_1406 : f32 to vector<16xf32>
    %sub3A_1408 = arith.subf %sub3A_1407, %mul3A_1405 : vector<16xf32>
    %mul3A_1409 = arith.mulf %bitcast_convert_type3A_1400, %sub3A_1408 : vector<16xf32>
    %mul3A_1410 = arith.mulf %max3A_1392, %mul3A_1409 : vector<16xf32>
    %mul3A_1411 = arith.mulf %mul3A_1410, %mul3A_1409 : vector<16xf32>
    %mul3A_1412 = arith.constant 5.000000e-01 : f32
    %mul3A_1413 = vector.broadcast %mul3A_1412 : f32 to vector<16xf32>
    %mul3A_1414 = arith.mulf %mul3A_1413, %mul3A_1411 : vector<16xf32>
    %sub3A_1415 = arith.constant 1.500000e+00 : f32
    %sub3A_1416 = vector.broadcast %sub3A_1415 : f32 to vector<16xf32>
    %sub3A_1417 = arith.subf %sub3A_1416, %mul3A_1414 : vector<16xf32>
    %mul3A_1418 = arith.mulf %mul3A_1409, %sub3A_1417 : vector<16xf32>
    %mul3A_1419 = arith.mulf %max3A_1392, %mul3A_1418 : vector<16xf32>
    %mul3A_1420 = arith.mulf %mul3A_1419, %mul3A_1418 : vector<16xf32>
    %mul3A_1421 = arith.constant 5.000000e-01 : f32
    %mul3A_1422 = vector.broadcast %mul3A_1421 : f32 to vector<16xf32>
    %mul3A_1423 = arith.mulf %mul3A_1422, %mul3A_1420 : vector<16xf32>
    %sub3A_1424 = arith.constant 1.500000e+00 : f32
    %sub3A_1425 = vector.broadcast %sub3A_1424 : f32 to vector<16xf32>
    %sub3A_1426 = arith.subf %sub3A_1425, %mul3A_1423 : vector<16xf32>
    %mul3A_1427 = arith.mulf %mul3A_1418, %sub3A_1426 : vector<16xf32>
    %mul3A_1428 = arith.mulf %max3A_1392, %mul3A_1427 : vector<16xf32>
    %swap3A_1429 = arith.constant 2 : i32
    %swap3A_1430 = arith.index_cast %swap3A_1429 : i32 to index
    %swap3A_1431 = arith.constant 32 : index
    %swap3A_1432 = tpu.vector_load %arg14[%swap3A_1430, %swap3A_1431] {strides = array<i32>} : memref<7x128xf32, #tpu.memory_space<vmem>>, vector<1x16xf32>,
    %swap3A_1433 = vector.shape_cast %swap3A_1432 : vector<1x16xf32> to vector<16xf32>
    %swap3A_1434 = vector.shape_cast %mul3A_1428 : vector<16xf32> to vector<1x16xf32>
    tpu.vector_store %arg14[%swap3A_1430, %swap3A_1431], %swap3A_1434 {strides = array<i32>} : memref<7x128xf32, #tpu.memory_space<vmem>>, vector<1x16xf32>,
    %get3A_1435 = arith.constant 2 : i32
    %get3A_1436 = arith.index_cast %get3A_1435 : i32 to index
    %get3A_1437 = arith.constant 48 : index
    %get3A_1438 = tpu.vector_load %arg11[%get3A_1436, %get3A_1437] {strides = array<i32>} : memref<7x128xf32, #tpu.memory_space<vmem>>, vector<1x16xf32>,
    %get3A_1439 = vector.shape_cast %get3A_1438 : vector<1x16xf32> to vector<16xf32>
    %get3A_1440 = arith.constant 2 : i32
    %get3A_1441 = arith.index_cast %get3A_1440 : i32 to index
    %get3A_1442 = arith.constant 48 : index
    %get3A_1443 = tpu.vector_load %arg12[%get3A_1441, %get3A_1442] {strides = array<i32>} : memref<7x128xf32, #tpu.memory_space<vmem>>, vector<1x16xf32>,
    %get3A_1444 = vector.shape_cast %get3A_1443 : vector<1x16xf32> to vector<16xf32>
    %mul3A_1445 = arith.mulf %get3A_1439, %div3A_1257 : vector<16xf32>
    %mul3A_1446 = arith.mulf %get3A_1444, %div3A_1257 : vector<16xf32>
    %mul3A_1447 = arith.mulf %mul3A_1445, %mul3A_1445 : vector<16xf32>
    %sub3A_1448 = arith.subf %mul3A_1446, %mul3A_1447 : vector<16xf32>
    %max3A_1449 = arith.constant 1.000000e-30 : f32
    %max3A_1450 = vector.broadcast %max3A_1449 : f32 to vector<16xf32>
    %max3A_1451 = arith.maximumf %sub3A_1448, %max3A_1450 : vector<16xf32>
    %bitcast_convert_type3A_1452 = tpu.bitcast %max3A_1451 : vector<16xf32> -> vector<16xi32>
    %shift_right_arithmetic3A_1453 = arith.constant 1 : i32
    %shift_right_arithmetic3A_1454 = vector.broadcast %shift_right_arithmetic3A_1453 : i32 to vector<16xi32>
    %shift_right_arithmetic3A_1455 = arith.shrsi %bitcast_convert_type3A_1452, %shift_right_arithmetic3A_1454 : vector<16xi32>
    %sub3A_1456 = arith.constant 1597463007 : i32
    %sub3A_1457 = vector.broadcast %sub3A_1456 : i32 to vector<16xi32>
    %sub3A_1458 = arith.subi %sub3A_1457, %shift_right_arithmetic3A_1455 : vector<16xi32>
    %bitcast_convert_type3A_1459 = tpu.bitcast %sub3A_1458 : vector<16xi32> -> vector<16xf32>
    %mul3A_1460 = arith.mulf %max3A_1451, %bitcast_convert_type3A_1459 : vector<16xf32>
    %mul3A_1461 = arith.mulf %mul3A_1460, %bitcast_convert_type3A_1459 : vector<16xf32>
    %mul3A_1462 = arith.constant 5.000000e-01 : f32
    %mul3A_1463 = vector.broadcast %mul3A_1462 : f32 to vector<16xf32>
    %mul3A_1464 = arith.mulf %mul3A_1463, %mul3A_1461 : vector<16xf32>
    %sub3A_1465 = arith.constant 1.500000e+00 : f32
    %sub3A_1466 = vector.broadcast %sub3A_1465 : f32 to vector<16xf32>
    %sub3A_1467 = arith.subf %sub3A_1466, %mul3A_1464 : vector<16xf32>
    %mul3A_1468 = arith.mulf %bitcast_convert_type3A_1459, %sub3A_1467 : vector<16xf32>
    %mul3A_1469 = arith.mulf %max3A_1451, %mul3A_1468 : vector<16xf32>
    %mul3A_1470 = arith.mulf %mul3A_1469, %mul3A_1468 : vector<16xf32>
    %mul3A_1471 = arith.constant 5.000000e-01 : f32
    %mul3A_1472 = vector.broadcast %mul3A_1471 : f32 to vector<16xf32>
    %mul3A_1473 = arith.mulf %mul3A_1472, %mul3A_1470 : vector<16xf32>
    %sub3A_1474 = arith.constant 1.500000e+00 : f32
    %sub3A_1475 = vector.broadcast %sub3A_1474 : f32 to vector<16xf32>
    %sub3A_1476 = arith.subf %sub3A_1475, %mul3A_1473 : vector<16xf32>
    %mul3A_1477 = arith.mulf %mul3A_1468, %sub3A_1476 : vector<16xf32>
    %mul3A_1478 = arith.mulf %max3A_1451, %mul3A_1477 : vector<16xf32>
    %mul3A_1479 = arith.mulf %mul3A_1478, %mul3A_1477 : vector<16xf32>
    %mul3A_1480 = arith.constant 5.000000e-01 : f32
    %mul3A_1481 = vector.broadcast %mul3A_1480 : f32 to vector<16xf32>
    %mul3A_1482 = arith.mulf %mul3A_1481, %mul3A_1479 : vector<16xf32>
    %sub3A_1483 = arith.constant 1.500000e+00 : f32
    %sub3A_1484 = vector.broadcast %sub3A_1483 : f32 to vector<16xf32>
    %sub3A_1485 = arith.subf %sub3A_1484, %mul3A_1482 : vector<16xf32>
    %mul3A_1486 = arith.mulf %mul3A_1477, %sub3A_1485 : vector<16xf32>
    %mul3A_1487 = arith.mulf %max3A_1451, %mul3A_1486 : vector<16xf32>
    %swap3A_1488 = arith.constant 2 : i32
    %swap3A_1489 = arith.index_cast %swap3A_1488 : i32 to index
    %swap3A_1490 = arith.constant 48 : index
    %swap3A_1491 = tpu.vector_load %arg14[%swap3A_1489, %swap3A_1490] {strides = array<i32>} : memref<7x128xf32, #tpu.memory_space<vmem>>, vector<1x16xf32>,
    %swap3A_1492 = vector.shape_cast %swap3A_1491 : vector<1x16xf32> to vector<16xf32>
    %swap3A_1493 = vector.shape_cast %mul3A_1487 : vector<16xf32> to vector<1x16xf32>
    tpu.vector_store %arg14[%swap3A_1489, %swap3A_1490], %swap3A_1493 {strides = array<i32>} : memref<7x128xf32, #tpu.memory_space<vmem>>, vector<1x16xf32>,
    %get3A_1494 = arith.constant 2 : i32
    %get3A_1495 = arith.index_cast %get3A_1494 : i32 to index
    %get3A_1496 = arith.constant 64 : index
    %get3A_1497 = tpu.vector_load %arg11[%get3A_1495, %get3A_1496] {strides = array<i32>} : memref<7x128xf32, #tpu.memory_space<vmem>>, vector<1x16xf32>,
    %get3A_1498 = vector.shape_cast %get3A_1497 : vector<1x16xf32> to vector<16xf32>
    %get3A_1499 = arith.constant 2 : i32
    %get3A_1500 = arith.index_cast %get3A_1499 : i32 to index
    %get3A_1501 = arith.constant 64 : index
    %get3A_1502 = tpu.vector_load %arg12[%get3A_1500, %get3A_1501] {strides = array<i32>} : memref<7x128xf32, #tpu.memory_space<vmem>>, vector<1x16xf32>,
    %get3A_1503 = vector.shape_cast %get3A_1502 : vector<1x16xf32> to vector<16xf32>
    %mul3A_1504 = arith.mulf %get3A_1498, %div3A_1257 : vector<16xf32>
    %mul3A_1505 = arith.mulf %get3A_1503, %div3A_1257 : vector<16xf32>
    %mul3A_1506 = arith.mulf %mul3A_1504, %mul3A_1504 : vector<16xf32>
    %sub3A_1507 = arith.subf %mul3A_1505, %mul3A_1506 : vector<16xf32>
    %max3A_1508 = arith.constant 1.000000e-30 : f32
    %max3A_1509 = vector.broadcast %max3A_1508 : f32 to vector<16xf32>
    %max3A_1510 = arith.maximumf %sub3A_1507, %max3A_1509 : vector<16xf32>
    %bitcast_convert_type3A_1511 = tpu.bitcast %max3A_1510 : vector<16xf32> -> vector<16xi32>
    %shift_right_arithmetic3A_1512 = arith.constant 1 : i32
    %shift_right_arithmetic3A_1513 = vector.broadcast %shift_right_arithmetic3A_1512 : i32 to vector<16xi32>
    %shift_right_arithmetic3A_1514 = arith.shrsi %bitcast_convert_type3A_1511, %shift_right_arithmetic3A_1513 : vector<16xi32>
    %sub3A_1515 = arith.constant 1597463007 : i32
    %sub3A_1516 = vector.broadcast %sub3A_1515 : i32 to vector<16xi32>
    %sub3A_1517 = arith.subi %sub3A_1516, %shift_right_arithmetic3A_1514 : vector<16xi32>
    %bitcast_convert_type3A_1518 = tpu.bitcast %sub3A_1517 : vector<16xi32> -> vector<16xf32>
    %mul3A_1519 = arith.mulf %max3A_1510, %bitcast_convert_type3A_1518 : vector<16xf32>
    %mul3A_1520 = arith.mulf %mul3A_1519, %bitcast_convert_type3A_1518 : vector<16xf32>
    %mul3A_1521 = arith.constant 5.000000e-01 : f32
    %mul3A_1522 = vector.broadcast %mul3A_1521 : f32 to vector<16xf32>
    %mul3A_1523 = arith.mulf %mul3A_1522, %mul3A_1520 : vector<16xf32>
    %sub3A_1524 = arith.constant 1.500000e+00 : f32
    %sub3A_1525 = vector.broadcast %sub3A_1524 : f32 to vector<16xf32>
    %sub3A_1526 = arith.subf %sub3A_1525, %mul3A_1523 : vector<16xf32>
    %mul3A_1527 = arith.mulf %bitcast_convert_type3A_1518, %sub3A_1526 : vector<16xf32>
    %mul3A_1528 = arith.mulf %max3A_1510, %mul3A_1527 : vector<16xf32>
    %mul3A_1529 = arith.mulf %mul3A_1528, %mul3A_1527 : vector<16xf32>
    %mul3A_1530 = arith.constant 5.000000e-01 : f32
    %mul3A_1531 = vector.broadcast %mul3A_1530 : f32 to vector<16xf32>
    %mul3A_1532 = arith.mulf %mul3A_1531, %mul3A_1529 : vector<16xf32>
    %sub3A_1533 = arith.constant 1.500000e+00 : f32
    %sub3A_1534 = vector.broadcast %sub3A_1533 : f32 to vector<16xf32>
    %sub3A_1535 = arith.subf %sub3A_1534, %mul3A_1532 : vector<16xf32>
    %mul3A_1536 = arith.mulf %mul3A_1527, %sub3A_1535 : vector<16xf32>
    %mul3A_1537 = arith.mulf %max3A_1510, %mul3A_1536 : vector<16xf32>
    %mul3A_1538 = arith.mulf %mul3A_1537, %mul3A_1536 : vector<16xf32>
    %mul3A_1539 = arith.constant 5.000000e-01 : f32
    %mul3A_1540 = vector.broadcast %mul3A_1539 : f32 to vector<16xf32>
    %mul3A_1541 = arith.mulf %mul3A_1540, %mul3A_1538 : vector<16xf32>
    %sub3A_1542 = arith.constant 1.500000e+00 : f32
    %sub3A_1543 = vector.broadcast %sub3A_1542 : f32 to vector<16xf32>
    %sub3A_1544 = arith.subf %sub3A_1543, %mul3A_1541 : vector<16xf32>
    %mul3A_1545 = arith.mulf %mul3A_1536, %sub3A_1544 : vector<16xf32>
    %mul3A_1546 = arith.mulf %max3A_1510, %mul3A_1545 : vector<16xf32>
    %swap3A_1547 = arith.constant 2 : i32
    %swap3A_1548 = arith.index_cast %swap3A_1547 : i32 to index
    %swap3A_1549 = arith.constant 64 : index
    %swap3A_1550 = tpu.vector_load %arg14[%swap3A_1548, %swap3A_1549] {strides = array<i32>} : memref<7x128xf32, #tpu.memory_space<vmem>>, vector<1x16xf32>,
    %swap3A_1551 = vector.shape_cast %swap3A_1550 : vector<1x16xf32> to vector<16xf32>
    %swap3A_1552 = vector.shape_cast %mul3A_1546 : vector<16xf32> to vector<1x16xf32>
    tpu.vector_store %arg14[%swap3A_1548, %swap3A_1549], %swap3A_1552 {strides = array<i32>} : memref<7x128xf32, #tpu.memory_space<vmem>>, vector<1x16xf32>,
    %get3A_1553 = arith.constant 2 : i32
    %get3A_1554 = arith.index_cast %get3A_1553 : i32 to index
    %get3A_1555 = arith.constant 80 : index
    %get3A_1556 = tpu.vector_load %arg11[%get3A_1554, %get3A_1555] {strides = array<i32>} : memref<7x128xf32, #tpu.memory_space<vmem>>, vector<1x16xf32>,
    %get3A_1557 = vector.shape_cast %get3A_1556 : vector<1x16xf32> to vector<16xf32>
    %get3A_1558 = arith.constant 2 : i32
    %get3A_1559 = arith.index_cast %get3A_1558 : i32 to index
    %get3A_1560 = arith.constant 80 : index
    %get3A_1561 = tpu.vector_load %arg12[%get3A_1559, %get3A_1560] {strides = array<i32>} : memref<7x128xf32, #tpu.memory_space<vmem>>, vector<1x16xf32>,
    %get3A_1562 = vector.shape_cast %get3A_1561 : vector<1x16xf32> to vector<16xf32>
    %mul3A_1563 = arith.mulf %get3A_1557, %div3A_1257 : vector<16xf32>
    %mul3A_1564 = arith.mulf %get3A_1562, %div3A_1257 : vector<16xf32>
    %mul3A_1565 = arith.mulf %mul3A_1563, %mul3A_1563 : vector<16xf32>
    %sub3A_1566 = arith.subf %mul3A_1564, %mul3A_1565 : vector<16xf32>
    %max3A_1567 = arith.constant 1.000000e-30 : f32
    %max3A_1568 = vector.broadcast %max3A_1567 : f32 to vector<16xf32>
    %max3A_1569 = arith.maximumf %sub3A_1566, %max3A_1568 : vector<16xf32>
    %bitcast_convert_type3A_1570 = tpu.bitcast %max3A_1569 : vector<16xf32> -> vector<16xi32>
    %shift_right_arithmetic3A_1571 = arith.constant 1 : i32
    %shift_right_arithmetic3A_1572 = vector.broadcast %shift_right_arithmetic3A_1571 : i32 to vector<16xi32>
    %shift_right_arithmetic3A_1573 = arith.shrsi %bitcast_convert_type3A_1570, %shift_right_arithmetic3A_1572 : vector<16xi32>
    %sub3A_1574 = arith.constant 1597463007 : i32
    %sub3A_1575 = vector.broadcast %sub3A_1574 : i32 to vector<16xi32>
    %sub3A_1576 = arith.subi %sub3A_1575, %shift_right_arithmetic3A_1573 : vector<16xi32>
    %bitcast_convert_type3A_1577 = tpu.bitcast %sub3A_1576 : vector<16xi32> -> vector<16xf32>
    %mul3A_1578 = arith.mulf %max3A_1569, %bitcast_convert_type3A_1577 : vector<16xf32>
    %mul3A_1579 = arith.mulf %mul3A_1578, %bitcast_convert_type3A_1577 : vector<16xf32>
    %mul3A_1580 = arith.constant 5.000000e-01 : f32
    %mul3A_1581 = vector.broadcast %mul3A_1580 : f32 to vector<16xf32>
    %mul3A_1582 = arith.mulf %mul3A_1581, %mul3A_1579 : vector<16xf32>
    %sub3A_1583 = arith.constant 1.500000e+00 : f32
    %sub3A_1584 = vector.broadcast %sub3A_1583 : f32 to vector<16xf32>
    %sub3A_1585 = arith.subf %sub3A_1584, %mul3A_1582 : vector<16xf32>
    %mul3A_1586 = arith.mulf %bitcast_convert_type3A_1577, %sub3A_1585 : vector<16xf32>
    %mul3A_1587 = arith.mulf %max3A_1569, %mul3A_1586 : vector<16xf32>
    %mul3A_1588 = arith.mulf %mul3A_1587, %mul3A_1586 : vector<16xf32>
    %mul3A_1589 = arith.constant 5.000000e-01 : f32
    %mul3A_1590 = vector.broadcast %mul3A_1589 : f32 to vector<16xf32>
    %mul3A_1591 = arith.mulf %mul3A_1590, %mul3A_1588 : vector<16xf32>
    %sub3A_1592 = arith.constant 1.500000e+00 : f32
    %sub3A_1593 = vector.broadcast %sub3A_1592 : f32 to vector<16xf32>
    %sub3A_1594 = arith.subf %sub3A_1593, %mul3A_1591 : vector<16xf32>
    %mul3A_1595 = arith.mulf %mul3A_1586, %sub3A_1594 : vector<16xf32>
    %mul3A_1596 = arith.mulf %max3A_1569, %mul3A_1595 : vector<16xf32>
    %mul3A_1597 = arith.mulf %mul3A_1596, %mul3A_1595 : vector<16xf32>
    %mul3A_1598 = arith.constant 5.000000e-01 : f32
    %mul3A_1599 = vector.broadcast %mul3A_1598 : f32 to vector<16xf32>
    %mul3A_1600 = arith.mulf %mul3A_1599, %mul3A_1597 : vector<16xf32>
    %sub3A_1601 = arith.constant 1.500000e+00 : f32
    %sub3A_1602 = vector.broadcast %sub3A_1601 : f32 to vector<16xf32>
    %sub3A_1603 = arith.subf %sub3A_1602, %mul3A_1600 : vector<16xf32>
    %mul3A_1604 = arith.mulf %mul3A_1595, %sub3A_1603 : vector<16xf32>
    %mul3A_1605 = arith.mulf %max3A_1569, %mul3A_1604 : vector<16xf32>
    %swap3A_1606 = arith.constant 2 : i32
    %swap3A_1607 = arith.index_cast %swap3A_1606 : i32 to index
    %swap3A_1608 = arith.constant 80 : index
    %swap3A_1609 = tpu.vector_load %arg14[%swap3A_1607, %swap3A_1608] {strides = array<i32>} : memref<7x128xf32, #tpu.memory_space<vmem>>, vector<1x16xf32>,
    %swap3A_1610 = vector.shape_cast %swap3A_1609 : vector<1x16xf32> to vector<16xf32>
    %swap3A_1611 = vector.shape_cast %mul3A_1605 : vector<16xf32> to vector<1x16xf32>
    tpu.vector_store %arg14[%swap3A_1607, %swap3A_1608], %swap3A_1611 {strides = array<i32>} : memref<7x128xf32, #tpu.memory_space<vmem>>, vector<1x16xf32>,
    %get3A_1612 = arith.constant 2 : i32
    %get3A_1613 = arith.index_cast %get3A_1612 : i32 to index
    %get3A_1614 = arith.constant 96 : index
    %get3A_1615 = tpu.vector_load %arg11[%get3A_1613, %get3A_1614] {strides = array<i32>} : memref<7x128xf32, #tpu.memory_space<vmem>>, vector<1x16xf32>,
    %get3A_1616 = vector.shape_cast %get3A_1615 : vector<1x16xf32> to vector<16xf32>
    %get3A_1617 = arith.constant 2 : i32
    %get3A_1618 = arith.index_cast %get3A_1617 : i32 to index
    %get3A_1619 = arith.constant 96 : index
    %get3A_1620 = tpu.vector_load %arg12[%get3A_1618, %get3A_1619] {strides = array<i32>} : memref<7x128xf32, #tpu.memory_space<vmem>>, vector<1x16xf32>,
    %get3A_1621 = vector.shape_cast %get3A_1620 : vector<1x16xf32> to vector<16xf32>
    %mul3A_1622 = arith.mulf %get3A_1616, %div3A_1257 : vector<16xf32>
    %mul3A_1623 = arith.mulf %get3A_1621, %div3A_1257 : vector<16xf32>
    %mul3A_1624 = arith.mulf %mul3A_1622, %mul3A_1622 : vector<16xf32>
    %sub3A_1625 = arith.subf %mul3A_1623, %mul3A_1624 : vector<16xf32>
    %max3A_1626 = arith.constant 1.000000e-30 : f32
    %max3A_1627 = vector.broadcast %max3A_1626 : f32 to vector<16xf32>
    %max3A_1628 = arith.maximumf %sub3A_1625, %max3A_1627 : vector<16xf32>
    %bitcast_convert_type3A_1629 = tpu.bitcast %max3A_1628 : vector<16xf32> -> vector<16xi32>
    %shift_right_arithmetic3A_1630 = arith.constant 1 : i32
    %shift_right_arithmetic3A_1631 = vector.broadcast %shift_right_arithmetic3A_1630 : i32 to vector<16xi32>
    %shift_right_arithmetic3A_1632 = arith.shrsi %bitcast_convert_type3A_1629, %shift_right_arithmetic3A_1631 : vector<16xi32>
    %sub3A_1633 = arith.constant 1597463007 : i32
    %sub3A_1634 = vector.broadcast %sub3A_1633 : i32 to vector<16xi32>
    %sub3A_1635 = arith.subi %sub3A_1634, %shift_right_arithmetic3A_1632 : vector<16xi32>
    %bitcast_convert_type3A_1636 = tpu.bitcast %sub3A_1635 : vector<16xi32> -> vector<16xf32>
    %mul3A_1637 = arith.mulf %max3A_1628, %bitcast_convert_type3A_1636 : vector<16xf32>
    %mul3A_1638 = arith.mulf %mul3A_1637, %bitcast_convert_type3A_1636 : vector<16xf32>
    %mul3A_1639 = arith.constant 5.000000e-01 : f32
    %mul3A_1640 = vector.broadcast %mul3A_1639 : f32 to vector<16xf32>
    %mul3A_1641 = arith.mulf %mul3A_1640, %mul3A_1638 : vector<16xf32>
    %sub3A_1642 = arith.constant 1.500000e+00 : f32
    %sub3A_1643 = vector.broadcast %sub3A_1642 : f32 to vector<16xf32>
    %sub3A_1644 = arith.subf %sub3A_1643, %mul3A_1641 : vector<16xf32>
    %mul3A_1645 = arith.mulf %bitcast_convert_type3A_1636, %sub3A_1644 : vector<16xf32>
    %mul3A_1646 = arith.mulf %max3A_1628, %mul3A_1645 : vector<16xf32>
    %mul3A_1647 = arith.mulf %mul3A_1646, %mul3A_1645 : vector<16xf32>
    %mul3A_1648 = arith.constant 5.000000e-01 : f32
    %mul3A_1649 = vector.broadcast %mul3A_1648 : f32 to vector<16xf32>
    %mul3A_1650 = arith.mulf %mul3A_1649, %mul3A_1647 : vector<16xf32>
    %sub3A_1651 = arith.constant 1.500000e+00 : f32
    %sub3A_1652 = vector.broadcast %sub3A_1651 : f32 to vector<16xf32>
    %sub3A_1653 = arith.subf %sub3A_1652, %mul3A_1650 : vector<16xf32>
    %mul3A_1654 = arith.mulf %mul3A_1645, %sub3A_1653 : vector<16xf32>
    %mul3A_1655 = arith.mulf %max3A_1628, %mul3A_1654 : vector<16xf32>
    %mul3A_1656 = arith.mulf %mul3A_1655, %mul3A_1654 : vector<16xf32>
    %mul3A_1657 = arith.constant 5.000000e-01 : f32
    %mul3A_1658 = vector.broadcast %mul3A_1657 : f32 to vector<16xf32>
    %mul3A_1659 = arith.mulf %mul3A_1658, %mul3A_1656 : vector<16xf32>
    %sub3A_1660 = arith.constant 1.500000e+00 : f32
    %sub3A_1661 = vector.broadcast %sub3A_1660 : f32 to vector<16xf32>
    %sub3A_1662 = arith.subf %sub3A_1661, %mul3A_1659 : vector<16xf32>
    %mul3A_1663 = arith.mulf %mul3A_1654, %sub3A_1662 : vector<16xf32>
    %mul3A_1664 = arith.mulf %max3A_1628, %mul3A_1663 : vector<16xf32>
    %swap3A_1665 = arith.constant 2 : i32
    %swap3A_1666 = arith.index_cast %swap3A_1665 : i32 to index
    %swap3A_1667 = arith.constant 96 : index
    %swap3A_1668 = tpu.vector_load %arg14[%swap3A_1666, %swap3A_1667] {strides = array<i32>} : memref<7x128xf32, #tpu.memory_space<vmem>>, vector<1x16xf32>,
    %swap3A_1669 = vector.shape_cast %swap3A_1668 : vector<1x16xf32> to vector<16xf32>
    %swap3A_1670 = vector.shape_cast %mul3A_1664 : vector<16xf32> to vector<1x16xf32>
    tpu.vector_store %arg14[%swap3A_1666, %swap3A_1667], %swap3A_1670 {strides = array<i32>} : memref<7x128xf32, #tpu.memory_space<vmem>>, vector<1x16xf32>,
    %get3A_1671 = arith.constant 2 : i32
    %get3A_1672 = arith.index_cast %get3A_1671 : i32 to index
    %get3A_1673 = arith.constant 112 : index
    %get3A_1674 = tpu.vector_load %arg11[%get3A_1672, %get3A_1673] {strides = array<i32>} : memref<7x128xf32, #tpu.memory_space<vmem>>, vector<1x16xf32>,
    %get3A_1675 = vector.shape_cast %get3A_1674 : vector<1x16xf32> to vector<16xf32>
    %get3A_1676 = arith.constant 2 : i32
    %get3A_1677 = arith.index_cast %get3A_1676 : i32 to index
    %get3A_1678 = arith.constant 112 : index
    %get3A_1679 = tpu.vector_load %arg12[%get3A_1677, %get3A_1678] {strides = array<i32>} : memref<7x128xf32, #tpu.memory_space<vmem>>, vector<1x16xf32>,
    %get3A_1680 = vector.shape_cast %get3A_1679 : vector<1x16xf32> to vector<16xf32>
    %mul3A_1681 = arith.mulf %get3A_1675, %div3A_1257 : vector<16xf32>
    %mul3A_1682 = arith.mulf %get3A_1680, %div3A_1257 : vector<16xf32>
    %mul3A_1683 = arith.mulf %mul3A_1681, %mul3A_1681 : vector<16xf32>
    %sub3A_1684 = arith.subf %mul3A_1682, %mul3A_1683 : vector<16xf32>
    %max3A_1685 = arith.constant 1.000000e-30 : f32
    %max3A_1686 = vector.broadcast %max3A_1685 : f32 to vector<16xf32>
    %max3A_1687 = arith.maximumf %sub3A_1684, %max3A_1686 : vector<16xf32>
    %bitcast_convert_type3A_1688 = tpu.bitcast %max3A_1687 : vector<16xf32> -> vector<16xi32>
    %shift_right_arithmetic3A_1689 = arith.constant 1 : i32
    %shift_right_arithmetic3A_1690 = vector.broadcast %shift_right_arithmetic3A_1689 : i32 to vector<16xi32>
    %shift_right_arithmetic3A_1691 = arith.shrsi %bitcast_convert_type3A_1688, %shift_right_arithmetic3A_1690 : vector<16xi32>
    %sub3A_1692 = arith.constant 1597463007 : i32
    %sub3A_1693 = vector.broadcast %sub3A_1692 : i32 to vector<16xi32>
    %sub3A_1694 = arith.subi %sub3A_1693, %shift_right_arithmetic3A_1691 : vector<16xi32>
    %bitcast_convert_type3A_1695 = tpu.bitcast %sub3A_1694 : vector<16xi32> -> vector<16xf32>
    %mul3A_1696 = arith.mulf %max3A_1687, %bitcast_convert_type3A_1695 : vector<16xf32>
    %mul3A_1697 = arith.mulf %mul3A_1696, %bitcast_convert_type3A_1695 : vector<16xf32>
    %mul3A_1698 = arith.constant 5.000000e-01 : f32
    %mul3A_1699 = vector.broadcast %mul3A_1698 : f32 to vector<16xf32>
    %mul3A_1700 = arith.mulf %mul3A_1699, %mul3A_1697 : vector<16xf32>
    %sub3A_1701 = arith.constant 1.500000e+00 : f32
    %sub3A_1702 = vector.broadcast %sub3A_1701 : f32 to vector<16xf32>
    %sub3A_1703 = arith.subf %sub3A_1702, %mul3A_1700 : vector<16xf32>
    %mul3A_1704 = arith.mulf %bitcast_convert_type3A_1695, %sub3A_1703 : vector<16xf32>
    %mul3A_1705 = arith.mulf %max3A_1687, %mul3A_1704 : vector<16xf32>
    %mul3A_1706 = arith.mulf %mul3A_1705, %mul3A_1704 : vector<16xf32>
    %mul3A_1707 = arith.constant 5.000000e-01 : f32
    %mul3A_1708 = vector.broadcast %mul3A_1707 : f32 to vector<16xf32>
    %mul3A_1709 = arith.mulf %mul3A_1708, %mul3A_1706 : vector<16xf32>
    %sub3A_1710 = arith.constant 1.500000e+00 : f32
    %sub3A_1711 = vector.broadcast %sub3A_1710 : f32 to vector<16xf32>
    %sub3A_1712 = arith.subf %sub3A_1711, %mul3A_1709 : vector<16xf32>
    %mul3A_1713 = arith.mulf %mul3A_1704, %sub3A_1712 : vector<16xf32>
    %mul3A_1714 = arith.mulf %max3A_1687, %mul3A_1713 : vector<16xf32>
    %mul3A_1715 = arith.mulf %mul3A_1714, %mul3A_1713 : vector<16xf32>
    %mul3A_1716 = arith.constant 5.000000e-01 : f32
    %mul3A_1717 = vector.broadcast %mul3A_1716 : f32 to vector<16xf32>
    %mul3A_1718 = arith.mulf %mul3A_1717, %mul3A_1715 : vector<16xf32>
    %sub3A_1719 = arith.constant 1.500000e+00 : f32
    %sub3A_1720 = vector.broadcast %sub3A_1719 : f32 to vector<16xf32>
    %sub3A_1721 = arith.subf %sub3A_1720, %mul3A_1718 : vector<16xf32>
    %mul3A_1722 = arith.mulf %mul3A_1713, %sub3A_1721 : vector<16xf32>
    %mul3A_1723 = arith.mulf %max3A_1687, %mul3A_1722 : vector<16xf32>
    %swap3A_1724 = arith.constant 2 : i32
    %swap3A_1725 = arith.index_cast %swap3A_1724 : i32 to index
    %swap3A_1726 = arith.constant 112 : index
    %swap3A_1727 = tpu.vector_load %arg14[%swap3A_1725, %swap3A_1726] {strides = array<i32>} : memref<7x128xf32, #tpu.memory_space<vmem>>, vector<1x16xf32>,
    %swap3A_1728 = vector.shape_cast %swap3A_1727 : vector<1x16xf32> to vector<16xf32>
    %swap3A_1729 = vector.shape_cast %mul3A_1723 : vector<16xf32> to vector<1x16xf32>
    tpu.vector_store %arg14[%swap3A_1725, %swap3A_1726], %swap3A_1729 {strides = array<i32>} : memref<7x128xf32, #tpu.memory_space<vmem>>, vector<1x16xf32>,
    %get3A_1730 = arith.constant 3 : i32
    %get3A_1731 = arith.index_cast %get3A_1730 : i32 to index
    %get3A_1732 = arith.constant 0 : index
    %get3A_1733 = tpu.vector_load %arg13[%get3A_1731, %get3A_1732] {strides = array<i32>} : memref<7x128xf32, #tpu.memory_space<vmem>>, vector<1x16xf32>,
    %get3A_1734 = vector.shape_cast %get3A_1733 : vector<1x16xf32> to vector<16xf32>
    %max3A_1735 = arith.constant 1.000000e+00 : f32
    %max3A_1736 = vector.broadcast %max3A_1735 : f32 to vector<16xf32>
    %max3A_1737 = arith.maximumf %get3A_1734, %max3A_1736 : vector<16xf32>
    %div3A_1738 = arith.constant 1.000000e+00 : f32
    %div3A_1739 = vector.broadcast %div3A_1738 : f32 to vector<16xf32>
    %div3A_1740 = arith.divf %div3A_1739, %max3A_1737 : vector<16xf32>
    %get3A_1741 = arith.constant 3 : i32
    %get3A_1742 = arith.index_cast %get3A_1741 : i32 to index
    %get3A_1743 = arith.constant 0 : index
    %get3A_1744 = tpu.vector_load %arg11[%get3A_1742, %get3A_1743] {strides = array<i32>} : memref<7x128xf32, #tpu.memory_space<vmem>>, vector<1x16xf32>,
    %get3A_1745 = vector.shape_cast %get3A_1744 : vector<1x16xf32> to vector<16xf32>
    %get3A_1746 = arith.constant 3 : i32
    %get3A_1747 = arith.index_cast %get3A_1746 : i32 to index
    %get3A_1748 = arith.constant 0 : index
    %get3A_1749 = tpu.vector_load %arg12[%get3A_1747, %get3A_1748] {strides = array<i32>} : memref<7x128xf32, #tpu.memory_space<vmem>>, vector<1x16xf32>,
    %get3A_1750 = vector.shape_cast %get3A_1749 : vector<1x16xf32> to vector<16xf32>
    %mul3A_1751 = arith.mulf %get3A_1745, %div3A_1740 : vector<16xf32>
    %mul3A_1752 = arith.mulf %get3A_1750, %div3A_1740 : vector<16xf32>
    %mul3A_1753 = arith.mulf %mul3A_1751, %mul3A_1751 : vector<16xf32>
    %sub3A_1754 = arith.subf %mul3A_1752, %mul3A_1753 : vector<16xf32>
    %max3A_1755 = arith.constant 1.000000e-30 : f32
    %max3A_1756 = vector.broadcast %max3A_1755 : f32 to vector<16xf32>
    %max3A_1757 = arith.maximumf %sub3A_1754, %max3A_1756 : vector<16xf32>
    %bitcast_convert_type3A_1758 = tpu.bitcast %max3A_1757 : vector<16xf32> -> vector<16xi32>
    %shift_right_arithmetic3A_1759 = arith.constant 1 : i32
    %shift_right_arithmetic3A_1760 = vector.broadcast %shift_right_arithmetic3A_1759 : i32 to vector<16xi32>
    %shift_right_arithmetic3A_1761 = arith.shrsi %bitcast_convert_type3A_1758, %shift_right_arithmetic3A_1760 : vector<16xi32>
    %sub3A_1762 = arith.constant 1597463007 : i32
    %sub3A_1763 = vector.broadcast %sub3A_1762 : i32 to vector<16xi32>
    %sub3A_1764 = arith.subi %sub3A_1763, %shift_right_arithmetic3A_1761 : vector<16xi32>
    %bitcast_convert_type3A_1765 = tpu.bitcast %sub3A_1764 : vector<16xi32> -> vector<16xf32>
    %mul3A_1766 = arith.mulf %max3A_1757, %bitcast_convert_type3A_1765 : vector<16xf32>
    %mul3A_1767 = arith.mulf %mul3A_1766, %bitcast_convert_type3A_1765 : vector<16xf32>
    %mul3A_1768 = arith.constant 5.000000e-01 : f32
    %mul3A_1769 = vector.broadcast %mul3A_1768 : f32 to vector<16xf32>
    %mul3A_1770 = arith.mulf %mul3A_1769, %mul3A_1767 : vector<16xf32>
    %sub3A_1771 = arith.constant 1.500000e+00 : f32
    %sub3A_1772 = vector.broadcast %sub3A_1771 : f32 to vector<16xf32>
    %sub3A_1773 = arith.subf %sub3A_1772, %mul3A_1770 : vector<16xf32>
    %mul3A_1774 = arith.mulf %bitcast_convert_type3A_1765, %sub3A_1773 : vector<16xf32>
    %mul3A_1775 = arith.mulf %max3A_1757, %mul3A_1774 : vector<16xf32>
    %mul3A_1776 = arith.mulf %mul3A_1775, %mul3A_1774 : vector<16xf32>
    %mul3A_1777 = arith.constant 5.000000e-01 : f32
    %mul3A_1778 = vector.broadcast %mul3A_1777 : f32 to vector<16xf32>
    %mul3A_1779 = arith.mulf %mul3A_1778, %mul3A_1776 : vector<16xf32>
    %sub3A_1780 = arith.constant 1.500000e+00 : f32
    %sub3A_1781 = vector.broadcast %sub3A_1780 : f32 to vector<16xf32>
    %sub3A_1782 = arith.subf %sub3A_1781, %mul3A_1779 : vector<16xf32>
    %mul3A_1783 = arith.mulf %mul3A_1774, %sub3A_1782 : vector<16xf32>
    %mul3A_1784 = arith.mulf %max3A_1757, %mul3A_1783 : vector<16xf32>
    %mul3A_1785 = arith.mulf %mul3A_1784, %mul3A_1783 : vector<16xf32>
    %mul3A_1786 = arith.constant 5.000000e-01 : f32
    %mul3A_1787 = vector.broadcast %mul3A_1786 : f32 to vector<16xf32>
    %mul3A_1788 = arith.mulf %mul3A_1787, %mul3A_1785 : vector<16xf32>
    %sub3A_1789 = arith.constant 1.500000e+00 : f32
    %sub3A_1790 = vector.broadcast %sub3A_1789 : f32 to vector<16xf32>
    %sub3A_1791 = arith.subf %sub3A_1790, %mul3A_1788 : vector<16xf32>
    %mul3A_1792 = arith.mulf %mul3A_1783, %sub3A_1791 : vector<16xf32>
    %mul3A_1793 = arith.mulf %max3A_1757, %mul3A_1792 : vector<16xf32>
    %swap3A_1794 = arith.constant 3 : i32
    %swap3A_1795 = arith.index_cast %swap3A_1794 : i32 to index
    %swap3A_1796 = arith.constant 0 : index
    %swap3A_1797 = tpu.vector_load %arg14[%swap3A_1795, %swap3A_1796] {strides = array<i32>} : memref<7x128xf32, #tpu.memory_space<vmem>>, vector<1x16xf32>,
    %swap3A_1798 = vector.shape_cast %swap3A_1797 : vector<1x16xf32> to vector<16xf32>
    %swap3A_1799 = vector.shape_cast %mul3A_1793 : vector<16xf32> to vector<1x16xf32>
    tpu.vector_store %arg14[%swap3A_1795, %swap3A_1796], %swap3A_1799 {strides = array<i32>} : memref<7x128xf32, #tpu.memory_space<vmem>>, vector<1x16xf32>,
    %get3A_1800 = arith.constant 3 : i32
    %get3A_1801 = arith.index_cast %get3A_1800 : i32 to index
    %get3A_1802 = arith.constant 16 : index
    %get3A_1803 = tpu.vector_load %arg11[%get3A_1801, %get3A_1802] {strides = array<i32>} : memref<7x128xf32, #tpu.memory_space<vmem>>, vector<1x16xf32>,
    %get3A_1804 = vector.shape_cast %get3A_1803 : vector<1x16xf32> to vector<16xf32>
    %get3A_1805 = arith.constant 3 : i32
    %get3A_1806 = arith.index_cast %get3A_1805 : i32 to index
    %get3A_1807 = arith.constant 16 : index
    %get3A_1808 = tpu.vector_load %arg12[%get3A_1806, %get3A_1807] {strides = array<i32>} : memref<7x128xf32, #tpu.memory_space<vmem>>, vector<1x16xf32>,
    %get3A_1809 = vector.shape_cast %get3A_1808 : vector<1x16xf32> to vector<16xf32>
    %mul3A_1810 = arith.mulf %get3A_1804, %div3A_1740 : vector<16xf32>
    %mul3A_1811 = arith.mulf %get3A_1809, %div3A_1740 : vector<16xf32>
    %mul3A_1812 = arith.mulf %mul3A_1810, %mul3A_1810 : vector<16xf32>
    %sub3A_1813 = arith.subf %mul3A_1811, %mul3A_1812 : vector<16xf32>
    %max3A_1814 = arith.constant 1.000000e-30 : f32
    %max3A_1815 = vector.broadcast %max3A_1814 : f32 to vector<16xf32>
    %max3A_1816 = arith.maximumf %sub3A_1813, %max3A_1815 : vector<16xf32>
    %bitcast_convert_type3A_1817 = tpu.bitcast %max3A_1816 : vector<16xf32> -> vector<16xi32>
    %shift_right_arithmetic3A_1818 = arith.constant 1 : i32
    %shift_right_arithmetic3A_1819 = vector.broadcast %shift_right_arithmetic3A_1818 : i32 to vector<16xi32>
    %shift_right_arithmetic3A_1820 = arith.shrsi %bitcast_convert_type3A_1817, %shift_right_arithmetic3A_1819 : vector<16xi32>
    %sub3A_1821 = arith.constant 1597463007 : i32
    %sub3A_1822 = vector.broadcast %sub3A_1821 : i32 to vector<16xi32>
    %sub3A_1823 = arith.subi %sub3A_1822, %shift_right_arithmetic3A_1820 : vector<16xi32>
    %bitcast_convert_type3A_1824 = tpu.bitcast %sub3A_1823 : vector<16xi32> -> vector<16xf32>
    %mul3A_1825 = arith.mulf %max3A_1816, %bitcast_convert_type3A_1824 : vector<16xf32>
    %mul3A_1826 = arith.mulf %mul3A_1825, %bitcast_convert_type3A_1824 : vector<16xf32>
    %mul3A_1827 = arith.constant 5.000000e-01 : f32
    %mul3A_1828 = vector.broadcast %mul3A_1827 : f32 to vector<16xf32>
    %mul3A_1829 = arith.mulf %mul3A_1828, %mul3A_1826 : vector<16xf32>
    %sub3A_1830 = arith.constant 1.500000e+00 : f32
    %sub3A_1831 = vector.broadcast %sub3A_1830 : f32 to vector<16xf32>
    %sub3A_1832 = arith.subf %sub3A_1831, %mul3A_1829 : vector<16xf32>
    %mul3A_1833 = arith.mulf %bitcast_convert_type3A_1824, %sub3A_1832 : vector<16xf32>
    %mul3A_1834 = arith.mulf %max3A_1816, %mul3A_1833 : vector<16xf32>
    %mul3A_1835 = arith.mulf %mul3A_1834, %mul3A_1833 : vector<16xf32>
    %mul3A_1836 = arith.constant 5.000000e-01 : f32
    %mul3A_1837 = vector.broadcast %mul3A_1836 : f32 to vector<16xf32>
    %mul3A_1838 = arith.mulf %mul3A_1837, %mul3A_1835 : vector<16xf32>
    %sub3A_1839 = arith.constant 1.500000e+00 : f32
    %sub3A_1840 = vector.broadcast %sub3A_1839 : f32 to vector<16xf32>
    %sub3A_1841 = arith.subf %sub3A_1840, %mul3A_1838 : vector<16xf32>
    %mul3A_1842 = arith.mulf %mul3A_1833, %sub3A_1841 : vector<16xf32>
    %mul3A_1843 = arith.mulf %max3A_1816, %mul3A_1842 : vector<16xf32>
    %mul3A_1844 = arith.mulf %mul3A_1843, %mul3A_1842 : vector<16xf32>
    %mul3A_1845 = arith.constant 5.000000e-01 : f32
    %mul3A_1846 = vector.broadcast %mul3A_1845 : f32 to vector<16xf32>
    %mul3A_1847 = arith.mulf %mul3A_1846, %mul3A_1844 : vector<16xf32>
    %sub3A_1848 = arith.constant 1.500000e+00 : f32
    %sub3A_1849 = vector.broadcast %sub3A_1848 : f32 to vector<16xf32>
    %sub3A_1850 = arith.subf %sub3A_1849, %mul3A_1847 : vector<16xf32>
    %mul3A_1851 = arith.mulf %mul3A_1842, %sub3A_1850 : vector<16xf32>
    %mul3A_1852 = arith.mulf %max3A_1816, %mul3A_1851 : vector<16xf32>
    %swap3A_1853 = arith.constant 3 : i32
    %swap3A_1854 = arith.index_cast %swap3A_1853 : i32 to index
    %swap3A_1855 = arith.constant 16 : index
    %swap3A_1856 = tpu.vector_load %arg14[%swap3A_1854, %swap3A_1855] {strides = array<i32>} : memref<7x128xf32, #tpu.memory_space<vmem>>, vector<1x16xf32>,
    %swap3A_1857 = vector.shape_cast %swap3A_1856 : vector<1x16xf32> to vector<16xf32>
    %swap3A_1858 = vector.shape_cast %mul3A_1852 : vector<16xf32> to vector<1x16xf32>
    tpu.vector_store %arg14[%swap3A_1854, %swap3A_1855], %swap3A_1858 {strides = array<i32>} : memref<7x128xf32, #tpu.memory_space<vmem>>, vector<1x16xf32>,
    %get3A_1859 = arith.constant 3 : i32
    %get3A_1860 = arith.index_cast %get3A_1859 : i32 to index
    %get3A_1861 = arith.constant 32 : index
    %get3A_1862 = tpu.vector_load %arg11[%get3A_1860, %get3A_1861] {strides = array<i32>} : memref<7x128xf32, #tpu.memory_space<vmem>>, vector<1x16xf32>,
    %get3A_1863 = vector.shape_cast %get3A_1862 : vector<1x16xf32> to vector<16xf32>
    %get3A_1864 = arith.constant 3 : i32
    %get3A_1865 = arith.index_cast %get3A_1864 : i32 to index
    %get3A_1866 = arith.constant 32 : index
    %get3A_1867 = tpu.vector_load %arg12[%get3A_1865, %get3A_1866] {strides = array<i32>} : memref<7x128xf32, #tpu.memory_space<vmem>>, vector<1x16xf32>,
    %get3A_1868 = vector.shape_cast %get3A_1867 : vector<1x16xf32> to vector<16xf32>
    %mul3A_1869 = arith.mulf %get3A_1863, %div3A_1740 : vector<16xf32>
    %mul3A_1870 = arith.mulf %get3A_1868, %div3A_1740 : vector<16xf32>
    %mul3A_1871 = arith.mulf %mul3A_1869, %mul3A_1869 : vector<16xf32>
    %sub3A_1872 = arith.subf %mul3A_1870, %mul3A_1871 : vector<16xf32>
    %max3A_1873 = arith.constant 1.000000e-30 : f32
    %max3A_1874 = vector.broadcast %max3A_1873 : f32 to vector<16xf32>
    %max3A_1875 = arith.maximumf %sub3A_1872, %max3A_1874 : vector<16xf32>
    %bitcast_convert_type3A_1876 = tpu.bitcast %max3A_1875 : vector<16xf32> -> vector<16xi32>
    %shift_right_arithmetic3A_1877 = arith.constant 1 : i32
    %shift_right_arithmetic3A_1878 = vector.broadcast %shift_right_arithmetic3A_1877 : i32 to vector<16xi32>
    %shift_right_arithmetic3A_1879 = arith.shrsi %bitcast_convert_type3A_1876, %shift_right_arithmetic3A_1878 : vector<16xi32>
    %sub3A_1880 = arith.constant 1597463007 : i32
    %sub3A_1881 = vector.broadcast %sub3A_1880 : i32 to vector<16xi32>
    %sub3A_1882 = arith.subi %sub3A_1881, %shift_right_arithmetic3A_1879 : vector<16xi32>
    %bitcast_convert_type3A_1883 = tpu.bitcast %sub3A_1882 : vector<16xi32> -> vector<16xf32>
    %mul3A_1884 = arith.mulf %max3A_1875, %bitcast_convert_type3A_1883 : vector<16xf32>
    %mul3A_1885 = arith.mulf %mul3A_1884, %bitcast_convert_type3A_1883 : vector<16xf32>
    %mul3A_1886 = arith.constant 5.000000e-01 : f32
    %mul3A_1887 = vector.broadcast %mul3A_1886 : f32 to vector<16xf32>
    %mul3A_1888 = arith.mulf %mul3A_1887, %mul3A_1885 : vector<16xf32>
    %sub3A_1889 = arith.constant 1.500000e+00 : f32
    %sub3A_1890 = vector.broadcast %sub3A_1889 : f32 to vector<16xf32>
    %sub3A_1891 = arith.subf %sub3A_1890, %mul3A_1888 : vector<16xf32>
    %mul3A_1892 = arith.mulf %bitcast_convert_type3A_1883, %sub3A_1891 : vector<16xf32>
    %mul3A_1893 = arith.mulf %max3A_1875, %mul3A_1892 : vector<16xf32>
    %mul3A_1894 = arith.mulf %mul3A_1893, %mul3A_1892 : vector<16xf32>
    %mul3A_1895 = arith.constant 5.000000e-01 : f32
    %mul3A_1896 = vector.broadcast %mul3A_1895 : f32 to vector<16xf32>
    %mul3A_1897 = arith.mulf %mul3A_1896, %mul3A_1894 : vector<16xf32>
    %sub3A_1898 = arith.constant 1.500000e+00 : f32
    %sub3A_1899 = vector.broadcast %sub3A_1898 : f32 to vector<16xf32>
    %sub3A_1900 = arith.subf %sub3A_1899, %mul3A_1897 : vector<16xf32>
    %mul3A_1901 = arith.mulf %mul3A_1892, %sub3A_1900 : vector<16xf32>
    %mul3A_1902 = arith.mulf %max3A_1875, %mul3A_1901 : vector<16xf32>
    %mul3A_1903 = arith.mulf %mul3A_1902, %mul3A_1901 : vector<16xf32>
    %mul3A_1904 = arith.constant 5.000000e-01 : f32
    %mul3A_1905 = vector.broadcast %mul3A_1904 : f32 to vector<16xf32>
    %mul3A_1906 = arith.mulf %mul3A_1905, %mul3A_1903 : vector<16xf32>
    %sub3A_1907 = arith.constant 1.500000e+00 : f32
    %sub3A_1908 = vector.broadcast %sub3A_1907 : f32 to vector<16xf32>
    %sub3A_1909 = arith.subf %sub3A_1908, %mul3A_1906 : vector<16xf32>
    %mul3A_1910 = arith.mulf %mul3A_1901, %sub3A_1909 : vector<16xf32>
    %mul3A_1911 = arith.mulf %max3A_1875, %mul3A_1910 : vector<16xf32>
    %swap3A_1912 = arith.constant 3 : i32
    %swap3A_1913 = arith.index_cast %swap3A_1912 : i32 to index
    %swap3A_1914 = arith.constant 32 : index
    %swap3A_1915 = tpu.vector_load %arg14[%swap3A_1913, %swap3A_1914] {strides = array<i32>} : memref<7x128xf32, #tpu.memory_space<vmem>>, vector<1x16xf32>,
    %swap3A_1916 = vector.shape_cast %swap3A_1915 : vector<1x16xf32> to vector<16xf32>
    %swap3A_1917 = vector.shape_cast %mul3A_1911 : vector<16xf32> to vector<1x16xf32>
    tpu.vector_store %arg14[%swap3A_1913, %swap3A_1914], %swap3A_1917 {strides = array<i32>} : memref<7x128xf32, #tpu.memory_space<vmem>>, vector<1x16xf32>,
    %get3A_1918 = arith.constant 3 : i32
    %get3A_1919 = arith.index_cast %get3A_1918 : i32 to index
    %get3A_1920 = arith.constant 48 : index
    %get3A_1921 = tpu.vector_load %arg11[%get3A_1919, %get3A_1920] {strides = array<i32>} : memref<7x128xf32, #tpu.memory_space<vmem>>, vector<1x16xf32>,
    %get3A_1922 = vector.shape_cast %get3A_1921 : vector<1x16xf32> to vector<16xf32>
    %get3A_1923 = arith.constant 3 : i32
    %get3A_1924 = arith.index_cast %get3A_1923 : i32 to index
    %get3A_1925 = arith.constant 48 : index
    %get3A_1926 = tpu.vector_load %arg12[%get3A_1924, %get3A_1925] {strides = array<i32>} : memref<7x128xf32, #tpu.memory_space<vmem>>, vector<1x16xf32>,
    %get3A_1927 = vector.shape_cast %get3A_1926 : vector<1x16xf32> to vector<16xf32>
    %mul3A_1928 = arith.mulf %get3A_1922, %div3A_1740 : vector<16xf32>
    %mul3A_1929 = arith.mulf %get3A_1927, %div3A_1740 : vector<16xf32>
    %mul3A_1930 = arith.mulf %mul3A_1928, %mul3A_1928 : vector<16xf32>
    %sub3A_1931 = arith.subf %mul3A_1929, %mul3A_1930 : vector<16xf32>
    %max3A_1932 = arith.constant 1.000000e-30 : f32
    %max3A_1933 = vector.broadcast %max3A_1932 : f32 to vector<16xf32>
    %max3A_1934 = arith.maximumf %sub3A_1931, %max3A_1933 : vector<16xf32>
    %bitcast_convert_type3A_1935 = tpu.bitcast %max3A_1934 : vector<16xf32> -> vector<16xi32>
    %shift_right_arithmetic3A_1936 = arith.constant 1 : i32
    %shift_right_arithmetic3A_1937 = vector.broadcast %shift_right_arithmetic3A_1936 : i32 to vector<16xi32>
    %shift_right_arithmetic3A_1938 = arith.shrsi %bitcast_convert_type3A_1935, %shift_right_arithmetic3A_1937 : vector<16xi32>
    %sub3A_1939 = arith.constant 1597463007 : i32
    %sub3A_1940 = vector.broadcast %sub3A_1939 : i32 to vector<16xi32>
    %sub3A_1941 = arith.subi %sub3A_1940, %shift_right_arithmetic3A_1938 : vector<16xi32>
    %bitcast_convert_type3A_1942 = tpu.bitcast %sub3A_1941 : vector<16xi32> -> vector<16xf32>
    %mul3A_1943 = arith.mulf %max3A_1934, %bitcast_convert_type3A_1942 : vector<16xf32>
    %mul3A_1944 = arith.mulf %mul3A_1943, %bitcast_convert_type3A_1942 : vector<16xf32>
    %mul3A_1945 = arith.constant 5.000000e-01 : f32
    %mul3A_1946 = vector.broadcast %mul3A_1945 : f32 to vector<16xf32>
    %mul3A_1947 = arith.mulf %mul3A_1946, %mul3A_1944 : vector<16xf32>
    %sub3A_1948 = arith.constant 1.500000e+00 : f32
    %sub3A_1949 = vector.broadcast %sub3A_1948 : f32 to vector<16xf32>
    %sub3A_1950 = arith.subf %sub3A_1949, %mul3A_1947 : vector<16xf32>
    %mul3A_1951 = arith.mulf %bitcast_convert_type3A_1942, %sub3A_1950 : vector<16xf32>
    %mul3A_1952 = arith.mulf %max3A_1934, %mul3A_1951 : vector<16xf32>
    %mul3A_1953 = arith.mulf %mul3A_1952, %mul3A_1951 : vector<16xf32>
    %mul3A_1954 = arith.constant 5.000000e-01 : f32
    %mul3A_1955 = vector.broadcast %mul3A_1954 : f32 to vector<16xf32>
    %mul3A_1956 = arith.mulf %mul3A_1955, %mul3A_1953 : vector<16xf32>
    %sub3A_1957 = arith.constant 1.500000e+00 : f32
    %sub3A_1958 = vector.broadcast %sub3A_1957 : f32 to vector<16xf32>
    %sub3A_1959 = arith.subf %sub3A_1958, %mul3A_1956 : vector<16xf32>
    %mul3A_1960 = arith.mulf %mul3A_1951, %sub3A_1959 : vector<16xf32>
    %mul3A_1961 = arith.mulf %max3A_1934, %mul3A_1960 : vector<16xf32>
    %mul3A_1962 = arith.mulf %mul3A_1961, %mul3A_1960 : vector<16xf32>
    %mul3A_1963 = arith.constant 5.000000e-01 : f32
    %mul3A_1964 = vector.broadcast %mul3A_1963 : f32 to vector<16xf32>
    %mul3A_1965 = arith.mulf %mul3A_1964, %mul3A_1962 : vector<16xf32>
    %sub3A_1966 = arith.constant 1.500000e+00 : f32
    %sub3A_1967 = vector.broadcast %sub3A_1966 : f32 to vector<16xf32>
    %sub3A_1968 = arith.subf %sub3A_1967, %mul3A_1965 : vector<16xf32>
    %mul3A_1969 = arith.mulf %mul3A_1960, %sub3A_1968 : vector<16xf32>
    %mul3A_1970 = arith.mulf %max3A_1934, %mul3A_1969 : vector<16xf32>
    %swap3A_1971 = arith.constant 3 : i32
    %swap3A_1972 = arith.index_cast %swap3A_1971 : i32 to index
    %swap3A_1973 = arith.constant 48 : index
    %swap3A_1974 = tpu.vector_load %arg14[%swap3A_1972, %swap3A_1973] {strides = array<i32>} : memref<7x128xf32, #tpu.memory_space<vmem>>, vector<1x16xf32>,
    %swap3A_1975 = vector.shape_cast %swap3A_1974 : vector<1x16xf32> to vector<16xf32>
    %swap3A_1976 = vector.shape_cast %mul3A_1970 : vector<16xf32> to vector<1x16xf32>
    tpu.vector_store %arg14[%swap3A_1972, %swap3A_1973], %swap3A_1976 {strides = array<i32>} : memref<7x128xf32, #tpu.memory_space<vmem>>, vector<1x16xf32>,
    %get3A_1977 = arith.constant 3 : i32
    %get3A_1978 = arith.index_cast %get3A_1977 : i32 to index
    %get3A_1979 = arith.constant 64 : index
    %get3A_1980 = tpu.vector_load %arg11[%get3A_1978, %get3A_1979] {strides = array<i32>} : memref<7x128xf32, #tpu.memory_space<vmem>>, vector<1x16xf32>,
    %get3A_1981 = vector.shape_cast %get3A_1980 : vector<1x16xf32> to vector<16xf32>
    %get3A_1982 = arith.constant 3 : i32
    %get3A_1983 = arith.index_cast %get3A_1982 : i32 to index
    %get3A_1984 = arith.constant 64 : index
    %get3A_1985 = tpu.vector_load %arg12[%get3A_1983, %get3A_1984] {strides = array<i32>} : memref<7x128xf32, #tpu.memory_space<vmem>>, vector<1x16xf32>,
    %get3A_1986 = vector.shape_cast %get3A_1985 : vector<1x16xf32> to vector<16xf32>
    %mul3A_1987 = arith.mulf %get3A_1981, %div3A_1740 : vector<16xf32>
    %mul3A_1988 = arith.mulf %get3A_1986, %div3A_1740 : vector<16xf32>
    %mul3A_1989 = arith.mulf %mul3A_1987, %mul3A_1987 : vector<16xf32>
    %sub3A_1990 = arith.subf %mul3A_1988, %mul3A_1989 : vector<16xf32>
    %max3A_1991 = arith.constant 1.000000e-30 : f32
    %max3A_1992 = vector.broadcast %max3A_1991 : f32 to vector<16xf32>
    %max3A_1993 = arith.maximumf %sub3A_1990, %max3A_1992 : vector<16xf32>
    %bitcast_convert_type3A_1994 = tpu.bitcast %max3A_1993 : vector<16xf32> -> vector<16xi32>
    %shift_right_arithmetic3A_1995 = arith.constant 1 : i32
    %shift_right_arithmetic3A_1996 = vector.broadcast %shift_right_arithmetic3A_1995 : i32 to vector<16xi32>
    %shift_right_arithmetic3A_1997 = arith.shrsi %bitcast_convert_type3A_1994, %shift_right_arithmetic3A_1996 : vector<16xi32>
    %sub3A_1998 = arith.constant 1597463007 : i32
    %sub3A_1999 = vector.broadcast %sub3A_1998 : i32 to vector<16xi32>
    %sub3A_2000 = arith.subi %sub3A_1999, %shift_right_arithmetic3A_1997 : vector<16xi32>
    %bitcast_convert_type3A_2001 = tpu.bitcast %sub3A_2000 : vector<16xi32> -> vector<16xf32>
    %mul3A_2002 = arith.mulf %max3A_1993, %bitcast_convert_type3A_2001 : vector<16xf32>
    %mul3A_2003 = arith.mulf %mul3A_2002, %bitcast_convert_type3A_2001 : vector<16xf32>
    %mul3A_2004 = arith.constant 5.000000e-01 : f32
    %mul3A_2005 = vector.broadcast %mul3A_2004 : f32 to vector<16xf32>
    %mul3A_2006 = arith.mulf %mul3A_2005, %mul3A_2003 : vector<16xf32>
    %sub3A_2007 = arith.constant 1.500000e+00 : f32
    %sub3A_2008 = vector.broadcast %sub3A_2007 : f32 to vector<16xf32>
    %sub3A_2009 = arith.subf %sub3A_2008, %mul3A_2006 : vector<16xf32>
    %mul3A_2010 = arith.mulf %bitcast_convert_type3A_2001, %sub3A_2009 : vector<16xf32>
    %mul3A_2011 = arith.mulf %max3A_1993, %mul3A_2010 : vector<16xf32>
    %mul3A_2012 = arith.mulf %mul3A_2011, %mul3A_2010 : vector<16xf32>
    %mul3A_2013 = arith.constant 5.000000e-01 : f32
    %mul3A_2014 = vector.broadcast %mul3A_2013 : f32 to vector<16xf32>
    %mul3A_2015 = arith.mulf %mul3A_2014, %mul3A_2012 : vector<16xf32>
    %sub3A_2016 = arith.constant 1.500000e+00 : f32
    %sub3A_2017 = vector.broadcast %sub3A_2016 : f32 to vector<16xf32>
    %sub3A_2018 = arith.subf %sub3A_2017, %mul3A_2015 : vector<16xf32>
    %mul3A_2019 = arith.mulf %mul3A_2010, %sub3A_2018 : vector<16xf32>
    %mul3A_2020 = arith.mulf %max3A_1993, %mul3A_2019 : vector<16xf32>
    %mul3A_2021 = arith.mulf %mul3A_2020, %mul3A_2019 : vector<16xf32>
    %mul3A_2022 = arith.constant 5.000000e-01 : f32
    %mul3A_2023 = vector.broadcast %mul3A_2022 : f32 to vector<16xf32>
    %mul3A_2024 = arith.mulf %mul3A_2023, %mul3A_2021 : vector<16xf32>
    %sub3A_2025 = arith.constant 1.500000e+00 : f32
    %sub3A_2026 = vector.broadcast %sub3A_2025 : f32 to vector<16xf32>
    %sub3A_2027 = arith.subf %sub3A_2026, %mul3A_2024 : vector<16xf32>
    %mul3A_2028 = arith.mulf %mul3A_2019, %sub3A_2027 : vector<16xf32>
    %mul3A_2029 = arith.mulf %max3A_1993, %mul3A_2028 : vector<16xf32>
    %swap3A_2030 = arith.constant 3 : i32
    %swap3A_2031 = arith.index_cast %swap3A_2030 : i32 to index
    %swap3A_2032 = arith.constant 64 : index
    %swap3A_2033 = tpu.vector_load %arg14[%swap3A_2031, %swap3A_2032] {strides = array<i32>} : memref<7x128xf32, #tpu.memory_space<vmem>>, vector<1x16xf32>,
    %swap3A_2034 = vector.shape_cast %swap3A_2033 : vector<1x16xf32> to vector<16xf32>
    %swap3A_2035 = vector.shape_cast %mul3A_2029 : vector<16xf32> to vector<1x16xf32>
    tpu.vector_store %arg14[%swap3A_2031, %swap3A_2032], %swap3A_2035 {strides = array<i32>} : memref<7x128xf32, #tpu.memory_space<vmem>>, vector<1x16xf32>,
    %get3A_2036 = arith.constant 3 : i32
    %get3A_2037 = arith.index_cast %get3A_2036 : i32 to index
    %get3A_2038 = arith.constant 80 : index
    %get3A_2039 = tpu.vector_load %arg11[%get3A_2037, %get3A_2038] {strides = array<i32>} : memref<7x128xf32, #tpu.memory_space<vmem>>, vector<1x16xf32>,
    %get3A_2040 = vector.shape_cast %get3A_2039 : vector<1x16xf32> to vector<16xf32>
    %get3A_2041 = arith.constant 3 : i32
    %get3A_2042 = arith.index_cast %get3A_2041 : i32 to index
    %get3A_2043 = arith.constant 80 : index
    %get3A_2044 = tpu.vector_load %arg12[%get3A_2042, %get3A_2043] {strides = array<i32>} : memref<7x128xf32, #tpu.memory_space<vmem>>, vector<1x16xf32>,
    %get3A_2045 = vector.shape_cast %get3A_2044 : vector<1x16xf32> to vector<16xf32>
    %mul3A_2046 = arith.mulf %get3A_2040, %div3A_1740 : vector<16xf32>
    %mul3A_2047 = arith.mulf %get3A_2045, %div3A_1740 : vector<16xf32>
    %mul3A_2048 = arith.mulf %mul3A_2046, %mul3A_2046 : vector<16xf32>
    %sub3A_2049 = arith.subf %mul3A_2047, %mul3A_2048 : vector<16xf32>
    %max3A_2050 = arith.constant 1.000000e-30 : f32
    %max3A_2051 = vector.broadcast %max3A_2050 : f32 to vector<16xf32>
    %max3A_2052 = arith.maximumf %sub3A_2049, %max3A_2051 : vector<16xf32>
    %bitcast_convert_type3A_2053 = tpu.bitcast %max3A_2052 : vector<16xf32> -> vector<16xi32>
    %shift_right_arithmetic3A_2054 = arith.constant 1 : i32
    %shift_right_arithmetic3A_2055 = vector.broadcast %shift_right_arithmetic3A_2054 : i32 to vector<16xi32>
    %shift_right_arithmetic3A_2056 = arith.shrsi %bitcast_convert_type3A_2053, %shift_right_arithmetic3A_2055 : vector<16xi32>
    %sub3A_2057 = arith.constant 1597463007 : i32
    %sub3A_2058 = vector.broadcast %sub3A_2057 : i32 to vector<16xi32>
    %sub3A_2059 = arith.subi %sub3A_2058, %shift_right_arithmetic3A_2056 : vector<16xi32>
    %bitcast_convert_type3A_2060 = tpu.bitcast %sub3A_2059 : vector<16xi32> -> vector<16xf32>
    %mul3A_2061 = arith.mulf %max3A_2052, %bitcast_convert_type3A_2060 : vector<16xf32>
    %mul3A_2062 = arith.mulf %mul3A_2061, %bitcast_convert_type3A_2060 : vector<16xf32>
    %mul3A_2063 = arith.constant 5.000000e-01 : f32
    %mul3A_2064 = vector.broadcast %mul3A_2063 : f32 to vector<16xf32>
    %mul3A_2065 = arith.mulf %mul3A_2064, %mul3A_2062 : vector<16xf32>
    %sub3A_2066 = arith.constant 1.500000e+00 : f32
    %sub3A_2067 = vector.broadcast %sub3A_2066 : f32 to vector<16xf32>
    %sub3A_2068 = arith.subf %sub3A_2067, %mul3A_2065 : vector<16xf32>
    %mul3A_2069 = arith.mulf %bitcast_convert_type3A_2060, %sub3A_2068 : vector<16xf32>
    %mul3A_2070 = arith.mulf %max3A_2052, %mul3A_2069 : vector<16xf32>
    %mul3A_2071 = arith.mulf %mul3A_2070, %mul3A_2069 : vector<16xf32>
    %mul3A_2072 = arith.constant 5.000000e-01 : f32
    %mul3A_2073 = vector.broadcast %mul3A_2072 : f32 to vector<16xf32>
    %mul3A_2074 = arith.mulf %mul3A_2073, %mul3A_2071 : vector<16xf32>
    %sub3A_2075 = arith.constant 1.500000e+00 : f32
    %sub3A_2076 = vector.broadcast %sub3A_2075 : f32 to vector<16xf32>
    %sub3A_2077 = arith.subf %sub3A_2076, %mul3A_2074 : vector<16xf32>
    %mul3A_2078 = arith.mulf %mul3A_2069, %sub3A_2077 : vector<16xf32>
    %mul3A_2079 = arith.mulf %max3A_2052, %mul3A_2078 : vector<16xf32>
    %mul3A_2080 = arith.mulf %mul3A_2079, %mul3A_2078 : vector<16xf32>
    %mul3A_2081 = arith.constant 5.000000e-01 : f32
    %mul3A_2082 = vector.broadcast %mul3A_2081 : f32 to vector<16xf32>
    %mul3A_2083 = arith.mulf %mul3A_2082, %mul3A_2080 : vector<16xf32>
    %sub3A_2084 = arith.constant 1.500000e+00 : f32
    %sub3A_2085 = vector.broadcast %sub3A_2084 : f32 to vector<16xf32>
    %sub3A_2086 = arith.subf %sub3A_2085, %mul3A_2083 : vector<16xf32>
    %mul3A_2087 = arith.mulf %mul3A_2078, %sub3A_2086 : vector<16xf32>
    %mul3A_2088 = arith.mulf %max3A_2052, %mul3A_2087 : vector<16xf32>
    %swap3A_2089 = arith.constant 3 : i32
    %swap3A_2090 = arith.index_cast %swap3A_2089 : i32 to index
    %swap3A_2091 = arith.constant 80 : index
    %swap3A_2092 = tpu.vector_load %arg14[%swap3A_2090, %swap3A_2091] {strides = array<i32>} : memref<7x128xf32, #tpu.memory_space<vmem>>, vector<1x16xf32>,
    %swap3A_2093 = vector.shape_cast %swap3A_2092 : vector<1x16xf32> to vector<16xf32>
    %swap3A_2094 = vector.shape_cast %mul3A_2088 : vector<16xf32> to vector<1x16xf32>
    tpu.vector_store %arg14[%swap3A_2090, %swap3A_2091], %swap3A_2094 {strides = array<i32>} : memref<7x128xf32, #tpu.memory_space<vmem>>, vector<1x16xf32>,
    %get3A_2095 = arith.constant 3 : i32
    %get3A_2096 = arith.index_cast %get3A_2095 : i32 to index
    %get3A_2097 = arith.constant 96 : index
    %get3A_2098 = tpu.vector_load %arg11[%get3A_2096, %get3A_2097] {strides = array<i32>} : memref<7x128xf32, #tpu.memory_space<vmem>>, vector<1x16xf32>,
    %get3A_2099 = vector.shape_cast %get3A_2098 : vector<1x16xf32> to vector<16xf32>
    %get3A_2100 = arith.constant 3 : i32
    %get3A_2101 = arith.index_cast %get3A_2100 : i32 to index
    %get3A_2102 = arith.constant 96 : index
    %get3A_2103 = tpu.vector_load %arg12[%get3A_2101, %get3A_2102] {strides = array<i32>} : memref<7x128xf32, #tpu.memory_space<vmem>>, vector<1x16xf32>,
    %get3A_2104 = vector.shape_cast %get3A_2103 : vector<1x16xf32> to vector<16xf32>
    %mul3A_2105 = arith.mulf %get3A_2099, %div3A_1740 : vector<16xf32>
    %mul3A_2106 = arith.mulf %get3A_2104, %div3A_1740 : vector<16xf32>
    %mul3A_2107 = arith.mulf %mul3A_2105, %mul3A_2105 : vector<16xf32>
    %sub3A_2108 = arith.subf %mul3A_2106, %mul3A_2107 : vector<16xf32>
    %max3A_2109 = arith.constant 1.000000e-30 : f32
    %max3A_2110 = vector.broadcast %max3A_2109 : f32 to vector<16xf32>
    %max3A_2111 = arith.maximumf %sub3A_2108, %max3A_2110 : vector<16xf32>
    %bitcast_convert_type3A_2112 = tpu.bitcast %max3A_2111 : vector<16xf32> -> vector<16xi32>
    %shift_right_arithmetic3A_2113 = arith.constant 1 : i32
    %shift_right_arithmetic3A_2114 = vector.broadcast %shift_right_arithmetic3A_2113 : i32 to vector<16xi32>
    %shift_right_arithmetic3A_2115 = arith.shrsi %bitcast_convert_type3A_2112, %shift_right_arithmetic3A_2114 : vector<16xi32>
    %sub3A_2116 = arith.constant 1597463007 : i32
    %sub3A_2117 = vector.broadcast %sub3A_2116 : i32 to vector<16xi32>
    %sub3A_2118 = arith.subi %sub3A_2117, %shift_right_arithmetic3A_2115 : vector<16xi32>
    %bitcast_convert_type3A_2119 = tpu.bitcast %sub3A_2118 : vector<16xi32> -> vector<16xf32>
    %mul3A_2120 = arith.mulf %max3A_2111, %bitcast_convert_type3A_2119 : vector<16xf32>
    %mul3A_2121 = arith.mulf %mul3A_2120, %bitcast_convert_type3A_2119 : vector<16xf32>
    %mul3A_2122 = arith.constant 5.000000e-01 : f32
    %mul3A_2123 = vector.broadcast %mul3A_2122 : f32 to vector<16xf32>
    %mul3A_2124 = arith.mulf %mul3A_2123, %mul3A_2121 : vector<16xf32>
    %sub3A_2125 = arith.constant 1.500000e+00 : f32
    %sub3A_2126 = vector.broadcast %sub3A_2125 : f32 to vector<16xf32>
    %sub3A_2127 = arith.subf %sub3A_2126, %mul3A_2124 : vector<16xf32>
    %mul3A_2128 = arith.mulf %bitcast_convert_type3A_2119, %sub3A_2127 : vector<16xf32>
    %mul3A_2129 = arith.mulf %max3A_2111, %mul3A_2128 : vector<16xf32>
    %mul3A_2130 = arith.mulf %mul3A_2129, %mul3A_2128 : vector<16xf32>
    %mul3A_2131 = arith.constant 5.000000e-01 : f32
    %mul3A_2132 = vector.broadcast %mul3A_2131 : f32 to vector<16xf32>
    %mul3A_2133 = arith.mulf %mul3A_2132, %mul3A_2130 : vector<16xf32>
    %sub3A_2134 = arith.constant 1.500000e+00 : f32
    %sub3A_2135 = vector.broadcast %sub3A_2134 : f32 to vector<16xf32>
    %sub3A_2136 = arith.subf %sub3A_2135, %mul3A_2133 : vector<16xf32>
    %mul3A_2137 = arith.mulf %mul3A_2128, %sub3A_2136 : vector<16xf32>
    %mul3A_2138 = arith.mulf %max3A_2111, %mul3A_2137 : vector<16xf32>
    %mul3A_2139 = arith.mulf %mul3A_2138, %mul3A_2137 : vector<16xf32>
    %mul3A_2140 = arith.constant 5.000000e-01 : f32
    %mul3A_2141 = vector.broadcast %mul3A_2140 : f32 to vector<16xf32>
    %mul3A_2142 = arith.mulf %mul3A_2141, %mul3A_2139 : vector<16xf32>
    %sub3A_2143 = arith.constant 1.500000e+00 : f32
    %sub3A_2144 = vector.broadcast %sub3A_2143 : f32 to vector<16xf32>
    %sub3A_2145 = arith.subf %sub3A_2144, %mul3A_2142 : vector<16xf32>
    %mul3A_2146 = arith.mulf %mul3A_2137, %sub3A_2145 : vector<16xf32>
    %mul3A_2147 = arith.mulf %max3A_2111, %mul3A_2146 : vector<16xf32>
    %swap3A_2148 = arith.constant 3 : i32
    %swap3A_2149 = arith.index_cast %swap3A_2148 : i32 to index
    %swap3A_2150 = arith.constant 96 : index
    %swap3A_2151 = tpu.vector_load %arg14[%swap3A_2149, %swap3A_2150] {strides = array<i32>} : memref<7x128xf32, #tpu.memory_space<vmem>>, vector<1x16xf32>,
    %swap3A_2152 = vector.shape_cast %swap3A_2151 : vector<1x16xf32> to vector<16xf32>
    %swap3A_2153 = vector.shape_cast %mul3A_2147 : vector<16xf32> to vector<1x16xf32>
    tpu.vector_store %arg14[%swap3A_2149, %swap3A_2150], %swap3A_2153 {strides = array<i32>} : memref<7x128xf32, #tpu.memory_space<vmem>>, vector<1x16xf32>,
    %get3A_2154 = arith.constant 3 : i32
    %get3A_2155 = arith.index_cast %get3A_2154 : i32 to index
    %get3A_2156 = arith.constant 112 : index
    %get3A_2157 = tpu.vector_load %arg11[%get3A_2155, %get3A_2156] {strides = array<i32>} : memref<7x128xf32, #tpu.memory_space<vmem>>, vector<1x16xf32>,
    %get3A_2158 = vector.shape_cast %get3A_2157 : vector<1x16xf32> to vector<16xf32>
    %get3A_2159 = arith.constant 3 : i32
    %get3A_2160 = arith.index_cast %get3A_2159 : i32 to index
    %get3A_2161 = arith.constant 112 : index
    %get3A_2162 = tpu.vector_load %arg12[%get3A_2160, %get3A_2161] {strides = array<i32>} : memref<7x128xf32, #tpu.memory_space<vmem>>, vector<1x16xf32>,
    %get3A_2163 = vector.shape_cast %get3A_2162 : vector<1x16xf32> to vector<16xf32>
    %mul3A_2164 = arith.mulf %get3A_2158, %div3A_1740 : vector<16xf32>
    %mul3A_2165 = arith.mulf %get3A_2163, %div3A_1740 : vector<16xf32>
    %mul3A_2166 = arith.mulf %mul3A_2164, %mul3A_2164 : vector<16xf32>
    %sub3A_2167 = arith.subf %mul3A_2165, %mul3A_2166 : vector<16xf32>
    %max3A_2168 = arith.constant 1.000000e-30 : f32
    %max3A_2169 = vector.broadcast %max3A_2168 : f32 to vector<16xf32>
    %max3A_2170 = arith.maximumf %sub3A_2167, %max3A_2169 : vector<16xf32>
    %bitcast_convert_type3A_2171 = tpu.bitcast %max3A_2170 : vector<16xf32> -> vector<16xi32>
    %shift_right_arithmetic3A_2172 = arith.constant 1 : i32
    %shift_right_arithmetic3A_2173 = vector.broadcast %shift_right_arithmetic3A_2172 : i32 to vector<16xi32>
    %shift_right_arithmetic3A_2174 = arith.shrsi %bitcast_convert_type3A_2171, %shift_right_arithmetic3A_2173 : vector<16xi32>
    %sub3A_2175 = arith.constant 1597463007 : i32
    %sub3A_2176 = vector.broadcast %sub3A_2175 : i32 to vector<16xi32>
    %sub3A_2177 = arith.subi %sub3A_2176, %shift_right_arithmetic3A_2174 : vector<16xi32>
    %bitcast_convert_type3A_2178 = tpu.bitcast %sub3A_2177 : vector<16xi32> -> vector<16xf32>
    %mul3A_2179 = arith.mulf %max3A_2170, %bitcast_convert_type3A_2178 : vector<16xf32>
    %mul3A_2180 = arith.mulf %mul3A_2179, %bitcast_convert_type3A_2178 : vector<16xf32>
    %mul3A_2181 = arith.constant 5.000000e-01 : f32
    %mul3A_2182 = vector.broadcast %mul3A_2181 : f32 to vector<16xf32>
    %mul3A_2183 = arith.mulf %mul3A_2182, %mul3A_2180 : vector<16xf32>
    %sub3A_2184 = arith.constant 1.500000e+00 : f32
    %sub3A_2185 = vector.broadcast %sub3A_2184 : f32 to vector<16xf32>
    %sub3A_2186 = arith.subf %sub3A_2185, %mul3A_2183 : vector<16xf32>
    %mul3A_2187 = arith.mulf %bitcast_convert_type3A_2178, %sub3A_2186 : vector<16xf32>
    %mul3A_2188 = arith.mulf %max3A_2170, %mul3A_2187 : vector<16xf32>
    %mul3A_2189 = arith.mulf %mul3A_2188, %mul3A_2187 : vector<16xf32>
    %mul3A_2190 = arith.constant 5.000000e-01 : f32
    %mul3A_2191 = vector.broadcast %mul3A_2190 : f32 to vector<16xf32>
    %mul3A_2192 = arith.mulf %mul3A_2191, %mul3A_2189 : vector<16xf32>
    %sub3A_2193 = arith.constant 1.500000e+00 : f32
    %sub3A_2194 = vector.broadcast %sub3A_2193 : f32 to vector<16xf32>
    %sub3A_2195 = arith.subf %sub3A_2194, %mul3A_2192 : vector<16xf32>
    %mul3A_2196 = arith.mulf %mul3A_2187, %sub3A_2195 : vector<16xf32>
    %mul3A_2197 = arith.mulf %max3A_2170, %mul3A_2196 : vector<16xf32>
    %mul3A_2198 = arith.mulf %mul3A_2197, %mul3A_2196 : vector<16xf32>
    %mul3A_2199 = arith.constant 5.000000e-01 : f32
    %mul3A_2200 = vector.broadcast %mul3A_2199 : f32 to vector<16xf32>
    %mul3A_2201 = arith.mulf %mul3A_2200, %mul3A_2198 : vector<16xf32>
    %sub3A_2202 = arith.constant 1.500000e+00 : f32
    %sub3A_2203 = vector.broadcast %sub3A_2202 : f32 to vector<16xf32>
    %sub3A_2204 = arith.subf %sub3A_2203, %mul3A_2201 : vector<16xf32>
    %mul3A_2205 = arith.mulf %mul3A_2196, %sub3A_2204 : vector<16xf32>
    %mul3A_2206 = arith.mulf %max3A_2170, %mul3A_2205 : vector<16xf32>
    %swap3A_2207 = arith.constant 3 : i32
    %swap3A_2208 = arith.index_cast %swap3A_2207 : i32 to index
    %swap3A_2209 = arith.constant 112 : index
    %swap3A_2210 = tpu.vector_load %arg14[%swap3A_2208, %swap3A_2209] {strides = array<i32>} : memref<7x128xf32, #tpu.memory_space<vmem>>, vector<1x16xf32>,
    %swap3A_2211 = vector.shape_cast %swap3A_2210 : vector<1x16xf32> to vector<16xf32>
    %swap3A_2212 = vector.shape_cast %mul3A_2206 : vector<16xf32> to vector<1x16xf32>
    tpu.vector_store %arg14[%swap3A_2208, %swap3A_2209], %swap3A_2212 {strides = array<i32>} : memref<7x128xf32, #tpu.memory_space<vmem>>, vector<1x16xf32>,
    %get3A_2213 = arith.constant 4 : i32
    %get3A_2214 = arith.index_cast %get3A_2213 : i32 to index
    %get3A_2215 = arith.constant 0 : index
    %get3A_2216 = tpu.vector_load %arg13[%get3A_2214, %get3A_2215] {strides = array<i32>} : memref<7x128xf32, #tpu.memory_space<vmem>>, vector<1x16xf32>,
    %get3A_2217 = vector.shape_cast %get3A_2216 : vector<1x16xf32> to vector<16xf32>
    %max3A_2218 = arith.constant 1.000000e+00 : f32
    %max3A_2219 = vector.broadcast %max3A_2218 : f32 to vector<16xf32>
    %max3A_2220 = arith.maximumf %get3A_2217, %max3A_2219 : vector<16xf32>
    %div3A_2221 = arith.constant 1.000000e+00 : f32
    %div3A_2222 = vector.broadcast %div3A_2221 : f32 to vector<16xf32>
    %div3A_2223 = arith.divf %div3A_2222, %max3A_2220 : vector<16xf32>
    %get3A_2224 = arith.constant 4 : i32
    %get3A_2225 = arith.index_cast %get3A_2224 : i32 to index
    %get3A_2226 = arith.constant 0 : index
    %get3A_2227 = tpu.vector_load %arg11[%get3A_2225, %get3A_2226] {strides = array<i32>} : memref<7x128xf32, #tpu.memory_space<vmem>>, vector<1x16xf32>,
    %get3A_2228 = vector.shape_cast %get3A_2227 : vector<1x16xf32> to vector<16xf32>
    %get3A_2229 = arith.constant 4 : i32
    %get3A_2230 = arith.index_cast %get3A_2229 : i32 to index
    %get3A_2231 = arith.constant 0 : index
    %get3A_2232 = tpu.vector_load %arg12[%get3A_2230, %get3A_2231] {strides = array<i32>} : memref<7x128xf32, #tpu.memory_space<vmem>>, vector<1x16xf32>,
    %get3A_2233 = vector.shape_cast %get3A_2232 : vector<1x16xf32> to vector<16xf32>
    %mul3A_2234 = arith.mulf %get3A_2228, %div3A_2223 : vector<16xf32>
    %mul3A_2235 = arith.mulf %get3A_2233, %div3A_2223 : vector<16xf32>
    %mul3A_2236 = arith.mulf %mul3A_2234, %mul3A_2234 : vector<16xf32>
    %sub3A_2237 = arith.subf %mul3A_2235, %mul3A_2236 : vector<16xf32>
    %max3A_2238 = arith.constant 1.000000e-30 : f32
    %max3A_2239 = vector.broadcast %max3A_2238 : f32 to vector<16xf32>
    %max3A_2240 = arith.maximumf %sub3A_2237, %max3A_2239 : vector<16xf32>
    %bitcast_convert_type3A_2241 = tpu.bitcast %max3A_2240 : vector<16xf32> -> vector<16xi32>
    %shift_right_arithmetic3A_2242 = arith.constant 1 : i32
    %shift_right_arithmetic3A_2243 = vector.broadcast %shift_right_arithmetic3A_2242 : i32 to vector<16xi32>
    %shift_right_arithmetic3A_2244 = arith.shrsi %bitcast_convert_type3A_2241, %shift_right_arithmetic3A_2243 : vector<16xi32>
    %sub3A_2245 = arith.constant 1597463007 : i32
    %sub3A_2246 = vector.broadcast %sub3A_2245 : i32 to vector<16xi32>
    %sub3A_2247 = arith.subi %sub3A_2246, %shift_right_arithmetic3A_2244 : vector<16xi32>
    %bitcast_convert_type3A_2248 = tpu.bitcast %sub3A_2247 : vector<16xi32> -> vector<16xf32>
    %mul3A_2249 = arith.mulf %max3A_2240, %bitcast_convert_type3A_2248 : vector<16xf32>
    %mul3A_2250 = arith.mulf %mul3A_2249, %bitcast_convert_type3A_2248 : vector<16xf32>
    %mul3A_2251 = arith.constant 5.000000e-01 : f32
    %mul3A_2252 = vector.broadcast %mul3A_2251 : f32 to vector<16xf32>
    %mul3A_2253 = arith.mulf %mul3A_2252, %mul3A_2250 : vector<16xf32>
    %sub3A_2254 = arith.constant 1.500000e+00 : f32
    %sub3A_2255 = vector.broadcast %sub3A_2254 : f32 to vector<16xf32>
    %sub3A_2256 = arith.subf %sub3A_2255, %mul3A_2253 : vector<16xf32>
    %mul3A_2257 = arith.mulf %bitcast_convert_type3A_2248, %sub3A_2256 : vector<16xf32>
    %mul3A_2258 = arith.mulf %max3A_2240, %mul3A_2257 : vector<16xf32>
    %mul3A_2259 = arith.mulf %mul3A_2258, %mul3A_2257 : vector<16xf32>
    %mul3A_2260 = arith.constant 5.000000e-01 : f32
    %mul3A_2261 = vector.broadcast %mul3A_2260 : f32 to vector<16xf32>
    %mul3A_2262 = arith.mulf %mul3A_2261, %mul3A_2259 : vector<16xf32>
    %sub3A_2263 = arith.constant 1.500000e+00 : f32
    %sub3A_2264 = vector.broadcast %sub3A_2263 : f32 to vector<16xf32>
    %sub3A_2265 = arith.subf %sub3A_2264, %mul3A_2262 : vector<16xf32>
    %mul3A_2266 = arith.mulf %mul3A_2257, %sub3A_2265 : vector<16xf32>
    %mul3A_2267 = arith.mulf %max3A_2240, %mul3A_2266 : vector<16xf32>
    %mul3A_2268 = arith.mulf %mul3A_2267, %mul3A_2266 : vector<16xf32>
    %mul3A_2269 = arith.constant 5.000000e-01 : f32
    %mul3A_2270 = vector.broadcast %mul3A_2269 : f32 to vector<16xf32>
    %mul3A_2271 = arith.mulf %mul3A_2270, %mul3A_2268 : vector<16xf32>
    %sub3A_2272 = arith.constant 1.500000e+00 : f32
    %sub3A_2273 = vector.broadcast %sub3A_2272 : f32 to vector<16xf32>
    %sub3A_2274 = arith.subf %sub3A_2273, %mul3A_2271 : vector<16xf32>
    %mul3A_2275 = arith.mulf %mul3A_2266, %sub3A_2274 : vector<16xf32>
    %mul3A_2276 = arith.mulf %max3A_2240, %mul3A_2275 : vector<16xf32>
    %swap3A_2277 = arith.constant 4 : i32
    %swap3A_2278 = arith.index_cast %swap3A_2277 : i32 to index
    %swap3A_2279 = arith.constant 0 : index
    %swap3A_2280 = tpu.vector_load %arg14[%swap3A_2278, %swap3A_2279] {strides = array<i32>} : memref<7x128xf32, #tpu.memory_space<vmem>>, vector<1x16xf32>,
    %swap3A_2281 = vector.shape_cast %swap3A_2280 : vector<1x16xf32> to vector<16xf32>
    %swap3A_2282 = vector.shape_cast %mul3A_2276 : vector<16xf32> to vector<1x16xf32>
    tpu.vector_store %arg14[%swap3A_2278, %swap3A_2279], %swap3A_2282 {strides = array<i32>} : memref<7x128xf32, #tpu.memory_space<vmem>>, vector<1x16xf32>,
    %get3A_2283 = arith.constant 4 : i32
    %get3A_2284 = arith.index_cast %get3A_2283 : i32 to index
    %get3A_2285 = arith.constant 16 : index
    %get3A_2286 = tpu.vector_load %arg11[%get3A_2284, %get3A_2285] {strides = array<i32>} : memref<7x128xf32, #tpu.memory_space<vmem>>, vector<1x16xf32>,
    %get3A_2287 = vector.shape_cast %get3A_2286 : vector<1x16xf32> to vector<16xf32>
    %get3A_2288 = arith.constant 4 : i32
    %get3A_2289 = arith.index_cast %get3A_2288 : i32 to index
    %get3A_2290 = arith.constant 16 : index
    %get3A_2291 = tpu.vector_load %arg12[%get3A_2289, %get3A_2290] {strides = array<i32>} : memref<7x128xf32, #tpu.memory_space<vmem>>, vector<1x16xf32>,
    %get3A_2292 = vector.shape_cast %get3A_2291 : vector<1x16xf32> to vector<16xf32>
    %mul3A_2293 = arith.mulf %get3A_2287, %div3A_2223 : vector<16xf32>
    %mul3A_2294 = arith.mulf %get3A_2292, %div3A_2223 : vector<16xf32>
    %mul3A_2295 = arith.mulf %mul3A_2293, %mul3A_2293 : vector<16xf32>
    %sub3A_2296 = arith.subf %mul3A_2294, %mul3A_2295 : vector<16xf32>
    %max3A_2297 = arith.constant 1.000000e-30 : f32
    %max3A_2298 = vector.broadcast %max3A_2297 : f32 to vector<16xf32>
    %max3A_2299 = arith.maximumf %sub3A_2296, %max3A_2298 : vector<16xf32>
    %bitcast_convert_type3A_2300 = tpu.bitcast %max3A_2299 : vector<16xf32> -> vector<16xi32>
    %shift_right_arithmetic3A_2301 = arith.constant 1 : i32
    %shift_right_arithmetic3A_2302 = vector.broadcast %shift_right_arithmetic3A_2301 : i32 to vector<16xi32>
    %shift_right_arithmetic3A_2303 = arith.shrsi %bitcast_convert_type3A_2300, %shift_right_arithmetic3A_2302 : vector<16xi32>
    %sub3A_2304 = arith.constant 1597463007 : i32
    %sub3A_2305 = vector.broadcast %sub3A_2304 : i32 to vector<16xi32>
    %sub3A_2306 = arith.subi %sub3A_2305, %shift_right_arithmetic3A_2303 : vector<16xi32>
    %bitcast_convert_type3A_2307 = tpu.bitcast %sub3A_2306 : vector<16xi32> -> vector<16xf32>
    %mul3A_2308 = arith.mulf %max3A_2299, %bitcast_convert_type3A_2307 : vector<16xf32>
    %mul3A_2309 = arith.mulf %mul3A_2308, %bitcast_convert_type3A_2307 : vector<16xf32>
    %mul3A_2310 = arith.constant 5.000000e-01 : f32
    %mul3A_2311 = vector.broadcast %mul3A_2310 : f32 to vector<16xf32>
    %mul3A_2312 = arith.mulf %mul3A_2311, %mul3A_2309 : vector<16xf32>
    %sub3A_2313 = arith.constant 1.500000e+00 : f32
    %sub3A_2314 = vector.broadcast %sub3A_2313 : f32 to vector<16xf32>
    %sub3A_2315 = arith.subf %sub3A_2314, %mul3A_2312 : vector<16xf32>
    %mul3A_2316 = arith.mulf %bitcast_convert_type3A_2307, %sub3A_2315 : vector<16xf32>
    %mul3A_2317 = arith.mulf %max3A_2299, %mul3A_2316 : vector<16xf32>
    %mul3A_2318 = arith.mulf %mul3A_2317, %mul3A_2316 : vector<16xf32>
    %mul3A_2319 = arith.constant 5.000000e-01 : f32
    %mul3A_2320 = vector.broadcast %mul3A_2319 : f32 to vector<16xf32>
    %mul3A_2321 = arith.mulf %mul3A_2320, %mul3A_2318 : vector<16xf32>
    %sub3A_2322 = arith.constant 1.500000e+00 : f32
    %sub3A_2323 = vector.broadcast %sub3A_2322 : f32 to vector<16xf32>
    %sub3A_2324 = arith.subf %sub3A_2323, %mul3A_2321 : vector<16xf32>
    %mul3A_2325 = arith.mulf %mul3A_2316, %sub3A_2324 : vector<16xf32>
    %mul3A_2326 = arith.mulf %max3A_2299, %mul3A_2325 : vector<16xf32>
    %mul3A_2327 = arith.mulf %mul3A_2326, %mul3A_2325 : vector<16xf32>
    %mul3A_2328 = arith.constant 5.000000e-01 : f32
    %mul3A_2329 = vector.broadcast %mul3A_2328 : f32 to vector<16xf32>
    %mul3A_2330 = arith.mulf %mul3A_2329, %mul3A_2327 : vector<16xf32>
    %sub3A_2331 = arith.constant 1.500000e+00 : f32
    %sub3A_2332 = vector.broadcast %sub3A_2331 : f32 to vector<16xf32>
    %sub3A_2333 = arith.subf %sub3A_2332, %mul3A_2330 : vector<16xf32>
    %mul3A_2334 = arith.mulf %mul3A_2325, %sub3A_2333 : vector<16xf32>
    %mul3A_2335 = arith.mulf %max3A_2299, %mul3A_2334 : vector<16xf32>
    %swap3A_2336 = arith.constant 4 : i32
    %swap3A_2337 = arith.index_cast %swap3A_2336 : i32 to index
    %swap3A_2338 = arith.constant 16 : index
    %swap3A_2339 = tpu.vector_load %arg14[%swap3A_2337, %swap3A_2338] {strides = array<i32>} : memref<7x128xf32, #tpu.memory_space<vmem>>, vector<1x16xf32>,
    %swap3A_2340 = vector.shape_cast %swap3A_2339 : vector<1x16xf32> to vector<16xf32>
    %swap3A_2341 = vector.shape_cast %mul3A_2335 : vector<16xf32> to vector<1x16xf32>
    tpu.vector_store %arg14[%swap3A_2337, %swap3A_2338], %swap3A_2341 {strides = array<i32>} : memref<7x128xf32, #tpu.memory_space<vmem>>, vector<1x16xf32>,
    %get3A_2342 = arith.constant 4 : i32
    %get3A_2343 = arith.index_cast %get3A_2342 : i32 to index
    %get3A_2344 = arith.constant 32 : index
    %get3A_2345 = tpu.vector_load %arg11[%get3A_2343, %get3A_2344] {strides = array<i32>} : memref<7x128xf32, #tpu.memory_space<vmem>>, vector<1x16xf32>,
    %get3A_2346 = vector.shape_cast %get3A_2345 : vector<1x16xf32> to vector<16xf32>
    %get3A_2347 = arith.constant 4 : i32
    %get3A_2348 = arith.index_cast %get3A_2347 : i32 to index
    %get3A_2349 = arith.constant 32 : index
    %get3A_2350 = tpu.vector_load %arg12[%get3A_2348, %get3A_2349] {strides = array<i32>} : memref<7x128xf32, #tpu.memory_space<vmem>>, vector<1x16xf32>,
    %get3A_2351 = vector.shape_cast %get3A_2350 : vector<1x16xf32> to vector<16xf32>
    %mul3A_2352 = arith.mulf %get3A_2346, %div3A_2223 : vector<16xf32>
    %mul3A_2353 = arith.mulf %get3A_2351, %div3A_2223 : vector<16xf32>
    %mul3A_2354 = arith.mulf %mul3A_2352, %mul3A_2352 : vector<16xf32>
    %sub3A_2355 = arith.subf %mul3A_2353, %mul3A_2354 : vector<16xf32>
    %max3A_2356 = arith.constant 1.000000e-30 : f32
    %max3A_2357 = vector.broadcast %max3A_2356 : f32 to vector<16xf32>
    %max3A_2358 = arith.maximumf %sub3A_2355, %max3A_2357 : vector<16xf32>
    %bitcast_convert_type3A_2359 = tpu.bitcast %max3A_2358 : vector<16xf32> -> vector<16xi32>
    %shift_right_arithmetic3A_2360 = arith.constant 1 : i32
    %shift_right_arithmetic3A_2361 = vector.broadcast %shift_right_arithmetic3A_2360 : i32 to vector<16xi32>
    %shift_right_arithmetic3A_2362 = arith.shrsi %bitcast_convert_type3A_2359, %shift_right_arithmetic3A_2361 : vector<16xi32>
    %sub3A_2363 = arith.constant 1597463007 : i32
    %sub3A_2364 = vector.broadcast %sub3A_2363 : i32 to vector<16xi32>
    %sub3A_2365 = arith.subi %sub3A_2364, %shift_right_arithmetic3A_2362 : vector<16xi32>
    %bitcast_convert_type3A_2366 = tpu.bitcast %sub3A_2365 : vector<16xi32> -> vector<16xf32>
    %mul3A_2367 = arith.mulf %max3A_2358, %bitcast_convert_type3A_2366 : vector<16xf32>
    %mul3A_2368 = arith.mulf %mul3A_2367, %bitcast_convert_type3A_2366 : vector<16xf32>
    %mul3A_2369 = arith.constant 5.000000e-01 : f32
    %mul3A_2370 = vector.broadcast %mul3A_2369 : f32 to vector<16xf32>
    %mul3A_2371 = arith.mulf %mul3A_2370, %mul3A_2368 : vector<16xf32>
    %sub3A_2372 = arith.constant 1.500000e+00 : f32
    %sub3A_2373 = vector.broadcast %sub3A_2372 : f32 to vector<16xf32>
    %sub3A_2374 = arith.subf %sub3A_2373, %mul3A_2371 : vector<16xf32>
    %mul3A_2375 = arith.mulf %bitcast_convert_type3A_2366, %sub3A_2374 : vector<16xf32>
    %mul3A_2376 = arith.mulf %max3A_2358, %mul3A_2375 : vector<16xf32>
    %mul3A_2377 = arith.mulf %mul3A_2376, %mul3A_2375 : vector<16xf32>
    %mul3A_2378 = arith.constant 5.000000e-01 : f32
    %mul3A_2379 = vector.broadcast %mul3A_2378 : f32 to vector<16xf32>
    %mul3A_2380 = arith.mulf %mul3A_2379, %mul3A_2377 : vector<16xf32>
    %sub3A_2381 = arith.constant 1.500000e+00 : f32
    %sub3A_2382 = vector.broadcast %sub3A_2381 : f32 to vector<16xf32>
    %sub3A_2383 = arith.subf %sub3A_2382, %mul3A_2380 : vector<16xf32>
    %mul3A_2384 = arith.mulf %mul3A_2375, %sub3A_2383 : vector<16xf32>
    %mul3A_2385 = arith.mulf %max3A_2358, %mul3A_2384 : vector<16xf32>
    %mul3A_2386 = arith.mulf %mul3A_2385, %mul3A_2384 : vector<16xf32>
    %mul3A_2387 = arith.constant 5.000000e-01 : f32
    %mul3A_2388 = vector.broadcast %mul3A_2387 : f32 to vector<16xf32>
    %mul3A_2389 = arith.mulf %mul3A_2388, %mul3A_2386 : vector<16xf32>
    %sub3A_2390 = arith.constant 1.500000e+00 : f32
    %sub3A_2391 = vector.broadcast %sub3A_2390 : f32 to vector<16xf32>
    %sub3A_2392 = arith.subf %sub3A_2391, %mul3A_2389 : vector<16xf32>
    %mul3A_2393 = arith.mulf %mul3A_2384, %sub3A_2392 : vector<16xf32>
    %mul3A_2394 = arith.mulf %max3A_2358, %mul3A_2393 : vector<16xf32>
    %swap3A_2395 = arith.constant 4 : i32
    %swap3A_2396 = arith.index_cast %swap3A_2395 : i32 to index
    %swap3A_2397 = arith.constant 32 : index
    %swap3A_2398 = tpu.vector_load %arg14[%swap3A_2396, %swap3A_2397] {strides = array<i32>} : memref<7x128xf32, #tpu.memory_space<vmem>>, vector<1x16xf32>,
    %swap3A_2399 = vector.shape_cast %swap3A_2398 : vector<1x16xf32> to vector<16xf32>
    %swap3A_2400 = vector.shape_cast %mul3A_2394 : vector<16xf32> to vector<1x16xf32>
    tpu.vector_store %arg14[%swap3A_2396, %swap3A_2397], %swap3A_2400 {strides = array<i32>} : memref<7x128xf32, #tpu.memory_space<vmem>>, vector<1x16xf32>,
    %get3A_2401 = arith.constant 4 : i32
    %get3A_2402 = arith.index_cast %get3A_2401 : i32 to index
    %get3A_2403 = arith.constant 48 : index
    %get3A_2404 = tpu.vector_load %arg11[%get3A_2402, %get3A_2403] {strides = array<i32>} : memref<7x128xf32, #tpu.memory_space<vmem>>, vector<1x16xf32>,
    %get3A_2405 = vector.shape_cast %get3A_2404 : vector<1x16xf32> to vector<16xf32>
    %get3A_2406 = arith.constant 4 : i32
    %get3A_2407 = arith.index_cast %get3A_2406 : i32 to index
    %get3A_2408 = arith.constant 48 : index
    %get3A_2409 = tpu.vector_load %arg12[%get3A_2407, %get3A_2408] {strides = array<i32>} : memref<7x128xf32, #tpu.memory_space<vmem>>, vector<1x16xf32>,
    %get3A_2410 = vector.shape_cast %get3A_2409 : vector<1x16xf32> to vector<16xf32>
    %mul3A_2411 = arith.mulf %get3A_2405, %div3A_2223 : vector<16xf32>
    %mul3A_2412 = arith.mulf %get3A_2410, %div3A_2223 : vector<16xf32>
    %mul3A_2413 = arith.mulf %mul3A_2411, %mul3A_2411 : vector<16xf32>
    %sub3A_2414 = arith.subf %mul3A_2412, %mul3A_2413 : vector<16xf32>
    %max3A_2415 = arith.constant 1.000000e-30 : f32
    %max3A_2416 = vector.broadcast %max3A_2415 : f32 to vector<16xf32>
    %max3A_2417 = arith.maximumf %sub3A_2414, %max3A_2416 : vector<16xf32>
    %bitcast_convert_type3A_2418 = tpu.bitcast %max3A_2417 : vector<16xf32> -> vector<16xi32>
    %shift_right_arithmetic3A_2419 = arith.constant 1 : i32
    %shift_right_arithmetic3A_2420 = vector.broadcast %shift_right_arithmetic3A_2419 : i32 to vector<16xi32>
    %shift_right_arithmetic3A_2421 = arith.shrsi %bitcast_convert_type3A_2418, %shift_right_arithmetic3A_2420 : vector<16xi32>
    %sub3A_2422 = arith.constant 1597463007 : i32
    %sub3A_2423 = vector.broadcast %sub3A_2422 : i32 to vector<16xi32>
    %sub3A_2424 = arith.subi %sub3A_2423, %shift_right_arithmetic3A_2421 : vector<16xi32>
    %bitcast_convert_type3A_2425 = tpu.bitcast %sub3A_2424 : vector<16xi32> -> vector<16xf32>
    %mul3A_2426 = arith.mulf %max3A_2417, %bitcast_convert_type3A_2425 : vector<16xf32>
    %mul3A_2427 = arith.mulf %mul3A_2426, %bitcast_convert_type3A_2425 : vector<16xf32>
    %mul3A_2428 = arith.constant 5.000000e-01 : f32
    %mul3A_2429 = vector.broadcast %mul3A_2428 : f32 to vector<16xf32>
    %mul3A_2430 = arith.mulf %mul3A_2429, %mul3A_2427 : vector<16xf32>
    %sub3A_2431 = arith.constant 1.500000e+00 : f32
    %sub3A_2432 = vector.broadcast %sub3A_2431 : f32 to vector<16xf32>
    %sub3A_2433 = arith.subf %sub3A_2432, %mul3A_2430 : vector<16xf32>
    %mul3A_2434 = arith.mulf %bitcast_convert_type3A_2425, %sub3A_2433 : vector<16xf32>
    %mul3A_2435 = arith.mulf %max3A_2417, %mul3A_2434 : vector<16xf32>
    %mul3A_2436 = arith.mulf %mul3A_2435, %mul3A_2434 : vector<16xf32>
    %mul3A_2437 = arith.constant 5.000000e-01 : f32
    %mul3A_2438 = vector.broadcast %mul3A_2437 : f32 to vector<16xf32>
    %mul3A_2439 = arith.mulf %mul3A_2438, %mul3A_2436 : vector<16xf32>
    %sub3A_2440 = arith.constant 1.500000e+00 : f32
    %sub3A_2441 = vector.broadcast %sub3A_2440 : f32 to vector<16xf32>
    %sub3A_2442 = arith.subf %sub3A_2441, %mul3A_2439 : vector<16xf32>
    %mul3A_2443 = arith.mulf %mul3A_2434, %sub3A_2442 : vector<16xf32>
    %mul3A_2444 = arith.mulf %max3A_2417, %mul3A_2443 : vector<16xf32>
    %mul3A_2445 = arith.mulf %mul3A_2444, %mul3A_2443 : vector<16xf32>
    %mul3A_2446 = arith.constant 5.000000e-01 : f32
    %mul3A_2447 = vector.broadcast %mul3A_2446 : f32 to vector<16xf32>
    %mul3A_2448 = arith.mulf %mul3A_2447, %mul3A_2445 : vector<16xf32>
    %sub3A_2449 = arith.constant 1.500000e+00 : f32
    %sub3A_2450 = vector.broadcast %sub3A_2449 : f32 to vector<16xf32>
    %sub3A_2451 = arith.subf %sub3A_2450, %mul3A_2448 : vector<16xf32>
    %mul3A_2452 = arith.mulf %mul3A_2443, %sub3A_2451 : vector<16xf32>
    %mul3A_2453 = arith.mulf %max3A_2417, %mul3A_2452 : vector<16xf32>
    %swap3A_2454 = arith.constant 4 : i32
    %swap3A_2455 = arith.index_cast %swap3A_2454 : i32 to index
    %swap3A_2456 = arith.constant 48 : index
    %swap3A_2457 = tpu.vector_load %arg14[%swap3A_2455, %swap3A_2456] {strides = array<i32>} : memref<7x128xf32, #tpu.memory_space<vmem>>, vector<1x16xf32>,
    %swap3A_2458 = vector.shape_cast %swap3A_2457 : vector<1x16xf32> to vector<16xf32>
    %swap3A_2459 = vector.shape_cast %mul3A_2453 : vector<16xf32> to vector<1x16xf32>
    tpu.vector_store %arg14[%swap3A_2455, %swap3A_2456], %swap3A_2459 {strides = array<i32>} : memref<7x128xf32, #tpu.memory_space<vmem>>, vector<1x16xf32>,
    %get3A_2460 = arith.constant 4 : i32
    %get3A_2461 = arith.index_cast %get3A_2460 : i32 to index
    %get3A_2462 = arith.constant 64 : index
    %get3A_2463 = tpu.vector_load %arg11[%get3A_2461, %get3A_2462] {strides = array<i32>} : memref<7x128xf32, #tpu.memory_space<vmem>>, vector<1x16xf32>,
    %get3A_2464 = vector.shape_cast %get3A_2463 : vector<1x16xf32> to vector<16xf32>
    %get3A_2465 = arith.constant 4 : i32
    %get3A_2466 = arith.index_cast %get3A_2465 : i32 to index
    %get3A_2467 = arith.constant 64 : index
    %get3A_2468 = tpu.vector_load %arg12[%get3A_2466, %get3A_2467] {strides = array<i32>} : memref<7x128xf32, #tpu.memory_space<vmem>>, vector<1x16xf32>,
    %get3A_2469 = vector.shape_cast %get3A_2468 : vector<1x16xf32> to vector<16xf32>
    %mul3A_2470 = arith.mulf %get3A_2464, %div3A_2223 : vector<16xf32>
    %mul3A_2471 = arith.mulf %get3A_2469, %div3A_2223 : vector<16xf32>
    %mul3A_2472 = arith.mulf %mul3A_2470, %mul3A_2470 : vector<16xf32>
    %sub3A_2473 = arith.subf %mul3A_2471, %mul3A_2472 : vector<16xf32>
    %max3A_2474 = arith.constant 1.000000e-30 : f32
    %max3A_2475 = vector.broadcast %max3A_2474 : f32 to vector<16xf32>
    %max3A_2476 = arith.maximumf %sub3A_2473, %max3A_2475 : vector<16xf32>
    %bitcast_convert_type3A_2477 = tpu.bitcast %max3A_2476 : vector<16xf32> -> vector<16xi32>
    %shift_right_arithmetic3A_2478 = arith.constant 1 : i32
    %shift_right_arithmetic3A_2479 = vector.broadcast %shift_right_arithmetic3A_2478 : i32 to vector<16xi32>
    %shift_right_arithmetic3A_2480 = arith.shrsi %bitcast_convert_type3A_2477, %shift_right_arithmetic3A_2479 : vector<16xi32>
    %sub3A_2481 = arith.constant 1597463007 : i32
    %sub3A_2482 = vector.broadcast %sub3A_2481 : i32 to vector<16xi32>
    %sub3A_2483 = arith.subi %sub3A_2482, %shift_right_arithmetic3A_2480 : vector<16xi32>
    %bitcast_convert_type3A_2484 = tpu.bitcast %sub3A_2483 : vector<16xi32> -> vector<16xf32>
    %mul3A_2485 = arith.mulf %max3A_2476, %bitcast_convert_type3A_2484 : vector<16xf32>
    %mul3A_2486 = arith.mulf %mul3A_2485, %bitcast_convert_type3A_2484 : vector<16xf32>
    %mul3A_2487 = arith.constant 5.000000e-01 : f32
    %mul3A_2488 = vector.broadcast %mul3A_2487 : f32 to vector<16xf32>
    %mul3A_2489 = arith.mulf %mul3A_2488, %mul3A_2486 : vector<16xf32>
    %sub3A_2490 = arith.constant 1.500000e+00 : f32
    %sub3A_2491 = vector.broadcast %sub3A_2490 : f32 to vector<16xf32>
    %sub3A_2492 = arith.subf %sub3A_2491, %mul3A_2489 : vector<16xf32>
    %mul3A_2493 = arith.mulf %bitcast_convert_type3A_2484, %sub3A_2492 : vector<16xf32>
    %mul3A_2494 = arith.mulf %max3A_2476, %mul3A_2493 : vector<16xf32>
    %mul3A_2495 = arith.mulf %mul3A_2494, %mul3A_2493 : vector<16xf32>
    %mul3A_2496 = arith.constant 5.000000e-01 : f32
    %mul3A_2497 = vector.broadcast %mul3A_2496 : f32 to vector<16xf32>
    %mul3A_2498 = arith.mulf %mul3A_2497, %mul3A_2495 : vector<16xf32>
    %sub3A_2499 = arith.constant 1.500000e+00 : f32
    %sub3A_2500 = vector.broadcast %sub3A_2499 : f32 to vector<16xf32>
    %sub3A_2501 = arith.subf %sub3A_2500, %mul3A_2498 : vector<16xf32>
    %mul3A_2502 = arith.mulf %mul3A_2493, %sub3A_2501 : vector<16xf32>
    %mul3A_2503 = arith.mulf %max3A_2476, %mul3A_2502 : vector<16xf32>
    %mul3A_2504 = arith.mulf %mul3A_2503, %mul3A_2502 : vector<16xf32>
    %mul3A_2505 = arith.constant 5.000000e-01 : f32
    %mul3A_2506 = vector.broadcast %mul3A_2505 : f32 to vector<16xf32>
    %mul3A_2507 = arith.mulf %mul3A_2506, %mul3A_2504 : vector<16xf32>
    %sub3A_2508 = arith.constant 1.500000e+00 : f32
    %sub3A_2509 = vector.broadcast %sub3A_2508 : f32 to vector<16xf32>
    %sub3A_2510 = arith.subf %sub3A_2509, %mul3A_2507 : vector<16xf32>
    %mul3A_2511 = arith.mulf %mul3A_2502, %sub3A_2510 : vector<16xf32>
    %mul3A_2512 = arith.mulf %max3A_2476, %mul3A_2511 : vector<16xf32>
    %swap3A_2513 = arith.constant 4 : i32
    %swap3A_2514 = arith.index_cast %swap3A_2513 : i32 to index
    %swap3A_2515 = arith.constant 64 : index
    %swap3A_2516 = tpu.vector_load %arg14[%swap3A_2514, %swap3A_2515] {strides = array<i32>} : memref<7x128xf32, #tpu.memory_space<vmem>>, vector<1x16xf32>,
    %swap3A_2517 = vector.shape_cast %swap3A_2516 : vector<1x16xf32> to vector<16xf32>
    %swap3A_2518 = vector.shape_cast %mul3A_2512 : vector<16xf32> to vector<1x16xf32>
    tpu.vector_store %arg14[%swap3A_2514, %swap3A_2515], %swap3A_2518 {strides = array<i32>} : memref<7x128xf32, #tpu.memory_space<vmem>>, vector<1x16xf32>,
    %get3A_2519 = arith.constant 4 : i32
    %get3A_2520 = arith.index_cast %get3A_2519 : i32 to index
    %get3A_2521 = arith.constant 80 : index
    %get3A_2522 = tpu.vector_load %arg11[%get3A_2520, %get3A_2521] {strides = array<i32>} : memref<7x128xf32, #tpu.memory_space<vmem>>, vector<1x16xf32>,
    %get3A_2523 = vector.shape_cast %get3A_2522 : vector<1x16xf32> to vector<16xf32>
    %get3A_2524 = arith.constant 4 : i32
    %get3A_2525 = arith.index_cast %get3A_2524 : i32 to index
    %get3A_2526 = arith.constant 80 : index
    %get3A_2527 = tpu.vector_load %arg12[%get3A_2525, %get3A_2526] {strides = array<i32>} : memref<7x128xf32, #tpu.memory_space<vmem>>, vector<1x16xf32>,
    %get3A_2528 = vector.shape_cast %get3A_2527 : vector<1x16xf32> to vector<16xf32>
    %mul3A_2529 = arith.mulf %get3A_2523, %div3A_2223 : vector<16xf32>
    %mul3A_2530 = arith.mulf %get3A_2528, %div3A_2223 : vector<16xf32>
    %mul3A_2531 = arith.mulf %mul3A_2529, %mul3A_2529 : vector<16xf32>
    %sub3A_2532 = arith.subf %mul3A_2530, %mul3A_2531 : vector<16xf32>
    %max3A_2533 = arith.constant 1.000000e-30 : f32
    %max3A_2534 = vector.broadcast %max3A_2533 : f32 to vector<16xf32>
    %max3A_2535 = arith.maximumf %sub3A_2532, %max3A_2534 : vector<16xf32>
    %bitcast_convert_type3A_2536 = tpu.bitcast %max3A_2535 : vector<16xf32> -> vector<16xi32>
    %shift_right_arithmetic3A_2537 = arith.constant 1 : i32
    %shift_right_arithmetic3A_2538 = vector.broadcast %shift_right_arithmetic3A_2537 : i32 to vector<16xi32>
    %shift_right_arithmetic3A_2539 = arith.shrsi %bitcast_convert_type3A_2536, %shift_right_arithmetic3A_2538 : vector<16xi32>
    %sub3A_2540 = arith.constant 1597463007 : i32
    %sub3A_2541 = vector.broadcast %sub3A_2540 : i32 to vector<16xi32>
    %sub3A_2542 = arith.subi %sub3A_2541, %shift_right_arithmetic3A_2539 : vector<16xi32>
    %bitcast_convert_type3A_2543 = tpu.bitcast %sub3A_2542 : vector<16xi32> -> vector<16xf32>
    %mul3A_2544 = arith.mulf %max3A_2535, %bitcast_convert_type3A_2543 : vector<16xf32>
    %mul3A_2545 = arith.mulf %mul3A_2544, %bitcast_convert_type3A_2543 : vector<16xf32>
    %mul3A_2546 = arith.constant 5.000000e-01 : f32
    %mul3A_2547 = vector.broadcast %mul3A_2546 : f32 to vector<16xf32>
    %mul3A_2548 = arith.mulf %mul3A_2547, %mul3A_2545 : vector<16xf32>
    %sub3A_2549 = arith.constant 1.500000e+00 : f32
    %sub3A_2550 = vector.broadcast %sub3A_2549 : f32 to vector<16xf32>
    %sub3A_2551 = arith.subf %sub3A_2550, %mul3A_2548 : vector<16xf32>
    %mul3A_2552 = arith.mulf %bitcast_convert_type3A_2543, %sub3A_2551 : vector<16xf32>
    %mul3A_2553 = arith.mulf %max3A_2535, %mul3A_2552 : vector<16xf32>
    %mul3A_2554 = arith.mulf %mul3A_2553, %mul3A_2552 : vector<16xf32>
    %mul3A_2555 = arith.constant 5.000000e-01 : f32
    %mul3A_2556 = vector.broadcast %mul3A_2555 : f32 to vector<16xf32>
    %mul3A_2557 = arith.mulf %mul3A_2556, %mul3A_2554 : vector<16xf32>
    %sub3A_2558 = arith.constant 1.500000e+00 : f32
    %sub3A_2559 = vector.broadcast %sub3A_2558 : f32 to vector<16xf32>
    %sub3A_2560 = arith.subf %sub3A_2559, %mul3A_2557 : vector<16xf32>
    %mul3A_2561 = arith.mulf %mul3A_2552, %sub3A_2560 : vector<16xf32>
    %mul3A_2562 = arith.mulf %max3A_2535, %mul3A_2561 : vector<16xf32>
    %mul3A_2563 = arith.mulf %mul3A_2562, %mul3A_2561 : vector<16xf32>
    %mul3A_2564 = arith.constant 5.000000e-01 : f32
    %mul3A_2565 = vector.broadcast %mul3A_2564 : f32 to vector<16xf32>
    %mul3A_2566 = arith.mulf %mul3A_2565, %mul3A_2563 : vector<16xf32>
    %sub3A_2567 = arith.constant 1.500000e+00 : f32
    %sub3A_2568 = vector.broadcast %sub3A_2567 : f32 to vector<16xf32>
    %sub3A_2569 = arith.subf %sub3A_2568, %mul3A_2566 : vector<16xf32>
    %mul3A_2570 = arith.mulf %mul3A_2561, %sub3A_2569 : vector<16xf32>
    %mul3A_2571 = arith.mulf %max3A_2535, %mul3A_2570 : vector<16xf32>
    %swap3A_2572 = arith.constant 4 : i32
    %swap3A_2573 = arith.index_cast %swap3A_2572 : i32 to index
    %swap3A_2574 = arith.constant 80 : index
    %swap3A_2575 = tpu.vector_load %arg14[%swap3A_2573, %swap3A_2574] {strides = array<i32>} : memref<7x128xf32, #tpu.memory_space<vmem>>, vector<1x16xf32>,
    %swap3A_2576 = vector.shape_cast %swap3A_2575 : vector<1x16xf32> to vector<16xf32>
    %swap3A_2577 = vector.shape_cast %mul3A_2571 : vector<16xf32> to vector<1x16xf32>
    tpu.vector_store %arg14[%swap3A_2573, %swap3A_2574], %swap3A_2577 {strides = array<i32>} : memref<7x128xf32, #tpu.memory_space<vmem>>, vector<1x16xf32>,
    %get3A_2578 = arith.constant 4 : i32
    %get3A_2579 = arith.index_cast %get3A_2578 : i32 to index
    %get3A_2580 = arith.constant 96 : index
    %get3A_2581 = tpu.vector_load %arg11[%get3A_2579, %get3A_2580] {strides = array<i32>} : memref<7x128xf32, #tpu.memory_space<vmem>>, vector<1x16xf32>,
    %get3A_2582 = vector.shape_cast %get3A_2581 : vector<1x16xf32> to vector<16xf32>
    %get3A_2583 = arith.constant 4 : i32
    %get3A_2584 = arith.index_cast %get3A_2583 : i32 to index
    %get3A_2585 = arith.constant 96 : index
    %get3A_2586 = tpu.vector_load %arg12[%get3A_2584, %get3A_2585] {strides = array<i32>} : memref<7x128xf32, #tpu.memory_space<vmem>>, vector<1x16xf32>,
    %get3A_2587 = vector.shape_cast %get3A_2586 : vector<1x16xf32> to vector<16xf32>
    %mul3A_2588 = arith.mulf %get3A_2582, %div3A_2223 : vector<16xf32>
    %mul3A_2589 = arith.mulf %get3A_2587, %div3A_2223 : vector<16xf32>
    %mul3A_2590 = arith.mulf %mul3A_2588, %mul3A_2588 : vector<16xf32>
    %sub3A_2591 = arith.subf %mul3A_2589, %mul3A_2590 : vector<16xf32>
    %max3A_2592 = arith.constant 1.000000e-30 : f32
    %max3A_2593 = vector.broadcast %max3A_2592 : f32 to vector<16xf32>
    %max3A_2594 = arith.maximumf %sub3A_2591, %max3A_2593 : vector<16xf32>
    %bitcast_convert_type3A_2595 = tpu.bitcast %max3A_2594 : vector<16xf32> -> vector<16xi32>
    %shift_right_arithmetic3A_2596 = arith.constant 1 : i32
    %shift_right_arithmetic3A_2597 = vector.broadcast %shift_right_arithmetic3A_2596 : i32 to vector<16xi32>
    %shift_right_arithmetic3A_2598 = arith.shrsi %bitcast_convert_type3A_2595, %shift_right_arithmetic3A_2597 : vector<16xi32>
    %sub3A_2599 = arith.constant 1597463007 : i32
    %sub3A_2600 = vector.broadcast %sub3A_2599 : i32 to vector<16xi32>
    %sub3A_2601 = arith.subi %sub3A_2600, %shift_right_arithmetic3A_2598 : vector<16xi32>
    %bitcast_convert_type3A_2602 = tpu.bitcast %sub3A_2601 : vector<16xi32> -> vector<16xf32>
    %mul3A_2603 = arith.mulf %max3A_2594, %bitcast_convert_type3A_2602 : vector<16xf32>
    %mul3A_2604 = arith.mulf %mul3A_2603, %bitcast_convert_type3A_2602 : vector<16xf32>
    %mul3A_2605 = arith.constant 5.000000e-01 : f32
    %mul3A_2606 = vector.broadcast %mul3A_2605 : f32 to vector<16xf32>
    %mul3A_2607 = arith.mulf %mul3A_2606, %mul3A_2604 : vector<16xf32>
    %sub3A_2608 = arith.constant 1.500000e+00 : f32
    %sub3A_2609 = vector.broadcast %sub3A_2608 : f32 to vector<16xf32>
    %sub3A_2610 = arith.subf %sub3A_2609, %mul3A_2607 : vector<16xf32>
    %mul3A_2611 = arith.mulf %bitcast_convert_type3A_2602, %sub3A_2610 : vector<16xf32>
    %mul3A_2612 = arith.mulf %max3A_2594, %mul3A_2611 : vector<16xf32>
    %mul3A_2613 = arith.mulf %mul3A_2612, %mul3A_2611 : vector<16xf32>
    %mul3A_2614 = arith.constant 5.000000e-01 : f32
    %mul3A_2615 = vector.broadcast %mul3A_2614 : f32 to vector<16xf32>
    %mul3A_2616 = arith.mulf %mul3A_2615, %mul3A_2613 : vector<16xf32>
    %sub3A_2617 = arith.constant 1.500000e+00 : f32
    %sub3A_2618 = vector.broadcast %sub3A_2617 : f32 to vector<16xf32>
    %sub3A_2619 = arith.subf %sub3A_2618, %mul3A_2616 : vector<16xf32>
    %mul3A_2620 = arith.mulf %mul3A_2611, %sub3A_2619 : vector<16xf32>
    %mul3A_2621 = arith.mulf %max3A_2594, %mul3A_2620 : vector<16xf32>
    %mul3A_2622 = arith.mulf %mul3A_2621, %mul3A_2620 : vector<16xf32>
    %mul3A_2623 = arith.constant 5.000000e-01 : f32
    %mul3A_2624 = vector.broadcast %mul3A_2623 : f32 to vector<16xf32>
    %mul3A_2625 = arith.mulf %mul3A_2624, %mul3A_2622 : vector<16xf32>
    %sub3A_2626 = arith.constant 1.500000e+00 : f32
    %sub3A_2627 = vector.broadcast %sub3A_2626 : f32 to vector<16xf32>
    %sub3A_2628 = arith.subf %sub3A_2627, %mul3A_2625 : vector<16xf32>
    %mul3A_2629 = arith.mulf %mul3A_2620, %sub3A_2628 : vector<16xf32>
    %mul3A_2630 = arith.mulf %max3A_2594, %mul3A_2629 : vector<16xf32>
    %swap3A_2631 = arith.constant 4 : i32
    %swap3A_2632 = arith.index_cast %swap3A_2631 : i32 to index
    %swap3A_2633 = arith.constant 96 : index
    %swap3A_2634 = tpu.vector_load %arg14[%swap3A_2632, %swap3A_2633] {strides = array<i32>} : memref<7x128xf32, #tpu.memory_space<vmem>>, vector<1x16xf32>,
    %swap3A_2635 = vector.shape_cast %swap3A_2634 : vector<1x16xf32> to vector<16xf32>
    %swap3A_2636 = vector.shape_cast %mul3A_2630 : vector<16xf32> to vector<1x16xf32>
    tpu.vector_store %arg14[%swap3A_2632, %swap3A_2633], %swap3A_2636 {strides = array<i32>} : memref<7x128xf32, #tpu.memory_space<vmem>>, vector<1x16xf32>,
    %get3A_2637 = arith.constant 4 : i32
    %get3A_2638 = arith.index_cast %get3A_2637 : i32 to index
    %get3A_2639 = arith.constant 112 : index
    %get3A_2640 = tpu.vector_load %arg11[%get3A_2638, %get3A_2639] {strides = array<i32>} : memref<7x128xf32, #tpu.memory_space<vmem>>, vector<1x16xf32>,
    %get3A_2641 = vector.shape_cast %get3A_2640 : vector<1x16xf32> to vector<16xf32>
    %get3A_2642 = arith.constant 4 : i32
    %get3A_2643 = arith.index_cast %get3A_2642 : i32 to index
    %get3A_2644 = arith.constant 112 : index
    %get3A_2645 = tpu.vector_load %arg12[%get3A_2643, %get3A_2644] {strides = array<i32>} : memref<7x128xf32, #tpu.memory_space<vmem>>, vector<1x16xf32>,
    %get3A_2646 = vector.shape_cast %get3A_2645 : vector<1x16xf32> to vector<16xf32>
    %mul3A_2647 = arith.mulf %get3A_2641, %div3A_2223 : vector<16xf32>
    %mul3A_2648 = arith.mulf %get3A_2646, %div3A_2223 : vector<16xf32>
    %mul3A_2649 = arith.mulf %mul3A_2647, %mul3A_2647 : vector<16xf32>
    %sub3A_2650 = arith.subf %mul3A_2648, %mul3A_2649 : vector<16xf32>
    %max3A_2651 = arith.constant 1.000000e-30 : f32
    %max3A_2652 = vector.broadcast %max3A_2651 : f32 to vector<16xf32>
    %max3A_2653 = arith.maximumf %sub3A_2650, %max3A_2652 : vector<16xf32>
    %bitcast_convert_type3A_2654 = tpu.bitcast %max3A_2653 : vector<16xf32> -> vector<16xi32>
    %shift_right_arithmetic3A_2655 = arith.constant 1 : i32
    %shift_right_arithmetic3A_2656 = vector.broadcast %shift_right_arithmetic3A_2655 : i32 to vector<16xi32>
    %shift_right_arithmetic3A_2657 = arith.shrsi %bitcast_convert_type3A_2654, %shift_right_arithmetic3A_2656 : vector<16xi32>
    %sub3A_2658 = arith.constant 1597463007 : i32
    %sub3A_2659 = vector.broadcast %sub3A_2658 : i32 to vector<16xi32>
    %sub3A_2660 = arith.subi %sub3A_2659, %shift_right_arithmetic3A_2657 : vector<16xi32>
    %bitcast_convert_type3A_2661 = tpu.bitcast %sub3A_2660 : vector<16xi32> -> vector<16xf32>
    %mul3A_2662 = arith.mulf %max3A_2653, %bitcast_convert_type3A_2661 : vector<16xf32>
    %mul3A_2663 = arith.mulf %mul3A_2662, %bitcast_convert_type3A_2661 : vector<16xf32>
    %mul3A_2664 = arith.constant 5.000000e-01 : f32
    %mul3A_2665 = vector.broadcast %mul3A_2664 : f32 to vector<16xf32>
    %mul3A_2666 = arith.mulf %mul3A_2665, %mul3A_2663 : vector<16xf32>
    %sub3A_2667 = arith.constant 1.500000e+00 : f32
    %sub3A_2668 = vector.broadcast %sub3A_2667 : f32 to vector<16xf32>
    %sub3A_2669 = arith.subf %sub3A_2668, %mul3A_2666 : vector<16xf32>
    %mul3A_2670 = arith.mulf %bitcast_convert_type3A_2661, %sub3A_2669 : vector<16xf32>
    %mul3A_2671 = arith.mulf %max3A_2653, %mul3A_2670 : vector<16xf32>
    %mul3A_2672 = arith.mulf %mul3A_2671, %mul3A_2670 : vector<16xf32>
    %mul3A_2673 = arith.constant 5.000000e-01 : f32
    %mul3A_2674 = vector.broadcast %mul3A_2673 : f32 to vector<16xf32>
    %mul3A_2675 = arith.mulf %mul3A_2674, %mul3A_2672 : vector<16xf32>
    %sub3A_2676 = arith.constant 1.500000e+00 : f32
    %sub3A_2677 = vector.broadcast %sub3A_2676 : f32 to vector<16xf32>
    %sub3A_2678 = arith.subf %sub3A_2677, %mul3A_2675 : vector<16xf32>
    %mul3A_2679 = arith.mulf %mul3A_2670, %sub3A_2678 : vector<16xf32>
    %mul3A_2680 = arith.mulf %max3A_2653, %mul3A_2679 : vector<16xf32>
    %mul3A_2681 = arith.mulf %mul3A_2680, %mul3A_2679 : vector<16xf32>
    %mul3A_2682 = arith.constant 5.000000e-01 : f32
    %mul3A_2683 = vector.broadcast %mul3A_2682 : f32 to vector<16xf32>
    %mul3A_2684 = arith.mulf %mul3A_2683, %mul3A_2681 : vector<16xf32>
    %sub3A_2685 = arith.constant 1.500000e+00 : f32
    %sub3A_2686 = vector.broadcast %sub3A_2685 : f32 to vector<16xf32>
    %sub3A_2687 = arith.subf %sub3A_2686, %mul3A_2684 : vector<16xf32>
    %mul3A_2688 = arith.mulf %mul3A_2679, %sub3A_2687 : vector<16xf32>
    %mul3A_2689 = arith.mulf %max3A_2653, %mul3A_2688 : vector<16xf32>
    %swap3A_2690 = arith.constant 4 : i32
    %swap3A_2691 = arith.index_cast %swap3A_2690 : i32 to index
    %swap3A_2692 = arith.constant 112 : index
    %swap3A_2693 = tpu.vector_load %arg14[%swap3A_2691, %swap3A_2692] {strides = array<i32>} : memref<7x128xf32, #tpu.memory_space<vmem>>, vector<1x16xf32>,
    %swap3A_2694 = vector.shape_cast %swap3A_2693 : vector<1x16xf32> to vector<16xf32>
    %swap3A_2695 = vector.shape_cast %mul3A_2689 : vector<16xf32> to vector<1x16xf32>
    tpu.vector_store %arg14[%swap3A_2691, %swap3A_2692], %swap3A_2695 {strides = array<i32>} : memref<7x128xf32, #tpu.memory_space<vmem>>, vector<1x16xf32>,
    %get3A_2696 = arith.constant 5 : i32
    %get3A_2697 = arith.index_cast %get3A_2696 : i32 to index
    %get3A_2698 = arith.constant 0 : index
    %get3A_2699 = tpu.vector_load %arg13[%get3A_2697, %get3A_2698] {strides = array<i32>} : memref<7x128xf32, #tpu.memory_space<vmem>>, vector<1x16xf32>,
    %get3A_2700 = vector.shape_cast %get3A_2699 : vector<1x16xf32> to vector<16xf32>
    %max3A_2701 = arith.constant 1.000000e+00 : f32
    %max3A_2702 = vector.broadcast %max3A_2701 : f32 to vector<16xf32>
    %max3A_2703 = arith.maximumf %get3A_2700, %max3A_2702 : vector<16xf32>
    %div3A_2704 = arith.constant 1.000000e+00 : f32
    %div3A_2705 = vector.broadcast %div3A_2704 : f32 to vector<16xf32>
    %div3A_2706 = arith.divf %div3A_2705, %max3A_2703 : vector<16xf32>
    %get3A_2707 = arith.constant 5 : i32
    %get3A_2708 = arith.index_cast %get3A_2707 : i32 to index
    %get3A_2709 = arith.constant 0 : index
    %get3A_2710 = tpu.vector_load %arg11[%get3A_2708, %get3A_2709] {strides = array<i32>} : memref<7x128xf32, #tpu.memory_space<vmem>>, vector<1x16xf32>,
    %get3A_2711 = vector.shape_cast %get3A_2710 : vector<1x16xf32> to vector<16xf32>
    %get3A_2712 = arith.constant 5 : i32
    %get3A_2713 = arith.index_cast %get3A_2712 : i32 to index
    %get3A_2714 = arith.constant 0 : index
    %get3A_2715 = tpu.vector_load %arg12[%get3A_2713, %get3A_2714] {strides = array<i32>} : memref<7x128xf32, #tpu.memory_space<vmem>>, vector<1x16xf32>,
    %get3A_2716 = vector.shape_cast %get3A_2715 : vector<1x16xf32> to vector<16xf32>
    %mul3A_2717 = arith.mulf %get3A_2711, %div3A_2706 : vector<16xf32>
    %mul3A_2718 = arith.mulf %get3A_2716, %div3A_2706 : vector<16xf32>
    %mul3A_2719 = arith.mulf %mul3A_2717, %mul3A_2717 : vector<16xf32>
    %sub3A_2720 = arith.subf %mul3A_2718, %mul3A_2719 : vector<16xf32>
    %max3A_2721 = arith.constant 1.000000e-30 : f32
    %max3A_2722 = vector.broadcast %max3A_2721 : f32 to vector<16xf32>
    %max3A_2723 = arith.maximumf %sub3A_2720, %max3A_2722 : vector<16xf32>
    %bitcast_convert_type3A_2724 = tpu.bitcast %max3A_2723 : vector<16xf32> -> vector<16xi32>
    %shift_right_arithmetic3A_2725 = arith.constant 1 : i32
    %shift_right_arithmetic3A_2726 = vector.broadcast %shift_right_arithmetic3A_2725 : i32 to vector<16xi32>
    %shift_right_arithmetic3A_2727 = arith.shrsi %bitcast_convert_type3A_2724, %shift_right_arithmetic3A_2726 : vector<16xi32>
    %sub3A_2728 = arith.constant 1597463007 : i32
    %sub3A_2729 = vector.broadcast %sub3A_2728 : i32 to vector<16xi32>
    %sub3A_2730 = arith.subi %sub3A_2729, %shift_right_arithmetic3A_2727 : vector<16xi32>
    %bitcast_convert_type3A_2731 = tpu.bitcast %sub3A_2730 : vector<16xi32> -> vector<16xf32>
    %mul3A_2732 = arith.mulf %max3A_2723, %bitcast_convert_type3A_2731 : vector<16xf32>
    %mul3A_2733 = arith.mulf %mul3A_2732, %bitcast_convert_type3A_2731 : vector<16xf32>
    %mul3A_2734 = arith.constant 5.000000e-01 : f32
    %mul3A_2735 = vector.broadcast %mul3A_2734 : f32 to vector<16xf32>
    %mul3A_2736 = arith.mulf %mul3A_2735, %mul3A_2733 : vector<16xf32>
    %sub3A_2737 = arith.constant 1.500000e+00 : f32
    %sub3A_2738 = vector.broadcast %sub3A_2737 : f32 to vector<16xf32>
    %sub3A_2739 = arith.subf %sub3A_2738, %mul3A_2736 : vector<16xf32>
    %mul3A_2740 = arith.mulf %bitcast_convert_type3A_2731, %sub3A_2739 : vector<16xf32>
    %mul3A_2741 = arith.mulf %max3A_2723, %mul3A_2740 : vector<16xf32>
    %mul3A_2742 = arith.mulf %mul3A_2741, %mul3A_2740 : vector<16xf32>
    %mul3A_2743 = arith.constant 5.000000e-01 : f32
    %mul3A_2744 = vector.broadcast %mul3A_2743 : f32 to vector<16xf32>
    %mul3A_2745 = arith.mulf %mul3A_2744, %mul3A_2742 : vector<16xf32>
    %sub3A_2746 = arith.constant 1.500000e+00 : f32
    %sub3A_2747 = vector.broadcast %sub3A_2746 : f32 to vector<16xf32>
    %sub3A_2748 = arith.subf %sub3A_2747, %mul3A_2745 : vector<16xf32>
    %mul3A_2749 = arith.mulf %mul3A_2740, %sub3A_2748 : vector<16xf32>
    %mul3A_2750 = arith.mulf %max3A_2723, %mul3A_2749 : vector<16xf32>
    %mul3A_2751 = arith.mulf %mul3A_2750, %mul3A_2749 : vector<16xf32>
    %mul3A_2752 = arith.constant 5.000000e-01 : f32
    %mul3A_2753 = vector.broadcast %mul3A_2752 : f32 to vector<16xf32>
    %mul3A_2754 = arith.mulf %mul3A_2753, %mul3A_2751 : vector<16xf32>
    %sub3A_2755 = arith.constant 1.500000e+00 : f32
    %sub3A_2756 = vector.broadcast %sub3A_2755 : f32 to vector<16xf32>
    %sub3A_2757 = arith.subf %sub3A_2756, %mul3A_2754 : vector<16xf32>
    %mul3A_2758 = arith.mulf %mul3A_2749, %sub3A_2757 : vector<16xf32>
    %mul3A_2759 = arith.mulf %max3A_2723, %mul3A_2758 : vector<16xf32>
    %swap3A_2760 = arith.constant 5 : i32
    %swap3A_2761 = arith.index_cast %swap3A_2760 : i32 to index
    %swap3A_2762 = arith.constant 0 : index
    %swap3A_2763 = tpu.vector_load %arg14[%swap3A_2761, %swap3A_2762] {strides = array<i32>} : memref<7x128xf32, #tpu.memory_space<vmem>>, vector<1x16xf32>,
    %swap3A_2764 = vector.shape_cast %swap3A_2763 : vector<1x16xf32> to vector<16xf32>
    %swap3A_2765 = vector.shape_cast %mul3A_2759 : vector<16xf32> to vector<1x16xf32>
    tpu.vector_store %arg14[%swap3A_2761, %swap3A_2762], %swap3A_2765 {strides = array<i32>} : memref<7x128xf32, #tpu.memory_space<vmem>>, vector<1x16xf32>,
    %get3A_2766 = arith.constant 5 : i32
    %get3A_2767 = arith.index_cast %get3A_2766 : i32 to index
    %get3A_2768 = arith.constant 16 : index
    %get3A_2769 = tpu.vector_load %arg11[%get3A_2767, %get3A_2768] {strides = array<i32>} : memref<7x128xf32, #tpu.memory_space<vmem>>, vector<1x16xf32>,
    %get3A_2770 = vector.shape_cast %get3A_2769 : vector<1x16xf32> to vector<16xf32>
    %get3A_2771 = arith.constant 5 : i32
    %get3A_2772 = arith.index_cast %get3A_2771 : i32 to index
    %get3A_2773 = arith.constant 16 : index
    %get3A_2774 = tpu.vector_load %arg12[%get3A_2772, %get3A_2773] {strides = array<i32>} : memref<7x128xf32, #tpu.memory_space<vmem>>, vector<1x16xf32>,
    %get3A_2775 = vector.shape_cast %get3A_2774 : vector<1x16xf32> to vector<16xf32>
    %mul3A_2776 = arith.mulf %get3A_2770, %div3A_2706 : vector<16xf32>
    %mul3A_2777 = arith.mulf %get3A_2775, %div3A_2706 : vector<16xf32>
    %mul3A_2778 = arith.mulf %mul3A_2776, %mul3A_2776 : vector<16xf32>
    %sub3A_2779 = arith.subf %mul3A_2777, %mul3A_2778 : vector<16xf32>
    %max3A_2780 = arith.constant 1.000000e-30 : f32
    %max3A_2781 = vector.broadcast %max3A_2780 : f32 to vector<16xf32>
    %max3A_2782 = arith.maximumf %sub3A_2779, %max3A_2781 : vector<16xf32>
    %bitcast_convert_type3A_2783 = tpu.bitcast %max3A_2782 : vector<16xf32> -> vector<16xi32>
    %shift_right_arithmetic3A_2784 = arith.constant 1 : i32
    %shift_right_arithmetic3A_2785 = vector.broadcast %shift_right_arithmetic3A_2784 : i32 to vector<16xi32>
    %shift_right_arithmetic3A_2786 = arith.shrsi %bitcast_convert_type3A_2783, %shift_right_arithmetic3A_2785 : vector<16xi32>
    %sub3A_2787 = arith.constant 1597463007 : i32
    %sub3A_2788 = vector.broadcast %sub3A_2787 : i32 to vector<16xi32>
    %sub3A_2789 = arith.subi %sub3A_2788, %shift_right_arithmetic3A_2786 : vector<16xi32>
    %bitcast_convert_type3A_2790 = tpu.bitcast %sub3A_2789 : vector<16xi32> -> vector<16xf32>
    %mul3A_2791 = arith.mulf %max3A_2782, %bitcast_convert_type3A_2790 : vector<16xf32>
    %mul3A_2792 = arith.mulf %mul3A_2791, %bitcast_convert_type3A_2790 : vector<16xf32>
    %mul3A_2793 = arith.constant 5.000000e-01 : f32
    %mul3A_2794 = vector.broadcast %mul3A_2793 : f32 to vector<16xf32>
    %mul3A_2795 = arith.mulf %mul3A_2794, %mul3A_2792 : vector<16xf32>
    %sub3A_2796 = arith.constant 1.500000e+00 : f32
    %sub3A_2797 = vector.broadcast %sub3A_2796 : f32 to vector<16xf32>
    %sub3A_2798 = arith.subf %sub3A_2797, %mul3A_2795 : vector<16xf32>
    %mul3A_2799 = arith.mulf %bitcast_convert_type3A_2790, %sub3A_2798 : vector<16xf32>
    %mul3A_2800 = arith.mulf %max3A_2782, %mul3A_2799 : vector<16xf32>
    %mul3A_2801 = arith.mulf %mul3A_2800, %mul3A_2799 : vector<16xf32>
    %mul3A_2802 = arith.constant 5.000000e-01 : f32
    %mul3A_2803 = vector.broadcast %mul3A_2802 : f32 to vector<16xf32>
    %mul3A_2804 = arith.mulf %mul3A_2803, %mul3A_2801 : vector<16xf32>
    %sub3A_2805 = arith.constant 1.500000e+00 : f32
    %sub3A_2806 = vector.broadcast %sub3A_2805 : f32 to vector<16xf32>
    %sub3A_2807 = arith.subf %sub3A_2806, %mul3A_2804 : vector<16xf32>
    %mul3A_2808 = arith.mulf %mul3A_2799, %sub3A_2807 : vector<16xf32>
    %mul3A_2809 = arith.mulf %max3A_2782, %mul3A_2808 : vector<16xf32>
    %mul3A_2810 = arith.mulf %mul3A_2809, %mul3A_2808 : vector<16xf32>
    %mul3A_2811 = arith.constant 5.000000e-01 : f32
    %mul3A_2812 = vector.broadcast %mul3A_2811 : f32 to vector<16xf32>
    %mul3A_2813 = arith.mulf %mul3A_2812, %mul3A_2810 : vector<16xf32>
    %sub3A_2814 = arith.constant 1.500000e+00 : f32
    %sub3A_2815 = vector.broadcast %sub3A_2814 : f32 to vector<16xf32>
    %sub3A_2816 = arith.subf %sub3A_2815, %mul3A_2813 : vector<16xf32>
    %mul3A_2817 = arith.mulf %mul3A_2808, %sub3A_2816 : vector<16xf32>
    %mul3A_2818 = arith.mulf %max3A_2782, %mul3A_2817 : vector<16xf32>
    %swap3A_2819 = arith.constant 5 : i32
    %swap3A_2820 = arith.index_cast %swap3A_2819 : i32 to index
    %swap3A_2821 = arith.constant 16 : index
    %swap3A_2822 = tpu.vector_load %arg14[%swap3A_2820, %swap3A_2821] {strides = array<i32>} : memref<7x128xf32, #tpu.memory_space<vmem>>, vector<1x16xf32>,
    %swap3A_2823 = vector.shape_cast %swap3A_2822 : vector<1x16xf32> to vector<16xf32>
    %swap3A_2824 = vector.shape_cast %mul3A_2818 : vector<16xf32> to vector<1x16xf32>
    tpu.vector_store %arg14[%swap3A_2820, %swap3A_2821], %swap3A_2824 {strides = array<i32>} : memref<7x128xf32, #tpu.memory_space<vmem>>, vector<1x16xf32>,
    %get3A_2825 = arith.constant 5 : i32
    %get3A_2826 = arith.index_cast %get3A_2825 : i32 to index
    %get3A_2827 = arith.constant 32 : index
    %get3A_2828 = tpu.vector_load %arg11[%get3A_2826, %get3A_2827] {strides = array<i32>} : memref<7x128xf32, #tpu.memory_space<vmem>>, vector<1x16xf32>,
    %get3A_2829 = vector.shape_cast %get3A_2828 : vector<1x16xf32> to vector<16xf32>
    %get3A_2830 = arith.constant 5 : i32
    %get3A_2831 = arith.index_cast %get3A_2830 : i32 to index
    %get3A_2832 = arith.constant 32 : index
    %get3A_2833 = tpu.vector_load %arg12[%get3A_2831, %get3A_2832] {strides = array<i32>} : memref<7x128xf32, #tpu.memory_space<vmem>>, vector<1x16xf32>,
    %get3A_2834 = vector.shape_cast %get3A_2833 : vector<1x16xf32> to vector<16xf32>
    %mul3A_2835 = arith.mulf %get3A_2829, %div3A_2706 : vector<16xf32>
    %mul3A_2836 = arith.mulf %get3A_2834, %div3A_2706 : vector<16xf32>
    %mul3A_2837 = arith.mulf %mul3A_2835, %mul3A_2835 : vector<16xf32>
    %sub3A_2838 = arith.subf %mul3A_2836, %mul3A_2837 : vector<16xf32>
    %max3A_2839 = arith.constant 1.000000e-30 : f32
    %max3A_2840 = vector.broadcast %max3A_2839 : f32 to vector<16xf32>
    %max3A_2841 = arith.maximumf %sub3A_2838, %max3A_2840 : vector<16xf32>
    %bitcast_convert_type3A_2842 = tpu.bitcast %max3A_2841 : vector<16xf32> -> vector<16xi32>
    %shift_right_arithmetic3A_2843 = arith.constant 1 : i32
    %shift_right_arithmetic3A_2844 = vector.broadcast %shift_right_arithmetic3A_2843 : i32 to vector<16xi32>
    %shift_right_arithmetic3A_2845 = arith.shrsi %bitcast_convert_type3A_2842, %shift_right_arithmetic3A_2844 : vector<16xi32>
    %sub3A_2846 = arith.constant 1597463007 : i32
    %sub3A_2847 = vector.broadcast %sub3A_2846 : i32 to vector<16xi32>
    %sub3A_2848 = arith.subi %sub3A_2847, %shift_right_arithmetic3A_2845 : vector<16xi32>
    %bitcast_convert_type3A_2849 = tpu.bitcast %sub3A_2848 : vector<16xi32> -> vector<16xf32>
    %mul3A_2850 = arith.mulf %max3A_2841, %bitcast_convert_type3A_2849 : vector<16xf32>
    %mul3A_2851 = arith.mulf %mul3A_2850, %bitcast_convert_type3A_2849 : vector<16xf32>
    %mul3A_2852 = arith.constant 5.000000e-01 : f32
    %mul3A_2853 = vector.broadcast %mul3A_2852 : f32 to vector<16xf32>
    %mul3A_2854 = arith.mulf %mul3A_2853, %mul3A_2851 : vector<16xf32>
    %sub3A_2855 = arith.constant 1.500000e+00 : f32
    %sub3A_2856 = vector.broadcast %sub3A_2855 : f32 to vector<16xf32>
    %sub3A_2857 = arith.subf %sub3A_2856, %mul3A_2854 : vector<16xf32>
    %mul3A_2858 = arith.mulf %bitcast_convert_type3A_2849, %sub3A_2857 : vector<16xf32>
    %mul3A_2859 = arith.mulf %max3A_2841, %mul3A_2858 : vector<16xf32>
    %mul3A_2860 = arith.mulf %mul3A_2859, %mul3A_2858 : vector<16xf32>
    %mul3A_2861 = arith.constant 5.000000e-01 : f32
    %mul3A_2862 = vector.broadcast %mul3A_2861 : f32 to vector<16xf32>
    %mul3A_2863 = arith.mulf %mul3A_2862, %mul3A_2860 : vector<16xf32>
    %sub3A_2864 = arith.constant 1.500000e+00 : f32
    %sub3A_2865 = vector.broadcast %sub3A_2864 : f32 to vector<16xf32>
    %sub3A_2866 = arith.subf %sub3A_2865, %mul3A_2863 : vector<16xf32>
    %mul3A_2867 = arith.mulf %mul3A_2858, %sub3A_2866 : vector<16xf32>
    %mul3A_2868 = arith.mulf %max3A_2841, %mul3A_2867 : vector<16xf32>
    %mul3A_2869 = arith.mulf %mul3A_2868, %mul3A_2867 : vector<16xf32>
    %mul3A_2870 = arith.constant 5.000000e-01 : f32
    %mul3A_2871 = vector.broadcast %mul3A_2870 : f32 to vector<16xf32>
    %mul3A_2872 = arith.mulf %mul3A_2871, %mul3A_2869 : vector<16xf32>
    %sub3A_2873 = arith.constant 1.500000e+00 : f32
    %sub3A_2874 = vector.broadcast %sub3A_2873 : f32 to vector<16xf32>
    %sub3A_2875 = arith.subf %sub3A_2874, %mul3A_2872 : vector<16xf32>
    %mul3A_2876 = arith.mulf %mul3A_2867, %sub3A_2875 : vector<16xf32>
    %mul3A_2877 = arith.mulf %max3A_2841, %mul3A_2876 : vector<16xf32>
    %swap3A_2878 = arith.constant 5 : i32
    %swap3A_2879 = arith.index_cast %swap3A_2878 : i32 to index
    %swap3A_2880 = arith.constant 32 : index
    %swap3A_2881 = tpu.vector_load %arg14[%swap3A_2879, %swap3A_2880] {strides = array<i32>} : memref<7x128xf32, #tpu.memory_space<vmem>>, vector<1x16xf32>,
    %swap3A_2882 = vector.shape_cast %swap3A_2881 : vector<1x16xf32> to vector<16xf32>
    %swap3A_2883 = vector.shape_cast %mul3A_2877 : vector<16xf32> to vector<1x16xf32>
    tpu.vector_store %arg14[%swap3A_2879, %swap3A_2880], %swap3A_2883 {strides = array<i32>} : memref<7x128xf32, #tpu.memory_space<vmem>>, vector<1x16xf32>,
    %get3A_2884 = arith.constant 5 : i32
    %get3A_2885 = arith.index_cast %get3A_2884 : i32 to index
    %get3A_2886 = arith.constant 48 : index
    %get3A_2887 = tpu.vector_load %arg11[%get3A_2885, %get3A_2886] {strides = array<i32>} : memref<7x128xf32, #tpu.memory_space<vmem>>, vector<1x16xf32>,
    %get3A_2888 = vector.shape_cast %get3A_2887 : vector<1x16xf32> to vector<16xf32>
    %get3A_2889 = arith.constant 5 : i32
    %get3A_2890 = arith.index_cast %get3A_2889 : i32 to index
    %get3A_2891 = arith.constant 48 : index
    %get3A_2892 = tpu.vector_load %arg12[%get3A_2890, %get3A_2891] {strides = array<i32>} : memref<7x128xf32, #tpu.memory_space<vmem>>, vector<1x16xf32>,
    %get3A_2893 = vector.shape_cast %get3A_2892 : vector<1x16xf32> to vector<16xf32>
    %mul3A_2894 = arith.mulf %get3A_2888, %div3A_2706 : vector<16xf32>
    %mul3A_2895 = arith.mulf %get3A_2893, %div3A_2706 : vector<16xf32>
    %mul3A_2896 = arith.mulf %mul3A_2894, %mul3A_2894 : vector<16xf32>
    %sub3A_2897 = arith.subf %mul3A_2895, %mul3A_2896 : vector<16xf32>
    %max3A_2898 = arith.constant 1.000000e-30 : f32
    %max3A_2899 = vector.broadcast %max3A_2898 : f32 to vector<16xf32>
    %max3A_2900 = arith.maximumf %sub3A_2897, %max3A_2899 : vector<16xf32>
    %bitcast_convert_type3A_2901 = tpu.bitcast %max3A_2900 : vector<16xf32> -> vector<16xi32>
    %shift_right_arithmetic3A_2902 = arith.constant 1 : i32
    %shift_right_arithmetic3A_2903 = vector.broadcast %shift_right_arithmetic3A_2902 : i32 to vector<16xi32>
    %shift_right_arithmetic3A_2904 = arith.shrsi %bitcast_convert_type3A_2901, %shift_right_arithmetic3A_2903 : vector<16xi32>
    %sub3A_2905 = arith.constant 1597463007 : i32
    %sub3A_2906 = vector.broadcast %sub3A_2905 : i32 to vector<16xi32>
    %sub3A_2907 = arith.subi %sub3A_2906, %shift_right_arithmetic3A_2904 : vector<16xi32>
    %bitcast_convert_type3A_2908 = tpu.bitcast %sub3A_2907 : vector<16xi32> -> vector<16xf32>
    %mul3A_2909 = arith.mulf %max3A_2900, %bitcast_convert_type3A_2908 : vector<16xf32>
    %mul3A_2910 = arith.mulf %mul3A_2909, %bitcast_convert_type3A_2908 : vector<16xf32>
    %mul3A_2911 = arith.constant 5.000000e-01 : f32
    %mul3A_2912 = vector.broadcast %mul3A_2911 : f32 to vector<16xf32>
    %mul3A_2913 = arith.mulf %mul3A_2912, %mul3A_2910 : vector<16xf32>
    %sub3A_2914 = arith.constant 1.500000e+00 : f32
    %sub3A_2915 = vector.broadcast %sub3A_2914 : f32 to vector<16xf32>
    %sub3A_2916 = arith.subf %sub3A_2915, %mul3A_2913 : vector<16xf32>
    %mul3A_2917 = arith.mulf %bitcast_convert_type3A_2908, %sub3A_2916 : vector<16xf32>
    %mul3A_2918 = arith.mulf %max3A_2900, %mul3A_2917 : vector<16xf32>
    %mul3A_2919 = arith.mulf %mul3A_2918, %mul3A_2917 : vector<16xf32>
    %mul3A_2920 = arith.constant 5.000000e-01 : f32
    %mul3A_2921 = vector.broadcast %mul3A_2920 : f32 to vector<16xf32>
    %mul3A_2922 = arith.mulf %mul3A_2921, %mul3A_2919 : vector<16xf32>
    %sub3A_2923 = arith.constant 1.500000e+00 : f32
    %sub3A_2924 = vector.broadcast %sub3A_2923 : f32 to vector<16xf32>
    %sub3A_2925 = arith.subf %sub3A_2924, %mul3A_2922 : vector<16xf32>
    %mul3A_2926 = arith.mulf %mul3A_2917, %sub3A_2925 : vector<16xf32>
    %mul3A_2927 = arith.mulf %max3A_2900, %mul3A_2926 : vector<16xf32>
    %mul3A_2928 = arith.mulf %mul3A_2927, %mul3A_2926 : vector<16xf32>
    %mul3A_2929 = arith.constant 5.000000e-01 : f32
    %mul3A_2930 = vector.broadcast %mul3A_2929 : f32 to vector<16xf32>
    %mul3A_2931 = arith.mulf %mul3A_2930, %mul3A_2928 : vector<16xf32>
    %sub3A_2932 = arith.constant 1.500000e+00 : f32
    %sub3A_2933 = vector.broadcast %sub3A_2932 : f32 to vector<16xf32>
    %sub3A_2934 = arith.subf %sub3A_2933, %mul3A_2931 : vector<16xf32>
    %mul3A_2935 = arith.mulf %mul3A_2926, %sub3A_2934 : vector<16xf32>
    %mul3A_2936 = arith.mulf %max3A_2900, %mul3A_2935 : vector<16xf32>
    %swap3A_2937 = arith.constant 5 : i32
    %swap3A_2938 = arith.index_cast %swap3A_2937 : i32 to index
    %swap3A_2939 = arith.constant 48 : index
    %swap3A_2940 = tpu.vector_load %arg14[%swap3A_2938, %swap3A_2939] {strides = array<i32>} : memref<7x128xf32, #tpu.memory_space<vmem>>, vector<1x16xf32>,
    %swap3A_2941 = vector.shape_cast %swap3A_2940 : vector<1x16xf32> to vector<16xf32>
    %swap3A_2942 = vector.shape_cast %mul3A_2936 : vector<16xf32> to vector<1x16xf32>
    tpu.vector_store %arg14[%swap3A_2938, %swap3A_2939], %swap3A_2942 {strides = array<i32>} : memref<7x128xf32, #tpu.memory_space<vmem>>, vector<1x16xf32>,
    %get3A_2943 = arith.constant 5 : i32
    %get3A_2944 = arith.index_cast %get3A_2943 : i32 to index
    %get3A_2945 = arith.constant 64 : index
    %get3A_2946 = tpu.vector_load %arg11[%get3A_2944, %get3A_2945] {strides = array<i32>} : memref<7x128xf32, #tpu.memory_space<vmem>>, vector<1x16xf32>,
    %get3A_2947 = vector.shape_cast %get3A_2946 : vector<1x16xf32> to vector<16xf32>
    %get3A_2948 = arith.constant 5 : i32
    %get3A_2949 = arith.index_cast %get3A_2948 : i32 to index
    %get3A_2950 = arith.constant 64 : index
    %get3A_2951 = tpu.vector_load %arg12[%get3A_2949, %get3A_2950] {strides = array<i32>} : memref<7x128xf32, #tpu.memory_space<vmem>>, vector<1x16xf32>,
    %get3A_2952 = vector.shape_cast %get3A_2951 : vector<1x16xf32> to vector<16xf32>
    %mul3A_2953 = arith.mulf %get3A_2947, %div3A_2706 : vector<16xf32>
    %mul3A_2954 = arith.mulf %get3A_2952, %div3A_2706 : vector<16xf32>
    %mul3A_2955 = arith.mulf %mul3A_2953, %mul3A_2953 : vector<16xf32>
    %sub3A_2956 = arith.subf %mul3A_2954, %mul3A_2955 : vector<16xf32>
    %max3A_2957 = arith.constant 1.000000e-30 : f32
    %max3A_2958 = vector.broadcast %max3A_2957 : f32 to vector<16xf32>
    %max3A_2959 = arith.maximumf %sub3A_2956, %max3A_2958 : vector<16xf32>
    %bitcast_convert_type3A_2960 = tpu.bitcast %max3A_2959 : vector<16xf32> -> vector<16xi32>
    %shift_right_arithmetic3A_2961 = arith.constant 1 : i32
    %shift_right_arithmetic3A_2962 = vector.broadcast %shift_right_arithmetic3A_2961 : i32 to vector<16xi32>
    %shift_right_arithmetic3A_2963 = arith.shrsi %bitcast_convert_type3A_2960, %shift_right_arithmetic3A_2962 : vector<16xi32>
    %sub3A_2964 = arith.constant 1597463007 : i32
    %sub3A_2965 = vector.broadcast %sub3A_2964 : i32 to vector<16xi32>
    %sub3A_2966 = arith.subi %sub3A_2965, %shift_right_arithmetic3A_2963 : vector<16xi32>
    %bitcast_convert_type3A_2967 = tpu.bitcast %sub3A_2966 : vector<16xi32> -> vector<16xf32>
    %mul3A_2968 = arith.mulf %max3A_2959, %bitcast_convert_type3A_2967 : vector<16xf32>
    %mul3A_2969 = arith.mulf %mul3A_2968, %bitcast_convert_type3A_2967 : vector<16xf32>
    %mul3A_2970 = arith.constant 5.000000e-01 : f32
    %mul3A_2971 = vector.broadcast %mul3A_2970 : f32 to vector<16xf32>
    %mul3A_2972 = arith.mulf %mul3A_2971, %mul3A_2969 : vector<16xf32>
    %sub3A_2973 = arith.constant 1.500000e+00 : f32
    %sub3A_2974 = vector.broadcast %sub3A_2973 : f32 to vector<16xf32>
    %sub3A_2975 = arith.subf %sub3A_2974, %mul3A_2972 : vector<16xf32>
    %mul3A_2976 = arith.mulf %bitcast_convert_type3A_2967, %sub3A_2975 : vector<16xf32>
    %mul3A_2977 = arith.mulf %max3A_2959, %mul3A_2976 : vector<16xf32>
    %mul3A_2978 = arith.mulf %mul3A_2977, %mul3A_2976 : vector<16xf32>
    %mul3A_2979 = arith.constant 5.000000e-01 : f32
    %mul3A_2980 = vector.broadcast %mul3A_2979 : f32 to vector<16xf32>
    %mul3A_2981 = arith.mulf %mul3A_2980, %mul3A_2978 : vector<16xf32>
    %sub3A_2982 = arith.constant 1.500000e+00 : f32
    %sub3A_2983 = vector.broadcast %sub3A_2982 : f32 to vector<16xf32>
    %sub3A_2984 = arith.subf %sub3A_2983, %mul3A_2981 : vector<16xf32>
    %mul3A_2985 = arith.mulf %mul3A_2976, %sub3A_2984 : vector<16xf32>
    %mul3A_2986 = arith.mulf %max3A_2959, %mul3A_2985 : vector<16xf32>
    %mul3A_2987 = arith.mulf %mul3A_2986, %mul3A_2985 : vector<16xf32>
    %mul3A_2988 = arith.constant 5.000000e-01 : f32
    %mul3A_2989 = vector.broadcast %mul3A_2988 : f32 to vector<16xf32>
    %mul3A_2990 = arith.mulf %mul3A_2989, %mul3A_2987 : vector<16xf32>
    %sub3A_2991 = arith.constant 1.500000e+00 : f32
    %sub3A_2992 = vector.broadcast %sub3A_2991 : f32 to vector<16xf32>
    %sub3A_2993 = arith.subf %sub3A_2992, %mul3A_2990 : vector<16xf32>
    %mul3A_2994 = arith.mulf %mul3A_2985, %sub3A_2993 : vector<16xf32>
    %mul3A_2995 = arith.mulf %max3A_2959, %mul3A_2994 : vector<16xf32>
    %swap3A_2996 = arith.constant 5 : i32
    %swap3A_2997 = arith.index_cast %swap3A_2996 : i32 to index
    %swap3A_2998 = arith.constant 64 : index
    %swap3A_2999 = tpu.vector_load %arg14[%swap3A_2997, %swap3A_2998] {strides = array<i32>} : memref<7x128xf32, #tpu.memory_space<vmem>>, vector<1x16xf32>,
    %swap3A_3000 = vector.shape_cast %swap3A_2999 : vector<1x16xf32> to vector<16xf32>
    %swap3A_3001 = vector.shape_cast %mul3A_2995 : vector<16xf32> to vector<1x16xf32>
    tpu.vector_store %arg14[%swap3A_2997, %swap3A_2998], %swap3A_3001 {strides = array<i32>} : memref<7x128xf32, #tpu.memory_space<vmem>>, vector<1x16xf32>,
    %get3A_3002 = arith.constant 5 : i32
    %get3A_3003 = arith.index_cast %get3A_3002 : i32 to index
    %get3A_3004 = arith.constant 80 : index
    %get3A_3005 = tpu.vector_load %arg11[%get3A_3003, %get3A_3004] {strides = array<i32>} : memref<7x128xf32, #tpu.memory_space<vmem>>, vector<1x16xf32>,
    %get3A_3006 = vector.shape_cast %get3A_3005 : vector<1x16xf32> to vector<16xf32>
    %get3A_3007 = arith.constant 5 : i32
    %get3A_3008 = arith.index_cast %get3A_3007 : i32 to index
    %get3A_3009 = arith.constant 80 : index
    %get3A_3010 = tpu.vector_load %arg12[%get3A_3008, %get3A_3009] {strides = array<i32>} : memref<7x128xf32, #tpu.memory_space<vmem>>, vector<1x16xf32>,
    %get3A_3011 = vector.shape_cast %get3A_3010 : vector<1x16xf32> to vector<16xf32>
    %mul3A_3012 = arith.mulf %get3A_3006, %div3A_2706 : vector<16xf32>
    %mul3A_3013 = arith.mulf %get3A_3011, %div3A_2706 : vector<16xf32>
    %mul3A_3014 = arith.mulf %mul3A_3012, %mul3A_3012 : vector<16xf32>
    %sub3A_3015 = arith.subf %mul3A_3013, %mul3A_3014 : vector<16xf32>
    %max3A_3016 = arith.constant 1.000000e-30 : f32
    %max3A_3017 = vector.broadcast %max3A_3016 : f32 to vector<16xf32>
    %max3A_3018 = arith.maximumf %sub3A_3015, %max3A_3017 : vector<16xf32>
    %bitcast_convert_type3A_3019 = tpu.bitcast %max3A_3018 : vector<16xf32> -> vector<16xi32>
    %shift_right_arithmetic3A_3020 = arith.constant 1 : i32
    %shift_right_arithmetic3A_3021 = vector.broadcast %shift_right_arithmetic3A_3020 : i32 to vector<16xi32>
    %shift_right_arithmetic3A_3022 = arith.shrsi %bitcast_convert_type3A_3019, %shift_right_arithmetic3A_3021 : vector<16xi32>
    %sub3A_3023 = arith.constant 1597463007 : i32
    %sub3A_3024 = vector.broadcast %sub3A_3023 : i32 to vector<16xi32>
    %sub3A_3025 = arith.subi %sub3A_3024, %shift_right_arithmetic3A_3022 : vector<16xi32>
    %bitcast_convert_type3A_3026 = tpu.bitcast %sub3A_3025 : vector<16xi32> -> vector<16xf32>
    %mul3A_3027 = arith.mulf %max3A_3018, %bitcast_convert_type3A_3026 : vector<16xf32>
    %mul3A_3028 = arith.mulf %mul3A_3027, %bitcast_convert_type3A_3026 : vector<16xf32>
    %mul3A_3029 = arith.constant 5.000000e-01 : f32
    %mul3A_3030 = vector.broadcast %mul3A_3029 : f32 to vector<16xf32>
    %mul3A_3031 = arith.mulf %mul3A_3030, %mul3A_3028 : vector<16xf32>
    %sub3A_3032 = arith.constant 1.500000e+00 : f32
    %sub3A_3033 = vector.broadcast %sub3A_3032 : f32 to vector<16xf32>
    %sub3A_3034 = arith.subf %sub3A_3033, %mul3A_3031 : vector<16xf32>
    %mul3A_3035 = arith.mulf %bitcast_convert_type3A_3026, %sub3A_3034 : vector<16xf32>
    %mul3A_3036 = arith.mulf %max3A_3018, %mul3A_3035 : vector<16xf32>
    %mul3A_3037 = arith.mulf %mul3A_3036, %mul3A_3035 : vector<16xf32>
    %mul3A_3038 = arith.constant 5.000000e-01 : f32
    %mul3A_3039 = vector.broadcast %mul3A_3038 : f32 to vector<16xf32>
    %mul3A_3040 = arith.mulf %mul3A_3039, %mul3A_3037 : vector<16xf32>
    %sub3A_3041 = arith.constant 1.500000e+00 : f32
    %sub3A_3042 = vector.broadcast %sub3A_3041 : f32 to vector<16xf32>
    %sub3A_3043 = arith.subf %sub3A_3042, %mul3A_3040 : vector<16xf32>
    %mul3A_3044 = arith.mulf %mul3A_3035, %sub3A_3043 : vector<16xf32>
    %mul3A_3045 = arith.mulf %max3A_3018, %mul3A_3044 : vector<16xf32>
    %mul3A_3046 = arith.mulf %mul3A_3045, %mul3A_3044 : vector<16xf32>
    %mul3A_3047 = arith.constant 5.000000e-01 : f32
    %mul3A_3048 = vector.broadcast %mul3A_3047 : f32 to vector<16xf32>
    %mul3A_3049 = arith.mulf %mul3A_3048, %mul3A_3046 : vector<16xf32>
    %sub3A_3050 = arith.constant 1.500000e+00 : f32
    %sub3A_3051 = vector.broadcast %sub3A_3050 : f32 to vector<16xf32>
    %sub3A_3052 = arith.subf %sub3A_3051, %mul3A_3049 : vector<16xf32>
    %mul3A_3053 = arith.mulf %mul3A_3044, %sub3A_3052 : vector<16xf32>
    %mul3A_3054 = arith.mulf %max3A_3018, %mul3A_3053 : vector<16xf32>
    %swap3A_3055 = arith.constant 5 : i32
    %swap3A_3056 = arith.index_cast %swap3A_3055 : i32 to index
    %swap3A_3057 = arith.constant 80 : index
    %swap3A_3058 = tpu.vector_load %arg14[%swap3A_3056, %swap3A_3057] {strides = array<i32>} : memref<7x128xf32, #tpu.memory_space<vmem>>, vector<1x16xf32>,
    %swap3A_3059 = vector.shape_cast %swap3A_3058 : vector<1x16xf32> to vector<16xf32>
    %swap3A_3060 = vector.shape_cast %mul3A_3054 : vector<16xf32> to vector<1x16xf32>
    tpu.vector_store %arg14[%swap3A_3056, %swap3A_3057], %swap3A_3060 {strides = array<i32>} : memref<7x128xf32, #tpu.memory_space<vmem>>, vector<1x16xf32>,
    %get3A_3061 = arith.constant 5 : i32
    %get3A_3062 = arith.index_cast %get3A_3061 : i32 to index
    %get3A_3063 = arith.constant 96 : index
    %get3A_3064 = tpu.vector_load %arg11[%get3A_3062, %get3A_3063] {strides = array<i32>} : memref<7x128xf32, #tpu.memory_space<vmem>>, vector<1x16xf32>,
    %get3A_3065 = vector.shape_cast %get3A_3064 : vector<1x16xf32> to vector<16xf32>
    %get3A_3066 = arith.constant 5 : i32
    %get3A_3067 = arith.index_cast %get3A_3066 : i32 to index
    %get3A_3068 = arith.constant 96 : index
    %get3A_3069 = tpu.vector_load %arg12[%get3A_3067, %get3A_3068] {strides = array<i32>} : memref<7x128xf32, #tpu.memory_space<vmem>>, vector<1x16xf32>,
    %get3A_3070 = vector.shape_cast %get3A_3069 : vector<1x16xf32> to vector<16xf32>
    %mul3A_3071 = arith.mulf %get3A_3065, %div3A_2706 : vector<16xf32>
    %mul3A_3072 = arith.mulf %get3A_3070, %div3A_2706 : vector<16xf32>
    %mul3A_3073 = arith.mulf %mul3A_3071, %mul3A_3071 : vector<16xf32>
    %sub3A_3074 = arith.subf %mul3A_3072, %mul3A_3073 : vector<16xf32>
    %max3A_3075 = arith.constant 1.000000e-30 : f32
    %max3A_3076 = vector.broadcast %max3A_3075 : f32 to vector<16xf32>
    %max3A_3077 = arith.maximumf %sub3A_3074, %max3A_3076 : vector<16xf32>
    %bitcast_convert_type3A_3078 = tpu.bitcast %max3A_3077 : vector<16xf32> -> vector<16xi32>
    %shift_right_arithmetic3A_3079 = arith.constant 1 : i32
    %shift_right_arithmetic3A_3080 = vector.broadcast %shift_right_arithmetic3A_3079 : i32 to vector<16xi32>
    %shift_right_arithmetic3A_3081 = arith.shrsi %bitcast_convert_type3A_3078, %shift_right_arithmetic3A_3080 : vector<16xi32>
    %sub3A_3082 = arith.constant 1597463007 : i32
    %sub3A_3083 = vector.broadcast %sub3A_3082 : i32 to vector<16xi32>
    %sub3A_3084 = arith.subi %sub3A_3083, %shift_right_arithmetic3A_3081 : vector<16xi32>
    %bitcast_convert_type3A_3085 = tpu.bitcast %sub3A_3084 : vector<16xi32> -> vector<16xf32>
    %mul3A_3086 = arith.mulf %max3A_3077, %bitcast_convert_type3A_3085 : vector<16xf32>
    %mul3A_3087 = arith.mulf %mul3A_3086, %bitcast_convert_type3A_3085 : vector<16xf32>
    %mul3A_3088 = arith.constant 5.000000e-01 : f32
    %mul3A_3089 = vector.broadcast %mul3A_3088 : f32 to vector<16xf32>
    %mul3A_3090 = arith.mulf %mul3A_3089, %mul3A_3087 : vector<16xf32>
    %sub3A_3091 = arith.constant 1.500000e+00 : f32
    %sub3A_3092 = vector.broadcast %sub3A_3091 : f32 to vector<16xf32>
    %sub3A_3093 = arith.subf %sub3A_3092, %mul3A_3090 : vector<16xf32>
    %mul3A_3094 = arith.mulf %bitcast_convert_type3A_3085, %sub3A_3093 : vector<16xf32>
    %mul3A_3095 = arith.mulf %max3A_3077, %mul3A_3094 : vector<16xf32>
    %mul3A_3096 = arith.mulf %mul3A_3095, %mul3A_3094 : vector<16xf32>
    %mul3A_3097 = arith.constant 5.000000e-01 : f32
    %mul3A_3098 = vector.broadcast %mul3A_3097 : f32 to vector<16xf32>
    %mul3A_3099 = arith.mulf %mul3A_3098, %mul3A_3096 : vector<16xf32>
    %sub3A_3100 = arith.constant 1.500000e+00 : f32
    %sub3A_3101 = vector.broadcast %sub3A_3100 : f32 to vector<16xf32>
    %sub3A_3102 = arith.subf %sub3A_3101, %mul3A_3099 : vector<16xf32>
    %mul3A_3103 = arith.mulf %mul3A_3094, %sub3A_3102 : vector<16xf32>
    %mul3A_3104 = arith.mulf %max3A_3077, %mul3A_3103 : vector<16xf32>
    %mul3A_3105 = arith.mulf %mul3A_3104, %mul3A_3103 : vector<16xf32>
    %mul3A_3106 = arith.constant 5.000000e-01 : f32
    %mul3A_3107 = vector.broadcast %mul3A_3106 : f32 to vector<16xf32>
    %mul3A_3108 = arith.mulf %mul3A_3107, %mul3A_3105 : vector<16xf32>
    %sub3A_3109 = arith.constant 1.500000e+00 : f32
    %sub3A_3110 = vector.broadcast %sub3A_3109 : f32 to vector<16xf32>
    %sub3A_3111 = arith.subf %sub3A_3110, %mul3A_3108 : vector<16xf32>
    %mul3A_3112 = arith.mulf %mul3A_3103, %sub3A_3111 : vector<16xf32>
    %mul3A_3113 = arith.mulf %max3A_3077, %mul3A_3112 : vector<16xf32>
    %swap3A_3114 = arith.constant 5 : i32
    %swap3A_3115 = arith.index_cast %swap3A_3114 : i32 to index
    %swap3A_3116 = arith.constant 96 : index
    %swap3A_3117 = tpu.vector_load %arg14[%swap3A_3115, %swap3A_3116] {strides = array<i32>} : memref<7x128xf32, #tpu.memory_space<vmem>>, vector<1x16xf32>,
    %swap3A_3118 = vector.shape_cast %swap3A_3117 : vector<1x16xf32> to vector<16xf32>
    %swap3A_3119 = vector.shape_cast %mul3A_3113 : vector<16xf32> to vector<1x16xf32>
    tpu.vector_store %arg14[%swap3A_3115, %swap3A_3116], %swap3A_3119 {strides = array<i32>} : memref<7x128xf32, #tpu.memory_space<vmem>>, vector<1x16xf32>,
    %get3A_3120 = arith.constant 5 : i32
    %get3A_3121 = arith.index_cast %get3A_3120 : i32 to index
    %get3A_3122 = arith.constant 112 : index
    %get3A_3123 = tpu.vector_load %arg11[%get3A_3121, %get3A_3122] {strides = array<i32>} : memref<7x128xf32, #tpu.memory_space<vmem>>, vector<1x16xf32>,
    %get3A_3124 = vector.shape_cast %get3A_3123 : vector<1x16xf32> to vector<16xf32>
    %get3A_3125 = arith.constant 5 : i32
    %get3A_3126 = arith.index_cast %get3A_3125 : i32 to index
    %get3A_3127 = arith.constant 112 : index
    %get3A_3128 = tpu.vector_load %arg12[%get3A_3126, %get3A_3127] {strides = array<i32>} : memref<7x128xf32, #tpu.memory_space<vmem>>, vector<1x16xf32>,
    %get3A_3129 = vector.shape_cast %get3A_3128 : vector<1x16xf32> to vector<16xf32>
    %mul3A_3130 = arith.mulf %get3A_3124, %div3A_2706 : vector<16xf32>
    %mul3A_3131 = arith.mulf %get3A_3129, %div3A_2706 : vector<16xf32>
    %mul3A_3132 = arith.mulf %mul3A_3130, %mul3A_3130 : vector<16xf32>
    %sub3A_3133 = arith.subf %mul3A_3131, %mul3A_3132 : vector<16xf32>
    %max3A_3134 = arith.constant 1.000000e-30 : f32
    %max3A_3135 = vector.broadcast %max3A_3134 : f32 to vector<16xf32>
    %max3A_3136 = arith.maximumf %sub3A_3133, %max3A_3135 : vector<16xf32>
    %bitcast_convert_type3A_3137 = tpu.bitcast %max3A_3136 : vector<16xf32> -> vector<16xi32>
    %shift_right_arithmetic3A_3138 = arith.constant 1 : i32
    %shift_right_arithmetic3A_3139 = vector.broadcast %shift_right_arithmetic3A_3138 : i32 to vector<16xi32>
    %shift_right_arithmetic3A_3140 = arith.shrsi %bitcast_convert_type3A_3137, %shift_right_arithmetic3A_3139 : vector<16xi32>
    %sub3A_3141 = arith.constant 1597463007 : i32
    %sub3A_3142 = vector.broadcast %sub3A_3141 : i32 to vector<16xi32>
    %sub3A_3143 = arith.subi %sub3A_3142, %shift_right_arithmetic3A_3140 : vector<16xi32>
    %bitcast_convert_type3A_3144 = tpu.bitcast %sub3A_3143 : vector<16xi32> -> vector<16xf32>
    %mul3A_3145 = arith.mulf %max3A_3136, %bitcast_convert_type3A_3144 : vector<16xf32>
    %mul3A_3146 = arith.mulf %mul3A_3145, %bitcast_convert_type3A_3144 : vector<16xf32>
    %mul3A_3147 = arith.constant 5.000000e-01 : f32
    %mul3A_3148 = vector.broadcast %mul3A_3147 : f32 to vector<16xf32>
    %mul3A_3149 = arith.mulf %mul3A_3148, %mul3A_3146 : vector<16xf32>
    %sub3A_3150 = arith.constant 1.500000e+00 : f32
    %sub3A_3151 = vector.broadcast %sub3A_3150 : f32 to vector<16xf32>
    %sub3A_3152 = arith.subf %sub3A_3151, %mul3A_3149 : vector<16xf32>
    %mul3A_3153 = arith.mulf %bitcast_convert_type3A_3144, %sub3A_3152 : vector<16xf32>
    %mul3A_3154 = arith.mulf %max3A_3136, %mul3A_3153 : vector<16xf32>
    %mul3A_3155 = arith.mulf %mul3A_3154, %mul3A_3153 : vector<16xf32>
    %mul3A_3156 = arith.constant 5.000000e-01 : f32
    %mul3A_3157 = vector.broadcast %mul3A_3156 : f32 to vector<16xf32>
    %mul3A_3158 = arith.mulf %mul3A_3157, %mul3A_3155 : vector<16xf32>
    %sub3A_3159 = arith.constant 1.500000e+00 : f32
    %sub3A_3160 = vector.broadcast %sub3A_3159 : f32 to vector<16xf32>
    %sub3A_3161 = arith.subf %sub3A_3160, %mul3A_3158 : vector<16xf32>
    %mul3A_3162 = arith.mulf %mul3A_3153, %sub3A_3161 : vector<16xf32>
    %mul3A_3163 = arith.mulf %max3A_3136, %mul3A_3162 : vector<16xf32>
    %mul3A_3164 = arith.mulf %mul3A_3163, %mul3A_3162 : vector<16xf32>
    %mul3A_3165 = arith.constant 5.000000e-01 : f32
    %mul3A_3166 = vector.broadcast %mul3A_3165 : f32 to vector<16xf32>
    %mul3A_3167 = arith.mulf %mul3A_3166, %mul3A_3164 : vector<16xf32>
    %sub3A_3168 = arith.constant 1.500000e+00 : f32
    %sub3A_3169 = vector.broadcast %sub3A_3168 : f32 to vector<16xf32>
    %sub3A_3170 = arith.subf %sub3A_3169, %mul3A_3167 : vector<16xf32>
    %mul3A_3171 = arith.mulf %mul3A_3162, %sub3A_3170 : vector<16xf32>
    %mul3A_3172 = arith.mulf %max3A_3136, %mul3A_3171 : vector<16xf32>
    %swap3A_3173 = arith.constant 5 : i32
    %swap3A_3174 = arith.index_cast %swap3A_3173 : i32 to index
    %swap3A_3175 = arith.constant 112 : index
    %swap3A_3176 = tpu.vector_load %arg14[%swap3A_3174, %swap3A_3175] {strides = array<i32>} : memref<7x128xf32, #tpu.memory_space<vmem>>, vector<1x16xf32>,
    %swap3A_3177 = vector.shape_cast %swap3A_3176 : vector<1x16xf32> to vector<16xf32>
    %swap3A_3178 = vector.shape_cast %mul3A_3172 : vector<16xf32> to vector<1x16xf32>
    tpu.vector_store %arg14[%swap3A_3174, %swap3A_3175], %swap3A_3178 {strides = array<i32>} : memref<7x128xf32, #tpu.memory_space<vmem>>, vector<1x16xf32>,
    %get3A_3179 = arith.constant 6 : i32
    %get3A_3180 = arith.index_cast %get3A_3179 : i32 to index
    %get3A_3181 = arith.constant 0 : index
    %get3A_3182 = tpu.vector_load %arg13[%get3A_3180, %get3A_3181] {strides = array<i32>} : memref<7x128xf32, #tpu.memory_space<vmem>>, vector<1x16xf32>,
    %get3A_3183 = vector.shape_cast %get3A_3182 : vector<1x16xf32> to vector<16xf32>
    %max3A_3184 = arith.constant 1.000000e+00 : f32
    %max3A_3185 = vector.broadcast %max3A_3184 : f32 to vector<16xf32>
    %max3A_3186 = arith.maximumf %get3A_3183, %max3A_3185 : vector<16xf32>
    %div3A_3187 = arith.constant 1.000000e+00 : f32
    %div3A_3188 = vector.broadcast %div3A_3187 : f32 to vector<16xf32>
    %div3A_3189 = arith.divf %div3A_3188, %max3A_3186 : vector<16xf32>
    %get3A_3190 = arith.constant 6 : i32
    %get3A_3191 = arith.index_cast %get3A_3190 : i32 to index
    %get3A_3192 = arith.constant 0 : index
    %get3A_3193 = tpu.vector_load %arg11[%get3A_3191, %get3A_3192] {strides = array<i32>} : memref<7x128xf32, #tpu.memory_space<vmem>>, vector<1x16xf32>,
    %get3A_3194 = vector.shape_cast %get3A_3193 : vector<1x16xf32> to vector<16xf32>
    %get3A_3195 = arith.constant 6 : i32
    %get3A_3196 = arith.index_cast %get3A_3195 : i32 to index
    %get3A_3197 = arith.constant 0 : index
    %get3A_3198 = tpu.vector_load %arg12[%get3A_3196, %get3A_3197] {strides = array<i32>} : memref<7x128xf32, #tpu.memory_space<vmem>>, vector<1x16xf32>,
    %get3A_3199 = vector.shape_cast %get3A_3198 : vector<1x16xf32> to vector<16xf32>
    %mul3A_3200 = arith.mulf %get3A_3194, %div3A_3189 : vector<16xf32>
    %mul3A_3201 = arith.mulf %get3A_3199, %div3A_3189 : vector<16xf32>
    %mul3A_3202 = arith.mulf %mul3A_3200, %mul3A_3200 : vector<16xf32>
    %sub3A_3203 = arith.subf %mul3A_3201, %mul3A_3202 : vector<16xf32>
    %max3A_3204 = arith.constant 1.000000e-30 : f32
    %max3A_3205 = vector.broadcast %max3A_3204 : f32 to vector<16xf32>
    %max3A_3206 = arith.maximumf %sub3A_3203, %max3A_3205 : vector<16xf32>
    %bitcast_convert_type3A_3207 = tpu.bitcast %max3A_3206 : vector<16xf32> -> vector<16xi32>
    %shift_right_arithmetic3A_3208 = arith.constant 1 : i32
    %shift_right_arithmetic3A_3209 = vector.broadcast %shift_right_arithmetic3A_3208 : i32 to vector<16xi32>
    %shift_right_arithmetic3A_3210 = arith.shrsi %bitcast_convert_type3A_3207, %shift_right_arithmetic3A_3209 : vector<16xi32>
    %sub3A_3211 = arith.constant 1597463007 : i32
    %sub3A_3212 = vector.broadcast %sub3A_3211 : i32 to vector<16xi32>
    %sub3A_3213 = arith.subi %sub3A_3212, %shift_right_arithmetic3A_3210 : vector<16xi32>
    %bitcast_convert_type3A_3214 = tpu.bitcast %sub3A_3213 : vector<16xi32> -> vector<16xf32>
    %mul3A_3215 = arith.mulf %max3A_3206, %bitcast_convert_type3A_3214 : vector<16xf32>
    %mul3A_3216 = arith.mulf %mul3A_3215, %bitcast_convert_type3A_3214 : vector<16xf32>
    %mul3A_3217 = arith.constant 5.000000e-01 : f32
    %mul3A_3218 = vector.broadcast %mul3A_3217 : f32 to vector<16xf32>
    %mul3A_3219 = arith.mulf %mul3A_3218, %mul3A_3216 : vector<16xf32>
    %sub3A_3220 = arith.constant 1.500000e+00 : f32
    %sub3A_3221 = vector.broadcast %sub3A_3220 : f32 to vector<16xf32>
    %sub3A_3222 = arith.subf %sub3A_3221, %mul3A_3219 : vector<16xf32>
    %mul3A_3223 = arith.mulf %bitcast_convert_type3A_3214, %sub3A_3222 : vector<16xf32>
    %mul3A_3224 = arith.mulf %max3A_3206, %mul3A_3223 : vector<16xf32>
    %mul3A_3225 = arith.mulf %mul3A_3224, %mul3A_3223 : vector<16xf32>
    %mul3A_3226 = arith.constant 5.000000e-01 : f32
    %mul3A_3227 = vector.broadcast %mul3A_3226 : f32 to vector<16xf32>
    %mul3A_3228 = arith.mulf %mul3A_3227, %mul3A_3225 : vector<16xf32>
    %sub3A_3229 = arith.constant 1.500000e+00 : f32
    %sub3A_3230 = vector.broadcast %sub3A_3229 : f32 to vector<16xf32>
    %sub3A_3231 = arith.subf %sub3A_3230, %mul3A_3228 : vector<16xf32>
    %mul3A_3232 = arith.mulf %mul3A_3223, %sub3A_3231 : vector<16xf32>
    %mul3A_3233 = arith.mulf %max3A_3206, %mul3A_3232 : vector<16xf32>
    %mul3A_3234 = arith.mulf %mul3A_3233, %mul3A_3232 : vector<16xf32>
    %mul3A_3235 = arith.constant 5.000000e-01 : f32
    %mul3A_3236 = vector.broadcast %mul3A_3235 : f32 to vector<16xf32>
    %mul3A_3237 = arith.mulf %mul3A_3236, %mul3A_3234 : vector<16xf32>
    %sub3A_3238 = arith.constant 1.500000e+00 : f32
    %sub3A_3239 = vector.broadcast %sub3A_3238 : f32 to vector<16xf32>
    %sub3A_3240 = arith.subf %sub3A_3239, %mul3A_3237 : vector<16xf32>
    %mul3A_3241 = arith.mulf %mul3A_3232, %sub3A_3240 : vector<16xf32>
    %mul3A_3242 = arith.mulf %max3A_3206, %mul3A_3241 : vector<16xf32>
    %swap3A_3243 = arith.constant 6 : i32
    %swap3A_3244 = arith.index_cast %swap3A_3243 : i32 to index
    %swap3A_3245 = arith.constant 0 : index
    %swap3A_3246 = tpu.vector_load %arg14[%swap3A_3244, %swap3A_3245] {strides = array<i32>} : memref<7x128xf32, #tpu.memory_space<vmem>>, vector<1x16xf32>,
    %swap3A_3247 = vector.shape_cast %swap3A_3246 : vector<1x16xf32> to vector<16xf32>
    %swap3A_3248 = vector.shape_cast %mul3A_3242 : vector<16xf32> to vector<1x16xf32>
    tpu.vector_store %arg14[%swap3A_3244, %swap3A_3245], %swap3A_3248 {strides = array<i32>} : memref<7x128xf32, #tpu.memory_space<vmem>>, vector<1x16xf32>,
    %get3A_3249 = arith.constant 6 : i32
    %get3A_3250 = arith.index_cast %get3A_3249 : i32 to index
    %get3A_3251 = arith.constant 16 : index
    %get3A_3252 = tpu.vector_load %arg11[%get3A_3250, %get3A_3251] {strides = array<i32>} : memref<7x128xf32, #tpu.memory_space<vmem>>, vector<1x16xf32>,
    %get3A_3253 = vector.shape_cast %get3A_3252 : vector<1x16xf32> to vector<16xf32>
    %get3A_3254 = arith.constant 6 : i32
    %get3A_3255 = arith.index_cast %get3A_3254 : i32 to index
    %get3A_3256 = arith.constant 16 : index
    %get3A_3257 = tpu.vector_load %arg12[%get3A_3255, %get3A_3256] {strides = array<i32>} : memref<7x128xf32, #tpu.memory_space<vmem>>, vector<1x16xf32>,
    %get3A_3258 = vector.shape_cast %get3A_3257 : vector<1x16xf32> to vector<16xf32>
    %mul3A_3259 = arith.mulf %get3A_3253, %div3A_3189 : vector<16xf32>
    %mul3A_3260 = arith.mulf %get3A_3258, %div3A_3189 : vector<16xf32>
    %mul3A_3261 = arith.mulf %mul3A_3259, %mul3A_3259 : vector<16xf32>
    %sub3A_3262 = arith.subf %mul3A_3260, %mul3A_3261 : vector<16xf32>
    %max3A_3263 = arith.constant 1.000000e-30 : f32
    %max3A_3264 = vector.broadcast %max3A_3263 : f32 to vector<16xf32>
    %max3A_3265 = arith.maximumf %sub3A_3262, %max3A_3264 : vector<16xf32>
    %bitcast_convert_type3A_3266 = tpu.bitcast %max3A_3265 : vector<16xf32> -> vector<16xi32>
    %shift_right_arithmetic3A_3267 = arith.constant 1 : i32
    %shift_right_arithmetic3A_3268 = vector.broadcast %shift_right_arithmetic3A_3267 : i32 to vector<16xi32>
    %shift_right_arithmetic3A_3269 = arith.shrsi %bitcast_convert_type3A_3266, %shift_right_arithmetic3A_3268 : vector<16xi32>
    %sub3A_3270 = arith.constant 1597463007 : i32
    %sub3A_3271 = vector.broadcast %sub3A_3270 : i32 to vector<16xi32>
    %sub3A_3272 = arith.subi %sub3A_3271, %shift_right_arithmetic3A_3269 : vector<16xi32>
    %bitcast_convert_type3A_3273 = tpu.bitcast %sub3A_3272 : vector<16xi32> -> vector<16xf32>
    %mul3A_3274 = arith.mulf %max3A_3265, %bitcast_convert_type3A_3273 : vector<16xf32>
    %mul3A_3275 = arith.mulf %mul3A_3274, %bitcast_convert_type3A_3273 : vector<16xf32>
    %mul3A_3276 = arith.constant 5.000000e-01 : f32
    %mul3A_3277 = vector.broadcast %mul3A_3276 : f32 to vector<16xf32>
    %mul3A_3278 = arith.mulf %mul3A_3277, %mul3A_3275 : vector<16xf32>
    %sub3A_3279 = arith.constant 1.500000e+00 : f32
    %sub3A_3280 = vector.broadcast %sub3A_3279 : f32 to vector<16xf32>
    %sub3A_3281 = arith.subf %sub3A_3280, %mul3A_3278 : vector<16xf32>
    %mul3A_3282 = arith.mulf %bitcast_convert_type3A_3273, %sub3A_3281 : vector<16xf32>
    %mul3A_3283 = arith.mulf %max3A_3265, %mul3A_3282 : vector<16xf32>
    %mul3A_3284 = arith.mulf %mul3A_3283, %mul3A_3282 : vector<16xf32>
    %mul3A_3285 = arith.constant 5.000000e-01 : f32
    %mul3A_3286 = vector.broadcast %mul3A_3285 : f32 to vector<16xf32>
    %mul3A_3287 = arith.mulf %mul3A_3286, %mul3A_3284 : vector<16xf32>
    %sub3A_3288 = arith.constant 1.500000e+00 : f32
    %sub3A_3289 = vector.broadcast %sub3A_3288 : f32 to vector<16xf32>
    %sub3A_3290 = arith.subf %sub3A_3289, %mul3A_3287 : vector<16xf32>
    %mul3A_3291 = arith.mulf %mul3A_3282, %sub3A_3290 : vector<16xf32>
    %mul3A_3292 = arith.mulf %max3A_3265, %mul3A_3291 : vector<16xf32>
    %mul3A_3293 = arith.mulf %mul3A_3292, %mul3A_3291 : vector<16xf32>
    %mul3A_3294 = arith.constant 5.000000e-01 : f32
    %mul3A_3295 = vector.broadcast %mul3A_3294 : f32 to vector<16xf32>
    %mul3A_3296 = arith.mulf %mul3A_3295, %mul3A_3293 : vector<16xf32>
    %sub3A_3297 = arith.constant 1.500000e+00 : f32
    %sub3A_3298 = vector.broadcast %sub3A_3297 : f32 to vector<16xf32>
    %sub3A_3299 = arith.subf %sub3A_3298, %mul3A_3296 : vector<16xf32>
    %mul3A_3300 = arith.mulf %mul3A_3291, %sub3A_3299 : vector<16xf32>
    %mul3A_3301 = arith.mulf %max3A_3265, %mul3A_3300 : vector<16xf32>
    %swap3A_3302 = arith.constant 6 : i32
    %swap3A_3303 = arith.index_cast %swap3A_3302 : i32 to index
    %swap3A_3304 = arith.constant 16 : index
    %swap3A_3305 = tpu.vector_load %arg14[%swap3A_3303, %swap3A_3304] {strides = array<i32>} : memref<7x128xf32, #tpu.memory_space<vmem>>, vector<1x16xf32>,
    %swap3A_3306 = vector.shape_cast %swap3A_3305 : vector<1x16xf32> to vector<16xf32>
    %swap3A_3307 = vector.shape_cast %mul3A_3301 : vector<16xf32> to vector<1x16xf32>
    tpu.vector_store %arg14[%swap3A_3303, %swap3A_3304], %swap3A_3307 {strides = array<i32>} : memref<7x128xf32, #tpu.memory_space<vmem>>, vector<1x16xf32>,
    %get3A_3308 = arith.constant 6 : i32
    %get3A_3309 = arith.index_cast %get3A_3308 : i32 to index
    %get3A_3310 = arith.constant 32 : index
    %get3A_3311 = tpu.vector_load %arg11[%get3A_3309, %get3A_3310] {strides = array<i32>} : memref<7x128xf32, #tpu.memory_space<vmem>>, vector<1x16xf32>,
    %get3A_3312 = vector.shape_cast %get3A_3311 : vector<1x16xf32> to vector<16xf32>
    %get3A_3313 = arith.constant 6 : i32
    %get3A_3314 = arith.index_cast %get3A_3313 : i32 to index
    %get3A_3315 = arith.constant 32 : index
    %get3A_3316 = tpu.vector_load %arg12[%get3A_3314, %get3A_3315] {strides = array<i32>} : memref<7x128xf32, #tpu.memory_space<vmem>>, vector<1x16xf32>,
    %get3A_3317 = vector.shape_cast %get3A_3316 : vector<1x16xf32> to vector<16xf32>
    %mul3A_3318 = arith.mulf %get3A_3312, %div3A_3189 : vector<16xf32>
    %mul3A_3319 = arith.mulf %get3A_3317, %div3A_3189 : vector<16xf32>
    %mul3A_3320 = arith.mulf %mul3A_3318, %mul3A_3318 : vector<16xf32>
    %sub3A_3321 = arith.subf %mul3A_3319, %mul3A_3320 : vector<16xf32>
    %max3A_3322 = arith.constant 1.000000e-30 : f32
    %max3A_3323 = vector.broadcast %max3A_3322 : f32 to vector<16xf32>
    %max3A_3324 = arith.maximumf %sub3A_3321, %max3A_3323 : vector<16xf32>
    %bitcast_convert_type3A_3325 = tpu.bitcast %max3A_3324 : vector<16xf32> -> vector<16xi32>
    %shift_right_arithmetic3A_3326 = arith.constant 1 : i32
    %shift_right_arithmetic3A_3327 = vector.broadcast %shift_right_arithmetic3A_3326 : i32 to vector<16xi32>
    %shift_right_arithmetic3A_3328 = arith.shrsi %bitcast_convert_type3A_3325, %shift_right_arithmetic3A_3327 : vector<16xi32>
    %sub3A_3329 = arith.constant 1597463007 : i32
    %sub3A_3330 = vector.broadcast %sub3A_3329 : i32 to vector<16xi32>
    %sub3A_3331 = arith.subi %sub3A_3330, %shift_right_arithmetic3A_3328 : vector<16xi32>
    %bitcast_convert_type3A_3332 = tpu.bitcast %sub3A_3331 : vector<16xi32> -> vector<16xf32>
    %mul3A_3333 = arith.mulf %max3A_3324, %bitcast_convert_type3A_3332 : vector<16xf32>
    %mul3A_3334 = arith.mulf %mul3A_3333, %bitcast_convert_type3A_3332 : vector<16xf32>
    %mul3A_3335 = arith.constant 5.000000e-01 : f32
    %mul3A_3336 = vector.broadcast %mul3A_3335 : f32 to vector<16xf32>
    %mul3A_3337 = arith.mulf %mul3A_3336, %mul3A_3334 : vector<16xf32>
    %sub3A_3338 = arith.constant 1.500000e+00 : f32
    %sub3A_3339 = vector.broadcast %sub3A_3338 : f32 to vector<16xf32>
    %sub3A_3340 = arith.subf %sub3A_3339, %mul3A_3337 : vector<16xf32>
    %mul3A_3341 = arith.mulf %bitcast_convert_type3A_3332, %sub3A_3340 : vector<16xf32>
    %mul3A_3342 = arith.mulf %max3A_3324, %mul3A_3341 : vector<16xf32>
    %mul3A_3343 = arith.mulf %mul3A_3342, %mul3A_3341 : vector<16xf32>
    %mul3A_3344 = arith.constant 5.000000e-01 : f32
    %mul3A_3345 = vector.broadcast %mul3A_3344 : f32 to vector<16xf32>
    %mul3A_3346 = arith.mulf %mul3A_3345, %mul3A_3343 : vector<16xf32>
    %sub3A_3347 = arith.constant 1.500000e+00 : f32
    %sub3A_3348 = vector.broadcast %sub3A_3347 : f32 to vector<16xf32>
    %sub3A_3349 = arith.subf %sub3A_3348, %mul3A_3346 : vector<16xf32>
    %mul3A_3350 = arith.mulf %mul3A_3341, %sub3A_3349 : vector<16xf32>
    %mul3A_3351 = arith.mulf %max3A_3324, %mul3A_3350 : vector<16xf32>
    %mul3A_3352 = arith.mulf %mul3A_3351, %mul3A_3350 : vector<16xf32>
    %mul3A_3353 = arith.constant 5.000000e-01 : f32
    %mul3A_3354 = vector.broadcast %mul3A_3353 : f32 to vector<16xf32>
    %mul3A_3355 = arith.mulf %mul3A_3354, %mul3A_3352 : vector<16xf32>
    %sub3A_3356 = arith.constant 1.500000e+00 : f32
    %sub3A_3357 = vector.broadcast %sub3A_3356 : f32 to vector<16xf32>
    %sub3A_3358 = arith.subf %sub3A_3357, %mul3A_3355 : vector<16xf32>
    %mul3A_3359 = arith.mulf %mul3A_3350, %sub3A_3358 : vector<16xf32>
    %mul3A_3360 = arith.mulf %max3A_3324, %mul3A_3359 : vector<16xf32>
    %swap3A_3361 = arith.constant 6 : i32
    %swap3A_3362 = arith.index_cast %swap3A_3361 : i32 to index
    %swap3A_3363 = arith.constant 32 : index
    %swap3A_3364 = tpu.vector_load %arg14[%swap3A_3362, %swap3A_3363] {strides = array<i32>} : memref<7x128xf32, #tpu.memory_space<vmem>>, vector<1x16xf32>,
    %swap3A_3365 = vector.shape_cast %swap3A_3364 : vector<1x16xf32> to vector<16xf32>
    %swap3A_3366 = vector.shape_cast %mul3A_3360 : vector<16xf32> to vector<1x16xf32>
    tpu.vector_store %arg14[%swap3A_3362, %swap3A_3363], %swap3A_3366 {strides = array<i32>} : memref<7x128xf32, #tpu.memory_space<vmem>>, vector<1x16xf32>,
    %get3A_3367 = arith.constant 6 : i32
    %get3A_3368 = arith.index_cast %get3A_3367 : i32 to index
    %get3A_3369 = arith.constant 48 : index
    %get3A_3370 = tpu.vector_load %arg11[%get3A_3368, %get3A_3369] {strides = array<i32>} : memref<7x128xf32, #tpu.memory_space<vmem>>, vector<1x16xf32>,
    %get3A_3371 = vector.shape_cast %get3A_3370 : vector<1x16xf32> to vector<16xf32>
    %get3A_3372 = arith.constant 6 : i32
    %get3A_3373 = arith.index_cast %get3A_3372 : i32 to index
    %get3A_3374 = arith.constant 48 : index
    %get3A_3375 = tpu.vector_load %arg12[%get3A_3373, %get3A_3374] {strides = array<i32>} : memref<7x128xf32, #tpu.memory_space<vmem>>, vector<1x16xf32>,
    %get3A_3376 = vector.shape_cast %get3A_3375 : vector<1x16xf32> to vector<16xf32>
    %mul3A_3377 = arith.mulf %get3A_3371, %div3A_3189 : vector<16xf32>
    %mul3A_3378 = arith.mulf %get3A_3376, %div3A_3189 : vector<16xf32>
    %mul3A_3379 = arith.mulf %mul3A_3377, %mul3A_3377 : vector<16xf32>
    %sub3A_3380 = arith.subf %mul3A_3378, %mul3A_3379 : vector<16xf32>
    %max3A_3381 = arith.constant 1.000000e-30 : f32
    %max3A_3382 = vector.broadcast %max3A_3381 : f32 to vector<16xf32>
    %max3A_3383 = arith.maximumf %sub3A_3380, %max3A_3382 : vector<16xf32>
    %bitcast_convert_type3A_3384 = tpu.bitcast %max3A_3383 : vector<16xf32> -> vector<16xi32>
    %shift_right_arithmetic3A_3385 = arith.constant 1 : i32
    %shift_right_arithmetic3A_3386 = vector.broadcast %shift_right_arithmetic3A_3385 : i32 to vector<16xi32>
    %shift_right_arithmetic3A_3387 = arith.shrsi %bitcast_convert_type3A_3384, %shift_right_arithmetic3A_3386 : vector<16xi32>
    %sub3A_3388 = arith.constant 1597463007 : i32
    %sub3A_3389 = vector.broadcast %sub3A_3388 : i32 to vector<16xi32>
    %sub3A_3390 = arith.subi %sub3A_3389, %shift_right_arithmetic3A_3387 : vector<16xi32>
    %bitcast_convert_type3A_3391 = tpu.bitcast %sub3A_3390 : vector<16xi32> -> vector<16xf32>
    %mul3A_3392 = arith.mulf %max3A_3383, %bitcast_convert_type3A_3391 : vector<16xf32>
    %mul3A_3393 = arith.mulf %mul3A_3392, %bitcast_convert_type3A_3391 : vector<16xf32>
    %mul3A_3394 = arith.constant 5.000000e-01 : f32
    %mul3A_3395 = vector.broadcast %mul3A_3394 : f32 to vector<16xf32>
    %mul3A_3396 = arith.mulf %mul3A_3395, %mul3A_3393 : vector<16xf32>
    %sub3A_3397 = arith.constant 1.500000e+00 : f32
    %sub3A_3398 = vector.broadcast %sub3A_3397 : f32 to vector<16xf32>
    %sub3A_3399 = arith.subf %sub3A_3398, %mul3A_3396 : vector<16xf32>
    %mul3A_3400 = arith.mulf %bitcast_convert_type3A_3391, %sub3A_3399 : vector<16xf32>
    %mul3A_3401 = arith.mulf %max3A_3383, %mul3A_3400 : vector<16xf32>
    %mul3A_3402 = arith.mulf %mul3A_3401, %mul3A_3400 : vector<16xf32>
    %mul3A_3403 = arith.constant 5.000000e-01 : f32
    %mul3A_3404 = vector.broadcast %mul3A_3403 : f32 to vector<16xf32>
    %mul3A_3405 = arith.mulf %mul3A_3404, %mul3A_3402 : vector<16xf32>
    %sub3A_3406 = arith.constant 1.500000e+00 : f32
    %sub3A_3407 = vector.broadcast %sub3A_3406 : f32 to vector<16xf32>
    %sub3A_3408 = arith.subf %sub3A_3407, %mul3A_3405 : vector<16xf32>
    %mul3A_3409 = arith.mulf %mul3A_3400, %sub3A_3408 : vector<16xf32>
    %mul3A_3410 = arith.mulf %max3A_3383, %mul3A_3409 : vector<16xf32>
    %mul3A_3411 = arith.mulf %mul3A_3410, %mul3A_3409 : vector<16xf32>
    %mul3A_3412 = arith.constant 5.000000e-01 : f32
    %mul3A_3413 = vector.broadcast %mul3A_3412 : f32 to vector<16xf32>
    %mul3A_3414 = arith.mulf %mul3A_3413, %mul3A_3411 : vector<16xf32>
    %sub3A_3415 = arith.constant 1.500000e+00 : f32
    %sub3A_3416 = vector.broadcast %sub3A_3415 : f32 to vector<16xf32>
    %sub3A_3417 = arith.subf %sub3A_3416, %mul3A_3414 : vector<16xf32>
    %mul3A_3418 = arith.mulf %mul3A_3409, %sub3A_3417 : vector<16xf32>
    %mul3A_3419 = arith.mulf %max3A_3383, %mul3A_3418 : vector<16xf32>
    %swap3A_3420 = arith.constant 6 : i32
    %swap3A_3421 = arith.index_cast %swap3A_3420 : i32 to index
    %swap3A_3422 = arith.constant 48 : index
    %swap3A_3423 = tpu.vector_load %arg14[%swap3A_3421, %swap3A_3422] {strides = array<i32>} : memref<7x128xf32, #tpu.memory_space<vmem>>, vector<1x16xf32>,
    %swap3A_3424 = vector.shape_cast %swap3A_3423 : vector<1x16xf32> to vector<16xf32>
    %swap3A_3425 = vector.shape_cast %mul3A_3419 : vector<16xf32> to vector<1x16xf32>
    tpu.vector_store %arg14[%swap3A_3421, %swap3A_3422], %swap3A_3425 {strides = array<i32>} : memref<7x128xf32, #tpu.memory_space<vmem>>, vector<1x16xf32>,
    %get3A_3426 = arith.constant 6 : i32
    %get3A_3427 = arith.index_cast %get3A_3426 : i32 to index
    %get3A_3428 = arith.constant 64 : index
    %get3A_3429 = tpu.vector_load %arg11[%get3A_3427, %get3A_3428] {strides = array<i32>} : memref<7x128xf32, #tpu.memory_space<vmem>>, vector<1x16xf32>,
    %get3A_3430 = vector.shape_cast %get3A_3429 : vector<1x16xf32> to vector<16xf32>
    %get3A_3431 = arith.constant 6 : i32
    %get3A_3432 = arith.index_cast %get3A_3431 : i32 to index
    %get3A_3433 = arith.constant 64 : index
    %get3A_3434 = tpu.vector_load %arg12[%get3A_3432, %get3A_3433] {strides = array<i32>} : memref<7x128xf32, #tpu.memory_space<vmem>>, vector<1x16xf32>,
    %get3A_3435 = vector.shape_cast %get3A_3434 : vector<1x16xf32> to vector<16xf32>
    %mul3A_3436 = arith.mulf %get3A_3430, %div3A_3189 : vector<16xf32>
    %mul3A_3437 = arith.mulf %get3A_3435, %div3A_3189 : vector<16xf32>
    %mul3A_3438 = arith.mulf %mul3A_3436, %mul3A_3436 : vector<16xf32>
    %sub3A_3439 = arith.subf %mul3A_3437, %mul3A_3438 : vector<16xf32>
    %max3A_3440 = arith.constant 1.000000e-30 : f32
    %max3A_3441 = vector.broadcast %max3A_3440 : f32 to vector<16xf32>
    %max3A_3442 = arith.maximumf %sub3A_3439, %max3A_3441 : vector<16xf32>
    %bitcast_convert_type3A_3443 = tpu.bitcast %max3A_3442 : vector<16xf32> -> vector<16xi32>
    %shift_right_arithmetic3A_3444 = arith.constant 1 : i32
    %shift_right_arithmetic3A_3445 = vector.broadcast %shift_right_arithmetic3A_3444 : i32 to vector<16xi32>
    %shift_right_arithmetic3A_3446 = arith.shrsi %bitcast_convert_type3A_3443, %shift_right_arithmetic3A_3445 : vector<16xi32>
    %sub3A_3447 = arith.constant 1597463007 : i32
    %sub3A_3448 = vector.broadcast %sub3A_3447 : i32 to vector<16xi32>
    %sub3A_3449 = arith.subi %sub3A_3448, %shift_right_arithmetic3A_3446 : vector<16xi32>
    %bitcast_convert_type3A_3450 = tpu.bitcast %sub3A_3449 : vector<16xi32> -> vector<16xf32>
    %mul3A_3451 = arith.mulf %max3A_3442, %bitcast_convert_type3A_3450 : vector<16xf32>
    %mul3A_3452 = arith.mulf %mul3A_3451, %bitcast_convert_type3A_3450 : vector<16xf32>
    %mul3A_3453 = arith.constant 5.000000e-01 : f32
    %mul3A_3454 = vector.broadcast %mul3A_3453 : f32 to vector<16xf32>
    %mul3A_3455 = arith.mulf %mul3A_3454, %mul3A_3452 : vector<16xf32>
    %sub3A_3456 = arith.constant 1.500000e+00 : f32
    %sub3A_3457 = vector.broadcast %sub3A_3456 : f32 to vector<16xf32>
    %sub3A_3458 = arith.subf %sub3A_3457, %mul3A_3455 : vector<16xf32>
    %mul3A_3459 = arith.mulf %bitcast_convert_type3A_3450, %sub3A_3458 : vector<16xf32>
    %mul3A_3460 = arith.mulf %max3A_3442, %mul3A_3459 : vector<16xf32>
    %mul3A_3461 = arith.mulf %mul3A_3460, %mul3A_3459 : vector<16xf32>
    %mul3A_3462 = arith.constant 5.000000e-01 : f32
    %mul3A_3463 = vector.broadcast %mul3A_3462 : f32 to vector<16xf32>
    %mul3A_3464 = arith.mulf %mul3A_3463, %mul3A_3461 : vector<16xf32>
    %sub3A_3465 = arith.constant 1.500000e+00 : f32
    %sub3A_3466 = vector.broadcast %sub3A_3465 : f32 to vector<16xf32>
    %sub3A_3467 = arith.subf %sub3A_3466, %mul3A_3464 : vector<16xf32>
    %mul3A_3468 = arith.mulf %mul3A_3459, %sub3A_3467 : vector<16xf32>
    %mul3A_3469 = arith.mulf %max3A_3442, %mul3A_3468 : vector<16xf32>
    %mul3A_3470 = arith.mulf %mul3A_3469, %mul3A_3468 : vector<16xf32>
    %mul3A_3471 = arith.constant 5.000000e-01 : f32
    %mul3A_3472 = vector.broadcast %mul3A_3471 : f32 to vector<16xf32>
    %mul3A_3473 = arith.mulf %mul3A_3472, %mul3A_3470 : vector<16xf32>
    %sub3A_3474 = arith.constant 1.500000e+00 : f32
    %sub3A_3475 = vector.broadcast %sub3A_3474 : f32 to vector<16xf32>
    %sub3A_3476 = arith.subf %sub3A_3475, %mul3A_3473 : vector<16xf32>
    %mul3A_3477 = arith.mulf %mul3A_3468, %sub3A_3476 : vector<16xf32>
    %mul3A_3478 = arith.mulf %max3A_3442, %mul3A_3477 : vector<16xf32>
    %swap3A_3479 = arith.constant 6 : i32
    %swap3A_3480 = arith.index_cast %swap3A_3479 : i32 to index
    %swap3A_3481 = arith.constant 64 : index
    %swap3A_3482 = tpu.vector_load %arg14[%swap3A_3480, %swap3A_3481] {strides = array<i32>} : memref<7x128xf32, #tpu.memory_space<vmem>>, vector<1x16xf32>,
    %swap3A_3483 = vector.shape_cast %swap3A_3482 : vector<1x16xf32> to vector<16xf32>
    %swap3A_3484 = vector.shape_cast %mul3A_3478 : vector<16xf32> to vector<1x16xf32>
    tpu.vector_store %arg14[%swap3A_3480, %swap3A_3481], %swap3A_3484 {strides = array<i32>} : memref<7x128xf32, #tpu.memory_space<vmem>>, vector<1x16xf32>,
    %get3A_3485 = arith.constant 6 : i32
    %get3A_3486 = arith.index_cast %get3A_3485 : i32 to index
    %get3A_3487 = arith.constant 80 : index
    %get3A_3488 = tpu.vector_load %arg11[%get3A_3486, %get3A_3487] {strides = array<i32>} : memref<7x128xf32, #tpu.memory_space<vmem>>, vector<1x16xf32>,
    %get3A_3489 = vector.shape_cast %get3A_3488 : vector<1x16xf32> to vector<16xf32>
    %get3A_3490 = arith.constant 6 : i32
    %get3A_3491 = arith.index_cast %get3A_3490 : i32 to index
    %get3A_3492 = arith.constant 80 : index
    %get3A_3493 = tpu.vector_load %arg12[%get3A_3491, %get3A_3492] {strides = array<i32>} : memref<7x128xf32, #tpu.memory_space<vmem>>, vector<1x16xf32>,
    %get3A_3494 = vector.shape_cast %get3A_3493 : vector<1x16xf32> to vector<16xf32>
    %mul3A_3495 = arith.mulf %get3A_3489, %div3A_3189 : vector<16xf32>
    %mul3A_3496 = arith.mulf %get3A_3494, %div3A_3189 : vector<16xf32>
    %mul3A_3497 = arith.mulf %mul3A_3495, %mul3A_3495 : vector<16xf32>
    %sub3A_3498 = arith.subf %mul3A_3496, %mul3A_3497 : vector<16xf32>
    %max3A_3499 = arith.constant 1.000000e-30 : f32
    %max3A_3500 = vector.broadcast %max3A_3499 : f32 to vector<16xf32>
    %max3A_3501 = arith.maximumf %sub3A_3498, %max3A_3500 : vector<16xf32>
    %bitcast_convert_type3A_3502 = tpu.bitcast %max3A_3501 : vector<16xf32> -> vector<16xi32>
    %shift_right_arithmetic3A_3503 = arith.constant 1 : i32
    %shift_right_arithmetic3A_3504 = vector.broadcast %shift_right_arithmetic3A_3503 : i32 to vector<16xi32>
    %shift_right_arithmetic3A_3505 = arith.shrsi %bitcast_convert_type3A_3502, %shift_right_arithmetic3A_3504 : vector<16xi32>
    %sub3A_3506 = arith.constant 1597463007 : i32
    %sub3A_3507 = vector.broadcast %sub3A_3506 : i32 to vector<16xi32>
    %sub3A_3508 = arith.subi %sub3A_3507, %shift_right_arithmetic3A_3505 : vector<16xi32>
    %bitcast_convert_type3A_3509 = tpu.bitcast %sub3A_3508 : vector<16xi32> -> vector<16xf32>
    %mul3A_3510 = arith.mulf %max3A_3501, %bitcast_convert_type3A_3509 : vector<16xf32>
    %mul3A_3511 = arith.mulf %mul3A_3510, %bitcast_convert_type3A_3509 : vector<16xf32>
    %mul3A_3512 = arith.constant 5.000000e-01 : f32
    %mul3A_3513 = vector.broadcast %mul3A_3512 : f32 to vector<16xf32>
    %mul3A_3514 = arith.mulf %mul3A_3513, %mul3A_3511 : vector<16xf32>
    %sub3A_3515 = arith.constant 1.500000e+00 : f32
    %sub3A_3516 = vector.broadcast %sub3A_3515 : f32 to vector<16xf32>
    %sub3A_3517 = arith.subf %sub3A_3516, %mul3A_3514 : vector<16xf32>
    %mul3A_3518 = arith.mulf %bitcast_convert_type3A_3509, %sub3A_3517 : vector<16xf32>
    %mul3A_3519 = arith.mulf %max3A_3501, %mul3A_3518 : vector<16xf32>
    %mul3A_3520 = arith.mulf %mul3A_3519, %mul3A_3518 : vector<16xf32>
    %mul3A_3521 = arith.constant 5.000000e-01 : f32
    %mul3A_3522 = vector.broadcast %mul3A_3521 : f32 to vector<16xf32>
    %mul3A_3523 = arith.mulf %mul3A_3522, %mul3A_3520 : vector<16xf32>
    %sub3A_3524 = arith.constant 1.500000e+00 : f32
    %sub3A_3525 = vector.broadcast %sub3A_3524 : f32 to vector<16xf32>
    %sub3A_3526 = arith.subf %sub3A_3525, %mul3A_3523 : vector<16xf32>
    %mul3A_3527 = arith.mulf %mul3A_3518, %sub3A_3526 : vector<16xf32>
    %mul3A_3528 = arith.mulf %max3A_3501, %mul3A_3527 : vector<16xf32>
    %mul3A_3529 = arith.mulf %mul3A_3528, %mul3A_3527 : vector<16xf32>
    %mul3A_3530 = arith.constant 5.000000e-01 : f32
    %mul3A_3531 = vector.broadcast %mul3A_3530 : f32 to vector<16xf32>
    %mul3A_3532 = arith.mulf %mul3A_3531, %mul3A_3529 : vector<16xf32>
    %sub3A_3533 = arith.constant 1.500000e+00 : f32
    %sub3A_3534 = vector.broadcast %sub3A_3533 : f32 to vector<16xf32>
    %sub3A_3535 = arith.subf %sub3A_3534, %mul3A_3532 : vector<16xf32>
    %mul3A_3536 = arith.mulf %mul3A_3527, %sub3A_3535 : vector<16xf32>
    %mul3A_3537 = arith.mulf %max3A_3501, %mul3A_3536 : vector<16xf32>
    %swap3A_3538 = arith.constant 6 : i32
    %swap3A_3539 = arith.index_cast %swap3A_3538 : i32 to index
    %swap3A_3540 = arith.constant 80 : index
    %swap3A_3541 = tpu.vector_load %arg14[%swap3A_3539, %swap3A_3540] {strides = array<i32>} : memref<7x128xf32, #tpu.memory_space<vmem>>, vector<1x16xf32>,
    %swap3A_3542 = vector.shape_cast %swap3A_3541 : vector<1x16xf32> to vector<16xf32>
    %swap3A_3543 = vector.shape_cast %mul3A_3537 : vector<16xf32> to vector<1x16xf32>
    tpu.vector_store %arg14[%swap3A_3539, %swap3A_3540], %swap3A_3543 {strides = array<i32>} : memref<7x128xf32, #tpu.memory_space<vmem>>, vector<1x16xf32>,
    %get3A_3544 = arith.constant 6 : i32
    %get3A_3545 = arith.index_cast %get3A_3544 : i32 to index
    %get3A_3546 = arith.constant 96 : index
    %get3A_3547 = tpu.vector_load %arg11[%get3A_3545, %get3A_3546] {strides = array<i32>} : memref<7x128xf32, #tpu.memory_space<vmem>>, vector<1x16xf32>,
    %get3A_3548 = vector.shape_cast %get3A_3547 : vector<1x16xf32> to vector<16xf32>
    %get3A_3549 = arith.constant 6 : i32
    %get3A_3550 = arith.index_cast %get3A_3549 : i32 to index
    %get3A_3551 = arith.constant 96 : index
    %get3A_3552 = tpu.vector_load %arg12[%get3A_3550, %get3A_3551] {strides = array<i32>} : memref<7x128xf32, #tpu.memory_space<vmem>>, vector<1x16xf32>,
    %get3A_3553 = vector.shape_cast %get3A_3552 : vector<1x16xf32> to vector<16xf32>
    %mul3A_3554 = arith.mulf %get3A_3548, %div3A_3189 : vector<16xf32>
    %mul3A_3555 = arith.mulf %get3A_3553, %div3A_3189 : vector<16xf32>
    %mul3A_3556 = arith.mulf %mul3A_3554, %mul3A_3554 : vector<16xf32>
    %sub3A_3557 = arith.subf %mul3A_3555, %mul3A_3556 : vector<16xf32>
    %max3A_3558 = arith.constant 1.000000e-30 : f32
    %max3A_3559 = vector.broadcast %max3A_3558 : f32 to vector<16xf32>
    %max3A_3560 = arith.maximumf %sub3A_3557, %max3A_3559 : vector<16xf32>
    %bitcast_convert_type3A_3561 = tpu.bitcast %max3A_3560 : vector<16xf32> -> vector<16xi32>
    %shift_right_arithmetic3A_3562 = arith.constant 1 : i32
    %shift_right_arithmetic3A_3563 = vector.broadcast %shift_right_arithmetic3A_3562 : i32 to vector<16xi32>
    %shift_right_arithmetic3A_3564 = arith.shrsi %bitcast_convert_type3A_3561, %shift_right_arithmetic3A_3563 : vector<16xi32>
    %sub3A_3565 = arith.constant 1597463007 : i32
    %sub3A_3566 = vector.broadcast %sub3A_3565 : i32 to vector<16xi32>
    %sub3A_3567 = arith.subi %sub3A_3566, %shift_right_arithmetic3A_3564 : vector<16xi32>
    %bitcast_convert_type3A_3568 = tpu.bitcast %sub3A_3567 : vector<16xi32> -> vector<16xf32>
    %mul3A_3569 = arith.mulf %max3A_3560, %bitcast_convert_type3A_3568 : vector<16xf32>
    %mul3A_3570 = arith.mulf %mul3A_3569, %bitcast_convert_type3A_3568 : vector<16xf32>
    %mul3A_3571 = arith.constant 5.000000e-01 : f32
    %mul3A_3572 = vector.broadcast %mul3A_3571 : f32 to vector<16xf32>
    %mul3A_3573 = arith.mulf %mul3A_3572, %mul3A_3570 : vector<16xf32>
    %sub3A_3574 = arith.constant 1.500000e+00 : f32
    %sub3A_3575 = vector.broadcast %sub3A_3574 : f32 to vector<16xf32>
    %sub3A_3576 = arith.subf %sub3A_3575, %mul3A_3573 : vector<16xf32>
    %mul3A_3577 = arith.mulf %bitcast_convert_type3A_3568, %sub3A_3576 : vector<16xf32>
    %mul3A_3578 = arith.mulf %max3A_3560, %mul3A_3577 : vector<16xf32>
    %mul3A_3579 = arith.mulf %mul3A_3578, %mul3A_3577 : vector<16xf32>
    %mul3A_3580 = arith.constant 5.000000e-01 : f32
    %mul3A_3581 = vector.broadcast %mul3A_3580 : f32 to vector<16xf32>
    %mul3A_3582 = arith.mulf %mul3A_3581, %mul3A_3579 : vector<16xf32>
    %sub3A_3583 = arith.constant 1.500000e+00 : f32
    %sub3A_3584 = vector.broadcast %sub3A_3583 : f32 to vector<16xf32>
    %sub3A_3585 = arith.subf %sub3A_3584, %mul3A_3582 : vector<16xf32>
    %mul3A_3586 = arith.mulf %mul3A_3577, %sub3A_3585 : vector<16xf32>
    %mul3A_3587 = arith.mulf %max3A_3560, %mul3A_3586 : vector<16xf32>
    %mul3A_3588 = arith.mulf %mul3A_3587, %mul3A_3586 : vector<16xf32>
    %mul3A_3589 = arith.constant 5.000000e-01 : f32
    %mul3A_3590 = vector.broadcast %mul3A_3589 : f32 to vector<16xf32>
    %mul3A_3591 = arith.mulf %mul3A_3590, %mul3A_3588 : vector<16xf32>
    %sub3A_3592 = arith.constant 1.500000e+00 : f32
    %sub3A_3593 = vector.broadcast %sub3A_3592 : f32 to vector<16xf32>
    %sub3A_3594 = arith.subf %sub3A_3593, %mul3A_3591 : vector<16xf32>
    %mul3A_3595 = arith.mulf %mul3A_3586, %sub3A_3594 : vector<16xf32>
    %mul3A_3596 = arith.mulf %max3A_3560, %mul3A_3595 : vector<16xf32>
    %swap3A_3597 = arith.constant 6 : i32
    %swap3A_3598 = arith.index_cast %swap3A_3597 : i32 to index
    %swap3A_3599 = arith.constant 96 : index
    %swap3A_3600 = tpu.vector_load %arg14[%swap3A_3598, %swap3A_3599] {strides = array<i32>} : memref<7x128xf32, #tpu.memory_space<vmem>>, vector<1x16xf32>,
    %swap3A_3601 = vector.shape_cast %swap3A_3600 : vector<1x16xf32> to vector<16xf32>
    %swap3A_3602 = vector.shape_cast %mul3A_3596 : vector<16xf32> to vector<1x16xf32>
    tpu.vector_store %arg14[%swap3A_3598, %swap3A_3599], %swap3A_3602 {strides = array<i32>} : memref<7x128xf32, #tpu.memory_space<vmem>>, vector<1x16xf32>,
    %get3A_3603 = arith.constant 6 : i32
    %get3A_3604 = arith.index_cast %get3A_3603 : i32 to index
    %get3A_3605 = arith.constant 112 : index
    %get3A_3606 = tpu.vector_load %arg11[%get3A_3604, %get3A_3605] {strides = array<i32>} : memref<7x128xf32, #tpu.memory_space<vmem>>, vector<1x16xf32>,
    %get3A_3607 = vector.shape_cast %get3A_3606 : vector<1x16xf32> to vector<16xf32>
    %get3A_3608 = arith.constant 6 : i32
    %get3A_3609 = arith.index_cast %get3A_3608 : i32 to index
    %get3A_3610 = arith.constant 112 : index
    %get3A_3611 = tpu.vector_load %arg12[%get3A_3609, %get3A_3610] {strides = array<i32>} : memref<7x128xf32, #tpu.memory_space<vmem>>, vector<1x16xf32>,
    %get3A_3612 = vector.shape_cast %get3A_3611 : vector<1x16xf32> to vector<16xf32>
    %mul3A_3613 = arith.mulf %get3A_3607, %div3A_3189 : vector<16xf32>
    %mul3A_3614 = arith.mulf %get3A_3612, %div3A_3189 : vector<16xf32>
    %mul3A_3615 = arith.mulf %mul3A_3613, %mul3A_3613 : vector<16xf32>
    %sub3A_3616 = arith.subf %mul3A_3614, %mul3A_3615 : vector<16xf32>
    %max3A_3617 = arith.constant 1.000000e-30 : f32
    %max3A_3618 = vector.broadcast %max3A_3617 : f32 to vector<16xf32>
    %max3A_3619 = arith.maximumf %sub3A_3616, %max3A_3618 : vector<16xf32>
    %bitcast_convert_type3A_3620 = tpu.bitcast %max3A_3619 : vector<16xf32> -> vector<16xi32>
    %shift_right_arithmetic3A_3621 = arith.constant 1 : i32
    %shift_right_arithmetic3A_3622 = vector.broadcast %shift_right_arithmetic3A_3621 : i32 to vector<16xi32>
    %shift_right_arithmetic3A_3623 = arith.shrsi %bitcast_convert_type3A_3620, %shift_right_arithmetic3A_3622 : vector<16xi32>
    %sub3A_3624 = arith.constant 1597463007 : i32
    %sub3A_3625 = vector.broadcast %sub3A_3624 : i32 to vector<16xi32>
    %sub3A_3626 = arith.subi %sub3A_3625, %shift_right_arithmetic3A_3623 : vector<16xi32>
    %bitcast_convert_type3A_3627 = tpu.bitcast %sub3A_3626 : vector<16xi32> -> vector<16xf32>
    %mul3A_3628 = arith.mulf %max3A_3619, %bitcast_convert_type3A_3627 : vector<16xf32>
    %mul3A_3629 = arith.mulf %mul3A_3628, %bitcast_convert_type3A_3627 : vector<16xf32>
    %mul3A_3630 = arith.constant 5.000000e-01 : f32
    %mul3A_3631 = vector.broadcast %mul3A_3630 : f32 to vector<16xf32>
    %mul3A_3632 = arith.mulf %mul3A_3631, %mul3A_3629 : vector<16xf32>
    %sub3A_3633 = arith.constant 1.500000e+00 : f32
    %sub3A_3634 = vector.broadcast %sub3A_3633 : f32 to vector<16xf32>
    %sub3A_3635 = arith.subf %sub3A_3634, %mul3A_3632 : vector<16xf32>
    %mul3A_3636 = arith.mulf %bitcast_convert_type3A_3627, %sub3A_3635 : vector<16xf32>
    %mul3A_3637 = arith.mulf %max3A_3619, %mul3A_3636 : vector<16xf32>
    %mul3A_3638 = arith.mulf %mul3A_3637, %mul3A_3636 : vector<16xf32>
    %mul3A_3639 = arith.constant 5.000000e-01 : f32
    %mul3A_3640 = vector.broadcast %mul3A_3639 : f32 to vector<16xf32>
    %mul3A_3641 = arith.mulf %mul3A_3640, %mul3A_3638 : vector<16xf32>
    %sub3A_3642 = arith.constant 1.500000e+00 : f32
    %sub3A_3643 = vector.broadcast %sub3A_3642 : f32 to vector<16xf32>
    %sub3A_3644 = arith.subf %sub3A_3643, %mul3A_3641 : vector<16xf32>
    %mul3A_3645 = arith.mulf %mul3A_3636, %sub3A_3644 : vector<16xf32>
    %mul3A_3646 = arith.mulf %max3A_3619, %mul3A_3645 : vector<16xf32>
    %mul3A_3647 = arith.mulf %mul3A_3646, %mul3A_3645 : vector<16xf32>
    %mul3A_3648 = arith.constant 5.000000e-01 : f32
    %mul3A_3649 = vector.broadcast %mul3A_3648 : f32 to vector<16xf32>
    %mul3A_3650 = arith.mulf %mul3A_3649, %mul3A_3647 : vector<16xf32>
    %sub3A_3651 = arith.constant 1.500000e+00 : f32
    %sub3A_3652 = vector.broadcast %sub3A_3651 : f32 to vector<16xf32>
    %sub3A_3653 = arith.subf %sub3A_3652, %mul3A_3650 : vector<16xf32>
    %mul3A_3654 = arith.mulf %mul3A_3645, %sub3A_3653 : vector<16xf32>
    %mul3A_3655 = arith.mulf %max3A_3619, %mul3A_3654 : vector<16xf32>
    %swap3A_3656 = arith.constant 6 : i32
    %swap3A_3657 = arith.index_cast %swap3A_3656 : i32 to index
    %swap3A_3658 = arith.constant 112 : index
    %swap3A_3659 = tpu.vector_load %arg14[%swap3A_3657, %swap3A_3658] {strides = array<i32>} : memref<7x128xf32, #tpu.memory_space<vmem>>, vector<1x16xf32>,
    %swap3A_3660 = vector.shape_cast %swap3A_3659 : vector<1x16xf32> to vector<16xf32>
    %swap3A_3661 = vector.shape_cast %mul3A_3655 : vector<16xf32> to vector<1x16xf32>
    tpu.vector_store %arg14[%swap3A_3657, %swap3A_3658], %swap3A_3661 {strides = array<i32>} : memref<7x128xf32, #tpu.memory_space<vmem>>, vector<1x16xf32>,
    "tpu.region"() ({
      %run_scoped3A = tpu.sem_alloc : memref<!tpu.dma_semaphore, #tpu.memory_space<semaphore_mem>>
      %dma_start3A_3723 = arith.constant 0 : i32
      %dma_start3A_3724 = tpu.memref_slice %arg24[%mul3A_263, %dma_start3A_3723] : memref<112x128xf32, #tpu.memory_space<vmem_shared>> -> memref<7x128xf32, #tpu.memory_space<vmem_shared>>
      %dma_start3A_3725 = arith.constant 0 : i32
      %dma_start3A_3726 = tpu.memref_slice %arg24[%mul3A_263, %dma_start3A_3725] : memref<112x128xf32, #tpu.memory_space<vmem_shared>> -> memref<7x128xf32, #tpu.memory_space<vmem_shared>>
      tpu.enqueue_dma source(%arg14 : memref<7x128xf32, #tpu.memory_space<vmem>>) target(%dma_start3A_3726 : memref<7x128xf32, #tpu.memory_space<vmem_shared>>) target_semaphore(%run_scoped3A : memref<!tpu.dma_semaphore, #tpu.memory_space<semaphore_mem>>)
      %dma_wait3A_3727 = arith.constant 0 : i32
      %dma_wait3A_3728 = tpu.memref_slice %arg24[%mul3A_263, %dma_wait3A_3727] : memref<112x128xf32, #tpu.memory_space<vmem_shared>> -> memref<7x128xf32, #tpu.memory_space<vmem_shared>>
      %dma_wait3A_3729 = arith.constant 0 : i32
      %dma_wait3A_3730 = tpu.memref_slice %arg24[%mul3A_263, %dma_wait3A_3729] : memref<112x128xf32, #tpu.memory_space<vmem_shared>> -> memref<7x128xf32, #tpu.memory_space<vmem_shared>>
      tpu.wait_dma2 semaphore(%run_scoped3A : memref<!tpu.dma_semaphore, #tpu.memory_space<semaphore_mem>>) src(%arg14 : memref<7x128xf32, #tpu.memory_space<vmem>>) dst(%dma_wait3A_3730 : memref<7x128xf32, #tpu.memory_space<vmem_shared>>)
      tpu.yield
    }) : () -> ()
    %barrier3A_3662 = arith.constant 0 : index
    tpu.barrier barrier_id(%barrier3A_3662)
    %dma_wait3A_3663 = arith.constant 4 : i32
    %dma_wait3A_3664 = arith.constant 0 : i32
    %dma_wait3A_3665 = tpu.memref_slice %arg9[%dma_wait3A_3663, %dma_wait3A_3664] : memref<6x128xi32, #tpu.memory_space<vmem>> -> memref<2x128xi32, #tpu.memory_space<vmem>>
    %dma_wait3A_3666 = arith.constant 0 : i32
    %dma_wait3A_3667 = tpu.memref_slice %arg3[%mul3A_5, %dma_wait3A_3666] : memref<64x128xi32, #tpu.memory_space<hbm>> -> memref<2x128xi32, #tpu.memory_space<hbm>>
    %dma_wait3A_3668 = arith.constant 4 : i32
    %dma_wait3A_3669 = arith.constant 0 : i32
    %dma_wait3A_3670 = tpu.memref_slice %arg9[%dma_wait3A_3668, %dma_wait3A_3669] : memref<6x128xi32, #tpu.memory_space<vmem>> -> memref<2x128xi32, #tpu.memory_space<vmem>>
    %dma_wait3A_3671 = arith.constant 0 : i32
    %dma_wait3A_3672 = tpu.memref_slice %arg3[%mul3A_5, %dma_wait3A_3671] : memref<64x128xi32, #tpu.memory_space<hbm>> -> memref<2x128xi32, #tpu.memory_space<hbm>>
    tpu.wait_dma2 semaphore(%arg18 : memref<!tpu.dma_semaphore, #tpu.memory_space<semaphore_mem>>) src(%dma_wait3A_3672 : memref<2x128xi32, #tpu.memory_space<hbm>>) dst(%dma_wait3A_3670 : memref<2x128xi32, #tpu.memory_space<vmem>>)
    %dma_start3A_3673 = arith.constant 4 : i32
    %dma_start3A_3674 = arith.constant 0 : i32
    %dma_start3A_3675 = tpu.memref_slice %arg9[%dma_start3A_3673, %dma_start3A_3674] : memref<6x128xi32, #tpu.memory_space<vmem>> -> memref<1x128xi32, #tpu.memory_space<vmem>>
    %dma_start3A_3676 = tpu.memref_squeeze %dma_start3A_3675 : memref<1x128xi32, #tpu.memory_space<vmem>> -> memref<128xi32, #tpu.memory_space<vmem>>
    %dma_start3A_3677 = arith.constant 0 : i32
    %dma_start3A_3678 = arith.constant 0 : i32
    %dma_start3A_3679 = tpu.memref_slice %arg24[%dma_start3A_3677, %dma_start3A_3678] : memref<112x128xf32, #tpu.memory_space<vmem_shared>> -> memref<112x128xf32, #tpu.memory_space<vmem_shared>>
    tpu.enqueue_indirect_dma source(%dma_start3A_3679 : memref<112x128xf32, #tpu.memory_space<vmem_shared>>) target(%arg5 : memref<128x128xf32, #tpu.memory_space<vmem>>) offsets(%dma_start3A_3676 : memref<128xi32, #tpu.memory_space<vmem>>) semaphore(%arg15 : memref<!tpu.dma_semaphore, #tpu.memory_space<semaphore_mem>>)
    %dma_start3A_3680 = arith.constant 5 : i32
    %dma_start3A_3681 = arith.constant 0 : i32
    %dma_start3A_3682 = tpu.memref_slice %arg9[%dma_start3A_3680, %dma_start3A_3681] : memref<6x128xi32, #tpu.memory_space<vmem>> -> memref<1x128xi32, #tpu.memory_space<vmem>>
    %dma_start3A_3683 = tpu.memref_squeeze %dma_start3A_3682 : memref<1x128xi32, #tpu.memory_space<vmem>> -> memref<128xi32, #tpu.memory_space<vmem>>
    %dma_start3A_3684 = arith.constant 0 : i32
    %dma_start3A_3685 = arith.constant 0 : i32
    %dma_start3A_3686 = tpu.memref_slice %arg24[%dma_start3A_3684, %dma_start3A_3685] : memref<112x128xf32, #tpu.memory_space<vmem_shared>> -> memref<112x128xf32, #tpu.memory_space<vmem_shared>>
    tpu.enqueue_indirect_dma source(%dma_start3A_3686 : memref<112x128xf32, #tpu.memory_space<vmem_shared>>) target(%arg6 : memref<128x128xf32, #tpu.memory_space<vmem>>) offsets(%dma_start3A_3683 : memref<128xi32, #tpu.memory_space<vmem>>) semaphore(%arg16 : memref<!tpu.dma_semaphore, #tpu.memory_space<semaphore_mem>>)
    %dma_wait3A_3687 = arith.constant 4 : i32
    %dma_wait3A_3688 = arith.constant 0 : i32
    %dma_wait3A_3689 = tpu.memref_slice %arg9[%dma_wait3A_3687, %dma_wait3A_3688] : memref<6x128xi32, #tpu.memory_space<vmem>> -> memref<1x128xi32, #tpu.memory_space<vmem>>
    %dma_wait3A_3690 = tpu.memref_squeeze %dma_wait3A_3689 : memref<1x128xi32, #tpu.memory_space<vmem>> -> memref<128xi32, #tpu.memory_space<vmem>>
    %dma_wait3A_3691 = arith.constant 0 : i32
    %dma_wait3A_3692 = arith.constant 0 : i32
    %dma_wait3A_3693 = tpu.memref_slice %arg24[%dma_wait3A_3691, %dma_wait3A_3692] : memref<112x128xf32, #tpu.memory_space<vmem_shared>> -> memref<112x128xf32, #tpu.memory_space<vmem_shared>>
    tpu.wait_indirect_dma semaphore(%arg15 : memref<!tpu.dma_semaphore, #tpu.memory_space<semaphore_mem>>) src(%dma_wait3A_3693 : memref<112x128xf32, #tpu.memory_space<vmem_shared>>) dst(%arg5 : memref<128x128xf32, #tpu.memory_space<vmem>>)
    %mul3A_3694 = arith.constant 256 : i32
    %mul3A_3695 = arith.muli %add3A, %mul3A_3694 : i32
    %dma_start3A_3696 = arith.constant 0 : i32
    %dma_start3A_3697 = tpu.memref_slice %arg4[%mul3A_3695, %dma_start3A_3696] : memref<8192x128xf32, #tpu.memory_space<hbm>> -> memref<128x128xf32, #tpu.memory_space<hbm>>
    %dma_start3A_3698 = arith.constant 0 : i32
    %dma_start3A_3699 = tpu.memref_slice %arg4[%mul3A_3695, %dma_start3A_3698] : memref<8192x128xf32, #tpu.memory_space<hbm>> -> memref<128x128xf32, #tpu.memory_space<hbm>>
    tpu.enqueue_dma source(%arg5 : memref<128x128xf32, #tpu.memory_space<vmem>>) target(%dma_start3A_3699 : memref<128x128xf32, #tpu.memory_space<hbm>>) target_semaphore(%arg19 : memref<!tpu.dma_semaphore, #tpu.memory_space<semaphore_mem>>)
    %dma_wait3A_3700 = arith.constant 5 : i32
    %dma_wait3A_3701 = arith.constant 0 : i32
    %dma_wait3A_3702 = tpu.memref_slice %arg9[%dma_wait3A_3700, %dma_wait3A_3701] : memref<6x128xi32, #tpu.memory_space<vmem>> -> memref<1x128xi32, #tpu.memory_space<vmem>>
    %dma_wait3A_3703 = tpu.memref_squeeze %dma_wait3A_3702 : memref<1x128xi32, #tpu.memory_space<vmem>> -> memref<128xi32, #tpu.memory_space<vmem>>
    %dma_wait3A_3704 = arith.constant 0 : i32
    %dma_wait3A_3705 = arith.constant 0 : i32
    %dma_wait3A_3706 = tpu.memref_slice %arg24[%dma_wait3A_3704, %dma_wait3A_3705] : memref<112x128xf32, #tpu.memory_space<vmem_shared>> -> memref<112x128xf32, #tpu.memory_space<vmem_shared>>
    tpu.wait_indirect_dma semaphore(%arg16 : memref<!tpu.dma_semaphore, #tpu.memory_space<semaphore_mem>>) src(%dma_wait3A_3706 : memref<112x128xf32, #tpu.memory_space<vmem_shared>>) dst(%arg6 : memref<128x128xf32, #tpu.memory_space<vmem>>)
    %mul3A_3707 = arith.constant 256 : i32
    %mul3A_3708 = arith.muli %add3A, %mul3A_3707 : i32
    %add3A_3709 = arith.constant 128 : i32
    %add3A_3710 = arith.addi %mul3A_3708, %add3A_3709 : i32
    %dma_start3A_3711 = arith.constant 0 : i32
    %dma_start3A_3712 = tpu.memref_slice %arg4[%add3A_3710, %dma_start3A_3711] : memref<8192x128xf32, #tpu.memory_space<hbm>> -> memref<128x128xf32, #tpu.memory_space<hbm>>
    %dma_start3A_3713 = arith.constant 0 : i32
    %dma_start3A_3714 = tpu.memref_slice %arg4[%add3A_3710, %dma_start3A_3713] : memref<8192x128xf32, #tpu.memory_space<hbm>> -> memref<128x128xf32, #tpu.memory_space<hbm>>
    tpu.enqueue_dma source(%arg6 : memref<128x128xf32, #tpu.memory_space<vmem>>) target(%dma_start3A_3714 : memref<128x128xf32, #tpu.memory_space<hbm>>) target_semaphore(%arg20 : memref<!tpu.dma_semaphore, #tpu.memory_space<semaphore_mem>>)
    %dma_wait3A_3715 = arith.constant 0 : i32
    %dma_wait3A_3716 = tpu.memref_slice %arg4[%mul3A_3695, %dma_wait3A_3715] : memref<8192x128xf32, #tpu.memory_space<hbm>> -> memref<128x128xf32, #tpu.memory_space<hbm>>
    %dma_wait3A_3717 = arith.constant 0 : i32
    %dma_wait3A_3718 = tpu.memref_slice %arg4[%mul3A_3695, %dma_wait3A_3717] : memref<8192x128xf32, #tpu.memory_space<hbm>> -> memref<128x128xf32, #tpu.memory_space<hbm>>
    tpu.wait_dma2 semaphore(%arg19 : memref<!tpu.dma_semaphore, #tpu.memory_space<semaphore_mem>>) src(%arg5 : memref<128x128xf32, #tpu.memory_space<vmem>>) dst(%dma_wait3A_3718 : memref<128x128xf32, #tpu.memory_space<hbm>>)
    %dma_wait3A_3719 = arith.constant 0 : i32
    %dma_wait3A_3720 = tpu.memref_slice %arg4[%add3A_3710, %dma_wait3A_3719] : memref<8192x128xf32, #tpu.memory_space<hbm>> -> memref<128x128xf32, #tpu.memory_space<hbm>>
    %dma_wait3A_3721 = arith.constant 0 : i32
    %dma_wait3A_3722 = tpu.memref_slice %arg4[%add3A_3710, %dma_wait3A_3721] : memref<8192x128xf32, #tpu.memory_space<hbm>> -> memref<128x128xf32, #tpu.memory_space<hbm>>
    tpu.wait_dma2 semaphore(%arg20 : memref<!tpu.dma_semaphore, #tpu.memory_space<semaphore_mem>>) src(%arg6 : memref<128x128xf32, #tpu.memory_space<vmem>>) dst(%dma_wait3A_3722 : memref<128x128xf32, #tpu.memory_space<hbm>>)
    return
  }
}

</mosaic_0001>

<sc_bundles>
// kernel: kernel.3.cloned.1.call-start
scs
__scs_entry_jumppad:
0x0: {  	(pc) =	sbr.rel $0x88, $3  }
0x1: {  	(tag) =	ssettag $0x0;
	lr =	simm.s32 $0x1  }
0x2: {  	[smem:$0x3F9F] =	sst lr;
	_ =	strace $0xD0000000  }
0x3: {  	_ = 	snop  }
0x4: {  	_ = 	snop  }
0x5: {  	_ = 	snop  }
0x6: {  	_ = 	snop  }
0x7: {  	_ = 	snop  }
__scs_overlays_trampoline_lowered:
0x8: {  	[smem:$0x3FAE] =	sst s0  }
0x9: {  	[smem:$0x3FAF] =	sst s1  }
0xa: {  	[smem:$0x3FB0] =	sst s2  }
0xb: {  	[smem:$0x3FB1] =	sst s3  }
0xc: {  	[smem:$0x3FB2] =	sst s4  }
0xd: {  	[smem:$0x3FB3] =	sst s5  }
0xe: {  	[smem:$0x3FB4] =	sst s6  }
0xf: {  	[smem:$0x3FB5] =	sst s7  }
0x10: {  	[smem:$0x3FB6] =	sst s8  }
0x11: {  	[smem:$0x3FB7] =	sst s9;
	s0 =	simm.s32 @!p0 $0x0  }
0x12: {  	s1 =	sld [smem:$0x3F9D];
	s0 =	simm.s32 @p0 $0x1  }
0x13: {  	[smem:$0x3FB8] =	sst s0;
	s0 =	simm.s32 @!p1 $0x0  }
0x14: {  	s2 =	sld [smem:$0x3F9C];
	s0 =	simm.s32 @p1 $0x1  }
0x15: {  	[smem:$0x3FB9] =	sst s0;
	s0 =	simm.s32 @!p2 $0x0  }
0x16: {  	s3 =	sld [smem:$0x3FDB];
	s0 =	simm.s32 @p2 $0x1  }
0x17: {  	s4 =	simm.s32 $0x1BF5;
	[smem:$0x3FBB] =	sst s0  }
0x18: {  	s0 =	sld [smem:$0x3F9E];
	_ =	swait.ge [sflag:s4], $0x0  }
0x19: {  	s7 =	sld [smem:$0x3F9F]  }
0x1a: {  	s8 =	sadd.s32 $0xFFFFE003, lr  }
0x1b: {  	s9 =	sadd.s32 $0xFFFFFEF7, lr;
	s5 =	simm.s32 $0xFFFFFFFF;
	p2 =	slt.u32 s8, $0xFFFFF086  }
0x1c: {  	p1 =	slt.u32 s9, $0xF7A;
	s5 =	simm.s32 @!p2 $0x0  }
0x1d: {  	s5 =	simm.s32 @p1 $0x1;
	p0 =	seq.s32 s7, s2  }
0x1e: {  	s7 =	smul.u32 @!p0 $0xF7A, s2;
	p2 =	seq.s32 @!p0 s5, $0x0  }
0x1f: {  	s9 =	smul.u32 $0xF7A, s1;
	s8 =	simm.s32 @!p0 $0x1BF5;
	p2 =	por !p2, p0  }
0x20: {  	[sflag:s8] =	ssyncset.s32 @!p0 $0xFFFFF086;
	s6 =	sadd.s32 @!p0 s3, s7;
	s7 =	simm.s32 @!p0 $0x108  }
0x21: {  	s3 =	sadd.s32 s3, s9;
	s6 =	sadd.s32 @!p0 $0x88, s6;
	s7 =	simm.s32 @p2 $0x1082  }
0x22: {  	[simem:s7], [sflag:s8] =	dma.local @!p0 [hbm:s6], $0xF7A  }
0x23: {  	s9 =	sor.u32 $0xD0000000, s2;
	s6 =	simm.s32 $0x108;
	_ =	swait.ge @!p0 [sflag:s8], $0x0  }
0x24: {  	s3 =	sadd.s32 $0x88, s3;
	s6 =	simm.s32 @!p1 $0x1082;
	[sflag:s4] =	ssyncset.s32 $0xFFFFF086  }
0x25: {  	[simem:s6], [sflag:s4] =	dma.local [hbm:s3], $0xF7A  }
0x26: {  	[smem:$0x3F9F] =	sst s1;
	(tag) =	ssettag s2;
	_ =	strace s9  }
0x27: {  	s1 =	sld [smem:$0x3FAF]  }
0x28: {  	s2 =	sld [smem:$0x3FB0]  }
0x29: {  	s4 =	sld [smem:$0x3FB2]  }
0x2a: {  	p0 =	seq.s32 s5, $0x0;
	s5 =	sld [smem:$0x3FB3]  }
0x2b: {  	s6 =	sld [smem:$0x3FB4]  }
0x2c: {  	s7 =	sld [smem:$0x3FB5]  }
0x2d: {  	s3 =	simm.s32 $0x108;
	s8 =	sld [smem:$0x3FB6]  }
0x2e: {  	s3 =	simm.s32 @!p0 $0x1082;
	s9 =	sld [smem:$0x3FB7]  }
0x2f: {  	lr =	sadd.s32 s0, s3;
	s0 =	sld [smem:$0x3FAE]  }
0x30: {  	s3 =	sld [smem:$0x3FB1]  }
0x31: {  	[smem:$0x3FBA] =	sst s10  }
0x32: {  	s10 =	sld [smem:$0x3FB8];
	_ =	sdelay $0x3  }
0x33: {  	p0 =	seq.s32 s10, $0x1;
	s10 =	sld [smem:$0x3FBA];
	_ =	sdelay $0x3  }
0x34: {  	[smem:$0x3FBA] =	sst s10  }
0x35: {  	s10 =	sld [smem:$0x3FB9];
	_ =	sdelay $0x3  }
0x36: {  	p1 =	seq.s32 s10, $0x1;
	s10 =	sld [smem:$0x3FBA];
	_ =	sdelay $0x3  }
0x37: {  	[smem:$0x3FBA] =	sst s10  }
0x38: {  	s10 =	sld [smem:$0x3FBB]  }
0x39: {  	_ = 	snop;
	(pc) =	sbr.ind lr, $3  }
0x3a: {  	_ = 	snop  }
0x3b: {  	_ = 	snop  }
0x3c: {  	p2 =	seq.s32 s10, $0x1;
	s10 =	sld [smem:$0x3FBA]  }
0x3d: {  	_ =	shalt  }
0x3e: {  	_ =	shalt  }
0x3f: {  	_ =	shalt  }
0x40: {  	_ =	shalt  }
0x41: {  	_ =	shalt  }
0x42: {  	_ =	shalt  }
0x43: {  	_ =	shalt  }
0x44: {  	_ =	shalt  }
0x45: {  	_ =	shalt  }
0x46: {  	_ =	shalt  }
0x47: {  	_ =	shalt  }
0x48: {  	_ =	shalt  }
0x49: {  	_ =	shalt  }
0x4a: {  	_ =	shalt  }
0x4b: {  	_ =	shalt  }
0x4c: {  	_ =	shalt  }
0x4d: {  	_ =	shalt  }
0x4e: {  	_ =	shalt  }
0x4f: {  	_ =	shalt  }
0x50: {  	_ =	shalt  }
0x51: {  	_ =	shalt  }
0x52: {  	_ =	shalt  }
0x53: {  	_ =	shalt  }
0x54: {  	_ =	shalt  }
0x55: {  	_ =	shalt  }
0x56: {  	_ =	shalt  }
0x57: {  	_ =	shalt  }
0x58: {  	_ =	shalt  }
0x59: {  	_ =	shalt  }
0x5a: {  	_ =	shalt  }
0x5b: {  	_ =	shalt  }
0x5c: {  	_ =	shalt  }
0x5d: {  	_ =	shalt  }
0x5e: {  	_ =	shalt  }
0x5f: {  	_ =	shalt  }
0x60: {  	_ =	shalt  }
0x61: {  	_ =	shalt  }
0x62: {  	_ =	shalt  }
0x63: {  	_ =	shalt  }
0x64: {  	_ =	shalt  }
0x65: {  	_ =	shalt  }
0x66: {  	_ =	shalt  }
0x67: {  	_ =	shalt  }
0x68: {  	_ =	shalt  }
0x69: {  	_ =	shalt  }
0x6a: {  	_ =	shalt  }
0x6b: {  	_ =	shalt  }
0x6c: {  	_ =	shalt  }
0x6d: {  	_ =	shalt  }
0x6e: {  	_ =	shalt  }
0x6f: {  	_ =	shalt  }
0x70: {  	_ =	shalt  }
0x71: {  	_ =	shalt  }
0x72: {  	_ =	shalt  }
0x73: {  	_ =	shalt  }
0x74: {  	_ =	shalt  }
0x75: {  	_ =	shalt  }
0x76: {  	_ =	shalt  }
0x77: {  	_ =	shalt  }
0x78: {  	_ =	shalt  }
0x79: {  	_ =	shalt  }
0x7a: {  	_ =	shalt  }
0x7b: {  	_ =	shalt  }
0x7c: {  	_ =	shalt  }
0x7d: {  	_ =	shalt  }
0x7e: {  	_ =	shalt  }
0x7f: {  	_ =	shalt  }
0x80: {  	_ =	shalt  }
0x81: {  	_ =	shalt  }
0x82: {  	_ =	shalt  }
0x83: {  	_ =	shalt  }
0x84: {  	_ =	shalt  }
0x85: {  	_ =	shalt  }
0x86: {  	_ =	shalt  }
0x87: {  	_ =	shalt  }
.Lfunc_end0:
.L_simem_size_0:
called_computation_lowered:
.L_overlay_start_0:
0x88: {  	s2 =	sld [smem:$0x3FD9]  }
0x89: {  	s3 =	sld [smem:$0x3FFE];
	_ =	sdelay $0x1  }
0x8a: {  	s1 =	srdreg.scid  }
0x8b: {  	s0 =	sand.u32 $0x1, s1  }
0x8c: {  	s18 =	sshll.u32 s0, $0xA;
	s2 =	sadd.s32 s3, s2  }
0x8d: {  	s2 =	sadd.s32 s2, s18  }
0x8e: {  	[smem:$0x3FC6] =	sst s2  }
0x8f: {  	_ = 	snop  }
0x90: {  	s2 =	sld [smem:$0x3FC9]  }
0x91: {  	s19 =	sld [smem:$0x3FC8]  }
0x92: {  	s4 =	sld [smem:$0x3FD0];
	(tm) =	ssettm $0x1  }
0x93: {  	s5 =	sld [smem:$0x3FFB];
	_ =	sdelay $0x3  }
0x94: {  	_ =	strace s5  }
0x95: {  	s5 =	sld [smem:$0x3FFC];
	_ =	sdelay $0x3  }
0x96: {  	_ =	strace s5  }
0x97: {  	s5 =	sld [smem:$0x3FFD];
	_ =	sdelay $0x3  }
0x98: {  	_ =	strace s5  }
0x99: {  	_ =	strace $0x8FFFFFFF  }
0x9a: {  	s20 =	sld [smem:$0x3FDB];
	_ =	sdelay $0x1  }
0x9b: {  	s6 =	simm.s32 $_scs_section_size  }
0x9c: {  	s7 =	simm.s32 $_size__tile_overlayer_lowered;
	s8 =	simm.s32 $_tile_overlayer_lowered  }
0x9d: {  	s23 =	simm.s32 $0x1BFF;
	s22 =	sshll.u32 s8, $0x1;
	s5 =	sadd.s32 s6, s20  }
0x9e: {  	s9 =	simm.s32 $0x0;
	s21 =	sshll.u32 s7, $0x1;
	s7 =	sadd.s32 s22, s5  }
0x9f: {  	[timem:s9], [sflag:s23] =	dma.local [hbm:s7], s21  }
0xa0: {  	_ =	swait.ge [sflag:s23], s21  }
0xa1: {  	s6 =	ssub.s32 $0x0, s21;
	[sflag:s23] =	ssyncset.done $0x0  }
0xa2: {  	[sflag:s23] =	ssyncadd.s32 s6;
	_ =	sdelay $0x1  }
0xa3: {  	s24 =	simm.s32 $0x1B8B  }
0xa4: {  	_ =	swait.ge [sflag:s24], $0x1  }
0xa5: {  	[sflag:s24] =	ssyncset.done $0x0  }
0xa6: {  	s25 =	simm.s32 $0x1B8E;
	[sflag:s24] =	ssyncadd.s32 $0xFFFFFFFF  }
0xa7: {  	s26 =	simm.s32 $execute0_lowered;
	[smem:$0x3FD2] =	sst s25  }
0xa8: {  	s6 =	sshll.u32 s26, $0x1;
	_ =	strace $0x80000046;
	[dreg:$0x1] =	wrdreg $0xFFFFFFFF  }
0xa9: {  	s28 =	simm.s32 $_size_execute0_lowered;
	s5 =	sadd.s32 s5, s6;
	[dreg:$0x0] =	wrdreg $0x0  }
0xaa: {  	s6 =	sshll.u32 s28, $0x1;
	[dreg:$0x2] =	wrdreg s5  }
0xab: {  	[dreg:$0x3] =	wrdreg s6  }
0xac: {  	[dreg:$0x4] =	wrdreg $0xC0  }
0xad: {  	_ =	task [dreg:s9], $0x5FFFF  }
0xae: {  	[dreg:$0x1] =	wrdreg $0xFFFFFFFF  }
0xaf: {  	[dreg:$0x0] =	wrdreg $0x60  }
0xb0: {  	[dreg:$0x2] =	wrdreg s2  }
0xb1: {  	[dreg:$0x3] =	wrdreg s19  }
0xb2: {  	[dreg:$0x4] =	wrdreg s4  }
0xb3: {  	[dreg:$0x5] =	wrdreg $0x154000  }
0xb4: {  	[dreg:$0x6] =	wrdreg $0x157800  }
0xb5: {  	[dreg:$0x7] =	wrdreg $0x15B000  }
0xb6: {  	[dreg:$0x8] =	wrdreg $0x15E800  }
0xb7: {  	[dreg:$0x9] =	wrdreg $0x9  }
0xb8: {  	_ =	task.clear_ibuf [dreg:s9], $0xAFFFF;
	_ =	strace $0x90000046  }
0xb9: {  	s29 =	simm.s32 $0x9;
	_ =	strace $0x80000048  }
0xba: {  	_ =	swait.ge [sflag:s29], $0x1  }
0xbb: {  	[sflag:s29] =	ssyncadd.s32 $0xFFFFFFFF  }
0xbc: {  	_ =	strace $0x90000048  }
0xbd: {  	_ =	sfence  }
0xbe: {  	s30 =	sld [smem:$0x0];
	_ =	sdelay $0x2  }
0xbf: {  	s31 =	sshll.u32 s1, $0xD;
	s1 =	sshrl.u32 s1, $0x2  }
0xc0: {  	s3 =	sand.u32 $0x4000, s31;
	s1 =	sadd.s32 s1, s30  }
0xc1: {  	s0 =	sor.u32 s3, s0;
	s1 =	sshll.u32 s1, $0x11  }
0xc2: {  	s0 =	sor.u32 s1, s0  }
0xc3: {  	s0 =	sadd.s32 $0x8F2B, s0  }
0xc4: {  	[sflag:s0] =	ssyncadd.remote.s32 $0x1  }
0xc5: {  	_ =	sfence.sel $0xFFFF  }
0xc6: {  	[dreg:$0x0] =	wrdreg $0xFFFFFFFF;
	(pc) =	sbr.abs _section_cstart, $3  }
0xc7: {  	[dreg:$0x1] =	wrdreg $0xFFFFFFFF  }
0xc8: {  	_ =	task.clear_ibuf [dreg:s9], $0x2FFFF;
	_ =	strace $0x9FFFFFFF  }
0xc9: {  	(tm) =	ssettm $0x7FFFFFFF  }
tec
execute0_lowered:
.L_overlay_start_1:
0x0: {  	(tag) =	ssettag $0x1  }
0x1: {  	s0 =	rddreg [dreg:$0x0]  }
0x2: {  	s4 =	rddreg [dreg:$0x1]  }
0x3: {  	s6 =	rddreg [dreg:$0x2]  }
0x4: {  	s1 =	rddreg [dreg:$0x3]  }
0x5: {  	s2 =	rddreg [dreg:$0x4]  }
0x6: {  	s3 =	rddreg [dreg:$0x5]  }
0x7: {  	s16 =	rddreg [dreg:$0x6];
	s7 =	srdreg.scid;
	s5 =	simm.s32 $0x0  }
0x8: {  	s8 =	stileid.u32;
	s28 =	simm.s32 $0x10100;
	s29 =	simm.s32 $0x10180  }
0x9: {  	s30 =	simm.s32 $0x1;
	s31 =	simm.s32 $0x5;
	s7 =	sand.u32 $0x1, s7  }
0xa: {  	[smem:$0x7FF] =	sst s5;
	s10 =	sshll.u32 s8, $0x5;
	s20 =	sshll.u32 s8, $0xD  }
0xb: {  	s21 =	sshll.u32 s8, $0x6;
	s22 =	smul.u32 $0x380, s8;
	p0 =	sne.s32 s8, $0x0  }
0xc: {  	s9 =	sshll.u32 s7, $0x4;
	_ =	strace $0x80000047;
	s7 =	ssub.s32 $0x2, s7  }
0xd: {  	s10 =	sand.u32 $0x60, s10;
	s9 =	sor.u32 s8, s9;
	s12 =	sshrl.u32 s7, $0x1  }
0xe: {  	s10 =	sadd.s32 s4, s10;
	s4 =	sadd.s32 s4, s21;
	s13 =	sadd.s32 s22, s2  }
0xf: {  	s14 =	sadd.s32 s22, s3;
	s16 =	sadd.s32 s22, s16;
	s21 =	simm.s32 $0x7  }
0x10: {  	s8 =	simm.s32 $0x0;
	s11 =	sshll.u32 s9, $0x5;
	s18 =	ssub.s32 s7, s12  }
0x11: {  	s7 =	sadd.s32 s0, s20;
	[dreg:$0x9] =	wrdreg s4;
	s12 =	sadd.s32 s22, s1  }
0x12: {  	s26 =	sshll.u32 s9, $0xC;
	s20 =	simm.s32 $0x10000;
	s22 =	simm.s32 $0x8000  }
0x13: {  	s0 =	simm.s32 $0x2;
	s4 =	simm.s32 $0x3;
	s11 =	sand.u32 $0x380, s11  }
0x14: {  	s23 =	sadd.s32 $0x800, s7;
	s24 =	sadd.s32 $0x1000, s7;
	s25 =	sadd.s32 $0x1800, s7  }
0x15: {  	s15 =	sadd.s32 s6, s26;
	s18 =	smax.u32 s18, $0x1;
	[dreg:$0xa] =	wrdreg s23  }
0x16: {  	s26 =	simm.s32 $0x10080;
	s6 =	simm.s32 $0x4;
	[dreg:$0xb] =	wrdreg s24  }
0x17: {  	s19 =	sadd.s32 s11, s10;
	[dreg:$0xc] =	wrdreg s25;
	s17 =	sadd.s32 $0x800, s15  }
0x18: {  	s10 =	simm.s32 $0x10200;
	s23 =	simm.s32 $0x4000;
	s24 =	simm.s32 $0x80  }
0x19: {  	v0 =	vimm.f32 $0.0e+00;
	v1 =	vimm.f32 $1.000000000e+00;
	s25 =	simm.s32 $0x10400;
	[dreg:$0x8] =	wrdreg s19;
	s19 =	simm.s32 $0x6  }
.LBB2_1:
0x1a: {  	s9 =	rddreg [dreg:$0x8]  }
0x1b: {  	[tilespmem:s10], [sflag:$0x4] =	stream.linear.gather [hbm4b:s9+s5], $0x100, $0x38;
	[tilespmem:$0x16200] =	vst v63  }
.Ltmp0:
0x1c: {  	s11 =	rddreg [dreg:$0x9];
	(pc) =	sbr.rel @p0 .LBB2_5-.Ltmp0, $4  }
0x1d: {  	[tilespmem:s20], [sflag:$0x7] =	stream.linear.gather [hbm4b:s11+s5], $0x200, $0x38;
	[tilespmem:$0x16200] =	vst v63  }
0x1e: {  	_ =	swait.ge [sflag:s21], $0x200  }
0x1f: {  	[sflag:s21] =	ssyncset.done $0x0  }
0x20: {  	[sflag:s21] =	ssyncadd.s32 $0xFFFFFE00  }
0x21: {  	s9 =	sshra.s32 s5, $0x2;
	s10 =	sadd.s32 $0x200, s5  }
.LBB2_3:
0x22: {  	p1 =	sne.s32 s10, $0xDE00;
	[tilespmem:s9+$0x8070] =	vst v0  }
0x23: {  	[tilespmem:s9+$0x8000] =	vst v0  }
0x24: {  	[tilespmem:s9+$0x8010] =	vst v0  }
.Ltmp1:
0x25: {  	[tilespmem:s9+$0x8020] =	vst v0;
	(pc) =	sbr.rel @p1 .LBB2_3-.Ltmp1, $4  }
0x26: {  	[tilespmem:s9+$0x8030] =	vst v0  }
0x27: {  	[tilespmem:s9+$0x8040] =	vst v0  }
0x28: {  	[tilespmem:s9+$0x8050] =	vst v0  }
0x29: {  	[tilespmem:s9+$0x8060] =	vst v0;
	s9 =	sshra.s32 s10, $0x2;
	s10 =	sadd.s32 $0x200, s10  }
0x2a: {  	[tilespmem:s9+$0x8070] =	vst v0  }
0x2b: {  	[tilespmem:s9+$0x8000] =	vst v0  }
0x2c: {  	[tilespmem:s9+$0x8010] =	vst v0  }
0x2d: {  	[tilespmem:s9+$0x8020] =	vst v0  }
0x2e: {  	[tilespmem:s9+$0x8030] =	vst v0  }
0x2f: {  	[tilespmem:s9+$0x8040] =	vst v0  }
0x30: {  	[tilespmem:s9+$0x8050] =	vst v0  }
0x31: {  	[tilespmem:s9+$0x8060] =	vst v0  }
0x32: {  	[spmem:s1] =	stream.linear.scatter [tilespmem:s22], [sflag:$0x7], $0x3800, $0x38;
	[tilespmem:$0x16200] =	vst v63  }
0x33: {  	_ =	swait.ge [sflag:s21], $0x3800  }
0x34: {  	[sflag:s21] =	ssyncset.done $0x0  }
0x35: {  	[sflag:s21] =	ssyncadd.s32 $0xFFFFC800  }
0x36: {  	[spmem:s2] =	stream.linear.scatter [tilespmem:s22], [sflag:$0x7], $0x3800, $0x38;
	[tilespmem:$0x16200] =	vst v63  }
0x37: {  	_ =	swait.ge [sflag:s21], $0x3800  }
0x38: {  	[sflag:s21] =	ssyncset.done $0x0  }
0x39: {  	[sflag:s21] =	ssyncadd.s32 $0xFFFFC800  }
0x3a: {  	[spmem:s3] =	stream.linear.scatter [tilespmem:s22], [sflag:$0x7], $0x3800, $0x38;
	[tilespmem:$0x16200] =	vst v63  }
0x3b: {  	_ =	swait.ge [sflag:s21], $0x3800  }
0x3c: {  	[sflag:s21] =	ssyncset.done $0x0  }
0x3d: {  	[sflag:s21] =	ssyncadd.s32 $0xFFFFC800  }
.LBB2_5:
0x3e: {  	s9 =	simm.s32 $0x0;
	s10 =	simm.s32 $0x200  }
.LBB2_6:
0x3f: {  	p1 =	sne.s32 s10, $0xFE00;
	[tilespmem:s9+$0x10470] =	vst v1  }
0x40: {  	[tilespmem:s9+$0x10400] =	vst v1  }
0x41: {  	[tilespmem:s9+$0x10410] =	vst v1  }
.Ltmp2:
0x42: {  	[tilespmem:s9+$0x10420] =	vst v1;
	(pc) =	sbr.rel @p1 .LBB2_6-.Ltmp2, $4  }
0x43: {  	[tilespmem:s9+$0x10430] =	vst v1  }
0x44: {  	[tilespmem:s9+$0x10440] =	vst v1  }
0x45: {  	[tilespmem:s9+$0x10450] =	vst v1  }
0x46: {  	[tilespmem:s9+$0x10460] =	vst v1;
	s9 =	sshra.s32 s10, $0x2;
	s10 =	sadd.s32 $0x200, s10  }
0x47: {  	[tilespmem:s9+$0x10470] =	vst v1  }
0x48: {  	[tilespmem:s9+$0x10400] =	vst v1  }
0x49: {  	[tilespmem:s9+$0x10410] =	vst v1  }
0x4a: {  	[tilespmem:s9+$0x10420] =	vst v1  }
0x4b: {  	[tilespmem:s9+$0x10430] =	vst v1  }
0x4c: {  	[tilespmem:s9+$0x10440] =	vst v1  }
0x4d: {  	[tilespmem:s9+$0x10450] =	vst v1  }
0x4e: {  	[tilespmem:s9+$0x10460] =	vst v1;
	s11 =	simm.s32 $0x0  }
0x4f: {  	[tilespmem:s11], [sflag:$0x1] =	stream.linear.gather [hbm4b:s7+s11], $0x4000, $0x38;
	[tilespmem:$0x16200] =	vst v63  }
0x50: {  	s10 =	rddreg [dreg:$0xa]  }
0x51: {  	[tilespmem:s23], [sflag:$0x2] =	stream.linear.gather [hbm4b:s10+s11], $0x4000, $0x38;
	[tilespmem:$0x16200] =	vst v63  }
0x52: {  	[bflag:$0x0] =	sbarrier.arrive $0xFFFF  }
0x53: {  	[spmem:s3] =	stream.indirect.scatter.add.f32 [tilespmem:s25], [sflag:$0x3], $0x80, s20, s24, $0xb8;
	[tilespmem:$0x16200] =	vst v63  }
0x54: {  	_ = 	snop  }
0x55: {  	[spmem:s3] =	stream.indirect.scatter.add.f32 [tilespmem:s25], [sflag:$0x3], $0x80, s26, s24, $0xb8;
	[tilespmem:$0x16200] =	vst v63  }
0x56: {  	_ = 	snop  }
0x57: {  	[spmem:s3] =	stream.indirect.scatter.add.f32 [tilespmem:s25], [sflag:$0x3], $0x80, s28, s24, $0xb8;
	[tilespmem:$0x16200] =	vst v63  }
0x58: {  	_ = 	snop  }
0x59: {  	[spmem:s3] =	stream.indirect.scatter.add.f32 [tilespmem:s25], [sflag:$0x3], $0x80, s29, s24, $0xb8;
	[tilespmem:$0x16200] =	vst v63  }
0x5a: {  	_ =	swait.ge [sflag:s30], $0x4000  }
0x5b: {  	[sflag:s30] =	ssyncset.done $0x0  }
0x5c: {  	s10 =	simm.s32 $0x0;
	[sflag:s30] =	ssyncadd.s32 $0xFFFFC000  }
0x5d: {  	[spmem:s1] =	stream.indirect.scatter.add.f32 [tilespmem:s11], [sflag:$0x5], $0x80, s20, s24, $0xb8;
	[tilespmem:$0x16200] =	vst v63  }
0x5e: {  	v3 =	vld [tilespmem:s10+$0x70]  }
0x5f: {  	v7 =	vld [tilespmem:s10+$0x0]  }
0x60: {  	v8 =	vld [tilespmem:s10+$0x10]  }
0x61: {  	v6 =	vld [tilespmem:s10+$0x20]  }
0x62: {  	v5 =	vld [tilespmem:s10+$0x30]  }
0x63: {  	v2 =	vld [tilespmem:s10+$0x40];
	v9 =	vmul.f32 v3, v3  }
0x64: {  	v3 =	vld [tilespmem:s10+$0x50];
	v7 =	vmul.f32 v7, v7  }
0x65: {  	s9 =	simm.s32 $0x80;
	s11 =	simm.s32 $0x400;
	v4 =	vld [tilespmem:s10+$0x60];
	v8 =	vmul.f32 v8, v8;
	[tilespmem:s10+$0x8070] =	vst v9  }
.LBB2_8:
0x66: {  	p1 =	sne.s32 s11, $0xFE00;
	v9 =	vld [tilespmem:s9+$0x70];
	[tilespmem:s10+$0x8000] =	vst v7;
	v6 =	vmul.f32 v6, v6  }
0x67: {  	v7 =	vld [tilespmem:s9+$0x0];
	[tilespmem:s10+$0x8010] =	vst v8;
	v5 =	vmul.f32 v5, v5  }
0x68: {  	v8 =	vld [tilespmem:s9+$0x10];
	[tilespmem:s10+$0x8020] =	vst v6;
	v2 =	vmul.f32 v2, v2  }
.Ltmp3:
0x69: {  	v6 =	vld [tilespmem:s9+$0x20];
	[tilespmem:s10+$0x8030] =	vst v5;
	v3 =	vmul.f32 v3, v3;
	(pc) =	sbr.rel @p1 .LBB2_8-.Ltmp3, $4  }
0x6a: {  	v5 =	vld [tilespmem:s9+$0x30];
	[tilespmem:s10+$0x8040] =	vst v2;
	v4 =	vmul.f32 v4, v4  }
0x6b: {  	v2 =	vld [tilespmem:s9+$0x40];
	v9 =	vmul.f32 v9, v9;
	[tilespmem:s10+$0x8050] =	vst v3  }
0x6c: {  	v7 =	vmul.f32 v7, v7;
	v3 =	vld [tilespmem:s9+$0x50];
	[tilespmem:s10+$0x8060] =	vst v4;
	s10 =	smov.u32 s9  }
0x6d: {  	s9 =	sshra.s32 s11, $0x2;
	s11 =	sadd.s32 $0x200, s11;
	v8 =	vmul.f32 v8, v8;
	v4 =	vld [tilespmem:s10+$0x60];
	[tilespmem:s10+$0x8070] =	vst v9  }
0x6e: {  	v9 =	vld [tilespmem:s9+$0x70];
	[tilespmem:s10+$0x8000] =	vst v7;
	v6 =	vmul.f32 v6, v6  }
0x6f: {  	v7 =	vld [tilespmem:s9+$0x0];
	[tilespmem:s10+$0x8010] =	vst v8;
	v5 =	vmul.f32 v5, v5  }
0x70: {  	v8 =	vld [tilespmem:s9+$0x10];
	[tilespmem:s10+$0x8020] =	vst v6;
	v2 =	vmul.f32 v2, v2  }
0x71: {  	v6 =	vld [tilespmem:s9+$0x20];
	[tilespmem:s10+$0x8030] =	vst v5;
	v3 =	vmul.f32 v3, v3  }
0x72: {  	v5 =	vld [tilespmem:s9+$0x30];
	[tilespmem:s10+$0x8040] =	vst v2;
	v4 =	vmul.f32 v4, v4  }
0x73: {  	v2 =	vld [tilespmem:s9+$0x40];
	[tilespmem:s10+$0x8050] =	vst v3;
	v9 =	vmul.f32 v9, v9  }
0x74: {  	v3 =	vld [tilespmem:s9+$0x50];
	[tilespmem:s10+$0x8060] =	vst v4;
	v4 =	vmul.f32 v7, v7  }
0x75: {  	v7 =	vld [tilespmem:s9+$0x60];
	v8 =	vmul.f32 v8, v8;
	[tilespmem:s9+$0x8070] =	vst v9  }
0x76: {  	[tilespmem:s9+$0x8000] =	vst v4;
	v4 =	vmul.f32 v6, v6  }
0x77: {  	[tilespmem:s9+$0x8010] =	vst v8;
	v5 =	vmul.f32 v5, v5  }
0x78: {  	[tilespmem:s9+$0x8020] =	vst v4;
	v2 =	vmul.f32 v2, v2  }
0x79: {  	[tilespmem:s9+$0x8030] =	vst v5;
	v3 =	vmul.f32 v3, v3  }
0x7a: {  	[tilespmem:s9+$0x8040] =	vst v2;
	v2 =	vmul.f32 v7, v7  }
0x7b: {  	[tilespmem:s9+$0x8050] =	vst v3  }
0x7c: {  	[tilespmem:s9+$0x8060] =	vst v2  }
0x7d: {  	[spmem:s2] =	stream.indirect.scatter.add.f32 [tilespmem:s22], [sflag:$0x6], $0x80, s20, s24, $0xb8;
	[tilespmem:$0x16200] =	vst v63  }
0x7e: {  	_ =	swait.ge [sflag:s31], $0x4000  }
0x7f: {  	[sflag:s31] =	ssyncset.done $0x0  }
0x80: {  	s10 =	simm.s32 $0x0;
	s11 =	rddreg [dreg:$0xb];
	[sflag:s31] =	ssyncadd.s32 $0xFFFFC000  }
0x81: {  	[tilespmem:s10], [sflag:$0x1] =	stream.linear.gather [hbm4b:s11+s10], $0x4000, $0x38;
	[tilespmem:$0x16200] =	vst v63  }
0x82: {  	_ =	swait.ge [sflag:s0], $0x4000  }
0x83: {  	[sflag:s0] =	ssyncset.done $0x0  }
0x84: {  	s10 =	simm.s32 $0x0;
	[sflag:s0] =	ssyncadd.s32 $0xFFFFC000  }
0x85: {  	[spmem:s1] =	stream.indirect.scatter.add.f32 [tilespmem:s23], [sflag:$0x5], $0x80, s26, s24, $0xb8;
	[tilespmem:$0x16200] =	vst v63  }
0x86: {  	v3 =	vld [tilespmem:s10+$0x4070]  }
0x87: {  	v7 =	vld [tilespmem:s10+$0x4000]  }
0x88: {  	v8 =	vld [tilespmem:s10+$0x4010]  }
0x89: {  	v6 =	vld [tilespmem:s10+$0x4020]  }
0x8a: {  	v5 =	vld [tilespmem:s10+$0x4030]  }
0x8b: {  	v2 =	vld [tilespmem:s10+$0x4040];
	v9 =	vmul.f32 v3, v3  }
0x8c: {  	v3 =	vld [tilespmem:s10+$0x4050];
	v7 =	vmul.f32 v7, v7  }
0x8d: {  	s9 =	simm.s32 $0x80;
	s11 =	simm.s32 $0x400;
	v4 =	vld [tilespmem:s10+$0x4060];
	v8 =	vmul.f32 v8, v8;
	[tilespmem:s10+$0xC070] =	vst v9  }
.LBB2_10:
0x8e: {  	p1 =	sne.s32 s11, $0xFE00;
	v9 =	vld [tilespmem:s9+$0x4070];
	[tilespmem:s10+$0xC000] =	vst v7;
	v6 =	vmul.f32 v6, v6  }
0x8f: {  	v7 =	vld [tilespmem:s9+$0x4000];
	[tilespmem:s10+$0xC010] =	vst v8;
	v5 =	vmul.f32 v5, v5  }
0x90: {  	v8 =	vld [tilespmem:s9+$0x4010];
	[tilespmem:s10+$0xC020] =	vst v6;
	v2 =	vmul.f32 v2, v2  }
.Ltmp4:
0x91: {  	v6 =	vld [tilespmem:s9+$0x4020];
	[tilespmem:s10+$0xC030] =	vst v5;
	v3 =	vmul.f32 v3, v3;
	(pc) =	sbr.rel @p1 .LBB2_10-.Ltmp4, $4  }
0x92: {  	v5 =	vld [tilespmem:s9+$0x4030];
	[tilespmem:s10+$0xC040] =	vst v2;
	v4 =	vmul.f32 v4, v4  }
0x93: {  	v2 =	vld [tilespmem:s9+$0x4040];
	v9 =	vmul.f32 v9, v9;
	[tilespmem:s10+$0xC050] =	vst v3  }
0x94: {  	v7 =	vmul.f32 v7, v7;
	v3 =	vld [tilespmem:s9+$0x4050];
	[tilespmem:s10+$0xC060] =	vst v4;
	s10 =	smov.u32 s9  }
0x95: {  	s9 =	sshra.s32 s11, $0x2;
	s11 =	sadd.s32 $0x200, s11;
	v8 =	vmul.f32 v8, v8;
	v4 =	vld [tilespmem:s10+$0x4060];
	[tilespmem:s10+$0xC070] =	vst v9  }
0x96: {  	v9 =	vld [tilespmem:s9+$0x4070];
	[tilespmem:s10+$0xC000] =	vst v7;
	v6 =	vmul.f32 v6, v6  }
0x97: {  	v7 =	vld [tilespmem:s9+$0x4000];
	[tilespmem:s10+$0xC010] =	vst v8;
	v5 =	vmul.f32 v5, v5  }
0x98: {  	v8 =	vld [tilespmem:s9+$0x4010];
	[tilespmem:s10+$0xC020] =	vst v6;
	v2 =	vmul.f32 v2, v2  }
0x99: {  	v6 =	vld [tilespmem:s9+$0x4020];
	[tilespmem:s10+$0xC030] =	vst v5;
	v3 =	vmul.f32 v3, v3  }
0x9a: {  	v5 =	vld [tilespmem:s9+$0x4030];
	[tilespmem:s10+$0xC040] =	vst v2;
	v4 =	vmul.f32 v4, v4  }
0x9b: {  	v2 =	vld [tilespmem:s9+$0x4040];
	[tilespmem:s10+$0xC050] =	vst v3;
	v9 =	vmul.f32 v9, v9  }
0x9c: {  	v3 =	vld [tilespmem:s9+$0x4050];
	[tilespmem:s10+$0xC060] =	vst v4;
	v4 =	vmul.f32 v7, v7  }
0x9d: {  	v7 =	vld [tilespmem:s9+$0x4060];
	v8 =	vmul.f32 v8, v8;
	[tilespmem:s9+$0xC070] =	vst v9  }
0x9e: {  	[tilespmem:s9+$0xC000] =	vst v4;
	v4 =	vmul.f32 v6, v6  }
0x9f: {  	[tilespmem:s9+$0xC010] =	vst v8;
	v5 =	vmul.f32 v5, v5  }
0xa0: {  	[tilespmem:s9+$0xC020] =	vst v4;
	v2 =	vmul.f32 v2, v2  }
0xa1: {  	[tilespmem:s9+$0xC030] =	vst v5;
	v3 =	vmul.f32 v3, v3  }
0xa2: {  	[tilespmem:s9+$0xC040] =	vst v2;
	v2 =	vmul.f32 v7, v7  }
0xa3: {  	[tilespmem:s9+$0xC050] =	vst v3  }
0xa4: {  	s10 =	simm.s32 $0xC000;
	[tilespmem:s9+$0xC060] =	vst v2  }
0xa5: {  	[spmem:s2] =	stream.indirect.scatter.add.f32 [tilespmem:s10], [sflag:$0x6], $0x80, s26, s24, $0xb8;
	[tilespmem:$0x16200] =	vst v63  }
0xa6: {  	_ =	swait.ge [sflag:s31], $0x4000  }
0xa7: {  	[sflag:s31] =	ssyncset.done $0x0  }
0xa8: {  	s9 =	simm.s32 $0x0;
	s11 =	rddreg [dreg:$0xc];
	[sflag:s31] =	ssyncadd.s32 $0xFFFFC000  }
0xa9: {  	[tilespmem:s23], [sflag:$0x2] =	stream.linear.gather [hbm4b:s11+s9], $0x4000, $0x38;
	[tilespmem:$0x16200] =	vst v63  }
0xaa: {  	_ =	swait.ge [sflag:s30], $0x4000  }
0xab: {  	[sflag:s30] =	ssyncset.done $0x0  }
0xac: {  	[sflag:s30] =	ssyncadd.s32 $0xFFFFC000  }
0xad: {  	[spmem:s1] =	stream.indirect.scatter.add.f32 [tilespmem:s9], [sflag:$0x5], $0x80, s28, s24, $0xb8;
	[tilespmem:$0x16200] =	vst v63  }
0xae: {  	_ =	swait.ge [sflag:s19], $0x4000  }
0xaf: {  	[sflag:s19] =	ssyncset.done $0x0  }
0xb0: {  	s10 =	simm.s32 $0x0;
	[sflag:s19] =	ssyncadd.s32 $0xFFFFC000  }
0xb1: {  	v3 =	vld [tilespmem:s10+$0x70]  }
0xb2: {  	v7 =	vld [tilespmem:s10+$0x0]  }
0xb3: {  	v8 =	vld [tilespmem:s10+$0x10]  }
0xb4: {  	v6 =	vld [tilespmem:s10+$0x20]  }
0xb5: {  	v5 =	vld [tilespmem:s10+$0x30]  }
0xb6: {  	v2 =	vld [tilespmem:s10+$0x40];
	v9 =	vmul.f32 v3, v3  }
0xb7: {  	v3 =	vld [tilespmem:s10+$0x50];
	v7 =	vmul.f32 v7, v7  }
0xb8: {  	s11 =	simm.s32 $0x400;
	s9 =	simm.s32 $0x80;
	v4 =	vld [tilespmem:s10+$0x60];
	v8 =	vmul.f32 v8, v8;
	[tilespmem:s10+$0x8070] =	vst v9  }
.LBB2_12:
0xb9: {  	p1 =	sne.s32 s11, $0xFE00;
	v9 =	vld [tilespmem:s9+$0x70];
	[tilespmem:s10+$0x8000] =	vst v7;
	v6 =	vmul.f32 v6, v6  }
0xba: {  	v7 =	vld [tilespmem:s9+$0x0];
	[tilespmem:s10+$0x8010] =	vst v8;
	v5 =	vmul.f32 v5, v5  }
0xbb: {  	v8 =	vld [tilespmem:s9+$0x10];
	[tilespmem:s10+$0x8020] =	vst v6;
	v2 =	vmul.f32 v2, v2  }
.Ltmp5:
0xbc: {  	v6 =	vld [tilespmem:s9+$0x20];
	[tilespmem:s10+$0x8030] =	vst v5;
	v3 =	vmul.f32 v3, v3;
	(pc) =	sbr.rel @p1 .LBB2_12-.Ltmp5, $4  }
0xbd: {  	v5 =	vld [tilespmem:s9+$0x30];
	[tilespmem:s10+$0x8040] =	vst v2;
	v4 =	vmul.f32 v4, v4  }
0xbe: {  	v2 =	vld [tilespmem:s9+$0x40];
	v9 =	vmul.f32 v9, v9;
	[tilespmem:s10+$0x8050] =	vst v3  }
0xbf: {  	v7 =	vmul.f32 v7, v7;
	v3 =	vld [tilespmem:s9+$0x50];
	[tilespmem:s10+$0x8060] =	vst v4;
	s10 =	smov.u32 s9  }
0xc0: {  	s9 =	sshra.s32 s11, $0x2;
	s11 =	sadd.s32 $0x200, s11;
	v8 =	vmul.f32 v8, v8;
	v4 =	vld [tilespmem:s10+$0x60];
	[tilespmem:s10+$0x8070] =	vst v9  }
0xc1: {  	v9 =	vld [tilespmem:s9+$0x70];
	[tilespmem:s10+$0x8000] =	vst v7;
	v6 =	vmul.f32 v6, v6  }
0xc2: {  	v7 =	vld [tilespmem:s9+$0x0];
	[tilespmem:s10+$0x8010] =	vst v8;
	v5 =	vmul.f32 v5, v5  }
0xc3: {  	v8 =	vld [tilespmem:s9+$0x10];
	[tilespmem:s10+$0x8020] =	vst v6;
	v2 =	vmul.f32 v2, v2  }
0xc4: {  	v6 =	vld [tilespmem:s9+$0x20];
	[tilespmem:s10+$0x8030] =	vst v5;
	v3 =	vmul.f32 v3, v3  }
0xc5: {  	v5 =	vld [tilespmem:s9+$0x30];
	[tilespmem:s10+$0x8040] =	vst v2;
	v4 =	vmul.f32 v4, v4  }
0xc6: {  	v2 =	vld [tilespmem:s9+$0x40];
	[tilespmem:s10+$0x8050] =	vst v3;
	v9 =	vmul.f32 v9, v9  }
0xc7: {  	v3 =	vld [tilespmem:s9+$0x50];
	[tilespmem:s10+$0x8060] =	vst v4;
	v4 =	vmul.f32 v7, v7  }
0xc8: {  	v7 =	vld [tilespmem:s9+$0x60];
	v8 =	vmul.f32 v8, v8;
	[tilespmem:s9+$0x8070] =	vst v9  }
0xc9: {  	[tilespmem:s9+$0x8000] =	vst v4;
	v4 =	vmul.f32 v6, v6  }
0xca: {  	[tilespmem:s9+$0x8010] =	vst v8;
	v5 =	vmul.f32 v5, v5  }
0xcb: {  	[tilespmem:s9+$0x8020] =	vst v4;
	v2 =	vmul.f32 v2, v2  }
0xcc: {  	[tilespmem:s9+$0x8030] =	vst v5;
	v3 =	vmul.f32 v3, v3  }
0xcd: {  	[tilespmem:s9+$0x8040] =	vst v2;
	v2 =	vmul.f32 v7, v7  }
0xce: {  	[tilespmem:s9+$0x8050] =	vst v3  }
0xcf: {  	[tilespmem:s9+$0x8060] =	vst v2  }
0xd0: {  	[spmem:s2] =	stream.indirect.scatter.add.f32 [tilespmem:s22], [sflag:$0x6], $0x80, s28, s24, $0xb8;
	[tilespmem:$0x16200] =	vst v63  }
0xd1: {  	_ =	swait.ge [sflag:s31], $0x4000  }
0xd2: {  	[sflag:s31] =	ssyncset.done $0x0  }
0xd3: {  	[sflag:s31] =	ssyncadd.s32 $0xFFFFC000  }
0xd4: {  	_ =	swait.ge [sflag:s0], $0x4000  }
0xd5: {  	[sflag:s0] =	ssyncset.done $0x0  }
0xd6: {  	[sflag:s0] =	ssyncadd.s32 $0xFFFFC000  }
0xd7: {  	[spmem:s1] =	stream.indirect.scatter.add.f32 [tilespmem:s23], [sflag:$0x5], $0x80, s29, s24, $0xb8;
	[tilespmem:$0x16200] =	vst v63  }
0xd8: {  	_ =	swait.ge [sflag:s19], $0x4000  }
0xd9: {  	[sflag:s19] =	ssyncset.done $0x0  }
0xda: {  	s10 =	simm.s32 $0x0;
	[sflag:s19] =	ssyncadd.s32 $0xFFFFC000  }
0xdb: {  	v3 =	vld [tilespmem:s10+$0x4070]  }
0xdc: {  	v7 =	vld [tilespmem:s10+$0x4000]  }
0xdd: {  	v8 =	vld [tilespmem:s10+$0x4010]  }
0xde: {  	v6 =	vld [tilespmem:s10+$0x4020]  }
0xdf: {  	v5 =	vld [tilespmem:s10+$0x4030]  }
0xe0: {  	v2 =	vld [tilespmem:s10+$0x4040];
	v9 =	vmul.f32 v3, v3  }
0xe1: {  	v3 =	vld [tilespmem:s10+$0x4050];
	v7 =	vmul.f32 v7, v7  }
0xe2: {  	s11 =	simm.s32 $0x400;
	s9 =	simm.s32 $0x80;
	v4 =	vld [tilespmem:s10+$0x4060];
	v8 =	vmul.f32 v8, v8;
	[tilespmem:s10+$0xC070] =	vst v9  }
.LBB2_14:
0xe3: {  	p1 =	sne.s32 s11, $0xFE00;
	v9 =	vld [tilespmem:s9+$0x4070];
	[tilespmem:s10+$0xC000] =	vst v7;
	v6 =	vmul.f32 v6, v6  }
0xe4: {  	v7 =	vld [tilespmem:s9+$0x4000];
	[tilespmem:s10+$0xC010] =	vst v8;
	v5 =	vmul.f32 v5, v5  }
0xe5: {  	v8 =	vld [tilespmem:s9+$0x4010];
	[tilespmem:s10+$0xC020] =	vst v6;
	v2 =	vmul.f32 v2, v2  }
.Ltmp6:
0xe6: {  	v6 =	vld [tilespmem:s9+$0x4020];
	[tilespmem:s10+$0xC030] =	vst v5;
	v3 =	vmul.f32 v3, v3;
	(pc) =	sbr.rel @p1 .LBB2_14-.Ltmp6, $4  }
0xe7: {  	v5 =	vld [tilespmem:s9+$0x4030];
	[tilespmem:s10+$0xC040] =	vst v2;
	v4 =	vmul.f32 v4, v4  }
0xe8: {  	v2 =	vld [tilespmem:s9+$0x4040];
	v9 =	vmul.f32 v9, v9;
	[tilespmem:s10+$0xC050] =	vst v3  }
0xe9: {  	v7 =	vmul.f32 v7, v7;
	v3 =	vld [tilespmem:s9+$0x4050];
	[tilespmem:s10+$0xC060] =	vst v4;
	s10 =	smov.u32 s9  }
0xea: {  	s9 =	sshra.s32 s11, $0x2;
	s11 =	sadd.s32 $0x200, s11;
	v8 =	vmul.f32 v8, v8;
	v4 =	vld [tilespmem:s10+$0x4060];
	[tilespmem:s10+$0xC070] =	vst v9  }
0xeb: {  	v9 =	vld [tilespmem:s9+$0x4070];
	[tilespmem:s10+$0xC000] =	vst v7;
	v6 =	vmul.f32 v6, v6  }
0xec: {  	v7 =	vld [tilespmem:s9+$0x4000];
	[tilespmem:s10+$0xC010] =	vst v8;
	v5 =	vmul.f32 v5, v5  }
0xed: {  	v8 =	vld [tilespmem:s9+$0x4010];
	[tilespmem:s10+$0xC020] =	vst v6;
	v2 =	vmul.f32 v2, v2  }
0xee: {  	v6 =	vld [tilespmem:s9+$0x4020];
	[tilespmem:s10+$0xC030] =	vst v5;
	v3 =	vmul.f32 v3, v3  }
0xef: {  	v5 =	vld [tilespmem:s9+$0x4030];
	[tilespmem:s10+$0xC040] =	vst v2;
	v4 =	vmul.f32 v4, v4  }
0xf0: {  	v2 =	vld [tilespmem:s9+$0x4040];
	[tilespmem:s10+$0xC050] =	vst v3;
	v29 =	vmul.f32 v9, v9  }
0xf1: {  	v3 =	vld [tilespmem:s9+$0x4050];
	[tilespmem:s10+$0xC060] =	vst v4;
	v7 =	vmul.f32 v7, v7  }
0xf2: {  	v30 =	vld [tilespmem:s9+$0x4060];
	v8 =	vmul.f32 v8, v8;
	[tilespmem:s9+$0xC070] =	vst v29  }
0xf3: {  	[tilespmem:s9+$0xC000] =	vst v7;
	v31 =	vmul.f32 v6, v6  }
0xf4: {  	[tilespmem:s9+$0xC010] =	vst v8;
	v5 =	vmul.f32 v5, v5  }
0xf5: {  	[tilespmem:s9+$0xC020] =	vst v31;
	v2 =	vmul.f32 v2, v2  }
0xf6: {  	[tilespmem:s9+$0xC030] =	vst v5;
	v3 =	vmul.f32 v3, v3  }
0xf7: {  	[tilespmem:s9+$0xC040] =	vst v2;
	v2 =	vmul.f32 v30, v30  }
0xf8: {  	[tilespmem:s9+$0xC050] =	vst v3  }
0xf9: {  	s11 =	simm.s32 $0xC000;
	[tilespmem:s9+$0xC060] =	vst v2  }
0xfa: {  	[spmem:s2] =	stream.indirect.scatter.add.f32 [tilespmem:s11], [sflag:$0x6], $0x80, s29, s24, $0xb8;
	[tilespmem:$0x16200] =	vst v63  }
0xfb: {  	_ =	swait.ge [sflag:s31], $0x4000  }
0xfc: {  	[sflag:s31] =	ssyncset.done $0x0  }
0xfd: {  	[sflag:s31] =	ssyncadd.s32 $0xFFFFC000  }
0xfe: {  	_ =	swait.ge [sflag:s19], $0x4000  }
0xff: {  	[sflag:s19] =	ssyncset.done $0x0  }
0x100: {  	[sflag:s19] =	ssyncadd.s32 $0xFFFFC000  }
0x101: {  	_ =	swait.ge [sflag:s19], $0x4000  }
0x102: {  	[sflag:s19] =	ssyncset.done $0x0  }
0x103: {  	[sflag:s19] =	ssyncadd.s32 $0xFFFFC000  }
0x104: {  	_ =	swait.ge [sflag:s4], $0x4000  }
0x105: {  	[sflag:s4] =	ssyncset.done $0x0  }
0x106: {  	[sflag:s4] =	ssyncadd.s32 $0xFFFFC000  }
0x107: {  	_ =	swait.ge [sflag:s4], $0x4000  }
0x108: {  	[sflag:s4] =	ssyncset.done $0x0  }
0x109: {  	[sflag:s4] =	ssyncadd.s32 $0xFFFFC000  }
0x10a: {  	_ =	swait.ge [sflag:s4], $0x4000  }
0x10b: {  	[sflag:s4] =	ssyncset.done $0x0  }
0x10c: {  	[sflag:s4] =	ssyncadd.s32 $0xFFFFC000  }
0x10d: {  	_ =	swait.ge [sflag:s4], $0x4000  }
0x10e: {  	[sflag:s4] =	ssyncset.done $0x0  }
0x10f: {  	[sflag:s4] =	ssyncadd.s32 $0xFFFFC000  }
0x110: {  	s10 =	simm.s32 $0x14400;
	[bflag:$0x0] =	sbarrier.arrive $0xFFFF  }
0x111: {  	[tilespmem:s10], [sflag:$0x1] =	stream.linear.gather [spmem:s12], $0x380, $0x38;
	[tilespmem:$0x16200] =	vst v63  }
0x112: {  	s11 =	simm.s32 $0x14800  }
0x113: {  	[tilespmem:s11], [sflag:$0x2] =	stream.linear.gather [spmem:s13], $0x380, $0x38;
	[tilespmem:$0x16200] =	vst v63  }
0x114: {  	s10 =	simm.s32 $0x14C00  }
0x115: {  	[tilespmem:s10], [sflag:$0x3] =	stream.linear.gather [spmem:s14], $0x380, $0x38;
	[tilespmem:$0x16200] =	vst v63  }
0x116: {  	_ =	swait.ge [sflag:s30], $0x380  }
0x117: {  	[sflag:s30] =	ssyncset.done $0x0  }
0x118: {  	[sflag:s30] =	ssyncadd.s32 $0xFFFFFC80  }
0x119: {  	_ =	swait.ge [sflag:s0], $0x380  }
0x11a: {  	[sflag:s0] =	ssyncset.done $0x0  }
0x11b: {  	[sflag:s0] =	ssyncadd.s32 $0xFFFFFC80  }
0x11c: {  	_ =	swait.ge [sflag:s4], $0x380  }
0x11d: {  	[sflag:s4] =	ssyncset.done $0x0  }
0x11e: {  	[sflag:s4] =	ssyncadd.s32 $0xFFFFFC80  }
0x11f: {  	v2 =	vld [tilespmem:$0x14C00];
	_ =	sdelay $0x4  }
0x120: {  	v2 =	vmax.f32 v2, $1.000000000e+00  }
0x121: {  	(erf) = vrcp.f32 v2;
	_ =	sdelay $0x4  }
0x122: {  	v2 =	vld [tilespmem:$0x14400];
	_ =	sdelay $0x1  }
0x123: {  	v3 =	vld [tilespmem:$0x14800];
	_ =	sdelay $0x1  }
0x124: {  	v32 =	vpop (erf)  }
0x125: {  	v2 =	vmul.f32 v32, v2  }
0x126: {  	v33 =	vld [tilespmem:$0x14410]  }
0x127: {  	v3 =	vmul.f32 v32, v3;
	v2 =	vmul.f32 v2, v2;
	_ =	sdelay $0x1  }
0x128: {  	v2 =	vsub.f32 v3, v2;
	v3 =	vld [tilespmem:$0x14810];
	_ =	sdelay $0x1  }
0x129: {  	v5 =	vmul.f32 v33, v32;
	v2 =	vmax.f32 v2, $1.000000000e-30  }
0x12a: {  	v36 =	vld [tilespmem:$0x14420];
	v34 =	vshra.s32 v2, $0x1  }
0x12b: {  	v5 =	vmul.f32 v5, v5;
	v6 =	vsub.s32 $0x5F3759DF, v34  }
0x12c: {  	v35 =	vmul.f32 v6, v2;
	v3 =	vmul.f32 v3, v32  }
0x12d: {  	v38 =	vld [tilespmem:$0x14820]  }
0x12e: {  	v7 =	vmul.f32 v6, v35;
	v3 =	vsub.f32 v3, v5  }
0x12f: {  	v10 =	vld [tilespmem:$0x14430];
	v8 =	vmul.f32 v36, v32  }
0x130: {  	v12 =	vld [tilespmem:$0x14830];
	v37 =	vmul.f32 $5.000000000e-01, v7;
	v3 =	vmax.f32 v3, $1.000000000e-30  }
0x131: {  	v13 =	vld [tilespmem:$0x14440];
	v8 =	vmul.f32 v8, v8;
	v39 =	vshra.s32 v3, $0x1  }
0x132: {  	v17 =	vld [tilespmem:$0x14450];
	v7 =	vmul.f32 v38, v32;
	v5 =	vsub.f32 $1.500000000e+00, v37;
	v9 =	vsub.s32 $0x5F3759DF, v39  }
0x133: {  	v40 =	vmul.f32 v9, v3  }
0x134: {  	v18 =	vld [tilespmem:$0x14850];
	v10 =	vmul.f32 v10, v32;
	v7 =	vsub.f32 v7, v8;
	v6 =	vmul.f32 v6, v5  }
0x135: {  	v59 =	vld [tilespmem:$0x14460];
	v12 =	vmul.f32 v12, v32;
	v5 =	vmul.f32 v9, v40  }
0x136: {  	v13 =	vmul.f32 v13, v32;
	v42 =	vmax.f32 v7, $1.000000000e-30;
	v11 =	vmul.f32 v6, v2  }
0x137: {  	v22 =	vld [tilespmem:$0x14470];
	v56 =	vmul.f32 v17, v32;
	v44 =	vshra.s32 v42, $0x1;
	v41 =	vmul.f32 $5.000000000e-01, v5  }
0x138: {  	v10 =	vmul.f32 v10, v10;
	v8 =	vsub.s32 $0x5F3759DF, v44;
	v11 =	vmul.f32 v11, v6  }
0x139: {  	v57 =	vmul.f32 v18, v32;
	v45 =	vmul.f32 v8, v42;
	v43 =	vsub.f32 $1.500000000e+00, v41  }
0x13a: {  	v46 =	vld [tilespmem:$0x14840];
	v24 =	vmul.f32 v59, v32;
	v10 =	vsub.f32 v12, v10;
	v11 =	vmul.f32 $5.000000000e-01, v11  }
0x13b: {  	v7 =	vmul.f32 v9, v43;
	v9 =	vmul.f32 v8, v45  }
0x13c: {  	v27 =	vmul.f32 v22, v32;
	v10 =	vmax.f32 v10, $1.000000000e-30;
	v11 =	vsub.f32 $1.500000000e+00, v11  }
0x13d: {  	v15 =	vshra.s32 v10, $0x1;
	v14 =	vmul.f32 v7, v3;
	v9 =	vmul.f32 $5.000000000e-01, v9  }
0x13e: {  	v13 =	vmul.f32 v13, v13;
	v15 =	vsub.s32 $0x5F3759DF, v15;
	v6 =	vmul.f32 v11, v6  }
0x13f: {  	v11 =	vmul.f32 v46, v32;
	v47 =	vmul.f32 v14, v7;
	v9 =	vsub.f32 $1.500000000e+00, v9  }
0x140: {  	v49 =	vmul.f32 v15, v10;
	v48 =	vmul.f32 v6, v2  }
0x141: {  	v19 =	vld [tilespmem:$0x14870];
	v11 =	vsub.f32 v11, v13;
	v12 =	vmul.f32 $5.000000000e-01, v47;
	v8 =	vmul.f32 v8, v9  }
0x142: {  	v9 =	vmul.f32 v15, v49;
	v14 =	vmul.f32 v48, v6  }
0x143: {  	v11 =	vmax.f32 v11, $1.000000000e-30;
	v12 =	vsub.f32 $1.500000000e+00, v12;
	v50 =	vmul.f32 v8, v42  }
0x144: {  	v9 =	vmul.f32 $5.000000000e-01, v9;
	v16 =	vshra.s32 v11, $0x1;
	v51 =	vmul.f32 $5.000000000e-01, v14  }
0x145: {  	v16 =	vsub.s32 $0x5F3759DF, v16;
	v7 =	vmul.f32 v12, v7;
	v12 =	vmul.f32 v50, v8  }
0x146: {  	v4 =	vmul.f32 v19, v32;
	v9 =	vsub.f32 $1.500000000e+00, v9;
	v53 =	vmul.f32 v16, v11  }
0x147: {  	v13 =	vsub.f32 $1.500000000e+00, v51;
	v52 =	vmul.f32 v7, v3;
	v12 =	vmul.f32 $5.000000000e-01, v12  }
0x148: {  	v9 =	vmul.f32 v15, v9;
	v15 =	vmul.f32 v16, v53  }
0x149: {  	v6 =	vmul.f32 v13, v6;
	v14 =	vmul.f32 v52, v7;
	v12 =	vsub.f32 $1.500000000e+00, v12  }
0x14a: {  	v62 =	vld [tilespmem:$0x14860];
	v55 =	vmul.f32 v9, v10;
	v15 =	vmul.f32 $5.000000000e-01, v15  }
0x14b: {  	v2 =	vmul.f32 v6, v2;
	v8 =	vmul.f32 v12, v8  }
0x14c: {  	v54 =	vmul.f32 $5.000000000e-01, v14;
	v14 =	vmul.f32 v55, v9;
	v15 =	vsub.f32 $1.500000000e+00, v15  }
0x14d: {  	v12 =	vmul.f32 v56, v56;
	v58 =	vmul.f32 v8, v42  }
0x14e: {  	v13 =	vsub.f32 $1.500000000e+00, v54;
	v60 =	vmul.f32 $5.000000000e-01, v14;
	v61 =	vmul.f32 v16, v15  }
0x14f: {  	v12 =	vsub.f32 v57, v12;
	v15 =	vmul.f32 v62, v32;
	v16 =	vmul.f32 v24, v24  }
0x150: {  	v7 =	vmul.f32 v13, v7;
	v6 =	vmul.f32 v58, v8;
	v63 =	vsub.f32 $1.500000000e+00, v60  }
0x151: {  	v12 =	vmax.f32 v12, $1.000000000e-30;
	v20 =	vmul.f32 v61, v11;
	v26 =	vsub.f32 v15, v16  }
0x152: {  	[tilespmem:$0x1FFD0] =	vst v2;
	v21 =	vshra.s32 v12, $0x1;
	v2 =	vmul.f32 v7, v3;
	v6 =	vmul.f32 $5.000000000e-01, v6  }
0x153: {  	v30 =	vld [tilespmem:$0x14C80];
	v7 =	vmul.f32 v63, v9;
	v23 =	vsub.s32 $0x5F3759DF, v21;
	v13 =	vmul.f32 v20, v61  }
0x154: {  	v15 =	vmul.f32 v27, v27;
	v25 =	vmul.f32 v23, v12;
	v6 =	vsub.f32 $1.500000000e+00, v6  }
0x155: {  	v13 =	vmul.f32 $5.000000000e-01, v13;
	v28 =	vmul.f32 v7, v10  }
0x156: {  	v4 =	vsub.f32 v4, v15;
	v18 =	vmul.f32 v23, v25;
	v6 =	vmul.f32 v6, v8  }
0x157: {  	v13 =	vsub.f32 $1.500000000e+00, v13;
	v8 =	vmax.f32 v26, $1.000000000e-30;
	v16 =	vmul.f32 v28, v7  }
0x158: {  	v29 =	vmul.f32 $5.000000000e-01, v18;
	v31 =	vshra.s32 v8, $0x1;
	v18 =	vmax.f32 v30, $1.000000000e+00  }
0x159: {  	v13 =	vmul.f32 v13, v61;
	v14 =	vsub.s32 $0x5F3759DF, v31;
	v32 =	vmul.f32 $5.000000000e-01, v16  }
0x15a: {  	(erf) = vrcp.f32 v18;
	v17 =	vsub.f32 $1.500000000e+00, v29;
	v33 =	vmul.f32 v14, v8  }
0x15b: {  	v34 =	vmul.f32 v13, v11;
	v15 =	vsub.f32 $1.500000000e+00, v32  }
0x15c: {  	v59 =	vld [tilespmem:$0x148A0];
	v9 =	vmul.f32 v23, v17;
	v17 =	vmax.f32 v4, $1.000000000e-30;
	v35 =	vmul.f32 v14, v33  }
0x15d: {  	v41 =	vld [tilespmem:$0x14480];
	v36 =	vshra.s32 v17, $0x1;
	v19 =	vmul.f32 v34, v13;
	v7 =	vmul.f32 v15, v7  }
0x15e: {  	v49 =	vld [tilespmem:$0x14490];
	v20 =	vmul.f32 v9, v12;
	v16 =	vsub.s32 $0x5F3759DF, v36;
	v4 =	vmul.f32 $5.000000000e-01, v35  }
0x15f: {  	v57 =	vld [tilespmem:$0x144A0];
	v37 =	vmul.f32 v16, v17;
	v39 =	vmul.f32 $5.000000000e-01, v19  }
0x160: {  	v21 =	vld [tilespmem:$0x14890];
	v5 =	vmul.f32 v6, v42;
	v20 =	vmul.f32 v20, v9;
	v4 =	vsub.f32 $1.500000000e+00, v4  }
0x161: {  	[tilespmem:$0x1FFE0] =	vst v2;
	v33 =	vld [tilespmem:$0x144C0];
	v2 =	vmul.f32 v7, v10;
	v38 =	vmul.f32 v16, v37;
	v42 =	vsub.f32 $1.500000000e+00, v39  }
0x162: {  	v35 =	vld [tilespmem:$0x148C0];
	v40 =	vmul.f32 $5.000000000e-01, v20;
	v14 =	vmul.f32 v14, v4  }
0x163: {  	v46 =	vld [tilespmem:$0x14880];
	v15 =	vmul.f32 $5.000000000e-01, v38;
	v6 =	vmul.f32 v42, v13;
	v13 =	vpop (erf)  }
0x164: {  	v44 =	vmul.f32 v14, v8;
	v48 =	vmul.f32 v13, v41  }
0x165: {  	v19 =	vmul.f32 v49, v13;
	v55 =	vmul.f32 v21, v13  }
0x166: {  	v21 =	vmul.f32 v57, v13;
	v24 =	vmul.f32 v59, v13  }
0x167: {  	v43 =	vsub.f32 $1.500000000e+00, v40;
	v36 =	vmul.f32 v33, v13;
	v39 =	vmul.f32 v35, v13  }
0x168: {  	v45 =	vsub.f32 $1.500000000e+00, v15;
	v15 =	vmul.f32 v13, v46;
	v6 =	vmul.f32 v6, v11  }
0x169: {  	v9 =	vmul.f32 v43, v9;
	v7 =	vmul.f32 v44, v14  }
0x16a: {  	v18 =	vmul.f32 v48, v48;
	v16 =	vmul.f32 v16, v45  }
0x16b: {  	v47 =	vmul.f32 v9, v12;
	v7 =	vmul.f32 $5.000000000e-01, v7  }
0x16c: {  	v19 =	vmul.f32 v19, v19;
	v50 =	vmul.f32 v16, v17  }
0x16d: {  	v15 =	vsub.f32 v15, v18;
	v10 =	vmul.f32 v47, v9;
	v7 =	vsub.f32 $1.500000000e+00, v7  }
0x16e: {  	v21 =	vmul.f32 v21, v21;
	v51 =	vmul.f32 v50, v16  }
0x16f: {  	v52 =	vmul.f32 $5.000000000e-01, v10;
	v14 =	vmul.f32 v7, v14;
	v10 =	vmax.f32 v15, $1.000000000e-30  }
0x170: {  	v15 =	vsub.f32 v55, v19;
	v53 =	vmul.f32 $5.000000000e-01, v51;
	v54 =	vshra.s32 v10, $0x1  }
0x171: {  	v56 =	vmul.f32 v14, v8;
	v11 =	vsub.s32 $0x5F3759DF, v54;
	v18 =	vsub.f32 $1.500000000e+00, v52  }
0x172: {  	v29 =	vld [tilespmem:$0x148B0];
	v15 =	vmax.f32 v15, $1.000000000e-30;
	v7 =	vsub.f32 $1.500000000e+00, v53;
	v22 =	vmul.f32 v11, v10  }
0x173: {  	v62 =	vshra.s32 v15, $0x1;
	v58 =	vmul.f32 v56, v14;
	v9 =	vmul.f32 v18, v9  }
0x174: {  	v16 =	vmul.f32 v7, v16;
	v60 =	vmul.f32 v11, v22;
	v22 =	vsub.s32 $0x5F3759DF, v62  }
0x175: {  	v25 =	vld [tilespmem:$0x144B0];
	v19 =	vmul.f32 $5.000000000e-01, v58;
	v23 =	vmul.f32 v22, v15  }
0x176: {  	v24 =	vsub.f32 v24, v21;
	v61 =	vmul.f32 v16, v17;
	v18 =	vmul.f32 $5.000000000e-01, v60  }
0x177: {  	v21 =	vmul.f32 v29, v13;
	v63 =	vsub.f32 $1.500000000e+00, v19;
	v4 =	vmul.f32 v22, v23  }
0x178: {  	v7 =	vmul.f32 v9, v12;
	v20 =	vmul.f32 v61, v16;
	v18 =	vsub.f32 $1.500000000e+00, v18  }
0x179: {  	v9 =	vmul.f32 v63, v14;
	v12 =	vmul.f32 $5.000000000e-01, v4  }
0x17a: {  	v14 =	vmul.f32 v25, v13;
	v11 =	vmul.f32 v11, v18;
	v18 =	vmax.f32 v24, $1.000000000e-30  }
0x17b: {  	v23 =	vmul.f32 $5.000000000e-01, v20;
	v27 =	vsub.f32 $1.500000000e+00, v12;
	v28 =	vshra.s32 v18, $0x1  }
0x17c: {  	v14 =	vmul.f32 v14, v14;
	v26 =	vmul.f32 v11, v10;
	v12 =	vsub.s32 $0x5F3759DF, v28  }
0x17d: {  	v62 =	vld [tilespmem:$0x144F0];
	v31 =	vmul.f32 v22, v27;
	v32 =	vmul.f32 v12, v18  }
0x17e: {  	v60 =	vld [tilespmem:$0x144E0];
	v8 =	vmul.f32 v9, v8;
	v19 =	vsub.f32 $1.500000000e+00, v23;
	v30 =	vmul.f32 v26, v11  }
0x17f: {  	v48 =	vld [tilespmem:$0x148D0];
	v14 =	vsub.f32 v21, v14;
	v34 =	vmul.f32 v31, v15;
	v9 =	vmul.f32 v12, v32  }
0x180: {  	v45 =	vld [tilespmem:$0x144D0];
	v16 =	vmul.f32 v19, v16;
	v19 =	vmul.f32 $5.000000000e-01, v30  }
0x181: {  	v14 =	vmax.f32 v14, $1.000000000e-30;
	v23 =	vmul.f32 v34, v31;
	v25 =	vmul.f32 $5.000000000e-01, v9  }
0x182: {  	v41 =	vshra.s32 v14, $0x1;
	v9 =	vmul.f32 v16, v17;
	v16 =	vmul.f32 v36, v36  }
0x183: {  	v29 =	vld [tilespmem:$0x148E0];
	v42 =	vsub.s32 $0x5F3759DF, v41;
	v34 =	vmul.f32 v60, v13;
	v36 =	vmul.f32 v62, v13  }
0x184: {  	v4 =	vld [tilespmem:$0x148F0];
	v19 =	vsub.f32 $1.500000000e+00, v19;
	v44 =	vmul.f32 v42, v14;
	v37 =	vmul.f32 $5.000000000e-01, v23  }
0x185: {  	v38 =	vsub.f32 $1.500000000e+00, v25;
	v23 =	vmul.f32 v45, v13;
	v25 =	vmul.f32 v48, v13  }
0x186: {  	v16 =	vsub.f32 v39, v16;
	v39 =	vmul.f32 v34, v34;
	v11 =	vmul.f32 v19, v11  }
0x187: {  	v22 =	vmul.f32 v42, v44;
	v12 =	vmul.f32 v12, v38  }
0x188: {  	v17 =	vsub.f32 $1.500000000e+00, v37;
	v23 =	vmul.f32 v23, v23;
	v38 =	vmul.f32 v29, v13  }
0x189: {  	v16 =	vmax.f32 v16, $1.000000000e-30;
	v13 =	vmul.f32 v4, v13;
	v40 =	vmul.f32 v11, v10  }
0x18a: {  	v47 =	vshra.s32 v16, $0x1;
	v22 =	vmul.f32 $5.000000000e-01, v22;
	v17 =	vmul.f32 v17, v31  }
0x18b: {  	v46 =	vmul.f32 v12, v18;
	v24 =	vsub.s32 $0x5F3759DF, v47;
	v43 =	vmul.f32 v40, v11  }
0x18c: {  	v27 =	vmul.f32 v24, v16;
	v22 =	vsub.f32 $1.500000000e+00, v22;
	v40 =	vmul.f32 v36, v36  }
0x18d: {  	v50 =	vsub.f32 v25, v23;
	v26 =	vmul.f32 v17, v15;
	v20 =	vmul.f32 v46, v12  }
0x18e: {  	v21 =	vmul.f32 $5.000000000e-01, v43;
	v19 =	vmul.f32 v42, v22  }
0x18f: {  	v27 =	vmul.f32 v24, v27;
	v22 =	vmax.f32 v50, $1.000000000e-30;
	v20 =	vmul.f32 $5.000000000e-01, v20  }
0x190: {  	v54 =	vld [tilespmem:$0x14D00];
	v26 =	vmul.f32 v26, v17;
	v56 =	vshra.s32 v22, $0x1;
	v52 =	vmul.f32 v19, v14  }
0x191: {  	v21 =	vsub.f32 $1.500000000e+00, v21;
	v49 =	vmul.f32 $5.000000000e-01, v27;
	v20 =	vsub.f32 $1.500000000e+00, v20  }
0x192: {  	v23 =	vsub.s32 $0x5F3759DF, v56;
	v26 =	vmul.f32 $5.000000000e-01, v26;
	v55 =	vmul.f32 v52, v19  }
0x193: {  	v57 =	vmul.f32 v23, v22;
	v12 =	vmul.f32 v20, v12;
	v20 =	vsub.f32 $1.500000000e+00, v49  }
0x194: {  	v11 =	vmul.f32 v21, v11;
	v51 =	vsub.f32 $1.500000000e+00, v26;
	v21 =	vmul.f32 $5.000000000e-01, v55  }
0x195: {  	v26 =	vmax.f32 v54, $1.000000000e+00;
	v53 =	vmul.f32 v12, v18;
	v20 =	vmul.f32 v24, v20  }
0x196: {  	(erf) = vrcp.f32 v26;
	v24 =	vmul.f32 v23, v57;
	v21 =	vsub.f32 $1.500000000e+00, v21  }
0x197: {  	v25 =	vmul.f32 v53, v12;
	v58 =	vmul.f32 v20, v16  }
0x198: {  	v41 =	vsub.f32 v38, v39;
	v59 =	vmul.f32 $5.000000000e-01, v24;
	v19 =	vmul.f32 v21, v19  }
0x199: {  	v13 =	vsub.f32 v13, v40;
	v25 =	vmul.f32 $5.000000000e-01, v25;
	v27 =	vmul.f32 v58, v20  }
0x19a: {  	v11 =	vmul.f32 v11, v10;
	v21 =	vsub.f32 $1.500000000e+00, v59;
	v28 =	vmul.f32 v19, v14  }
0x19b: {  	v17 =	vmul.f32 v51, v17;
	v25 =	vsub.f32 $1.500000000e+00, v25;
	v61 =	vmul.f32 $5.000000000e-01, v27  }
0x19c: {  	v33 =	vld [tilespmem:$0x14500];
	v21 =	vmul.f32 v23, v21;
	v32 =	vmul.f32 v28, v19;
	v28 =	vmax.f32 v13, $1.000000000e-30  }
0x19d: {  	v37 =	vld [tilespmem:$0x14900];
	v25 =	vmul.f32 v25, v12;
	v12 =	vmul.f32 v17, v15;
	v63 =	vsub.f32 $1.500000000e+00, v61  }
0x19e: {  	v35 =	vmul.f32 v21, v22;
	v17 =	vmax.f32 v41, $1.000000000e-30;
	v46 =	vshra.s32 v28, $0x1  }
0x19f: {  	v44 =	vshra.s32 v17, $0x1;
	v10 =	vmul.f32 v25, v18;
	v15 =	vmul.f32 v63, v20  }
0x1a0: {  	v26 =	vsub.s32 $0x5F3759DF, v46;
	v20 =	vpop (erf);
	v18 =	vmul.f32 $5.000000000e-01, v32;
	v24 =	vmul.f32 v35, v21  }
0x1a1: {  	v45 =	vsub.s32 $0x5F3759DF, v44;
	v49 =	vmul.f32 v26, v28;
	v23 =	vmul.f32 v20, v33  }
0x1a2: {  	v63 =	vld [tilespmem:$0x14920];
	v43 =	vmul.f32 v20, v37;
	v48 =	vmul.f32 v45, v17  }
0x1a3: {  	v42 =	vmul.f32 v15, v16;
	v24 =	vmul.f32 $5.000000000e-01, v24  }
0x1a4: {  	v50 =	vmul.f32 v26, v49;
	v18 =	vsub.f32 $1.500000000e+00, v18;
	v27 =	vmul.f32 v45, v48  }
0x1a5: {  	v23 =	vmul.f32 v23, v23;
	v47 =	vmul.f32 v42, v15  }
0x1a6: {  	v24 =	vsub.f32 $1.500000000e+00, v24;
	v18 =	vmul.f32 v18, v19;
	v27 =	vmul.f32 $5.000000000e-01, v27  }
0x1a7: {  	v23 =	vsub.f32 v43, v23;
	v34 =	vmul.f32 v63, v20;
	v25 =	vmul.f32 $5.000000000e-01, v47  }
0x1a8: {  	v21 =	vmul.f32 v24, v21;
	v24 =	vmul.f32 $5.000000000e-01, v50  }
0x1a9: {  	v61 =	vld [tilespmem:$0x14910];
	v13 =	vmul.f32 v18, v14;
	v23 =	vmax.f32 v23, $1.000000000e-30;
	v52 =	vsub.f32 $1.500000000e+00, v27  }
0x1aa: {  	v30 =	vshra.s32 v23, $0x1;
	v25 =	vsub.f32 $1.500000000e+00, v25;
	v31 =	vmul.f32 v21, v22  }
0x1ab: {  	v24 =	vsub.f32 $1.500000000e+00, v24;
	v51 =	vsub.s32 $0x5F3759DF, v30;
	v19 =	vmul.f32 v45, v52  }
0x1ac: {  	v30 =	vmul.f32 v51, v23;
	v15 =	vmul.f32 v25, v15  }
0x1ad: {  	v54 =	vmul.f32 v31, v21;
	v24 =	vmul.f32 v26, v24  }
0x1ae: {  	v62 =	vld [tilespmem:$0x14520];
	v26 =	vmul.f32 v61, v20;
	v55 =	vmul.f32 v19, v17  }
0x1af: {  	v57 =	vld [tilespmem:$0x14510];
	v53 =	vmul.f32 v51, v30;
	v25 =	vmul.f32 $5.000000000e-01, v54  }
0x1b0: {  	v59 =	vmul.f32 v24, v28;
	v18 =	vmul.f32 v55, v19  }
0x1b1: {  	v14 =	vmul.f32 v15, v16;
	v27 =	vmul.f32 $5.000000000e-01, v53;
	v58 =	vsub.f32 $1.500000000e+00, v25  }
0x1b2: {  	v16 =	vmul.f32 v59, v24;
	v18 =	vmul.f32 $5.000000000e-01, v18  }
0x1b3: {  	v40 =	vld [tilespmem:$0x14530];
	v31 =	vmul.f32 v62, v20;
	v56 =	vsub.f32 $1.500000000e+00, v27;
	v15 =	vmul.f32 v58, v21  }
0x1b4: {  	v16 =	vmul.f32 $5.000000000e-01, v16;
	v27 =	vmul.f32 v57, v20;
	v18 =	vsub.f32 $1.500000000e+00, v18  }
0x1b5: {  	v60 =	vmul.f32 v51, v56;
	v15 =	vmul.f32 v15, v22  }
0x1b6: {  	v16 =	vsub.f32 $1.500000000e+00, v16;
	v27 =	vmul.f32 v27, v27;
	v18 =	vmul.f32 v18, v19  }
0x1b7: {  	v19 =	vmul.f32 v31, v31;
	v29 =	vmul.f32 v60, v23  }
0x1b8: {  	v24 =	vmul.f32 v16, v24;
	v33 =	vsub.f32 v26, v27;
	v26 =	vmul.f32 v40, v20  }
0x1b9: {  	v35 =	vmul.f32 v18, v17;
	v19 =	vsub.f32 v34, v19;
	v4 =	vmul.f32 v29, v60  }
0x1ba: {  	v34 =	vld [tilespmem:$0x14560];
	v27 =	vmax.f32 v33, $1.000000000e-30;
	v36 =	vmul.f32 v24, v28;
	v26 =	vmul.f32 v26, v26  }
0x1bb: {  	v37 =	vshra.s32 v27, $0x1;
	v38 =	vmul.f32 v35, v18;
	v21 =	vmax.f32 v19, $1.000000000e-30  }
0x1bc: {  	v54 =	vld [tilespmem:$0x14940];
	v32 =	vmul.f32 $5.000000000e-01, v4;
	v39 =	vsub.s32 $0x5F3759DF, v37;
	v41 =	vmul.f32 v36, v24  }
0x1bd: {  	v45 =	vshra.s32 v21, $0x1;
	v42 =	vmul.f32 v39, v27;
	v43 =	vmul.f32 $5.000000000e-01, v38  }
0x1be: {  	v50 =	vld [tilespmem:$0x14540];
	v31 =	vsub.s32 $0x5F3759DF, v45;
	v16 =	vsub.f32 $1.500000000e+00, v32;
	v29 =	vmul.f32 $5.000000000e-01, v41  }
0x1bf: {  	v33 =	vmul.f32 v31, v21;
	v34 =	vmul.f32 v34, v20  }
0x1c0: {  	v57 =	vld [tilespmem:$0x14550];
	v30 =	vmul.f32 v39, v42;
	v19 =	vsub.f32 $1.500000000e+00, v43;
	v25 =	vmul.f32 v16, v60  }
0x1c1: {  	v32 =	vld [tilespmem:$0x14930];
	v33 =	vmul.f32 v31, v33;
	v46 =	vsub.f32 $1.500000000e+00, v29;
	v29 =	vmul.f32 v54, v20  }
0x1c2: {  	v34 =	vmul.f32 v34, v34;
	v30 =	vmul.f32 $5.000000000e-01, v30  }
0x1c3: {  	v18 =	vmul.f32 v19, v18;
	v19 =	vmul.f32 v50, v20  }
0x1c4: {  	v60 =	vld [tilespmem:$0x14950];
	v44 =	vmul.f32 v25, v23;
	v47 =	vmul.f32 $5.000000000e-01, v33  }
0x1c5: {  	v48 =	vmul.f32 v46, v24;
	v24 =	vmul.f32 v57, v20  }
0x1c6: {  	v30 =	vsub.f32 $1.500000000e+00, v30;
	v32 =	vmul.f32 v32, v20;
	v16 =	vmul.f32 v18, v17  }
0x1c7: {  	v19 =	vmul.f32 v19, v19;
	v22 =	vmul.f32 v44, v25  }
0x1c8: {  	v49 =	vsub.f32 $1.500000000e+00, v47;
	v24 =	vmul.f32 v24, v24;
	v30 =	vmul.f32 v39, v30  }
0x1c9: {  	v19 =	vsub.f32 v29, v19;
	v62 =	vmul.f32 v60, v20;
	v22 =	vmul.f32 $5.000000000e-01, v22  }
0x1ca: {  	v26 =	vsub.f32 v32, v26;
	v52 =	vmul.f32 v31, v49;
	v51 =	vmul.f32 v30, v27  }
0x1cb: {  	v32 =	vmax.f32 v19, $1.000000000e-30;
	v24 =	vsub.f32 v62, v24;
	v22 =	vsub.f32 $1.500000000e+00, v22  }
0x1cc: {  	v17 =	vmul.f32 v48, v28;
	v58 =	vmul.f32 v52, v21;
	v39 =	vshra.s32 v32, $0x1  }
0x1cd: {  	v55 =	vmul.f32 v51, v30;
	v24 =	vmax.f32 v24, $1.000000000e-30;
	v22 =	vmul.f32 v22, v25  }
0x1ce: {  	v25 =	vmax.f32 v26, $1.000000000e-30;
	v28 =	vmul.f32 v58, v52;
	v44 =	vshra.s32 v24, $0x1  }
0x1cf: {  	v53 =	vshra.s32 v25, $0x1;
	v18 =	vmul.f32 v22, v23;
	v22 =	vmul.f32 $5.000000000e-01, v55  }
0x1d0: {  	v33 =	vsub.s32 $0x5F3759DF, v44;
	v56 =	vsub.s32 $0x5F3759DF, v53;
	v28 =	vmul.f32 $5.000000000e-01, v28  }
0x1d1: {  	v23 =	vsub.s32 $0x5F3759DF, v39;
	v59 =	vmul.f32 v56, v25;
	v22 =	vsub.f32 $1.500000000e+00, v22  }
0x1d2: {  	v36 =	vld [tilespmem:$0x14960];
	v35 =	vmul.f32 v33, v24;
	v42 =	vmul.f32 v23, v32;
	v28 =	vsub.f32 $1.500000000e+00, v28  }
0x1d3: {  	v31 =	vmul.f32 v56, v59;
	v22 =	vmul.f32 v22, v30  }
0x1d4: {  	v47 =	vld [tilespmem:$0x14D80];
	v26 =	vmul.f32 v28, v52;
	v30 =	vmul.f32 v23, v42  }
0x1d5: {  	v31 =	vmul.f32 $5.000000000e-01, v31;
	v63 =	vmul.f32 v22, v27  }
0x1d6: {  	v43 =	vmul.f32 v26, v21;
	v30 =	vmul.f32 $5.000000000e-01, v30  }
0x1d7: {  	v46 =	vmul.f32 v36, v20;
	v61 =	vsub.f32 $1.500000000e+00, v31;
	v40 =	vmul.f32 v63, v22  }
0x1d8: {  	v45 =	vmul.f32 v33, v35;
	v31 =	vmul.f32 v43, v26;
	v30 =	vsub.f32 $1.500000000e+00, v30  }
0x1d9: {  	v35 =	vmax.f32 v47, $1.000000000e+00;
	v4 =	vmul.f32 v56, v61;
	v29 =	vmul.f32 $5.000000000e-01, v40  }
0x1da: {  	v31 =	vmul.f32 $5.000000000e-01, v31;
	v23 =	vmul.f32 v23, v30;
	v30 =	vsub.f32 v46, v34  }
0x1db: {  	(erf) = vrcp.f32 v35;
	v41 =	vmul.f32 v4, v25;
	v29 =	vsub.f32 $1.500000000e+00, v29  }
0x1dc: {  	v52 =	vld [tilespmem:$0x14570];
	v48 =	vsub.f32 $1.500000000e+00, v31;
	v49 =	vmul.f32 v23, v32;
	v30 =	vmax.f32 v30, $1.000000000e-30  }
0x1dd: {  	v54 =	vld [tilespmem:$0x14970];
	v28 =	vmul.f32 v41, v4;
	v53 =	vshra.s32 v30, $0x1;
	v22 =	vmul.f32 v29, v22  }
0x1de: {  	v29 =	vmul.f32 $5.000000000e-01, v45;
	v51 =	vmul.f32 v49, v23;
	v34 =	vsub.s32 $0x5F3759DF, v53  }
0x1df: {  	v28 =	vmul.f32 $5.000000000e-01, v28;
	v55 =	vmul.f32 v34, v30  }
0x1e0: {  	v29 =	vsub.f32 $1.500000000e+00, v29;
	v19 =	vmul.f32 v22, v27;
	v22 =	vmul.f32 v48, v26  }
0x1e1: {  	v26 =	vmul.f32 $5.000000000e-01, v51;
	v27 =	vmul.f32 v52, v20  }
0x1e2: {  	v20 =	vmul.f32 v54, v20;
	v28 =	vsub.f32 $1.500000000e+00, v28;
	v29 =	vmul.f32 v33, v29  }
0x1e3: {  	v56 =	vmul.f32 v34, v55;
	v26 =	vsub.f32 $1.500000000e+00, v26;
	v27 =	vmul.f32 v27, v27  }
0x1e4: {  	v28 =	vmul.f32 v28, v4;
	v33 =	vmul.f32 v29, v24  }
0x1e5: {  	v23 =	vmul.f32 v26, v23;
	v26 =	vmul.f32 $5.000000000e-01, v56;
	v27 =	vsub.f32 v20, v27  }
0x1e6: {  	v50 =	vmul.f32 v28, v25;
	v33 =	vmul.f32 v33, v29  }
0x1e7: {  	v57 =	vmul.f32 v23, v32;
	v60 =	vsub.f32 $1.500000000e+00, v26;
	v27 =	vmax.f32 v27, $1.000000000e-30  }
0x1e8: {  	v31 =	vmul.f32 v50, v28;
	v63 =	vshra.s32 v27, $0x1;
	v33 =	vmul.f32 $5.000000000e-01, v33  }
0x1e9: {  	v58 =	vld [tilespmem:$0x14580];
	v59 =	vmul.f32 v57, v23;
	v34 =	vmul.f32 v34, v60;
	v40 =	vsub.s32 $0x5F3759DF, v63  }
0x1ea: {  	v61 =	vld [tilespmem:$0x14980];
	v31 =	vmul.f32 $5.000000000e-01, v31;
	v37 =	vmul.f32 v40, v27  }
0x1eb: {  	v53 =	vld [tilespmem:$0x145A0];
	v20 =	vmul.f32 v22, v21;
	v33 =	vsub.f32 $1.500000000e+00, v33;
	v42 =	vmul.f32 v34, v30  }
0x1ec: {  	v35 =	vmul.f32 $5.000000000e-01, v59;
	v31 =	vsub.f32 $1.500000000e+00, v31;
	v44 =	vmul.f32 v40, v37  }
0x1ed: {  	v33 =	vmul.f32 v33, v29;
	v29 =	vpop (erf);
	v45 =	vmul.f32 v42, v34  }
0x1ee: {  	v47 =	vld [tilespmem:$0x14590];
	v28 =	vmul.f32 v31, v28;
	v41 =	vmul.f32 v29, v58  }
0x1ef: {  	v55 =	vld [tilespmem:$0x149A0];
	v43 =	vsub.f32 $1.500000000e+00, v35;
	v26 =	vmul.f32 v29, v61;
	v46 =	vmul.f32 $5.000000000e-01, v44  }
0x1f0: {  	v58 =	vmul.f32 v53, v29;
	v62 =	vmul.f32 v33, v24  }
0x1f1: {  	v23 =	vmul.f32 v43, v23;
	v35 =	vmul.f32 $5.000000000e-01, v45  }
0x1f2: {  	v38 =	vmul.f32 v41, v41;
	v21 =	vmul.f32 v28, v25  }
0x1f3: {  	v51 =	vld [tilespmem:$0x14990];
	v49 =	vsub.f32 $1.500000000e+00, v46;
	v28 =	vmul.f32 v47, v29;
	v4 =	vmul.f32 v62, v33  }
0x1f4: {  	v41 =	vld [tilespmem:$0x149B0];
	v35 =	vsub.f32 $1.500000000e+00, v35;
	v62 =	vmul.f32 v55, v29;
	v26 =	vsub.f32 v26, v38  }
0x1f5: {  	v31 =	vmul.f32 v40, v49;
	v22 =	vmul.f32 $5.000000000e-01, v4  }
0x1f6: {  	v28 =	vmul.f32 v28, v28;
	v34 =	vmul.f32 v35, v34;
	v26 =	vmax.f32 v26, $1.000000000e-30  }
0x1f7: {  	v49 =	vld [tilespmem:$0x145B0];
	v54 =	vmul.f32 v31, v27;
	v48 =	vsub.f32 $1.500000000e+00, v22;
	v22 =	vmul.f32 v23, v32  }
0x1f8: {  	v42 =	vld [tilespmem:$0x149D0];
	v50 =	vshra.s32 v26, $0x1;
	v32 =	vmul.f32 v51, v29;
	v59 =	vmul.f32 v34, v30  }
0x1f9: {  	v53 =	vmul.f32 v41, v29;
	v25 =	vsub.s32 $0x5F3759DF, v50;
	v35 =	vmul.f32 v54, v31  }
0x1fa: {  	v33 =	vmul.f32 v48, v33;
	v52 =	vmul.f32 v25, v26;
	v57 =	vsub.f32 v32, v28  }
0x1fb: {  	v28 =	vmul.f32 v58, v58;
	v32 =	vmul.f32 v59, v34  }
0x1fc: {  	v38 =	vmul.f32 v49, v29;
	v23 =	vmul.f32 v25, v52;
	v36 =	vmax.f32 v57, $1.000000000e-30  }
0x1fd: {  	v49 =	vmul.f32 v42, v29;
	v60 =	vmul.f32 $5.000000000e-01, v35;
	v63 =	vshra.s32 v36, $0x1  }
0x1fe: {  	v56 =	vmul.f32 $5.000000000e-01, v23;
	v23 =	vmul.f32 v33, v24;
	v24 =	vsub.f32 v62, v28  }
0x1ff: {  	v43 =	vmul.f32 $5.000000000e-01, v32;
	v33 =	vsub.f32 $1.500000000e+00, v60;
	v4 =	vsub.s32 $0x5F3759DF, v63  }
0x200: {  	v44 =	vmul.f32 v4, v36;
	v61 =	vsub.f32 $1.500000000e+00, v56;
	v37 =	vmax.f32 v24, $1.000000000e-30  }
0x201: {  	v38 =	vmul.f32 v38, v38;
	v31 =	vmul.f32 v33, v31;
	v48 =	vshra.s32 v37, $0x1  }
0x202: {  	v47 =	vmul.f32 v4, v44;
	v25 =	vmul.f32 v25, v61;
	v32 =	vsub.s32 $0x5F3759DF, v48  }
0x203: {  	v39 =	vmul.f32 v31, v27;
	v40 =	vmul.f32 v32, v37  }
0x204: {  	v46 =	vsub.f32 $1.500000000e+00, v43;
	v28 =	vmul.f32 $5.000000000e-01, v47;
	v45 =	vmul.f32 v25, v26  }
0x205: {  	v59 =	vld [tilespmem:$0x149C0];
	v50 =	vmul.f32 v39, v31;
	v51 =	vmul.f32 v32, v40  }
0x206: {  	v24 =	vmul.f32 v46, v34;
	v28 =	vsub.f32 $1.500000000e+00, v28;
	v33 =	vmul.f32 v45, v25  }
0x207: {  	v34 =	vmul.f32 $5.000000000e-01, v50;
	v52 =	vmul.f32 $5.000000000e-01, v51  }
0x208: {  	v55 =	vld [tilespmem:$0x145C0];
	v28 =	vmul.f32 v4, v28;
	v33 =	vmul.f32 $5.000000000e-01, v33  }
0x209: {  	v24 =	vmul.f32 v24, v30;
	v4 =	vld [tilespmem:$0x145D0];
	v34 =	vsub.f32 $1.500000000e+00, v34;
	v54 =	vsub.f32 $1.500000000e+00, v52  }
0x20a: {  	v39 =	vmul.f32 v59, v29;
	v56 =	vmul.f32 v28, v36;
	v33 =	vsub.f32 $1.500000000e+00, v33  }
0x20b: {  	v31 =	vmul.f32 v34, v31;
	v32 =	vmul.f32 v32, v54  }
0x20c: {  	v57 =	vsub.f32 v53, v38;
	v60 =	vmul.f32 v56, v28;
	v30 =	vmul.f32 v33, v25  }
0x20d: {  	v25 =	vmul.f32 v31, v27;
	v33 =	vmul.f32 v55, v29  }
0x20e: {  	v31 =	vmax.f32 v57, $1.000000000e-30;
	v46 =	vmul.f32 v4, v29;
	v62 =	vmul.f32 v32, v37  }
0x20f: {  	v63 =	vshra.s32 v31, $0x1;
	v27 =	vmul.f32 $5.000000000e-01, v60;
	v58 =	vmul.f32 v30, v26  }
0x210: {  	v38 =	vsub.s32 $0x5F3759DF, v63;
	v33 =	vmul.f32 v33, v33;
	v35 =	vmul.f32 v62, v32  }
0x211: {  	v45 =	vmul.f32 v38, v31;
	v27 =	vsub.f32 $1.500000000e+00, v27;
	v61 =	vmul.f32 v58, v30  }
0x212: {  	v33 =	vsub.f32 v39, v33;
	v39 =	vmul.f32 v46, v46;
	v35 =	vmul.f32 $5.000000000e-01, v35  }
0x213: {  	v41 =	vmul.f32 v38, v45;
	v27 =	vmul.f32 v27, v28  }
0x214: {  	v34 =	vmul.f32 $5.000000000e-01, v61;
	v33 =	vmax.f32 v33, $1.000000000e-30;
	v47 =	vsub.f32 $1.500000000e+00, v35  }
0x215: {  	v48 =	vmul.f32 $5.000000000e-01, v41;
	v50 =	vmul.f32 v27, v36;
	v51 =	vshra.s32 v33, $0x1  }
0x216: {  	v34 =	vsub.f32 $1.500000000e+00, v34;
	v28 =	vmul.f32 v47, v32;
	v32 =	vsub.s32 $0x5F3759DF, v51  }
0x217: {  	v35 =	vsub.f32 $1.500000000e+00, v48;
	v52 =	vmul.f32 v50, v27;
	v53 =	vmul.f32 v32, v33  }
0x218: {  	v39 =	vsub.f32 v49, v39;
	v30 =	vmul.f32 v34, v30;
	v54 =	vmul.f32 v28, v37  }
0x219: {  	v35 =	vmul.f32 v38, v35;
	v55 =	vmul.f32 $5.000000000e-01, v52  }
0x21a: {  	v45 =	vld [tilespmem:$0x149E0];
	v38 =	vmax.f32 v39, $1.000000000e-30;
	v56 =	vmul.f32 v32, v53;
	v26 =	vmul.f32 v30, v26  }
0x21b: {  	v63 =	vld [tilespmem:$0x145E0];
	v57 =	vshra.s32 v38, $0x1;
	v42 =	vmul.f32 v54, v28;
	v43 =	vmul.f32 v35, v31  }
0x21c: {  	v41 =	vsub.s32 $0x5F3759DF, v57;
	v39 =	vsub.f32 $1.500000000e+00, v55;
	v40 =	vmul.f32 $5.000000000e-01, v56  }
0x21d: {  	v47 =	vld [tilespmem:$0x14E00];
	v44 =	vmul.f32 v41, v38;
	v42 =	vmul.f32 $5.000000000e-01, v42  }
0x21e: {  	v43 =	vmul.f32 v43, v35;
	v27 =	vmul.f32 v39, v27  }
0x21f: {  	v39 =	vmul.f32 v45, v29;
	v58 =	vsub.f32 $1.500000000e+00, v40;
	v59 =	vmul.f32 v41, v44  }
0x220: {  	v48 =	vld [tilespmem:$0x145F0];
	v40 =	vmul.f32 v63, v29;
	v60 =	vsub.f32 $1.500000000e+00, v42;
	v61 =	vmul.f32 $5.000000000e-01, v43  }
0x221: {  	v50 =	vld [tilespmem:$0x149F0];
	v27 =	vmul.f32 v27, v36;
	v32 =	vmul.f32 v32, v58  }
0x222: {  	v42 =	vmax.f32 v47, $1.000000000e+00;
	v62 =	vmul.f32 $5.000000000e-01, v59;
	v28 =	vmul.f32 v60, v28  }
0x223: {  	v40 =	vmul.f32 v40, v40;
	(erf) = vrcp.f32 v42;
	v4 =	vsub.f32 $1.500000000e+00, v61  }
0x224: {  	v46 =	vmul.f32 v32, v33;
	v28 =	vmul.f32 v28, v37  }
0x225: {  	v34 =	vsub.f32 $1.500000000e+00, v62;
	v30 =	vmul.f32 v4, v35;
	v35 =	vmul.f32 v48, v29  }
0x226: {  	v29 =	vmul.f32 v50, v29;
	v36 =	vmul.f32 v46, v32  }
0x227: {  	v34 =	vmul.f32 v41, v34;
	v49 =	vmul.f32 v30, v31  }
0x228: {  	v39 =	vsub.f32 v39, v40;
	v35 =	vmul.f32 v35, v35;
	v36 =	vmul.f32 $5.000000000e-01, v36  }
0x229: {  	v51 =	vmul.f32 v34, v38;
	v37 =	vmul.f32 v49, v30  }
0x22a: {  	v39 =	vmax.f32 v39, $1.000000000e-30;
	v29 =	vsub.f32 v29, v35;
	v36 =	vsub.f32 $1.500000000e+00, v36  }
0x22b: {  	v56 =	vshra.s32 v39, $0x1;
	v52 =	vmul.f32 v51, v34;
	v37 =	vmul.f32 $5.000000000e-01, v37  }
0x22c: {  	v57 =	vld [tilespmem:$0x14600];
	v40 =	vsub.s32 $0x5F3759DF, v56;
	v42 =	vmax.f32 v29, $1.000000000e-30;
	v32 =	vmul.f32 v36, v32  }
0x22d: {  	v61 =	vld [tilespmem:$0x14A00];
	v53 =	vmul.f32 $5.000000000e-01, v52;
	v60 =	vshra.s32 v42, $0x1;
	v54 =	vsub.f32 $1.500000000e+00, v37  }
0x22e: {  	v46 =	vld [tilespmem:$0x14A10];
	v59 =	vmul.f32 v40, v39;
	v35 =	vsub.s32 $0x5F3759DF, v60;
	v55 =	vmul.f32 v32, v33  }
0x22f: {  	v36 =	vsub.f32 $1.500000000e+00, v53;
	v63 =	vmul.f32 v35, v42;
	v58 =	vmul.f32 v54, v30  }
0x230: {  	v30 =	vmul.f32 v40, v59;
	v37 =	vpop (erf);
	v62 =	vmul.f32 v55, v32  }
0x231: {  	v36 =	vmul.f32 v36, v34;
	v41 =	vmul.f32 v37, v57  }
0x232: {  	v34 =	vmul.f32 v35, v63;
	v43 =	vmul.f32 v37, v61  }
0x233: {  	v46 =	vmul.f32 v46, v37;
	v30 =	vmul.f32 $5.000000000e-01, v30  }
0x234: {  	v53 =	vld [tilespmem:$0x14610];
	v45 =	vmul.f32 v36, v38;
	v34 =	vmul.f32 $5.000000000e-01, v34  }
0x235: {  	v41 =	vmul.f32 v41, v41;
	v44 =	vmul.f32 $5.000000000e-01, v62;
	v30 =	vsub.f32 $1.500000000e+00, v30  }
0x236: {  	v29 =	vmul.f32 v58, v31;
	v45 =	vmul.f32 v45, v36;
	v48 =	vsub.f32 $1.500000000e+00, v34  }
0x237: {  	v61 =	vld [tilespmem:$0x14620];
	v41 =	vsub.f32 v43, v41;
	v4 =	vsub.f32 $1.500000000e+00, v44;
	v40 =	vmul.f32 v40, v30  }
0x238: {  	v47 =	vld [tilespmem:$0x14A20];
	v49 =	vmul.f32 $5.000000000e-01, v45;
	v51 =	vmul.f32 v35, v48  }
0x239: {  	v34 =	vmax.f32 v41, $1.000000000e-30;
	v50 =	vmul.f32 v4, v32;
	v35 =	vmul.f32 v53, v37  }
0x23a: {  	v52 =	vshra.s32 v34, $0x1;
	v55 =	vmul.f32 v40, v39;
	v57 =	vmul.f32 v51, v42  }
0x23b: {  	v56 =	vsub.s32 $0x5F3759DF, v52;
	v35 =	vmul.f32 v35, v35;
	v30 =	vmul.f32 v50, v33  }
0x23c: {  	v48 =	vld [tilespmem:$0x14A30];
	v52 =	vmul.f32 v61, v37;
	v58 =	vmul.f32 v56, v34  }
0x23d: {  	v54 =	vsub.f32 $1.500000000e+00, v49;
	v59 =	vmul.f32 v55, v40;
	v55 =	vmul.f32 v47, v37  }
0x23e: {  	v31 =	vmul.f32 v57, v51;
	v60 =	vmul.f32 v56, v58  }
0x23f: {  	v36 =	vmul.f32 v54, v36;
	v35 =	vsub.f32 v46, v35;
	v41 =	vmul.f32 $5.000000000e-01, v59  }
0x240: {  	v31 =	vmul.f32 $5.000000000e-01, v31;
	v43 =	vmul.f32 $5.000000000e-01, v60  }
0x241: {  	v48 =	vmul.f32 v48, v37;
	v35 =	vmax.f32 v35, $1.000000000e-30;
	v41 =	vsub.f32 $1.500000000e+00, v41  }
0x242: {  	v62 =	vsub.f32 $1.500000000e+00, v31;
	v31 =	vmul.f32 v36, v38;
	v43 =	vsub.f32 $1.500000000e+00, v43  }
0x243: {  	v54 =	vshra.s32 v35, $0x1;
	v63 =	vmul.f32 v41, v40;
	v40 =	vmul.f32 v52, v52  }
0x244: {  	v44 =	vsub.s32 $0x5F3759DF, v54;
	v32 =	vmul.f32 v62, v51;
	v4 =	vmul.f32 v56, v43  }
0x245: {  	v51 =	vmul.f32 v63, v39;
	v56 =	vmul.f32 v44, v35;
	v40 =	vsub.f32 v55, v40  }
0x246: {  	v53 =	vmul.f32 v32, v42;
	v43 =	vmul.f32 v4, v34  }
0x247: {  	v38 =	vmul.f32 v51, v63;
	v57 =	vmul.f32 v44, v56;
	v40 =	vmax.f32 v40, $1.000000000e-30;
	v56 =	vld [tilespmem:$0x14A40]  }
0x248: {  	v41 =	vmul.f32 v53, v32;
	v58 =	vshra.s32 v40, $0x1;
	v43 =	vmul.f32 v43, v4  }
0x249: {  	v49 =	vld [tilespmem:$0x14640];
	v38 =	vmul.f32 $5.000000000e-01, v38;
	v45 =	vmul.f32 $5.000000000e-01, v57;
	v46 =	vsub.s32 $0x5F3759DF, v58  }
0x24a: {  	v41 =	vmul.f32 $5.000000000e-01, v41;
	v61 =	vmul.f32 v46, v40  }
0x24b: {  	v59 =	vld [tilespmem:$0x14630];
	v43 =	vmul.f32 $5.000000000e-01, v43;
	v38 =	vsub.f32 $1.500000000e+00, v38;
	v60 =	vsub.f32 $1.500000000e+00, v45  }
0x24c: {  	v41 =	vsub.f32 $1.500000000e+00, v41;
	v62 =	vmul.f32 v46, v61;
	v45 =	vmul.f32 v56, v37  }
0x24d: {  	v43 =	vsub.f32 $1.500000000e+00, v43;
	v36 =	vmul.f32 v38, v63;
	v38 =	vmul.f32 v44, v60  }
0x24e: {  	v60 =	vmul.f32 v49, v37;
	v41 =	vmul.f32 v41, v32  }
0x24f: {  	v53 =	vmul.f32 $5.000000000e-01, v62;
	v43 =	vmul.f32 v43, v4  }
0x250: {  	v4 =	vmul.f32 v59, v37;
	v52 =	vmul.f32 v38, v35  }
0x251: {  	v32 =	vmul.f32 v36, v39;
	v59 =	vld [tilespmem:$0x14650];
	v55 =	vsub.f32 $1.500000000e+00, v53;
	v63 =	vmul.f32 v43, v34  }
0x252: {  	v50 =	vmul.f32 v4, v4;
	v54 =	vmul.f32 v52, v38  }
0x253: {  	v39 =	vmul.f32 v46, v55;
	v46 =	vmul.f32 v60, v60  }
0x254: {  	v33 =	vmul.f32 v41, v42;
	v58 =	vsub.f32 v48, v50;
	v36 =	vmul.f32 $5.000000000e-01, v54  }
0x255: {  	v57 =	vmul.f32 v63, v43;
	v63 =	vld [tilespmem:$0x14A50];
	v61 =	vmul.f32 v39, v40;
	v52 =	vsub.f32 v45, v46  }
0x256: {  	v44 =	vmul.f32 v59, v37;
	v42 =	vmax.f32 v58, $1.000000000e-30;
	v36 =	vsub.f32 $1.500000000e+00, v36  }
0x257: {  	v41 =	vmul.f32 $5.000000000e-01, v57;
	v62 =	vshra.s32 v42, $0x1;
	v47 =	vmul.f32 v61, v39  }
0x258: {  	v44 =	vmul.f32 v44, v44;
	v48 =	vsub.s32 $0x5F3759DF, v62;
	v36 =	vmul.f32 v36, v38  }
0x259: {  	v38 =	vmax.f32 v52, $1.000000000e-30;
	v41 =	vsub.f32 $1.500000000e+00, v41;
	v4 =	vmul.f32 v48, v42  }
0x25a: {  	v53 =	vmul.f32 $5.000000000e-01, v47;
	v55 =	vmul.f32 v63, v37;
	v57 =	vshra.s32 v38, $0x1  }
0x25b: {  	v56 =	vmul.f32 v36, v35;
	v50 =	vsub.s32 $0x5F3759DF, v57;
	v41 =	vmul.f32 v41, v43  }
0x25c: {  	v57 =	vld [tilespmem:$0x14660];
	v54 =	vmul.f32 v48, v4;
	v45 =	vsub.f32 $1.500000000e+00, v53;
	v59 =	vmul.f32 v50, v38  }
0x25d: {  	v44 =	vsub.f32 v55, v44;
	v58 =	vmul.f32 v56, v36;
	v34 =	vmul.f32 v41, v34  }
0x25e: {  	v46 =	vmul.f32 $5.000000000e-01, v54;
	v39 =	vmul.f32 v45, v39  }
0x25f: {  	v44 =	vmax.f32 v44, $1.000000000e-30;
	v62 =	vmul.f32 v50, v59;
	v61 =	vmul.f32 $5.000000000e-01, v58  }
0x260: {  	v63 =	vshra.s32 v44, $0x1;
	v60 =	vsub.f32 $1.500000000e+00, v46;
	v51 =	vmul.f32 v39, v40  }
0x261: {  	v58 =	vld [tilespmem:$0x14A60];
	v47 =	vmul.f32 $5.000000000e-01, v62;
	v62 =	vmul.f32 v57, v37;
	v46 =	vsub.f32 $1.500000000e+00, v61  }
0x262: {  	v45 =	vmul.f32 v48, v60;
	v48 =	vsub.s32 $0x5F3759DF, v63;
	v51 =	vmul.f32 v51, v39  }
0x263: {  	v4 =	vsub.f32 $1.500000000e+00, v47;
	v41 =	vmul.f32 v62, v62;
	v49 =	vmul.f32 v48, v44  }
0x264: {  	v63 =	vld [tilespmem:$0x14670];
	v36 =	vmul.f32 v46, v36;
	v52 =	vmul.f32 v45, v42  }
0x265: {  	v51 =	vmul.f32 $5.000000000e-01, v51;
	v43 =	vmul.f32 v50, v4  }
0x266: {  	v50 =	vmul.f32 v58, v37;
	v56 =	vmul.f32 v48, v49  }
0x267: {  	v4 =	vld [tilespmem:$0x14A70];
	v35 =	vmul.f32 v36, v35;
	v52 =	vmul.f32 v52, v45  }
0x268: {  	v59 =	vsub.f32 $1.500000000e+00, v51;
	v61 =	vmul.f32 v43, v38;
	v41 =	vsub.f32 v50, v41  }
0x269: {  	v47 =	vmul.f32 $5.000000000e-01, v56;
	v49 =	vmul.f32 v63, v37  }
0x26a: {  	v56 =	vld [tilespmem:$0x14E80];
	v60 =	vmul.f32 $5.000000000e-01, v52;
	v39 =	vmul.f32 v59, v39;
	v41 =	vmax.f32 v41, $1.000000000e-30  }
0x26b: {  	v51 =	vmul.f32 v61, v43;
	v47 =	vsub.f32 $1.500000000e+00, v47;
	v62 =	vshra.s32 v41, $0x1  }
0x26c: {  	v37 =	vmul.f32 v4, v37;
	v49 =	vmul.f32 v49, v49;
	v46 =	vsub.f32 $1.500000000e+00, v60  }
0x26d: {  	v57 =	vmul.f32 $5.000000000e-01, v51;
	v36 =	vmul.f32 v39, v40;
	v50 =	vsub.s32 $0x5F3759DF, v62  }
0x26e: {  	v47 =	vmul.f32 v48, v47;
	v4 =	vmul.f32 v50, v41  }
0x26f: {  	v37 =	vsub.f32 v37, v49;
	v45 =	vmul.f32 v46, v45;
	v63 =	vmax.f32 v56, $1.000000000e+00  }
0x270: {  	v60 =	vsub.f32 $1.500000000e+00, v57;
	v58 =	vmul.f32 v47, v44;
	(erf) = vrcp.f32 v63  }
0x271: {  	v53 =	vmul.f32 v50, v4;
	v59 =	vmul.f32 v45, v42  }
0x272: {  	v49 =	vmax.f32 v37, $1.000000000e-30;
	v40 =	vmul.f32 v60, v43;
	v61 =	vmul.f32 v58, v47  }
0x273: {  	v57 =	vshra.s32 v49, $0x1;
	v56 =	vmul.f32 $5.000000000e-01, v53;
	v39 =	vmul.f32 v59, v45  }
0x274: {  	v46 =	vsub.s32 $0x5F3759DF, v57;
	v54 =	vmul.f32 v40, v38;
	v52 =	vmul.f32 $5.000000000e-01, v61  }
0x275: {  	v60 =	vld [tilespmem:$0x14A80];
	v59 =	vmul.f32 v46, v49;
	v39 =	vmul.f32 $5.000000000e-01, v39  }
0x276: {  	v58 =	vld [tilespmem:$0x14680];
	v48 =	vmul.f32 v54, v40;
	v43 =	vsub.f32 $1.500000000e+00, v52  }
0x277: {  	v62 =	vmul.f32 v46, v59;
	v55 =	vsub.f32 $1.500000000e+00, v39;
	v39 =	vsub.f32 $1.500000000e+00, v56  }
0x278: {  	v48 =	vmul.f32 $5.000000000e-01, v48;
	v43 =	vmul.f32 v43, v47  }
0x279: {  	v37 =	vmul.f32 v55, v45;
	v50 =	vmul.f32 v50, v39  }
0x27a: {  	v45 =	vpop (erf);
	v39 =	vmul.f32 $5.000000000e-01, v62;
	v61 =	vmul.f32 v43, v44  }
0x27b: {  	v63 =	vsub.f32 $1.500000000e+00, v48;
	v62 =	vld [tilespmem:$0x14A90];
	v51 =	vmul.f32 v45, v58;
	v47 =	vmul.f32 v45, v60  }
0x27c: {  	v53 =	vmul.f32 v50, v41;
	v37 =	vmul.f32 v37, v42  }
0x27d: {  	v60 =	vld [tilespmem:$0x14690];
	v39 =	vsub.f32 $1.500000000e+00, v39;
	v40 =	vmul.f32 v63, v40;
	v51 =	vmul.f32 v51, v51  }
0x27e: {  	v52 =	vmul.f32 v61, v43;
	v56 =	vmul.f32 v53, v50  }
0x27f: {  	v46 =	vmul.f32 v46, v39;
	v38 =	vmul.f32 v40, v38;
	v47 =	vsub.f32 v47, v51  }
0x280: {  	v4 =	vmul.f32 $5.000000000e-01, v52;
	v48 =	vmul.f32 v62, v45  }
0x281: {  	v58 =	vmul.f32 $5.000000000e-01, v56;
	v59 =	vmul.f32 v46, v49;
	v42 =	vmax.f32 v47, $1.000000000e-30  }
0x282: {  	v51 =	vmul.f32 v60, v45;
	v57 =	vsub.f32 $1.500000000e+00, v4;
	v47 =	vshra.s32 v42, $0x1  }
0x283: {  	v4 =	vld [tilespmem:$0x146A0];
	v61 =	vsub.f32 $1.500000000e+00, v58;
	v40 =	vmul.f32 v59, v46;
	v47 =	vsub.s32 $0x5F3759DF, v47  }
0x284: {  	v39 =	vmul.f32 v57, v43;
	v63 =	vmul.f32 v47, v42  }
0x285: {  	v57 =	vld [tilespmem:$0x14AA0];
	v43 =	vmul.f32 v61, v50;
	v40 =	vmul.f32 $5.000000000e-01, v40  }
0x286: {  	v55 =	vld [tilespmem:$0x14AB0];
	v51 =	vmul.f32 v51, v51;
	v56 =	vmul.f32 v47, v63  }
0x287: {  	v39 =	vmul.f32 v39, v44;
	v58 =	vmul.f32 v43, v41;
	v40 =	vsub.f32 $1.500000000e+00, v40  }
0x288: {  	v53 =	vmul.f32 v4, v45;
	v44 =	vmul.f32 $5.000000000e-01, v56  }
0x289: {  	v52 =	vmul.f32 v58, v43;
	v46 =	vmul.f32 v40, v46  }
0x28a: {  	v60 =	vsub.f32 v48, v51;
	v61 =	vmul.f32 v57, v45;
	v62 =	vmul.f32 v53, v53  }
0x28b: {  	v55 =	vmul.f32 v55, v45;
	v59 =	vsub.f32 $1.500000000e+00, v44;
	v63 =	vmul.f32 $5.000000000e-01, v52  }
0x28c: {  	v4 =	vmul.f32 v46, v49;
	v44 =	vmax.f32 v60, $1.000000000e-30;
	v56 =	vsub.f32 v61, v62  }
0x28d: {  	v47 =	vmul.f32 v47, v59;
	v57 =	vsub.f32 $1.500000000e+00, v63;
	v63 =	vshra.s32 v44, $0x1  }
0x28e: {  	v58 =	vmul.f32 v4, v46;
	v4 =	vld [tilespmem:$0x146B0];
	v54 =	vmax.f32 v56, $1.000000000e-30;
	v51 =	vsub.s32 $0x5F3759DF, v63  }
0x28f: {  	v62 =	vshra.s32 v54, $0x1;
	v59 =	vmul.f32 v47, v42;
	v60 =	vmul.f32 v57, v43  }
0x290: {  	v61 =	vmul.f32 v51, v44;
	v50 =	vmul.f32 $5.000000000e-01, v58;
	v48 =	vsub.s32 $0x5F3759DF, v62  }
0x291: {  	v56 =	vmul.f32 v48, v54;
	v53 =	vmul.f32 v59, v47  }
0x292: {  	v43 =	vmul.f32 v51, v61;
	v40 =	vmul.f32 v60, v41  }
0x293: {  	v63 =	vsub.f32 $1.500000000e+00, v50;
	v52 =	vmul.f32 v4, v45;
	v56 =	vmul.f32 v48, v56  }
0x294: {  	v62 =	vld [tilespmem:$0x14AC0];
	v53 =	vmul.f32 $5.000000000e-01, v53;
	v43 =	vmul.f32 $5.000000000e-01, v43  }
0x295: {  	v60 =	vld [tilespmem:$0x146C0];
	v41 =	vmul.f32 v63, v46;
	v56 =	vmul.f32 $5.000000000e-01, v56  }
0x296: {  	v52 =	vmul.f32 v52, v52;
	v43 =	vsub.f32 $1.500000000e+00, v43;
	v4 =	vsub.f32 $1.500000000e+00, v53  }
0x297: {  	v41 =	vmul.f32 v41, v49;
	v57 =	vsub.f32 $1.500000000e+00, v56  }
0x298: {  	v52 =	vsub.f32 v55, v52;
	v43 =	vmul.f32 v51, v43;
	v46 =	vmul.f32 v4, v47  }
0x299: {  	v51 =	vmul.f32 v62, v45;
	v47 =	vmul.f32 v48, v57  }
0x29a: {  	v4 =	vld [tilespmem:$0x146D0];
	v50 =	vmax.f32 v52, $1.000000000e-30;
	v52 =	vmul.f32 v60, v45;
	v58 =	vmul.f32 v43, v44  }
0x29b: {  	v59 =	vshra.s32 v50, $0x1;
	v61 =	vmul.f32 v46, v42;
	v57 =	vmul.f32 v47, v54  }
0x29c: {  	v48 =	vsub.s32 $0x5F3759DF, v59;
	v52 =	vmul.f32 v52, v52;
	v49 =	vmul.f32 v58, v43  }
0x29d: {  	v63 =	vmul.f32 v48, v50;
	v53 =	vmul.f32 v61, v46;
	v58 =	vld [tilespmem:$0x14AD0]  }
0x29e: {  	v57 =	vmul.f32 v57, v47;
	v49 =	vmul.f32 $5.000000000e-01, v49  }
0x29f: {  	v56 =	vmul.f32 v4, v45;
	v55 =	vmul.f32 v48, v63  }
0x2a0: {  	v53 =	vmul.f32 $5.000000000e-01, v53;
	v60 =	vmul.f32 $5.000000000e-01, v57;
	v49 =	vsub.f32 $1.500000000e+00, v49  }
0x2a1: {  	v51 =	vsub.f32 v51, v52;
	v56 =	vmul.f32 v56, v56;
	v55 =	vmul.f32 $5.000000000e-01, v55  }
0x2a2: {  	v53 =	vsub.f32 $1.500000000e+00, v53;
	v61 =	vmul.f32 v58, v45;
	v43 =	vmul.f32 v49, v43  }
0x2a3: {  	v55 =	vsub.f32 $1.500000000e+00, v55;
	v49 =	vsub.f32 $1.500000000e+00, v60  }
0x2a4: {  	v46 =	vmul.f32 v53, v46;
	v53 =	vld [tilespmem:$0x14AE0];
	v63 =	vsub.f32 v61, v56;
	v62 =	vmul.f32 v43, v44  }
0x2a5: {  	v48 =	vmul.f32 v48, v55;
	v55 =	vmax.f32 v51, $1.000000000e-30;
	v47 =	vmul.f32 v49, v47  }
0x2a6: {  	v42 =	vmul.f32 v46, v42;
	v60 =	vshra.s32 v55, $0x1;
	v57 =	vmax.f32 v63, $1.000000000e-30  }
0x2a7: {  	v4 =	vmul.f32 v62, v43;
	v61 =	vmul.f32 v48, v50;
	v49 =	vsub.s32 $0x5F3759DF, v60  }
0x2a8: {  	v63 =	vshra.s32 v57, $0x1;
	v59 =	vmul.f32 v47, v54;
	v62 =	vmul.f32 v49, v55  }
0x2a9: {  	v58 =	vsub.s32 $0x5F3759DF, v63;
	v53 =	vmul.f32 v53, v45;
	v4 =	vmul.f32 $5.000000000e-01, v4  }
0x2aa: {  	v63 =	vld [tilespmem:$0x146E0];
	v56 =	vmul.f32 v61, v48;
	v60 =	vmul.f32 v58, v57  }
0x2ab: {  	v59 =	vmul.f32 v59, v47;
	v52 =	vmul.f32 v49, v62  }
0x2ac: {  	v56 =	vmul.f32 $5.000000000e-01, v56;
	v51 =	vsub.f32 $1.500000000e+00, v4;
	v60 =	vmul.f32 v58, v60  }
0x2ad: {  	v4 =	vmul.f32 $5.000000000e-01, v59;
	v52 =	vmul.f32 $5.000000000e-01, v52  }
0x2ae: {  	v56 =	vsub.f32 $1.500000000e+00, v56;
	v43 =	vmul.f32 v51, v43;
	v62 =	vmul.f32 $5.000000000e-01, v60  }
0x2af: {  	v4 =	vsub.f32 $1.500000000e+00, v4;
	v51 =	vld [tilespmem:$0x14F00];
	v63 =	vmul.f32 v63, v45;
	v61 =	vsub.f32 $1.500000000e+00, v52  }
0x2b0: {  	v48 =	vmul.f32 v56, v48;
	v43 =	vmul.f32 v43, v44;
	v60 =	vsub.f32 $1.500000000e+00, v62  }
0x2b1: {  	v46 =	vmul.f32 v4, v47;
	v49 =	vmul.f32 v49, v61  }
0x2b2: {  	v61 =	vmul.f32 v48, v50;
	v56 =	vmul.f32 v58, v60  }
0x2b3: {  	v47 =	vmul.f32 v63, v63;
	v58 =	vld [tilespmem:$0x146F0];
	v62 =	vmul.f32 v49, v55  }
0x2b4: {  	v60 =	vld [tilespmem:$0x14AF0];
	v51 =	vmax.f32 v51, $1.000000000e+00;
	v44 =	vmul.f32 v61, v48;
	v4 =	vmul.f32 v56, v57  }
0x2b5: {  	v47 =	vsub.f32 v53, v47;
	(erf) = vrcp.f32 v51;
	v52 =	vmul.f32 v62, v49  }
0x2b6: {  	v61 =	vmul.f32 $5.000000000e-01, v44;
	v63 =	vmul.f32 v4, v56  }
0x2b7: {  	v51 =	vmax.f32 v47, $1.000000000e-30;
	v44 =	vmul.f32 v46, v54;
	v62 =	vmul.f32 $5.000000000e-01, v52  }
0x2b8: {  	v47 =	vshra.s32 v51, $0x1;
	v59 =	vmul.f32 v58, v45;
	v52 =	vmul.f32 $5.000000000e-01, v63  }
0x2b9: {  	v47 =	vsub.s32 $0x5F3759DF, v47;
	v45 =	vmul.f32 v60, v45;
	v4 =	vsub.f32 $1.500000000e+00, v61  }
0x2ba: {  	v54 =	vld [tilespmem:$0x14700];
	v61 =	vsub.f32 $1.500000000e+00, v62;
	v53 =	vmul.f32 v59, v59;
	v52 =	vsub.f32 $1.500000000e+00, v52  }
0x2bb: {  	v58 =	vld [tilespmem:$0x14710];
	v62 =	vmul.f32 v47, v51;
	v46 =	vmul.f32 v4, v48  }
0x2bc: {  	v48 =	vld [tilespmem:$0x14B10];
	v49 =	vmul.f32 v61, v49;
	v53 =	vsub.f32 v45, v53;
	v52 =	vmul.f32 v52, v56  }
0x2bd: {  	v45 =	vmul.f32 v46, v50;
	v46 =	vmul.f32 v47, v62  }
0x2be: {  	v56 =	vld [tilespmem:$0x14B00];
	v63 =	vmul.f32 v49, v55;
	v53 =	vmax.f32 v53, $1.000000000e-30;
	v50 =	vpop (erf);
	v60 =	vmul.f32 v52, v57  }
0x2bf: {  	v4 =	vshra.s32 v53, $0x1;
	v46 =	vmul.f32 $5.000000000e-01, v46;
	v54 =	vmul.f32 v50, v54  }
0x2c0: {  	v58 =	vmul.f32 v58, v50;
	v59 =	vmul.f32 v63, v49;
	v61 =	vsub.s32 $0x5F3759DF, v4  }
0x2c1: {  	v48 =	vmul.f32 v48, v50;
	v62 =	vmul.f32 v61, v53  }
0x2c2: {  	v54 =	vmul.f32 v54, v54;
	v46 =	vsub.f32 $1.500000000e+00, v46;
	v58 =	vmul.f32 v58, v58  }
0x2c3: {  	v60 =	vmul.f32 v60, v52;
	v56 =	vmul.f32 v50, v56  }
0x2c4: {  	v62 =	vmul.f32 v61, v62;
	v47 =	vmul.f32 v47, v46;
	v46 =	vsub.f32 v48, v58  }
0x2c5: {  	v48 =	vmul.f32 $5.000000000e-01, v60;
	v54 =	vsub.f32 v56, v54;
	v56 =	vmul.f32 $5.000000000e-01, v59  }
0x2c6: {  	v58 =	vmul.f32 $5.000000000e-01, v62;
	v59 =	vmul.f32 v47, v51;
	v62 =	vmax.f32 v46, $1.000000000e-30  }
0x2c7: {  	v48 =	vsub.f32 $1.500000000e+00, v48;
	v54 =	vmax.f32 v54, $1.000000000e-30;
	v56 =	vsub.f32 $1.500000000e+00, v56  }
0x2c8: {  	v4 =	vshra.s32 v54, $0x1;
	v46 =	vsub.f32 $1.500000000e+00, v58;
	v59 =	vmul.f32 v59, v47  }
0x2c9: {  	v48 =	vmul.f32 v48, v52;
	v52 =	vld [tilespmem:$0x14720];
	v58 =	vsub.s32 $0x5F3759DF, v4;
	v4 =	vshra.s32 v62, $0x1  }
0x2ca: {  	v49 =	vmul.f32 v56, v49;
	v63 =	vmul.f32 v58, v54;
	v60 =	vsub.s32 $0x5F3759DF, v4  }
0x2cb: {  	v61 =	vmul.f32 v61, v46;
	v4 =	vmul.f32 v60, v62  }
0x2cc: {  	v59 =	vmul.f32 $5.000000000e-01, v59;
	v63 =	vmul.f32 v58, v63  }
0x2cd: {  	[tilespmem:$0x1FFF0] =	vst v2;
	v2 =	vmul.f32 v61, v53;
	v46 =	vmul.f32 v60, v4  }
0x2ce: {  	v56 =	vsub.f32 $1.500000000e+00, v59;
	v52 =	vmul.f32 v52, v50;
	v59 =	vmul.f32 $5.000000000e-01, v63  }
0x2cf: {  	v2 =	vmul.f32 v2, v61;
	v4 =	vmul.f32 $5.000000000e-01, v46  }
0x2d0: {  	v46 =	vmul.f32 v49, v55;
	v49 =	vmul.f32 v56, v47;
	v59 =	vsub.f32 $1.500000000e+00, v59  }
0x2d1: {  	v47 =	vmul.f32 v48, v57;
	v2 =	vmul.f32 $5.000000000e-01, v2;
	v4 =	vsub.f32 $1.500000000e+00, v4  }
0x2d2: {  	v63 =	vmul.f32 v49, v51;
	v56 =	vmul.f32 v58, v59  }
0x2d3: {  	v52 =	vmul.f32 v52, v52;
	v2 =	vsub.f32 $1.500000000e+00, v2;
	v58 =	vld [tilespmem:$0x14730];
	v48 =	vmul.f32 v60, v4  }
0x2d4: {  	v55 =	vmul.f32 v63, v49;
	v60 =	vld [tilespmem:$0x14B20];
	v57 =	vmul.f32 v56, v54  }
0x2d5: {  	v3 =	vmul.f32 v2, v61;
	v61 =	vld [tilespmem:$0x14B30];
	v59 =	vmul.f32 v48, v62  }
0x2d6: {  	v55 =	vmul.f32 $5.000000000e-01, v55;
	v57 =	vmul.f32 v57, v56  }
0x2d7: {  	v4 =	vmul.f32 v3, v53;
	v59 =	vmul.f32 v59, v48  }
0x2d8: {  	v58 =	vmul.f32 v58, v50;
	v57 =	vmul.f32 $5.000000000e-01, v57  }
0x2d9: {  	v60 =	vmul.f32 v60, v50;
	v59 =	vmul.f32 $5.000000000e-01, v59  }
0x2da: {  	v55 =	vsub.f32 $1.500000000e+00, v55;
	v61 =	vmul.f32 v61, v50;
	v58 =	vmul.f32 v58, v58  }
0x2db: {  	v63 =	vmul.f32 v4, v3;
	v57 =	vsub.f32 $1.500000000e+00, v57;
	v52 =	vsub.f32 v60, v52  }
0x2dc: {  	v55 =	vmul.f32 v55, v49;
	v59 =	vsub.f32 $1.500000000e+00, v59;
	v58 =	vsub.f32 v61, v58  }
0x2dd: {  	v60 =	vmul.f32 $5.000000000e-01, v63;
	v56 =	vmul.f32 v57, v56;
	v49 =	vmax.f32 v52, $1.000000000e-30  }
0x2de: {  	v52 =	vmul.f32 v59, v48;
	v63 =	vshra.s32 v49, $0x1;
	v48 =	vmax.f32 v58, $1.000000000e-30  }
0x2df: {  	v58 =	vmul.f32 v56, v54;
	v57 =	vsub.s32 $0x5F3759DF, v63;
	v59 =	vshra.s32 v48, $0x1  }
0x2e0: {  	v4 =	vmul.f32 v57, v49;
	v59 =	vsub.s32 $0x5F3759DF, v59  }
0x2e1: {  	v58 =	vmul.f32 v58, v56;
	v2 =	vmul.f32 v59, v48  }
0x2e2: {  	v63 =	vmul.f32 v57, v4;
	v4 =	vld [tilespmem:$0x1FFD0]  }
0x2e3: {  	v60 =	vsub.f32 $1.500000000e+00, v60;
	v58 =	vmul.f32 $5.000000000e-01, v58;
	v2 =	vmul.f32 v59, v2  }
0x2e4: {  	v61 =	vmul.f32 v52, v62  }
0x2e5: {  	[tilespmem:$0x15020] =	vst v5;
	v3 =	vmul.f32 v60, v3;
	v60 =	vld [tilespmem:$0x14B40];
	v5 =	vsub.f32 $1.500000000e+00, v58;
	v58 =	vmul.f32 $5.000000000e-01, v2  }
0x2e6: {  	v61 =	vmul.f32 v61, v52;
	v2 =	vld [tilespmem:$0x1FFF0]  }
0x2e7: {  	v3 =	vmul.f32 v3, v53;
	[tilespmem:$0x15000] =	vst v4;
	v4 =	vld [tilespmem:$0x1FFE0];
	v53 =	vsub.f32 $1.500000000e+00, v58  }
0x2e8: {  	[tilespmem:$0x15040] =	vst v6;
	v61 =	vmul.f32 $5.000000000e-01, v61;
	v5 =	vmul.f32 v5, v56;
	v56 =	vld [tilespmem:$0x14B50]  }
0x2e9: {  	[tilespmem:$0x15060] =	vst v8;
	v63 =	vmul.f32 $5.000000000e-01, v63;
	v8 =	vmul.f32 v59, v53;
	v53 =	vld [tilespmem:$0x14B60]  }
0x2ea: {  	[tilespmem:$0x15050] =	vst v7;
	v59 =	vld [tilespmem:$0x14B70]  }
0x2eb: {  	[tilespmem:$0x15030] =	vst v2;
	v2 =	vmul.f32 v55, v51;
	v51 =	vsub.f32 $1.500000000e+00, v61;
	v55 =	vsub.f32 $1.500000000e+00, v63;
	v61 =	vld [tilespmem:$0x14750]  }
0x2ec: {  	v60 =	vmul.f32 v60, v50;
	v58 =	vmul.f32 v8, v48;
	[tilespmem:$0x15010] =	vst v4;
	v4 =	vld [tilespmem:$0x14740]  }
0x2ed: {  	[tilespmem:$0x15070] =	vst v9;
	v63 =	vmul.f32 v51, v52;
	v51 =	vmul.f32 v57, v55;
	v52 =	vld [tilespmem:$0x14760]  }
0x2ee: {  	[tilespmem:$0x15080] =	vst v11;
	v6 =	vmul.f32 v5, v54;
	v57 =	vld [tilespmem:$0x14770];
	v11 =	vmul.f32 v58, v8  }
0x2ef: {  	[tilespmem:$0x15090] =	vst v12;
	v5 =	vmul.f32 v63, v62;
	v7 =	vmul.f32 v51, v49  }
0x2f0: {  	[tilespmem:$0x150A0] =	vst v10;
	v62 =	vmul.f32 v56, v50;
	v53 =	vmul.f32 v53, v50  }
0x2f1: {  	[tilespmem:$0x150B0] =	vst v13;
	v55 =	vmul.f32 v59, v50;
	v61 =	vmul.f32 v61, v50  }
0x2f2: {  	[tilespmem:$0x150C0] =	vst v14;
	v4 =	vmul.f32 v4, v50;
	v52 =	vmul.f32 v52, v50  }
0x2f3: {  	[tilespmem:$0x150D0] =	vst v15;
	v63 =	vmul.f32 v61, v61;
	v9 =	vmul.f32 v57, v50  }
0x2f4: {  	[tilespmem:$0x150E0] =	vst v16;
	v4 =	vmul.f32 v4, v4;
	v56 =	vmul.f32 v52, v52  }
0x2f5: {  	[tilespmem:$0x150F0] =	vst v17;
	v7 =	vmul.f32 v7, v51;
	v10 =	vsub.f32 v62, v63;
	v9 =	vmul.f32 v9, v9  }
0x2f6: {  	[tilespmem:$0x15100] =	vst v18;
	v11 =	vmul.f32 $5.000000000e-01, v11;
	v4 =	vsub.f32 v60, v4;
	v13 =	vsub.f32 v53, v56  }
0x2f7: {  	[tilespmem:$0x15110] =	vst v19;
	v7 =	vmul.f32 $5.000000000e-01, v7;
	v10 =	vmax.f32 v10, $1.000000000e-30;
	v9 =	vsub.f32 v55, v9  }
0x2f8: {  	[tilespmem:$0x15120] =	vst v20;
	v59 =	vshra.s32 v10, $0x1;
	v4 =	vmax.f32 v4, $1.000000000e-30;
	v13 =	vmax.f32 v13, $1.000000000e-30  }
0x2f9: {  	[tilespmem:$0x15130] =	vst v21;
	v15 =	vsub.s32 $0x5F3759DF, v59;
	v9 =	vmax.f32 v9, $1.000000000e-30;
	v57 =	vshra.s32 v4, $0x1  }
0x2fa: {  	[tilespmem:$0x15140] =	vst v22;
	v61 =	vmul.f32 v15, v10;
	v62 =	vshra.s32 v9, $0x1;
	v14 =	vsub.s32 $0x5F3759DF, v57  }
0x2fb: {  	[tilespmem:$0x15150] =	vst v23;
	v60 =	vshra.s32 v13, $0x1;
	v18 =	vsub.s32 $0x5F3759DF, v62;
	v58 =	vmul.f32 v14, v4  }
0x2fc: {  	[tilespmem:$0x15160] =	vst v24;
	v16 =	vsub.s32 $0x5F3759DF, v60;
	v17 =	vmul.f32 v15, v61;
	v24 =	vmul.f32 v18, v9  }
0x2fd: {  	[tilespmem:$0x15170] =	vst v25;
	v63 =	vmul.f32 v16, v13;
	v12 =	vmul.f32 v14, v58  }
0x2fe: {  	[tilespmem:$0x15180] =	vst v26;
	v11 =	vsub.f32 $1.500000000e+00, v11;
	v17 =	vmul.f32 $5.000000000e-01, v17;
	v20 =	vmul.f32 v18, v24  }
0x2ff: {  	[tilespmem:$0x15190] =	vst v27;
	v7 =	vsub.f32 $1.500000000e+00, v7;
	v19 =	vmul.f32 v16, v63;
	v12 =	vmul.f32 $5.000000000e-01, v12  }
0x300: {  	[tilespmem:$0x151A0] =	vst v28;
	v8 =	vmul.f32 v11, v8;
	v17 =	vsub.f32 $1.500000000e+00, v17;
	v20 =	vmul.f32 $5.000000000e-01, v20  }
0x301: {  	[tilespmem:$0x151C0] =	vst v30;
	v7 =	vmul.f32 v7, v51;
	v19 =	vmul.f32 $5.000000000e-01, v19;
	v12 =	vsub.f32 $1.500000000e+00, v12  }
0x302: {  	[tilespmem:$0x15230] =	vst v37;
	v37 =	vmul.f32 v8, v48;
	v28 =	vmul.f32 v15, v17;
	v30 =	vsub.f32 $1.500000000e+00, v20  }
0x303: {  	[tilespmem:$0x151B0] =	vst v29;
	v29 =	vmul.f32 v7, v49;
	v27 =	vsub.f32 $1.500000000e+00, v19;
	v26 =	vmul.f32 v14, v12  }
0x304: {  	[tilespmem:$0x151E0] =	vst v32;
	v17 =	vmul.f32 v18, v30;
	v32 =	vmul.f32 v28, v10  }
0x305: {  	[tilespmem:$0x151D0] =	vst v31;
	v12 =	vmul.f32 v16, v27;
	v31 =	vmul.f32 v26, v4  }
0x306: {  	[tilespmem:$0x15210] =	vst v35;
	v18 =	vmul.f32 v32, v28;
	v35 =	vmul.f32 v17, v9  }
0x307: {  	[tilespmem:$0x15200] =	vst v34;
	v34 =	vmul.f32 v12, v13;
	v16 =	vmul.f32 v31, v26  }
0x308: {  	[tilespmem:$0x151F0] =	vst v33;
	v18 =	vmul.f32 $5.000000000e-01, v18;
	v20 =	vmul.f32 v35, v17  }
0x309: {  	[tilespmem:$0x15220] =	vst v36;
	v19 =	vmul.f32 v34, v12;
	v16 =	vmul.f32 $5.000000000e-01, v16  }
0x30a: {  	[tilespmem:$0x15240] =	vst v38;
	v21 =	vmul.f32 v37, v8;
	v18 =	vsub.f32 $1.500000000e+00, v18;
	v20 =	vmul.f32 $5.000000000e-01, v20  }
0x30b: {  	[tilespmem:$0x15260] =	vst v40;
	v15 =	vmul.f32 v29, v7;
	v19 =	vmul.f32 $5.000000000e-01, v19;
	v16 =	vsub.f32 $1.500000000e+00, v16  }
0x30c: {  	[tilespmem:$0x15270] =	vst v41;
	v40 =	vmul.f32 $5.000000000e-01, v21;
	v14 =	vmul.f32 v18, v28;
	v41 =	vsub.f32 $1.500000000e+00, v20  }
0x30d: {  	[tilespmem:$0x15250] =	vst v39;
	v15 =	vmul.f32 $5.000000000e-01, v15;
	v39 =	vsub.f32 $1.500000000e+00, v19;
	v11 =	vmul.f32 v16, v26  }
0x30e: {  	[tilespmem:$0x15280] =	vst v42;
	v17 =	vmul.f32 v41, v17;
	v51 =	vmul.f32 v14, v10  }
0x30f: {  	[tilespmem:$0x15290] =	vst v43;
	v12 =	vmul.f32 v39, v12;
	v50 =	vmul.f32 v11, v4  }
0x310: {  	[tilespmem:$0x152A0] =	vst v44;
	v19 =	vmul.f32 v51, v14;
	v53 =	vmul.f32 v17, v9  }
0x311: {  	[tilespmem:$0x152B0] =	vst v45;
	v52 =	vmul.f32 v12, v13;
	v16 =	vmul.f32 v50, v11  }
0x312: {  	[tilespmem:$0x152C0] =	vst v46;
	v18 =	vsub.f32 $1.500000000e+00, v40;
	v19 =	vmul.f32 $5.000000000e-01, v19;
	v21 =	vmul.f32 v53, v17  }
0x313: {  	[tilespmem:$0x152D0] =	vst v47;
	v15 =	vsub.f32 $1.500000000e+00, v15;
	v20 =	vmul.f32 v52, v12;
	v16 =	vmul.f32 $5.000000000e-01, v16  }
0x314: {  	[tilespmem:$0x152F0] =	vst v3;
	v3 =	vmul.f32 v18, v8;
	v56 =	vsub.f32 $1.500000000e+00, v19;
	v57 =	vmul.f32 $5.000000000e-01, v21  }
0x315: {  	[tilespmem:$0x152E0] =	vst v2;
	v2 =	vmul.f32 v15, v7;
	v55 =	vmul.f32 $5.000000000e-01, v20;
	v54 =	vsub.f32 $1.500000000e+00, v16  }
0x316: {  	[tilespmem:$0x15300] =	vst v6;
	v3 =	vmul.f32 v3, v48;
	v60 =	vmul.f32 v56, v14;
	v61 =	vsub.f32 $1.500000000e+00, v57  }
0x317: {  	[tilespmem:$0x15310] =	vst v5;
	v2 =	vmul.f32 v2, v49;
	v59 =	vsub.f32 $1.500000000e+00, v55;
	v58 =	vmul.f32 v54, v11  }
0x318: {  	[tilespmem:$0x15330] =	vst v3;
	v3 =	vmul.f32 v60, v10;
	v63 =	vmul.f32 v61, v17  }
0x319: {  	[tilespmem:$0x15320] =	vst v2;
	v62 =	vmul.f32 v59, v12;
	v2 =	vmul.f32 v58, v4  }
0x31a: {  	[tilespmem:$0x15350] =	vst v3;
	v3 =	vmul.f32 v63, v9  }
0x31b: {  	[tilespmem:$0x15340] =	vst v2;
	v2 =	vmul.f32 v62, v13  }
0x31c: {  	[tilespmem:$0x15370] =	vst v3  }
0x31d: {  	s11 =	simm.s32 $0x15000;
	[tilespmem:$0x15360] =	vst v2  }
0x31e: {  	[spmem:s16] =	stream.linear.scatter [tilespmem:s11], [sflag:$0x7], $0x380, $0x38;
	[tilespmem:$0x16200] =	vst v63  }
0x31f: {  	_ =	swait.ge [sflag:s21], $0x380  }
0x320: {  	[sflag:s21] =	ssyncset.done $0x0  }
0x321: {  	[sflag:s21] =	ssyncadd.s32 $0xFFFFFC80  }
0x322: {  	[bflag:$0x0] =	sbarrier.arrive $0xFFFF  }
0x323: {  	_ =	swait.ge [sflag:s6], $0x100  }
0x324: {  	[sflag:s6] =	ssyncset.done $0x0  }
0x325: {  	[sflag:s6] =	ssyncadd.s32 $0xFFFFFF00  }
0x326: {  	s10 =	simm.s32 $0x10200;
	s9 =	rddreg [dreg:$0x6]  }
0x327: {  	[tilespmem:s5], [sflag:$0x1] =	stream.indirect.gather [spmem:s9], $0x80, s10, s24, $0xb8;
	[tilespmem:$0x16200] =	vst v63  }
0x328: {  	s11 =	simm.s32 $0x10280  }
0x329: {  	[tilespmem:s23], [sflag:$0x2] =	stream.indirect.gather [spmem:s9], $0x80, s11, s24, $0xb8;
	[tilespmem:$0x16200] =	vst v63  }
0x32a: {  	_ =	swait.ge [sflag:s30], $0x4000  }
0x32b: {  	[sflag:s30] =	ssyncset.done $0x0  }
0x32c: {  	[sflag:s30] =	ssyncadd.s32 $0xFFFFC000  }
0x32d: {  	[hbm4b:s15+s5] =	stream.linear.scatter [tilespmem:s5], [sflag:$0x5], $0x4000, $0x38;
	[tilespmem:$0x16200] =	vst v63  }
0x32e: {  	_ =	swait.ge [sflag:s0], $0x4000  }
0x32f: {  	[sflag:s0] =	ssyncset.done $0x0  }
0x330: {  	s8 =	sadd.s32 $0x1, s8;
	[sflag:s0] =	ssyncadd.s32 $0xFFFFC000  }
0x331: {  	[hbm4b:s17+s5] =	stream.linear.scatter [tilespmem:s23], [sflag:$0x6], $0x4000, $0x38;
	[tilespmem:$0x16200] =	vst v63  }
0x332: {  	p1 =	sne.s32 s8, s18;
	_ =	swait.ge [sflag:s31], $0x4000  }
.Ltmp7:
0x333: {  	[sflag:s31] =	ssyncset.done $0x0;
	(pc) =	sbr.rel @p1 .LBB2_1-.Ltmp7, $4  }
0x334: {  	[sflag:s31] =	ssyncadd.s32 $0xFFFFC000  }
0x335: {  	_ =	swait.ge [sflag:s19], $0x4000  }
0x336: {  	[sflag:s19] =	ssyncset.done $0x0  }
0x337: {  	[sflag:s19] =	ssyncadd.s32 $0xFFFFC000  }
0x338: {  	_ =	sfence.sel $0x180000  }
0x339: {  	[bflag:$0x0] =	sbarrier.arrive $0xFFFF  }
0x33a: {  	_ =	strace $0x90000047  }
0x33b: {  	[bflag:$0x2] =	sbarrier.arrive $0xFFFF  }
0x33c: {  	s0 =	rddreg [dreg:$0x7]  }
0x33d: {  	s0 =	sadd.s32 @!p0 $0x100000, s0  }
0x33e: {  	[sflag:s0] =	ssyncadd.tile.s32 @!p0 $0x1;
	_ =	shalt  }
.Lfunc_end2:
_tile_overlayer_lowered:
.L_overlay_start_2:
0x33f: {  	(tag) =	ssettag $0x2  }
0x340: {  	s0 =	rddreg [dreg:$0x0];
	s2 =	stileid.u32  }
0x341: {  	s1 =	rddreg [dreg:$0x1];
	p0 =	sne.s32 s2, $0x0  }
0x342: {  	s3 =	rddreg [dreg:$0x2];
	[bflag:$0x3] =	sbarrier.arrive $0xFFFF;
	s2 =	simm.s32 @!p0 $0x1C07  }
0x343: {  	[timem:s3], [sflag:s2] =	dma.local @!p0 [hbm:s0], s1  }
0x344: {  	s0 =	simm.s32 @!p0 $0x7  }
0x345: {  	_ =	swait.ge @!p0 [sflag:s0], s1  }
0x346: {  	s1 =	ssub.s32 @!p0 $0x0, s1;
	[sflag:s0] =	ssyncset.done @!p0 $0x0  }
0x347: {  	[sflag:s0] =	ssyncadd.s32 @!p0 s1  }
0x348: {  	[bflag:$0x3] =	sbarrier.arrive $0xFFFF  }
0x349: {  	_ =	shalt  }

</sc_bundles>
